<compile_context>
chip_gen: v7x
topology: tpu7x:2x2x1
jax: 0.10.2.dev20260603
libtpu: 0.0.44.dev20260713+nightly
codegen_flags: <defaults>
</compile_context>

<pallas_src>
import functools

import jax
import jax.numpy as jnp
from jax.experimental import pallas as pl
from jax.experimental.pallas import tpu as pltpu
from jax.experimental.pallas import tpu_sc as plsc

_KS = (1, 3, 5, 7, 9, 11, 13)
_NK = len(_KS)
_PADR = 8
_PADL = 8
_NEG = -jnp.inf


def _means_body(x_ref, o_ref):
    s = jnp.sum(x_ref[...], axis=(1, 2))
    o_ref[0, 0, :] = s


def _make_sc_router(bdim, cdim, crdim):
    info = plsc.get_sparse_core_info()
    nw = info.num_cores * info.num_subcores
    lanes = info.num_lanes
    ngroups = bdim * cdim // lanes
    gper_b = cdim // lanes
    assert ngroups <= nw and cdim % lanes == 0 and crdim <= lanes
    mesh = plsc.VectorSubcoreMesh(core_axis_name="c", subcore_axis_name="s")

    @functools.partial(
        pl.kernel, mesh=mesh,
        out_type=(jax.ShapeDtypeStruct((ngroups, _NK, lanes), jnp.float32),
                  jax.ShapeDtypeStruct((bdim * cdim,), jnp.int32)),
        scratch_types=[
            pltpu.VMEM((bdim, cdim), jnp.float32),
            pltpu.VMEM((crdim, cdim), jnp.float32),
            pltpu.VMEM((lanes,), jnp.float32),
            pltpu.VMEM((crdim, lanes), jnp.float32),
            pltpu.VMEM((lanes,), jnp.float32),
            pltpu.VMEM((_NK, lanes), jnp.float32),
            pltpu.VMEM((lanes,), jnp.int32),
        ],
    )
    def sc_router(content_h, w1_h, b1_h, w2g_h, b2_h, alpha_h, nlev_h,
                  content_v, w1_v, b1_v, w2t_v, b2_v, av, nv):
        wid = (jax.lax.axis_index("s") * info.num_cores
               + jax.lax.axis_index("c"))

        @pl.when(wid < ngroups)
        def _():
            g2 = wid % gper_b
            flat = wid * lanes
            pltpu.sync_copy(content_h, content_v)
            pltpu.sync_copy(w1_h, w1_v)
            pltpu.sync_copy(b1_h, b1_v)
            pltpu.sync_copy(w2g_h.at[g2], w2t_v)
            pltpu.sync_copy(b2_h.at[g2], b2_v)

            def shuf(v, idx):
                return jax.lax.gather(
                    v, idx[:, None],
                    jax.lax.GatherDimensionNumbers(
                        offset_dims=(), collapsed_slice_dims=(0,),
                        start_index_map=(0,)),
                    (1,), mode=jax.lax.GatherScatterMode.PROMISE_IN_BOUNDS)

            def bcast(v, i):
                return shuf(v, jnp.full((lanes,), i, jnp.int32))

            lane = jax.lax.iota(jnp.int32, lanes)

            def allsum(v):
                for s in (1, 2, 4, 8):
                    v = v + shuf(v, lane ^ s)
                return v

            vwid = jnp.zeros((lanes,), jnp.int32) + wid
            m0 = jnp.minimum(jnp.maximum(gper_b - vwid, 0),
                             1).astype(jnp.float32)
            m1 = 1.0 - m0
            b1v = b1_v[...]
            glob = b2_v[...]
            for r in range(crdim):
                s0 = jnp.zeros((lanes,), jnp.float32)
                s1 = jnp.zeros((lanes,), jnp.float32)
                for t in range(cdim // lanes):
                    w1c = w1_v[r, pl.ds(t * lanes, lanes)]
                    s0 = s0 + content_v[0, pl.ds(t * lanes, lanes)] * w1c
                    s1 = s1 + content_v[1, pl.ds(t * lanes, lanes)] * w1c
                b1r = bcast(b1v, r)
                h0 = jnp.maximum(allsum(s0) + b1r, 0.0)
                h1 = jnp.maximum(allsum(s1) + b1r, 0.0)
                glob = glob + (m0 * h0 + m1 * h1) * w2t_v[r, :]
            e = jnp.maximum(glob, 0.0)
            q = jnp.minimum(e.astype(jnp.int32), _NK - 2)
            qf = q.astype(jnp.float32)
            w_big = e - qf
            w_small = (qf + 1.0) - e
            for i in range(_NK):
                ms = (1 - jnp.minimum(jnp.abs(q - i), 1)).astype(jnp.float32)
                mb = (1 - jnp.minimum(jnp.abs(q - (i - 1)),
                                      1)).astype(jnp.float32)
                av[i, :] = ms * w_small + mb * w_big
            nv[...] = q + 1
            pltpu.sync_copy(av, alpha_h.at[wid])
            pltpu.sync_copy(nv, nlev_h.at[pl.ds(flat, lanes)])

    return sc_router


def _router_body(content_ref, w1_ref, b1_ref, w2_ref, b2_ref,
                 alpha_ref, nlev_ref):
    content = content_ref[...]
    hidden = jnp.maximum(
        jax.lax.dot_general(content, w1_ref[...],
                            (((1,), (1,)), ((), ())),
                            preferred_element_type=jnp.float32)
        + b1_ref[0, :][None, :], 0.0)
    glob = jax.lax.dot_general(hidden, w2_ref[...],
                               (((1,), (1,)), ((), ())),
                               preferred_element_type=jnp.float32) \
        + b2_ref[0, :][None, :]
    e = jnp.maximum(glob, 0.0)
    q_s = jnp.clip(jnp.floor(e), 0.0, float(_NK - 2))
    w_big = e - q_s
    w_small = (q_s + 1.0) - e
    for i in range(_NK):
        fi = float(i)
        alpha = jnp.where(q_s == fi, w_small, 0.0) \
            + jnp.where(q_s == fi - 1.0, w_big, 0.0)
        alpha_ref[i, :, :] = alpha
    nlev_ref[...] = (q_s + 1.0).astype(jnp.int32)


def _pool_body(alpha_ref, nlev_ref, x_ref, o_ref, a_ref, b_ref, *, h, w, c,
               cb):
    g = pl.program_id(0)

    hp = h + 2 * _PADR
    wp = w + 2 * _PADL

    sdt = a_ref.dtype
    a_ref[:, 0:_PADR, :] = jnp.full((cb, _PADR, wp), _NEG, sdt)
    a_ref[:, _PADR + h:, :] = jnp.full((cb, _PADR, wp), _NEG, sdt)
    a_ref[:, :, _PADL - 8:_PADL] = jnp.full((cb, hp, 8), _NEG, sdt)
    a_ref[:, :, _PADL + w:_PADL + w + 8] = jnp.full((cb, hp, 8), _NEG, sdt)
    x = x_ref[...]
    a_ref[:, _PADR:_PADR + h, _PADL:_PADL + w] = x.astype(sdt)

    nlevs = []
    nlev_all = 0
    for j in range(cb):
        bc = g * cb + j
        bi = bc // c
        ci = bc % c
        a0 = alpha_ref[0, bi, ci]
        o_ref[j] = (1.0 + a0) * x[j]
        nl = nlev_ref[bi, ci]
        nlevs.append((nl, bi, ci))
        nlev_all = jnp.maximum(nlev_all, nl)

    for i in range(1, _NK):
        r = (_NK - 1) - i

        @pl.when(i <= nlev_all)
        def _():
            lo = _PADR - r - 1
            hi = _PADR + h + r + 1
            rl = _PADR - r
            rh = _PADR + h + r
            cl = _PADL - r
            ch = _PADL + w + r
            v = a_ref[...]
            b_ref[:, lo:hi, cl:ch] = jnp.maximum(
                jnp.maximum(v[:, lo:hi, cl - 1:ch - 1], v[:, lo:hi, cl:ch]),
                v[:, lo:hi, cl + 1:ch + 1])
            u = b_ref[...]
            a_ref[:, rl:rh, cl:ch] = jnp.maximum(
                jnp.maximum(u[:, lo:rh - 1, cl:ch], u[:, rl:rh, cl:ch]),
                u[:, rl + 1:hi, cl:ch])

            for j in range(cb):
                nl, bi, ci = nlevs[j]

                @pl.when((i >= nl - 1) & (i <= nl))
                def _():
                    ai = alpha_ref[i, bi, ci]
                    p = a_ref[j, _PADR:_PADR + h,
                              _PADL:_PADL + w].astype(jnp.float32)
                    o_ref[j] = o_ref[j] + ai * p


def kernel(x, W1, b1, W2, b2):
    b, c, h, w = x.shape
    cr = W1.shape[0]
    bc = b * c
    xf = x.reshape(bc, h, w)

    cb = 16
    assert bc % cb == 0
    sums = pl.pallas_call(
        _means_body,
        grid=(bc // cb,),
        in_specs=[pl.BlockSpec((cb, h, w), lambda i: (i, 0, 0))],
        out_specs=pl.BlockSpec((1, 1, cb), lambda i: (i, 0, 0)),
        out_shape=jax.ShapeDtypeStruct((bc // cb, 1, cb), jnp.float32),
    )(xf)
    content = sums.reshape(b, c) * (1.0 / (h * w))

    if b == 2 and c % 16 == 0 and cr <= 16 and (b * c) // 16 <= 32:
        b1p = jnp.zeros((16,), jnp.float32).at[:cr].set(b1)
        w2g = W2.T.reshape(cr, c // 16, 16).transpose(1, 0, 2)
        alpha_f, nlev_f = _make_sc_router(b, c, cr)(
            content, W1, b1p, w2g, b2.reshape(c // 16, 16))
        alpha = alpha_f.transpose(1, 0, 2).reshape(_NK, b, c)
        nlev = nlev_f.reshape(b, c)
    else:
        alpha, nlev = pl.pallas_call(
            _router_body,
            out_shape=(jax.ShapeDtypeStruct((_NK, b, c), jnp.float32),
                       jax.ShapeDtypeStruct((b, c), jnp.int32)),
        )(content, W1, b1.reshape(1, cr), W2, b2.reshape(1, c))

    hp, wp = h + 2 * _PADR, w + 2 * _PADL
    pb = 2
    out = pl.pallas_call(
        functools.partial(_pool_body, h=h, w=w, c=c, cb=pb),
        grid=(bc // pb,),
        in_specs=[
            pl.BlockSpec(memory_space=pltpu.SMEM),
            pl.BlockSpec(memory_space=pltpu.SMEM),
            pl.BlockSpec((pb, h, w), lambda i: (i, 0, 0)),
        ],
        out_specs=pl.BlockSpec((pb, h, w), lambda i: (i, 0, 0)),
        out_shape=jax.ShapeDtypeStruct((bc, h, w), jnp.float32),
        scratch_shapes=[pltpu.VMEM((pb, hp, wp), jnp.bfloat16),
                        pltpu.VMEM((pb, hp, wp), jnp.bfloat16)],
    )(alpha, nlev, xf)
    return out.reshape(b, c, h, w)

# --- scband reference (transcript-rebuilt; emitter-appended) ---
"""Pipeline reference for scband-self-dilating-pooling-30605936951856 (READ-ONLY COPY).

The authoritative reference and input builder live on the scoring server;
editing this copy changes nothing except your own understanding.
"""

import jax, jax.numpy as jnp
import numpy as np

KERNEL_SIZES = (1, 3, 5, 7, 9, 11, 13)


def _maxpool_same(x, k):
    if k == 1:
        return x
    p = k // 2
    return jax.lax.reduce_window(
        x, -jnp.inf, jax.lax.max,
        (1, 1, k, k), (1, 1, 1, 1),
        [(0, 0), (0, 0), (p, p), (p, p)])


def setup_inputs(seed: int = 0):
    key = jax.random.key(seed)
    ks = jax.random.split(key, 6)
    B, C, H, W = 2, 192, 224, 224
    Cr = C // 16
    x = jax.random.normal(ks[0], (B, C, H, W), dtype=jnp.float32)
    W1 = jax.random.normal(ks[1], (Cr, C), dtype=jnp.float32) * (1.0 / np.sqrt(C))
    b1 = jax.random.normal(ks[2], (Cr,), dtype=jnp.float32) * 0.1
    W2 = jax.random.normal(ks[3], (C, Cr), dtype=jnp.float32) * (1.0 / np.sqrt(Cr))
    # bias spread over [0, 6) so the per-channel router actually selects all 7 kernel buckets
    b2 = jax.random.uniform(ks[4], (C,), dtype=jnp.float32, minval=0.0, maxval=6.0)
    return {"x": x, "W1": W1, "b1": b1, "W2": W2, "b2": b2}


def reference(x, W1, b1, W2, b2):
    b, c, h, w = x.shape
    # adaptive_avg_pool2d(x, (1,1)) followed by two 1x1 convs == per-batch MLP on channel means
    content = jnp.mean(x, axis=(2, 3))                      # [b, c]
    hidden = jax.nn.relu(content @ W1.T + b1)               # [b, c//16]
    glob = hidden @ W2.T + b2                               # [b, c]
    e = jax.nn.relu(glob)                                   # expend_num_relu, [b, c]
    # q_s = clamp(floor(detach(e)), 0, 5); q_b = q_s + 1  (router: kernel-index per channel)
    q_s = jnp.clip(jnp.floor(jax.lax.stop_gradient(e)), 0, len(KERNEL_SIZES) - 2).astype(jnp.int32)
    q_b = q_s + 1
    # The torch code gathers (b,c)-planes per kernel bucket, maxpools each bucket with its
    # kernel (stride 1, same padding), then scatters results back via sorted indices.
    # Equivalent dense form: compute each maxpool over the full tensor and select per channel.
    s_out = jnp.zeros_like(x)
    b_out = jnp.zeros_like(x)
    for i, k in enumerate(KERNEL_SIZES):
        pooled = _maxpool_same(x, k)
        s_out = jnp.where((q_s == i)[:, :, None, None], pooled, s_out)
        b_out = jnp.where((q_b == i)[:, :, None, None], pooled, b_out)
    w_big = (e - q_s.astype(e.dtype))[:, :, None, None]
    w_small = (q_b.astype(e.dtype) - e)[:, :, None, None]
    bilinear = w_big * b_out + w_small * s_out
    return bilinear + x

if __name__ == "__main__":
    import jax
    _d = setup_inputs()
    print(jax.jit(kernel)(*tuple(_d.values())))

</pallas_src>

<mosaic_0001>
#map = affine_map<(d0, d1) -> (0, 0)>
#map1 = affine_map<(d0, d1) -> (0)>
#map2 = affine_map<(d0, d1) -> (0, 0, 0)>
module attributes {stable_mosaic.version = 14 : i64} {
  func.func @sc_router(%arg0: i32, %arg1: i32, %arg2: memref<2x192xf32, #tpu.memory_space<hbm>>, %arg3: memref<12x192xf32, #tpu.memory_space<hbm>>, %arg4: memref<16xf32, #tpu.memory_space<hbm>>, %arg5: memref<12x12x16xf32, #tpu.memory_space<hbm>>, %arg6: memref<12x16xf32, #tpu.memory_space<hbm>>, %arg7: memref<24x7x16xf32, #tpu.memory_space<hbm>>, %arg8: memref<384xi32, #tpu.memory_space<hbm>>, %arg9: memref<2x192xf32, #tpu.memory_space<vmem>>, %arg10: memref<12x192xf32, #tpu.memory_space<vmem>>, %arg11: memref<16xf32, #tpu.memory_space<vmem>>, %arg12: memref<12x16xf32, #tpu.memory_space<vmem>>, %arg13: memref<16xf32, #tpu.memory_space<vmem>>, %arg14: memref<7x16xf32, #tpu.memory_space<vmem>>, %arg15: memref<16xi32, #tpu.memory_space<vmem>>) attributes {dimension_semantics = [#tpu.dimension_semantics<core_parallel>, #tpu.dimension_semantics<subcore_parallel>], iteration_bounds = array<i64: 2, 16>, scalar_prefetch = 0 : i64, scratch_operands = 7 : i64, tpu.core_type = #tpu.core_type<sc_vector_subcore>, window_params = [{transform_indices = #map}, {transform_indices = #map}, {transform_indices = #map1}, {transform_indices = #map2}, {transform_indices = #map}, {transform_indices = #map2}, {transform_indices = #map1}]} {
    %mul3A = arith.constant 2 : i32
    %mul3A_0 = arith.muli %arg1, %mul3A : i32
    %add3A = arith.addi %mul3A_0, %arg0 : i32
    %lt3A = arith.constant 24 : i32
    %lt3A_1 = arith.cmpi slt, %add3A, %lt3A : i32
    %convert_element_type3A = arith.extui %lt3A_1 : i1 to i32
    %cond3A = arith.constant 0 : i32
    %cond3A_2 = arith.cmpi ne, %convert_element_type3A, %cond3A : i32
    scf.if %cond3A_2 {
      %jit3A = arith.constant 12 : i32
      %eq3A = arith.constant 0 : i32
      %eq3A_3 = arith.cmpi eq, %jit3A, %eq3A : i32
      %jit3A_4 = arith.constant 1 : i32
      %select_n3A = arith.select %eq3A_3, %jit3A_4, %jit3A : i32
      %rem3A = arith.remsi %add3A, %select_n3A : i32
      %ne3A = arith.constant 0 : i32
      %ne3A_5 = arith.cmpi ne, %rem3A, %ne3A : i32
      %lt3A_6 = arith.constant 0 : i32
      %lt3A_7 = arith.cmpi slt, %rem3A, %lt3A_6 : i32
      %lt3A_8 = arith.constant 0 : i32
      %lt3A_9 = arith.cmpi slt, %select_n3A, %lt3A_8 : i32
      %ne3A_10 = arith.xori %lt3A_7, %lt3A_9 : i1
      %and3A = arith.andi %ne3A_10, %ne3A_5 : i1
      %add3A_11 = arith.addi %rem3A, %select_n3A : i32
      %select_n3A_12 = arith.select %and3A, %add3A_11, %rem3A : i32
      %mul3A_13 = arith.constant 16 : i32
      %mul3A_14 = arith.muli %add3A, %mul3A_13 : i32
      "tpu.region"() ({
        %run_scoped3A = tpu.sem_alloc : memref<!tpu.dma_semaphore, #tpu.memory_space<semaphore_mem>>
        tpu.enqueue_dma source(%arg2 : memref<2x192xf32, #tpu.memory_space<hbm>>) target(%arg9 : memref<2x192xf32, #tpu.memory_space<vmem>>) target_semaphore(%run_scoped3A : memref<!tpu.dma_semaphore, #tpu.memory_space<semaphore_mem>>)
        tpu.wait_dma2 semaphore(%run_scoped3A : memref<!tpu.dma_semaphore, #tpu.memory_space<semaphore_mem>>) src(%arg2 : memref<2x192xf32, #tpu.memory_space<hbm>>) dst(%arg9 : memref<2x192xf32, #tpu.memory_space<vmem>>)
        tpu.yield
      }) : () -> ()
      "tpu.region"() ({
        %run_scoped3A = tpu.sem_alloc : memref<!tpu.dma_semaphore, #tpu.memory_space<semaphore_mem>>
        tpu.enqueue_dma source(%arg3 : memref<12x192xf32, #tpu.memory_space<hbm>>) target(%arg10 : memref<12x192xf32, #tpu.memory_space<vmem>>) target_semaphore(%run_scoped3A : memref<!tpu.dma_semaphore, #tpu.memory_space<semaphore_mem>>)
        tpu.wait_dma2 semaphore(%run_scoped3A : memref<!tpu.dma_semaphore, #tpu.memory_space<semaphore_mem>>) src(%arg3 : memref<12x192xf32, #tpu.memory_space<hbm>>) dst(%arg10 : memref<12x192xf32, #tpu.memory_space<vmem>>)
        tpu.yield
      }) : () -> ()
      "tpu.region"() ({
        %run_scoped3A = tpu.sem_alloc : memref<!tpu.dma_semaphore, #tpu.memory_space<semaphore_mem>>
        tpu.enqueue_dma source(%arg4 : memref<16xf32, #tpu.memory_space<hbm>>) target(%arg11 : memref<16xf32, #tpu.memory_space<vmem>>) target_semaphore(%run_scoped3A : memref<!tpu.dma_semaphore, #tpu.memory_space<semaphore_mem>>)
        tpu.wait_dma2 semaphore(%run_scoped3A : memref<!tpu.dma_semaphore, #tpu.memory_space<semaphore_mem>>) src(%arg4 : memref<16xf32, #tpu.memory_space<hbm>>) dst(%arg11 : memref<16xf32, #tpu.memory_space<vmem>>)
        tpu.yield
      }) : () -> ()
      "tpu.region"() ({
        %run_scoped3A = tpu.sem_alloc : memref<!tpu.dma_semaphore, #tpu.memory_space<semaphore_mem>>
        %dma_start3A = arith.constant 0 : i32
        %dma_start3A_3998 = arith.constant 0 : i32
        %dma_start3A_3999 = tpu.memref_slice %arg5[%select_n3A_12, %dma_start3A, %dma_start3A_3998] : memref<12x12x16xf32, #tpu.memory_space<hbm>> -> memref<1x12x16xf32, #tpu.memory_space<hbm>>
        %dma_start3A_4000 = tpu.memref_squeeze %dma_start3A_3999 : memref<1x12x16xf32, #tpu.memory_space<hbm>> -> memref<12x16xf32, #tpu.memory_space<hbm>>
        %dma_start3A_4001 = arith.constant 0 : i32
        %dma_start3A_4002 = arith.constant 0 : i32
        %dma_start3A_4003 = tpu.memref_slice %arg5[%select_n3A_12, %dma_start3A_4001, %dma_start3A_4002] : memref<12x12x16xf32, #tpu.memory_space<hbm>> -> memref<1x12x16xf32, #tpu.memory_space<hbm>>
        %dma_start3A_4004 = tpu.memref_squeeze %dma_start3A_4003 : memref<1x12x16xf32, #tpu.memory_space<hbm>> -> memref<12x16xf32, #tpu.memory_space<hbm>>
        tpu.enqueue_dma source(%dma_start3A_4004 : memref<12x16xf32, #tpu.memory_space<hbm>>) target(%arg12 : memref<12x16xf32, #tpu.memory_space<vmem>>) target_semaphore(%run_scoped3A : memref<!tpu.dma_semaphore, #tpu.memory_space<semaphore_mem>>)
        %dma_wait3A = arith.constant 0 : i32
        %dma_wait3A_4005 = arith.constant 0 : i32
        %dma_wait3A_4006 = tpu.memref_slice %arg5[%select_n3A_12, %dma_wait3A, %dma_wait3A_4005] : memref<12x12x16xf32, #tpu.memory_space<hbm>> -> memref<1x12x16xf32, #tpu.memory_space<hbm>>
        %dma_wait3A_4007 = tpu.memref_squeeze %dma_wait3A_4006 : memref<1x12x16xf32, #tpu.memory_space<hbm>> -> memref<12x16xf32, #tpu.memory_space<hbm>>
        %dma_wait3A_4008 = arith.constant 0 : i32
        %dma_wait3A_4009 = arith.constant 0 : i32
        %dma_wait3A_4010 = tpu.memref_slice %arg5[%select_n3A_12, %dma_wait3A_4008, %dma_wait3A_4009] : memref<12x12x16xf32, #tpu.memory_space<hbm>> -> memref<1x12x16xf32, #tpu.memory_space<hbm>>
        %dma_wait3A_4011 = tpu.memref_squeeze %dma_wait3A_4010 : memref<1x12x16xf32, #tpu.memory_space<hbm>> -> memref<12x16xf32, #tpu.memory_space<hbm>>
        tpu.wait_dma2 semaphore(%run_scoped3A : memref<!tpu.dma_semaphore, #tpu.memory_space<semaphore_mem>>) src(%dma_wait3A_4011 : memref<12x16xf32, #tpu.memory_space<hbm>>) dst(%arg12 : memref<12x16xf32, #tpu.memory_space<vmem>>)
        tpu.yield
      }) : () -> ()
      "tpu.region"() ({
        %run_scoped3A = tpu.sem_alloc : memref<!tpu.dma_semaphore, #tpu.memory_space<semaphore_mem>>
        %dma_start3A = arith.constant 0 : i32
        %dma_start3A_3998 = tpu.memref_slice %arg6[%select_n3A_12, %dma_start3A] : memref<12x16xf32, #tpu.memory_space<hbm>> -> memref<1x16xf32, #tpu.memory_space<hbm>>
        %dma_start3A_3999 = tpu.memref_squeeze %dma_start3A_3998 : memref<1x16xf32, #tpu.memory_space<hbm>> -> memref<16xf32, #tpu.memory_space<hbm>>
        %dma_start3A_4000 = arith.constant 0 : i32
        %dma_start3A_4001 = tpu.memref_slice %arg6[%select_n3A_12, %dma_start3A_4000] : memref<12x16xf32, #tpu.memory_space<hbm>> -> memref<1x16xf32, #tpu.memory_space<hbm>>
        %dma_start3A_4002 = tpu.memref_squeeze %dma_start3A_4001 : memref<1x16xf32, #tpu.memory_space<hbm>> -> memref<16xf32, #tpu.memory_space<hbm>>
        tpu.enqueue_dma source(%dma_start3A_4002 : memref<16xf32, #tpu.memory_space<hbm>>) target(%arg13 : memref<16xf32, #tpu.memory_space<vmem>>) target_semaphore(%run_scoped3A : memref<!tpu.dma_semaphore, #tpu.memory_space<semaphore_mem>>)
        %dma_wait3A = arith.constant 0 : i32
        %dma_wait3A_4003 = tpu.memref_slice %arg6[%select_n3A_12, %dma_wait3A] : memref<12x16xf32, #tpu.memory_space<hbm>> -> memref<1x16xf32, #tpu.memory_space<hbm>>
        %dma_wait3A_4004 = tpu.memref_squeeze %dma_wait3A_4003 : memref<1x16xf32, #tpu.memory_space<hbm>> -> memref<16xf32, #tpu.memory_space<hbm>>
        %dma_wait3A_4005 = arith.constant 0 : i32
        %dma_wait3A_4006 = tpu.memref_slice %arg6[%select_n3A_12, %dma_wait3A_4005] : memref<12x16xf32, #tpu.memory_space<hbm>> -> memref<1x16xf32, #tpu.memory_space<hbm>>
        %dma_wait3A_4007 = tpu.memref_squeeze %dma_wait3A_4006 : memref<1x16xf32, #tpu.memory_space<hbm>> -> memref<16xf32, #tpu.memory_space<hbm>>
        tpu.wait_dma2 semaphore(%run_scoped3A : memref<!tpu.dma_semaphore, #tpu.memory_space<semaphore_mem>>) src(%dma_wait3A_4007 : memref<16xf32, #tpu.memory_space<hbm>>) dst(%arg13 : memref<16xf32, #tpu.memory_space<vmem>>)
        tpu.yield
      }) : () -> ()
      %iota3A = tpu.iota {dimensions = array<i32: 0>} : vector<16xi32>
      %broadcast_in_dim3A = arith.constant 0 : i32
      %broadcast_in_dim3A_15 = vector.broadcast %broadcast_in_dim3A : i32 to vector<16xi32>
      %add3A_16 = vector.broadcast %add3A : i32 to vector<16xi32>
      %add3A_17 = arith.addi %broadcast_in_dim3A_15, %add3A_16 : vector<16xi32>
      %sub3A = arith.constant 12 : i32
      %sub3A_18 = vector.broadcast %sub3A : i32 to vector<16xi32>
      %sub3A_19 = arith.subi %sub3A_18, %add3A_17 : vector<16xi32>
      %max3A = arith.constant 0 : i32
      %max3A_20 = vector.broadcast %max3A : i32 to vector<16xi32>
      %max3A_21 = arith.maxsi %sub3A_19, %max3A_20 : vector<16xi32>
      %min3A = arith.constant 1 : i32
      %min3A_22 = vector.broadcast %min3A : i32 to vector<16xi32>
      %min3A_23 = arith.minsi %max3A_21, %min3A_22 : vector<16xi32>
      %convert_element_type3A_24 = arith.sitofp %min3A_23 : vector<16xi32> to vector<16xf32>
      %sub3A_25 = arith.constant 1.000000e+00 : f32
      %sub3A_26 = vector.broadcast %sub3A_25 : f32 to vector<16xf32>
      %sub3A_27 = arith.subf %sub3A_26, %convert_element_type3A_24 : vector<16xf32>
      %get3A = arith.constant 0 : index
      %get3A_28 = tpu.vector_load %arg11[%get3A] {strides = array<i32>} : memref<16xf32, #tpu.memory_space<vmem>>, vector<16xf32>,
      %get3A_29 = vector.shape_cast %get3A_28 : vector<16xf32> to vector<16xf32>
      %get3A_30 = arith.constant 0 : index
      %get3A_31 = tpu.vector_load %arg13[%get3A_30] {strides = array<i32>} : memref<16xf32, #tpu.memory_space<vmem>>, vector<16xf32>,
      %get3A_32 = vector.shape_cast %get3A_31 : vector<16xf32> to vector<16xf32>
      %broadcast_in_dim3A_33 = arith.constant 0.000000e+00 : f32
      %broadcast_in_dim3A_34 = vector.broadcast %broadcast_in_dim3A_33 : f32 to vector<16xf32>
      %broadcast_in_dim3A_35 = arith.constant 0.000000e+00 : f32
      %broadcast_in_dim3A_36 = vector.broadcast %broadcast_in_dim3A_35 : f32 to vector<16xf32>
      %get3A_37 = arith.constant 0 : i32
      %get3A_38 = arith.index_cast %get3A_37 : i32 to index
      %get3A_39 = arith.constant 0 : index
      %get3A_40 = tpu.vector_load %arg10[%get3A_38, %get3A_39] {strides = array<i32>} : memref<12x192xf32, #tpu.memory_space<vmem>>, vector<1x16xf32>,
      %get3A_41 = vector.shape_cast %get3A_40 : vector<1x16xf32> to vector<16xf32>
      %get3A_42 = arith.constant 0 : i32
      %get3A_43 = arith.index_cast %get3A_42 : i32 to index
      %get3A_44 = arith.constant 0 : index
      %get3A_45 = tpu.vector_load %arg9[%get3A_43, %get3A_44] {strides = array<i32>} : memref<2x192xf32, #tpu.memory_space<vmem>>, vector<1x16xf32>,
      %get3A_46 = vector.shape_cast %get3A_45 : vector<1x16xf32> to vector<16xf32>
      %mul3A_47 = arith.mulf %get3A_46, %get3A_41 : vector<16xf32>
      %add3A_48 = arith.addf %broadcast_in_dim3A_34, %mul3A_47 : vector<16xf32>
      %get3A_49 = arith.constant 1 : i32
      %get3A_50 = arith.index_cast %get3A_49 : i32 to index
      %get3A_51 = arith.constant 0 : index
      %get3A_52 = tpu.vector_load %arg9[%get3A_50, %get3A_51] {strides = array<i32>} : memref<2x192xf32, #tpu.memory_space<vmem>>, vector<1x16xf32>,
      %get3A_53 = vector.shape_cast %get3A_52 : vector<1x16xf32> to vector<16xf32>
      %mul3A_54 = arith.mulf %get3A_53, %get3A_41 : vector<16xf32>
      %add3A_55 = arith.addf %broadcast_in_dim3A_36, %mul3A_54 : vector<16xf32>
      %get3A_56 = arith.constant 0 : i32
      %get3A_57 = arith.index_cast %get3A_56 : i32 to index
      %get3A_58 = arith.constant 16 : index
      %get3A_59 = tpu.vector_load %arg10[%get3A_57, %get3A_58] {strides = array<i32>} : memref<12x192xf32, #tpu.memory_space<vmem>>, vector<1x16xf32>,
      %get3A_60 = vector.shape_cast %get3A_59 : vector<1x16xf32> to vector<16xf32>
      %get3A_61 = arith.constant 0 : i32
      %get3A_62 = arith.index_cast %get3A_61 : i32 to index
      %get3A_63 = arith.constant 16 : index
      %get3A_64 = tpu.vector_load %arg9[%get3A_62, %get3A_63] {strides = array<i32>} : memref<2x192xf32, #tpu.memory_space<vmem>>, vector<1x16xf32>,
      %get3A_65 = vector.shape_cast %get3A_64 : vector<1x16xf32> to vector<16xf32>
      %mul3A_66 = arith.mulf %get3A_65, %get3A_60 : vector<16xf32>
      %add3A_67 = arith.addf %add3A_48, %mul3A_66 : vector<16xf32>
      %get3A_68 = arith.constant 1 : i32
      %get3A_69 = arith.index_cast %get3A_68 : i32 to index
      %get3A_70 = arith.constant 16 : index
      %get3A_71 = tpu.vector_load %arg9[%get3A_69, %get3A_70] {strides = array<i32>} : memref<2x192xf32, #tpu.memory_space<vmem>>, vector<1x16xf32>,
      %get3A_72 = vector.shape_cast %get3A_71 : vector<1x16xf32> to vector<16xf32>
      %mul3A_73 = arith.mulf %get3A_72, %get3A_60 : vector<16xf32>
      %add3A_74 = arith.addf %add3A_55, %mul3A_73 : vector<16xf32>
      %get3A_75 = arith.constant 0 : i32
      %get3A_76 = arith.index_cast %get3A_75 : i32 to index
      %get3A_77 = arith.constant 32 : index
      %get3A_78 = tpu.vector_load %arg10[%get3A_76, %get3A_77] {strides = array<i32>} : memref<12x192xf32, #tpu.memory_space<vmem>>, vector<1x16xf32>,
      %get3A_79 = vector.shape_cast %get3A_78 : vector<1x16xf32> to vector<16xf32>
      %get3A_80 = arith.constant 0 : i32
      %get3A_81 = arith.index_cast %get3A_80 : i32 to index
      %get3A_82 = arith.constant 32 : index
      %get3A_83 = tpu.vector_load %arg9[%get3A_81, %get3A_82] {strides = array<i32>} : memref<2x192xf32, #tpu.memory_space<vmem>>, vector<1x16xf32>,
      %get3A_84 = vector.shape_cast %get3A_83 : vector<1x16xf32> to vector<16xf32>
      %mul3A_85 = arith.mulf %get3A_84, %get3A_79 : vector<16xf32>
      %add3A_86 = arith.addf %add3A_67, %mul3A_85 : vector<16xf32>
      %get3A_87 = arith.constant 1 : i32
      %get3A_88 = arith.index_cast %get3A_87 : i32 to index
      %get3A_89 = arith.constant 32 : index
      %get3A_90 = tpu.vector_load %arg9[%get3A_88, %get3A_89] {strides = array<i32>} : memref<2x192xf32, #tpu.memory_space<vmem>>, vector<1x16xf32>,
      %get3A_91 = vector.shape_cast %get3A_90 : vector<1x16xf32> to vector<16xf32>
      %mul3A_92 = arith.mulf %get3A_91, %get3A_79 : vector<16xf32>
      %add3A_93 = arith.addf %add3A_74, %mul3A_92 : vector<16xf32>
      %get3A_94 = arith.constant 0 : i32
      %get3A_95 = arith.index_cast %get3A_94 : i32 to index
      %get3A_96 = arith.constant 48 : index
      %get3A_97 = tpu.vector_load %arg10[%get3A_95, %get3A_96] {strides = array<i32>} : memref<12x192xf32, #tpu.memory_space<vmem>>, vector<1x16xf32>,
      %get3A_98 = vector.shape_cast %get3A_97 : vector<1x16xf32> to vector<16xf32>
      %get3A_99 = arith.constant 0 : i32
      %get3A_100 = arith.index_cast %get3A_99 : i32 to index
      %get3A_101 = arith.constant 48 : index
      %get3A_102 = tpu.vector_load %arg9[%get3A_100, %get3A_101] {strides = array<i32>} : memref<2x192xf32, #tpu.memory_space<vmem>>, vector<1x16xf32>,
      %get3A_103 = vector.shape_cast %get3A_102 : vector<1x16xf32> to vector<16xf32>
      %mul3A_104 = arith.mulf %get3A_103, %get3A_98 : vector<16xf32>
      %add3A_105 = arith.addf %add3A_86, %mul3A_104 : vector<16xf32>
      %get3A_106 = arith.constant 1 : i32
      %get3A_107 = arith.index_cast %get3A_106 : i32 to index
      %get3A_108 = arith.constant 48 : index
      %get3A_109 = tpu.vector_load %arg9[%get3A_107, %get3A_108] {strides = array<i32>} : memref<2x192xf32, #tpu.memory_space<vmem>>, vector<1x16xf32>,
      %get3A_110 = vector.shape_cast %get3A_109 : vector<1x16xf32> to vector<16xf32>
      %mul3A_111 = arith.mulf %get3A_110, %get3A_98 : vector<16xf32>
      %add3A_112 = arith.addf %add3A_93, %mul3A_111 : vector<16xf32>
      %get3A_113 = arith.constant 0 : i32
      %get3A_114 = arith.index_cast %get3A_113 : i32 to index
      %get3A_115 = arith.constant 64 : index
      %get3A_116 = tpu.vector_load %arg10[%get3A_114, %get3A_115] {strides = array<i32>} : memref<12x192xf32, #tpu.memory_space<vmem>>, vector<1x16xf32>,
      %get3A_117 = vector.shape_cast %get3A_116 : vector<1x16xf32> to vector<16xf32>
      %get3A_118 = arith.constant 0 : i32
      %get3A_119 = arith.index_cast %get3A_118 : i32 to index
      %get3A_120 = arith.constant 64 : index
      %get3A_121 = tpu.vector_load %arg9[%get3A_119, %get3A_120] {strides = array<i32>} : memref<2x192xf32, #tpu.memory_space<vmem>>, vector<1x16xf32>,
      %get3A_122 = vector.shape_cast %get3A_121 : vector<1x16xf32> to vector<16xf32>
      %mul3A_123 = arith.mulf %get3A_122, %get3A_117 : vector<16xf32>
      %add3A_124 = arith.addf %add3A_105, %mul3A_123 : vector<16xf32>
      %get3A_125 = arith.constant 1 : i32
      %get3A_126 = arith.index_cast %get3A_125 : i32 to index
      %get3A_127 = arith.constant 64 : index
      %get3A_128 = tpu.vector_load %arg9[%get3A_126, %get3A_127] {strides = array<i32>} : memref<2x192xf32, #tpu.memory_space<vmem>>, vector<1x16xf32>,
      %get3A_129 = vector.shape_cast %get3A_128 : vector<1x16xf32> to vector<16xf32>
      %mul3A_130 = arith.mulf %get3A_129, %get3A_117 : vector<16xf32>
      %add3A_131 = arith.addf %add3A_112, %mul3A_130 : vector<16xf32>
      %get3A_132 = arith.constant 0 : i32
      %get3A_133 = arith.index_cast %get3A_132 : i32 to index
      %get3A_134 = arith.constant 80 : index
      %get3A_135 = tpu.vector_load %arg10[%get3A_133, %get3A_134] {strides = array<i32>} : memref<12x192xf32, #tpu.memory_space<vmem>>, vector<1x16xf32>,
      %get3A_136 = vector.shape_cast %get3A_135 : vector<1x16xf32> to vector<16xf32>
      %get3A_137 = arith.constant 0 : i32
      %get3A_138 = arith.index_cast %get3A_137 : i32 to index
      %get3A_139 = arith.constant 80 : index
      %get3A_140 = tpu.vector_load %arg9[%get3A_138, %get3A_139] {strides = array<i32>} : memref<2x192xf32, #tpu.memory_space<vmem>>, vector<1x16xf32>,
      %get3A_141 = vector.shape_cast %get3A_140 : vector<1x16xf32> to vector<16xf32>
      %mul3A_142 = arith.mulf %get3A_141, %get3A_136 : vector<16xf32>
      %add3A_143 = arith.addf %add3A_124, %mul3A_142 : vector<16xf32>
      %get3A_144 = arith.constant 1 : i32
      %get3A_145 = arith.index_cast %get3A_144 : i32 to index
      %get3A_146 = arith.constant 80 : index
      %get3A_147 = tpu.vector_load %arg9[%get3A_145, %get3A_146] {strides = array<i32>} : memref<2x192xf32, #tpu.memory_space<vmem>>, vector<1x16xf32>,
      %get3A_148 = vector.shape_cast %get3A_147 : vector<1x16xf32> to vector<16xf32>
      %mul3A_149 = arith.mulf %get3A_148, %get3A_136 : vector<16xf32>
      %add3A_150 = arith.addf %add3A_131, %mul3A_149 : vector<16xf32>
      %get3A_151 = arith.constant 0 : i32
      %get3A_152 = arith.index_cast %get3A_151 : i32 to index
      %get3A_153 = arith.constant 96 : index
      %get3A_154 = tpu.vector_load %arg10[%get3A_152, %get3A_153] {strides = array<i32>} : memref<12x192xf32, #tpu.memory_space<vmem>>, vector<1x16xf32>,
      %get3A_155 = vector.shape_cast %get3A_154 : vector<1x16xf32> to vector<16xf32>
      %get3A_156 = arith.constant 0 : i32
      %get3A_157 = arith.index_cast %get3A_156 : i32 to index
      %get3A_158 = arith.constant 96 : index
      %get3A_159 = tpu.vector_load %arg9[%get3A_157, %get3A_158] {strides = array<i32>} : memref<2x192xf32, #tpu.memory_space<vmem>>, vector<1x16xf32>,
      %get3A_160 = vector.shape_cast %get3A_159 : vector<1x16xf32> to vector<16xf32>
      %mul3A_161 = arith.mulf %get3A_160, %get3A_155 : vector<16xf32>
      %add3A_162 = arith.addf %add3A_143, %mul3A_161 : vector<16xf32>
      %get3A_163 = arith.constant 1 : i32
      %get3A_164 = arith.index_cast %get3A_163 : i32 to index
      %get3A_165 = arith.constant 96 : index
      %get3A_166 = tpu.vector_load %arg9[%get3A_164, %get3A_165] {strides = array<i32>} : memref<2x192xf32, #tpu.memory_space<vmem>>, vector<1x16xf32>,
      %get3A_167 = vector.shape_cast %get3A_166 : vector<1x16xf32> to vector<16xf32>
      %mul3A_168 = arith.mulf %get3A_167, %get3A_155 : vector<16xf32>
      %add3A_169 = arith.addf %add3A_150, %mul3A_168 : vector<16xf32>
      %get3A_170 = arith.constant 0 : i32
      %get3A_171 = arith.index_cast %get3A_170 : i32 to index
      %get3A_172 = arith.constant 112 : index
      %get3A_173 = tpu.vector_load %arg10[%get3A_171, %get3A_172] {strides = array<i32>} : memref<12x192xf32, #tpu.memory_space<vmem>>, vector<1x16xf32>,
      %get3A_174 = vector.shape_cast %get3A_173 : vector<1x16xf32> to vector<16xf32>
      %get3A_175 = arith.constant 0 : i32
      %get3A_176 = arith.index_cast %get3A_175 : i32 to index
      %get3A_177 = arith.constant 112 : index
      %get3A_178 = tpu.vector_load %arg9[%get3A_176, %get3A_177] {strides = array<i32>} : memref<2x192xf32, #tpu.memory_space<vmem>>, vector<1x16xf32>,
      %get3A_179 = vector.shape_cast %get3A_178 : vector<1x16xf32> to vector<16xf32>
      %mul3A_180 = arith.mulf %get3A_179, %get3A_174 : vector<16xf32>
      %add3A_181 = arith.addf %add3A_162, %mul3A_180 : vector<16xf32>
      %get3A_182 = arith.constant 1 : i32
      %get3A_183 = arith.index_cast %get3A_182 : i32 to index
      %get3A_184 = arith.constant 112 : index
      %get3A_185 = tpu.vector_load %arg9[%get3A_183, %get3A_184] {strides = array<i32>} : memref<2x192xf32, #tpu.memory_space<vmem>>, vector<1x16xf32>,
      %get3A_186 = vector.shape_cast %get3A_185 : vector<1x16xf32> to vector<16xf32>
      %mul3A_187 = arith.mulf %get3A_186, %get3A_174 : vector<16xf32>
      %add3A_188 = arith.addf %add3A_169, %mul3A_187 : vector<16xf32>
      %get3A_189 = arith.constant 0 : i32
      %get3A_190 = arith.index_cast %get3A_189 : i32 to index
      %get3A_191 = arith.constant 128 : index
      %get3A_192 = tpu.vector_load %arg10[%get3A_190, %get3A_191] {strides = array<i32>} : memref<12x192xf32, #tpu.memory_space<vmem>>, vector<1x16xf32>,
      %get3A_193 = vector.shape_cast %get3A_192 : vector<1x16xf32> to vector<16xf32>
      %get3A_194 = arith.constant 0 : i32
      %get3A_195 = arith.index_cast %get3A_194 : i32 to index
      %get3A_196 = arith.constant 128 : index
      %get3A_197 = tpu.vector_load %arg9[%get3A_195, %get3A_196] {strides = array<i32>} : memref<2x192xf32, #tpu.memory_space<vmem>>, vector<1x16xf32>,
      %get3A_198 = vector.shape_cast %get3A_197 : vector<1x16xf32> to vector<16xf32>
      %mul3A_199 = arith.mulf %get3A_198, %get3A_193 : vector<16xf32>
      %add3A_200 = arith.addf %add3A_181, %mul3A_199 : vector<16xf32>
      %get3A_201 = arith.constant 1 : i32
      %get3A_202 = arith.index_cast %get3A_201 : i32 to index
      %get3A_203 = arith.constant 128 : index
      %get3A_204 = tpu.vector_load %arg9[%get3A_202, %get3A_203] {strides = array<i32>} : memref<2x192xf32, #tpu.memory_space<vmem>>, vector<1x16xf32>,
      %get3A_205 = vector.shape_cast %get3A_204 : vector<1x16xf32> to vector<16xf32>
      %mul3A_206 = arith.mulf %get3A_205, %get3A_193 : vector<16xf32>
      %add3A_207 = arith.addf %add3A_188, %mul3A_206 : vector<16xf32>
      %get3A_208 = arith.constant 0 : i32
      %get3A_209 = arith.index_cast %get3A_208 : i32 to index
      %get3A_210 = arith.constant 144 : index
      %get3A_211 = tpu.vector_load %arg10[%get3A_209, %get3A_210] {strides = array<i32>} : memref<12x192xf32, #tpu.memory_space<vmem>>, vector<1x16xf32>,
      %get3A_212 = vector.shape_cast %get3A_211 : vector<1x16xf32> to vector<16xf32>
      %get3A_213 = arith.constant 0 : i32
      %get3A_214 = arith.index_cast %get3A_213 : i32 to index
      %get3A_215 = arith.constant 144 : index
      %get3A_216 = tpu.vector_load %arg9[%get3A_214, %get3A_215] {strides = array<i32>} : memref<2x192xf32, #tpu.memory_space<vmem>>, vector<1x16xf32>,
      %get3A_217 = vector.shape_cast %get3A_216 : vector<1x16xf32> to vector<16xf32>
      %mul3A_218 = arith.mulf %get3A_217, %get3A_212 : vector<16xf32>
      %add3A_219 = arith.addf %add3A_200, %mul3A_218 : vector<16xf32>
      %get3A_220 = arith.constant 1 : i32
      %get3A_221 = arith.index_cast %get3A_220 : i32 to index
      %get3A_222 = arith.constant 144 : index
      %get3A_223 = tpu.vector_load %arg9[%get3A_221, %get3A_222] {strides = array<i32>} : memref<2x192xf32, #tpu.memory_space<vmem>>, vector<1x16xf32>,
      %get3A_224 = vector.shape_cast %get3A_223 : vector<1x16xf32> to vector<16xf32>
      %mul3A_225 = arith.mulf %get3A_224, %get3A_212 : vector<16xf32>
      %add3A_226 = arith.addf %add3A_207, %mul3A_225 : vector<16xf32>
      %get3A_227 = arith.constant 0 : i32
      %get3A_228 = arith.index_cast %get3A_227 : i32 to index
      %get3A_229 = arith.constant 160 : index
      %get3A_230 = tpu.vector_load %arg10[%get3A_228, %get3A_229] {strides = array<i32>} : memref<12x192xf32, #tpu.memory_space<vmem>>, vector<1x16xf32>,
      %get3A_231 = vector.shape_cast %get3A_230 : vector<1x16xf32> to vector<16xf32>
      %get3A_232 = arith.constant 0 : i32
      %get3A_233 = arith.index_cast %get3A_232 : i32 to index
      %get3A_234 = arith.constant 160 : index
      %get3A_235 = tpu.vector_load %arg9[%get3A_233, %get3A_234] {strides = array<i32>} : memref<2x192xf32, #tpu.memory_space<vmem>>, vector<1x16xf32>,
      %get3A_236 = vector.shape_cast %get3A_235 : vector<1x16xf32> to vector<16xf32>
      %mul3A_237 = arith.mulf %get3A_236, %get3A_231 : vector<16xf32>
      %add3A_238 = arith.addf %add3A_219, %mul3A_237 : vector<16xf32>
      %get3A_239 = arith.constant 1 : i32
      %get3A_240 = arith.index_cast %get3A_239 : i32 to index
      %get3A_241 = arith.constant 160 : index
      %get3A_242 = tpu.vector_load %arg9[%get3A_240, %get3A_241] {strides = array<i32>} : memref<2x192xf32, #tpu.memory_space<vmem>>, vector<1x16xf32>,
      %get3A_243 = vector.shape_cast %get3A_242 : vector<1x16xf32> to vector<16xf32>
      %mul3A_244 = arith.mulf %get3A_243, %get3A_231 : vector<16xf32>
      %add3A_245 = arith.addf %add3A_226, %mul3A_244 : vector<16xf32>
      %get3A_246 = arith.constant 0 : i32
      %get3A_247 = arith.index_cast %get3A_246 : i32 to index
      %get3A_248 = arith.constant 176 : index
      %get3A_249 = tpu.vector_load %arg10[%get3A_247, %get3A_248] {strides = array<i32>} : memref<12x192xf32, #tpu.memory_space<vmem>>, vector<1x16xf32>,
      %get3A_250 = vector.shape_cast %get3A_249 : vector<1x16xf32> to vector<16xf32>
      %get3A_251 = arith.constant 0 : i32
      %get3A_252 = arith.index_cast %get3A_251 : i32 to index
      %get3A_253 = arith.constant 176 : index
      %get3A_254 = tpu.vector_load %arg9[%get3A_252, %get3A_253] {strides = array<i32>} : memref<2x192xf32, #tpu.memory_space<vmem>>, vector<1x16xf32>,
      %get3A_255 = vector.shape_cast %get3A_254 : vector<1x16xf32> to vector<16xf32>
      %mul3A_256 = arith.mulf %get3A_255, %get3A_250 : vector<16xf32>
      %add3A_257 = arith.addf %add3A_238, %mul3A_256 : vector<16xf32>
      %get3A_258 = arith.constant 1 : i32
      %get3A_259 = arith.index_cast %get3A_258 : i32 to index
      %get3A_260 = arith.constant 176 : index
      %get3A_261 = tpu.vector_load %arg9[%get3A_259, %get3A_260] {strides = array<i32>} : memref<2x192xf32, #tpu.memory_space<vmem>>, vector<1x16xf32>,
      %get3A_262 = vector.shape_cast %get3A_261 : vector<1x16xf32> to vector<16xf32>
      %mul3A_263 = arith.mulf %get3A_262, %get3A_250 : vector<16xf32>
      %add3A_264 = arith.addf %add3A_245, %mul3A_263 : vector<16xf32>
      %broadcast_in_dim3A_265 = arith.constant 0 : i32
      %broadcast_in_dim3A_266 = vector.broadcast %broadcast_in_dim3A_265 : i32 to vector<16xi32>
      %broadcast_in_dim3A_267 = vector.shape_cast %broadcast_in_dim3A_266 : vector<16xi32> to vector<16x1xi32>
      %gather3A = vector.shape_cast %broadcast_in_dim3A_267 : vector<16x1xi32> to vector<16xi32>
      %gather3A_268 = tpu.dynamic_gather %get3A_29[%gather3A] in [0] : vector<16xf32>, vector<16xi32> -> vector<16xf32>
      %xor3A = arith.constant 1 : i32
      %xor3A_269 = vector.broadcast %xor3A : i32 to vector<16xi32>
      %xor3A_270 = arith.xori %iota3A, %xor3A_269 : vector<16xi32>
      %broadcast_in_dim3A_271 = vector.shape_cast %xor3A_270 : vector<16xi32> to vector<16x1xi32>
      %gather3A_272 = vector.shape_cast %broadcast_in_dim3A_271 : vector<16x1xi32> to vector<16xi32>
      %gather3A_273 = tpu.dynamic_gather %add3A_257[%gather3A_272] in [0] : vector<16xf32>, vector<16xi32> -> vector<16xf32>
      %add3A_274 = arith.addf %add3A_257, %gather3A_273 : vector<16xf32>
      %xor3A_275 = arith.constant 2 : i32
      %xor3A_276 = vector.broadcast %xor3A_275 : i32 to vector<16xi32>
      %xor3A_277 = arith.xori %iota3A, %xor3A_276 : vector<16xi32>
      %broadcast_in_dim3A_278 = vector.shape_cast %xor3A_277 : vector<16xi32> to vector<16x1xi32>
      %gather3A_279 = vector.shape_cast %broadcast_in_dim3A_278 : vector<16x1xi32> to vector<16xi32>
      %gather3A_280 = tpu.dynamic_gather %add3A_274[%gather3A_279] in [0] : vector<16xf32>, vector<16xi32> -> vector<16xf32>
      %add3A_281 = arith.addf %add3A_274, %gather3A_280 : vector<16xf32>
      %xor3A_282 = arith.constant 4 : i32
      %xor3A_283 = vector.broadcast %xor3A_282 : i32 to vector<16xi32>
      %xor3A_284 = arith.xori %iota3A, %xor3A_283 : vector<16xi32>
      %broadcast_in_dim3A_285 = vector.shape_cast %xor3A_284 : vector<16xi32> to vector<16x1xi32>
      %gather3A_286 = vector.shape_cast %broadcast_in_dim3A_285 : vector<16x1xi32> to vector<16xi32>
      %gather3A_287 = tpu.dynamic_gather %add3A_281[%gather3A_286] in [0] : vector<16xf32>, vector<16xi32> -> vector<16xf32>
      %add3A_288 = arith.addf %add3A_281, %gather3A_287 : vector<16xf32>
      %xor3A_289 = arith.constant 8 : i32
      %xor3A_290 = vector.broadcast %xor3A_289 : i32 to vector<16xi32>
      %xor3A_291 = arith.xori %iota3A, %xor3A_290 : vector<16xi32>
      %broadcast_in_dim3A_292 = vector.shape_cast %xor3A_291 : vector<16xi32> to vector<16x1xi32>
      %gather3A_293 = vector.shape_cast %broadcast_in_dim3A_292 : vector<16x1xi32> to vector<16xi32>
      %gather3A_294 = tpu.dynamic_gather %add3A_288[%gather3A_293] in [0] : vector<16xf32>, vector<16xi32> -> vector<16xf32>
      %add3A_295 = arith.addf %add3A_288, %gather3A_294 : vector<16xf32>
      %add3A_296 = arith.addf %add3A_295, %gather3A_268 : vector<16xf32>
      %max3A_297 = arith.constant 0.000000e+00 : f32
      %max3A_298 = vector.broadcast %max3A_297 : f32 to vector<16xf32>
      %max3A_299 = arith.maximumf %add3A_296, %max3A_298 : vector<16xf32>
      %xor3A_300 = arith.constant 1 : i32
      %xor3A_301 = vector.broadcast %xor3A_300 : i32 to vector<16xi32>
      %xor3A_302 = arith.xori %iota3A, %xor3A_301 : vector<16xi32>
      %broadcast_in_dim3A_303 = vector.shape_cast %xor3A_302 : vector<16xi32> to vector<16x1xi32>
      %gather3A_304 = vector.shape_cast %broadcast_in_dim3A_303 : vector<16x1xi32> to vector<16xi32>
      %gather3A_305 = tpu.dynamic_gather %add3A_264[%gather3A_304] in [0] : vector<16xf32>, vector<16xi32> -> vector<16xf32>
      %add3A_306 = arith.addf %add3A_264, %gather3A_305 : vector<16xf32>
      %xor3A_307 = arith.constant 2 : i32
      %xor3A_308 = vector.broadcast %xor3A_307 : i32 to vector<16xi32>
      %xor3A_309 = arith.xori %iota3A, %xor3A_308 : vector<16xi32>
      %broadcast_in_dim3A_310 = vector.shape_cast %xor3A_309 : vector<16xi32> to vector<16x1xi32>
      %gather3A_311 = vector.shape_cast %broadcast_in_dim3A_310 : vector<16x1xi32> to vector<16xi32>
      %gather3A_312 = tpu.dynamic_gather %add3A_306[%gather3A_311] in [0] : vector<16xf32>, vector<16xi32> -> vector<16xf32>
      %add3A_313 = arith.addf %add3A_306, %gather3A_312 : vector<16xf32>
      %xor3A_314 = arith.constant 4 : i32
      %xor3A_315 = vector.broadcast %xor3A_314 : i32 to vector<16xi32>
      %xor3A_316 = arith.xori %iota3A, %xor3A_315 : vector<16xi32>
      %broadcast_in_dim3A_317 = vector.shape_cast %xor3A_316 : vector<16xi32> to vector<16x1xi32>
      %gather3A_318 = vector.shape_cast %broadcast_in_dim3A_317 : vector<16x1xi32> to vector<16xi32>
      %gather3A_319 = tpu.dynamic_gather %add3A_313[%gather3A_318] in [0] : vector<16xf32>, vector<16xi32> -> vector<16xf32>
      %add3A_320 = arith.addf %add3A_313, %gather3A_319 : vector<16xf32>
      %xor3A_321 = arith.constant 8 : i32
      %xor3A_322 = vector.broadcast %xor3A_321 : i32 to vector<16xi32>
      %xor3A_323 = arith.xori %iota3A, %xor3A_322 : vector<16xi32>
      %broadcast_in_dim3A_324 = vector.shape_cast %xor3A_323 : vector<16xi32> to vector<16x1xi32>
      %gather3A_325 = vector.shape_cast %broadcast_in_dim3A_324 : vector<16x1xi32> to vector<16xi32>
      %gather3A_326 = tpu.dynamic_gather %add3A_320[%gather3A_325] in [0] : vector<16xf32>, vector<16xi32> -> vector<16xf32>
      %add3A_327 = arith.addf %add3A_320, %gather3A_326 : vector<16xf32>
      %add3A_328 = arith.addf %add3A_327, %gather3A_268 : vector<16xf32>
      %max3A_329 = arith.constant 0.000000e+00 : f32
      %max3A_330 = vector.broadcast %max3A_329 : f32 to vector<16xf32>
      %max3A_331 = arith.maximumf %add3A_328, %max3A_330 : vector<16xf32>
      %mul3A_332 = arith.mulf %convert_element_type3A_24, %max3A_299 : vector<16xf32>
      %mul3A_333 = arith.mulf %sub3A_27, %max3A_331 : vector<16xf32>
      %add3A_334 = arith.addf %mul3A_332, %mul3A_333 : vector<16xf32>
      %get3A_335 = arith.constant 0 : i32
      %get3A_336 = arith.index_cast %get3A_335 : i32 to index
      %get3A_337 = arith.constant 0 : index
      %get3A_338 = tpu.vector_load %arg12[%get3A_336, %get3A_337] {strides = array<i32>} : memref<12x16xf32, #tpu.memory_space<vmem>>, vector<1x16xf32>,
      %get3A_339 = vector.shape_cast %get3A_338 : vector<1x16xf32> to vector<16xf32>
      %mul3A_340 = arith.mulf %add3A_334, %get3A_339 : vector<16xf32>
      %add3A_341 = arith.addf %get3A_32, %mul3A_340 : vector<16xf32>
      %broadcast_in_dim3A_342 = arith.constant 0.000000e+00 : f32
      %broadcast_in_dim3A_343 = vector.broadcast %broadcast_in_dim3A_342 : f32 to vector<16xf32>
      %broadcast_in_dim3A_344 = arith.constant 0.000000e+00 : f32
      %broadcast_in_dim3A_345 = vector.broadcast %broadcast_in_dim3A_344 : f32 to vector<16xf32>
      %get3A_346 = arith.constant 1 : i32
      %get3A_347 = arith.index_cast %get3A_346 : i32 to index
      %get3A_348 = arith.constant 0 : index
      %get3A_349 = tpu.vector_load %arg10[%get3A_347, %get3A_348] {strides = array<i32>} : memref<12x192xf32, #tpu.memory_space<vmem>>, vector<1x16xf32>,
      %get3A_350 = vector.shape_cast %get3A_349 : vector<1x16xf32> to vector<16xf32>
      %get3A_351 = arith.constant 0 : i32
      %get3A_352 = arith.index_cast %get3A_351 : i32 to index
      %get3A_353 = arith.constant 0 : index
      %get3A_354 = tpu.vector_load %arg9[%get3A_352, %get3A_353] {strides = array<i32>} : memref<2x192xf32, #tpu.memory_space<vmem>>, vector<1x16xf32>,
      %get3A_355 = vector.shape_cast %get3A_354 : vector<1x16xf32> to vector<16xf32>
      %mul3A_356 = arith.mulf %get3A_355, %get3A_350 : vector<16xf32>
      %add3A_357 = arith.addf %broadcast_in_dim3A_343, %mul3A_356 : vector<16xf32>
      %get3A_358 = arith.constant 1 : i32
      %get3A_359 = arith.index_cast %get3A_358 : i32 to index
      %get3A_360 = arith.constant 0 : index
      %get3A_361 = tpu.vector_load %arg9[%get3A_359, %get3A_360] {strides = array<i32>} : memref<2x192xf32, #tpu.memory_space<vmem>>, vector<1x16xf32>,
      %get3A_362 = vector.shape_cast %get3A_361 : vector<1x16xf32> to vector<16xf32>
      %mul3A_363 = arith.mulf %get3A_362, %get3A_350 : vector<16xf32>
      %add3A_364 = arith.addf %broadcast_in_dim3A_345, %mul3A_363 : vector<16xf32>
      %get3A_365 = arith.constant 1 : i32
      %get3A_366 = arith.index_cast %get3A_365 : i32 to index
      %get3A_367 = arith.constant 16 : index
      %get3A_368 = tpu.vector_load %arg10[%get3A_366, %get3A_367] {strides = array<i32>} : memref<12x192xf32, #tpu.memory_space<vmem>>, vector<1x16xf32>,
      %get3A_369 = vector.shape_cast %get3A_368 : vector<1x16xf32> to vector<16xf32>
      %get3A_370 = arith.constant 0 : i32
      %get3A_371 = arith.index_cast %get3A_370 : i32 to index
      %get3A_372 = arith.constant 16 : index
      %get3A_373 = tpu.vector_load %arg9[%get3A_371, %get3A_372] {strides = array<i32>} : memref<2x192xf32, #tpu.memory_space<vmem>>, vector<1x16xf32>,
      %get3A_374 = vector.shape_cast %get3A_373 : vector<1x16xf32> to vector<16xf32>
      %mul3A_375 = arith.mulf %get3A_374, %get3A_369 : vector<16xf32>
      %add3A_376 = arith.addf %add3A_357, %mul3A_375 : vector<16xf32>
      %get3A_377 = arith.constant 1 : i32
      %get3A_378 = arith.index_cast %get3A_377 : i32 to index
      %get3A_379 = arith.constant 16 : index
      %get3A_380 = tpu.vector_load %arg9[%get3A_378, %get3A_379] {strides = array<i32>} : memref<2x192xf32, #tpu.memory_space<vmem>>, vector<1x16xf32>,
      %get3A_381 = vector.shape_cast %get3A_380 : vector<1x16xf32> to vector<16xf32>
      %mul3A_382 = arith.mulf %get3A_381, %get3A_369 : vector<16xf32>
      %add3A_383 = arith.addf %add3A_364, %mul3A_382 : vector<16xf32>
      %get3A_384 = arith.constant 1 : i32
      %get3A_385 = arith.index_cast %get3A_384 : i32 to index
      %get3A_386 = arith.constant 32 : index
      %get3A_387 = tpu.vector_load %arg10[%get3A_385, %get3A_386] {strides = array<i32>} : memref<12x192xf32, #tpu.memory_space<vmem>>, vector<1x16xf32>,
      %get3A_388 = vector.shape_cast %get3A_387 : vector<1x16xf32> to vector<16xf32>
      %get3A_389 = arith.constant 0 : i32
      %get3A_390 = arith.index_cast %get3A_389 : i32 to index
      %get3A_391 = arith.constant 32 : index
      %get3A_392 = tpu.vector_load %arg9[%get3A_390, %get3A_391] {strides = array<i32>} : memref<2x192xf32, #tpu.memory_space<vmem>>, vector<1x16xf32>,
      %get3A_393 = vector.shape_cast %get3A_392 : vector<1x16xf32> to vector<16xf32>
      %mul3A_394 = arith.mulf %get3A_393, %get3A_388 : vector<16xf32>
      %add3A_395 = arith.addf %add3A_376, %mul3A_394 : vector<16xf32>
      %get3A_396 = arith.constant 1 : i32
      %get3A_397 = arith.index_cast %get3A_396 : i32 to index
      %get3A_398 = arith.constant 32 : index
      %get3A_399 = tpu.vector_load %arg9[%get3A_397, %get3A_398] {strides = array<i32>} : memref<2x192xf32, #tpu.memory_space<vmem>>, vector<1x16xf32>,
      %get3A_400 = vector.shape_cast %get3A_399 : vector<1x16xf32> to vector<16xf32>
      %mul3A_401 = arith.mulf %get3A_400, %get3A_388 : vector<16xf32>
      %add3A_402 = arith.addf %add3A_383, %mul3A_401 : vector<16xf32>
      %get3A_403 = arith.constant 1 : i32
      %get3A_404 = arith.index_cast %get3A_403 : i32 to index
      %get3A_405 = arith.constant 48 : index
      %get3A_406 = tpu.vector_load %arg10[%get3A_404, %get3A_405] {strides = array<i32>} : memref<12x192xf32, #tpu.memory_space<vmem>>, vector<1x16xf32>,
      %get3A_407 = vector.shape_cast %get3A_406 : vector<1x16xf32> to vector<16xf32>
      %get3A_408 = arith.constant 0 : i32
      %get3A_409 = arith.index_cast %get3A_408 : i32 to index
      %get3A_410 = arith.constant 48 : index
      %get3A_411 = tpu.vector_load %arg9[%get3A_409, %get3A_410] {strides = array<i32>} : memref<2x192xf32, #tpu.memory_space<vmem>>, vector<1x16xf32>,
      %get3A_412 = vector.shape_cast %get3A_411 : vector<1x16xf32> to vector<16xf32>
      %mul3A_413 = arith.mulf %get3A_412, %get3A_407 : vector<16xf32>
      %add3A_414 = arith.addf %add3A_395, %mul3A_413 : vector<16xf32>
      %get3A_415 = arith.constant 1 : i32
      %get3A_416 = arith.index_cast %get3A_415 : i32 to index
      %get3A_417 = arith.constant 48 : index
      %get3A_418 = tpu.vector_load %arg9[%get3A_416, %get3A_417] {strides = array<i32>} : memref<2x192xf32, #tpu.memory_space<vmem>>, vector<1x16xf32>,
      %get3A_419 = vector.shape_cast %get3A_418 : vector<1x16xf32> to vector<16xf32>
      %mul3A_420 = arith.mulf %get3A_419, %get3A_407 : vector<16xf32>
      %add3A_421 = arith.addf %add3A_402, %mul3A_420 : vector<16xf32>
      %get3A_422 = arith.constant 1 : i32
      %get3A_423 = arith.index_cast %get3A_422 : i32 to index
      %get3A_424 = arith.constant 64 : index
      %get3A_425 = tpu.vector_load %arg10[%get3A_423, %get3A_424] {strides = array<i32>} : memref<12x192xf32, #tpu.memory_space<vmem>>, vector<1x16xf32>,
      %get3A_426 = vector.shape_cast %get3A_425 : vector<1x16xf32> to vector<16xf32>
      %get3A_427 = arith.constant 0 : i32
      %get3A_428 = arith.index_cast %get3A_427 : i32 to index
      %get3A_429 = arith.constant 64 : index
      %get3A_430 = tpu.vector_load %arg9[%get3A_428, %get3A_429] {strides = array<i32>} : memref<2x192xf32, #tpu.memory_space<vmem>>, vector<1x16xf32>,
      %get3A_431 = vector.shape_cast %get3A_430 : vector<1x16xf32> to vector<16xf32>
      %mul3A_432 = arith.mulf %get3A_431, %get3A_426 : vector<16xf32>
      %add3A_433 = arith.addf %add3A_414, %mul3A_432 : vector<16xf32>
      %get3A_434 = arith.constant 1 : i32
      %get3A_435 = arith.index_cast %get3A_434 : i32 to index
      %get3A_436 = arith.constant 64 : index
      %get3A_437 = tpu.vector_load %arg9[%get3A_435, %get3A_436] {strides = array<i32>} : memref<2x192xf32, #tpu.memory_space<vmem>>, vector<1x16xf32>,
      %get3A_438 = vector.shape_cast %get3A_437 : vector<1x16xf32> to vector<16xf32>
      %mul3A_439 = arith.mulf %get3A_438, %get3A_426 : vector<16xf32>
      %add3A_440 = arith.addf %add3A_421, %mul3A_439 : vector<16xf32>
      %get3A_441 = arith.constant 1 : i32
      %get3A_442 = arith.index_cast %get3A_441 : i32 to index
      %get3A_443 = arith.constant 80 : index
      %get3A_444 = tpu.vector_load %arg10[%get3A_442, %get3A_443] {strides = array<i32>} : memref<12x192xf32, #tpu.memory_space<vmem>>, vector<1x16xf32>,
      %get3A_445 = vector.shape_cast %get3A_444 : vector<1x16xf32> to vector<16xf32>
      %get3A_446 = arith.constant 0 : i32
      %get3A_447 = arith.index_cast %get3A_446 : i32 to index
      %get3A_448 = arith.constant 80 : index
      %get3A_449 = tpu.vector_load %arg9[%get3A_447, %get3A_448] {strides = array<i32>} : memref<2x192xf32, #tpu.memory_space<vmem>>, vector<1x16xf32>,
      %get3A_450 = vector.shape_cast %get3A_449 : vector<1x16xf32> to vector<16xf32>
      %mul3A_451 = arith.mulf %get3A_450, %get3A_445 : vector<16xf32>
      %add3A_452 = arith.addf %add3A_433, %mul3A_451 : vector<16xf32>
      %get3A_453 = arith.constant 1 : i32
      %get3A_454 = arith.index_cast %get3A_453 : i32 to index
      %get3A_455 = arith.constant 80 : index
      %get3A_456 = tpu.vector_load %arg9[%get3A_454, %get3A_455] {strides = array<i32>} : memref<2x192xf32, #tpu.memory_space<vmem>>, vector<1x16xf32>,
      %get3A_457 = vector.shape_cast %get3A_456 : vector<1x16xf32> to vector<16xf32>
      %mul3A_458 = arith.mulf %get3A_457, %get3A_445 : vector<16xf32>
      %add3A_459 = arith.addf %add3A_440, %mul3A_458 : vector<16xf32>
      %get3A_460 = arith.constant 1 : i32
      %get3A_461 = arith.index_cast %get3A_460 : i32 to index
      %get3A_462 = arith.constant 96 : index
      %get3A_463 = tpu.vector_load %arg10[%get3A_461, %get3A_462] {strides = array<i32>} : memref<12x192xf32, #tpu.memory_space<vmem>>, vector<1x16xf32>,
      %get3A_464 = vector.shape_cast %get3A_463 : vector<1x16xf32> to vector<16xf32>
      %get3A_465 = arith.constant 0 : i32
      %get3A_466 = arith.index_cast %get3A_465 : i32 to index
      %get3A_467 = arith.constant 96 : index
      %get3A_468 = tpu.vector_load %arg9[%get3A_466, %get3A_467] {strides = array<i32>} : memref<2x192xf32, #tpu.memory_space<vmem>>, vector<1x16xf32>,
      %get3A_469 = vector.shape_cast %get3A_468 : vector<1x16xf32> to vector<16xf32>
      %mul3A_470 = arith.mulf %get3A_469, %get3A_464 : vector<16xf32>
      %add3A_471 = arith.addf %add3A_452, %mul3A_470 : vector<16xf32>
      %get3A_472 = arith.constant 1 : i32
      %get3A_473 = arith.index_cast %get3A_472 : i32 to index
      %get3A_474 = arith.constant 96 : index
      %get3A_475 = tpu.vector_load %arg9[%get3A_473, %get3A_474] {strides = array<i32>} : memref<2x192xf32, #tpu.memory_space<vmem>>, vector<1x16xf32>,
      %get3A_476 = vector.shape_cast %get3A_475 : vector<1x16xf32> to vector<16xf32>
      %mul3A_477 = arith.mulf %get3A_476, %get3A_464 : vector<16xf32>
      %add3A_478 = arith.addf %add3A_459, %mul3A_477 : vector<16xf32>
      %get3A_479 = arith.constant 1 : i32
      %get3A_480 = arith.index_cast %get3A_479 : i32 to index
      %get3A_481 = arith.constant 112 : index
      %get3A_482 = tpu.vector_load %arg10[%get3A_480, %get3A_481] {strides = array<i32>} : memref<12x192xf32, #tpu.memory_space<vmem>>, vector<1x16xf32>,
      %get3A_483 = vector.shape_cast %get3A_482 : vector<1x16xf32> to vector<16xf32>
      %get3A_484 = arith.constant 0 : i32
      %get3A_485 = arith.index_cast %get3A_484 : i32 to index
      %get3A_486 = arith.constant 112 : index
      %get3A_487 = tpu.vector_load %arg9[%get3A_485, %get3A_486] {strides = array<i32>} : memref<2x192xf32, #tpu.memory_space<vmem>>, vector<1x16xf32>,
      %get3A_488 = vector.shape_cast %get3A_487 : vector<1x16xf32> to vector<16xf32>
      %mul3A_489 = arith.mulf %get3A_488, %get3A_483 : vector<16xf32>
      %add3A_490 = arith.addf %add3A_471, %mul3A_489 : vector<16xf32>
      %get3A_491 = arith.constant 1 : i32
      %get3A_492 = arith.index_cast %get3A_491 : i32 to index
      %get3A_493 = arith.constant 112 : index
      %get3A_494 = tpu.vector_load %arg9[%get3A_492, %get3A_493] {strides = array<i32>} : memref<2x192xf32, #tpu.memory_space<vmem>>, vector<1x16xf32>,
      %get3A_495 = vector.shape_cast %get3A_494 : vector<1x16xf32> to vector<16xf32>
      %mul3A_496 = arith.mulf %get3A_495, %get3A_483 : vector<16xf32>
      %add3A_497 = arith.addf %add3A_478, %mul3A_496 : vector<16xf32>
      %get3A_498 = arith.constant 1 : i32
      %get3A_499 = arith.index_cast %get3A_498 : i32 to index
      %get3A_500 = arith.constant 128 : index
      %get3A_501 = tpu.vector_load %arg10[%get3A_499, %get3A_500] {strides = array<i32>} : memref<12x192xf32, #tpu.memory_space<vmem>>, vector<1x16xf32>,
      %get3A_502 = vector.shape_cast %get3A_501 : vector<1x16xf32> to vector<16xf32>
      %get3A_503 = arith.constant 0 : i32
      %get3A_504 = arith.index_cast %get3A_503 : i32 to index
      %get3A_505 = arith.constant 128 : index
      %get3A_506 = tpu.vector_load %arg9[%get3A_504, %get3A_505] {strides = array<i32>} : memref<2x192xf32, #tpu.memory_space<vmem>>, vector<1x16xf32>,
      %get3A_507 = vector.shape_cast %get3A_506 : vector<1x16xf32> to vector<16xf32>
      %mul3A_508 = arith.mulf %get3A_507, %get3A_502 : vector<16xf32>
      %add3A_509 = arith.addf %add3A_490, %mul3A_508 : vector<16xf32>
      %get3A_510 = arith.constant 1 : i32
      %get3A_511 = arith.index_cast %get3A_510 : i32 to index
      %get3A_512 = arith.constant 128 : index
      %get3A_513 = tpu.vector_load %arg9[%get3A_511, %get3A_512] {strides = array<i32>} : memref<2x192xf32, #tpu.memory_space<vmem>>, vector<1x16xf32>,
      %get3A_514 = vector.shape_cast %get3A_513 : vector<1x16xf32> to vector<16xf32>
      %mul3A_515 = arith.mulf %get3A_514, %get3A_502 : vector<16xf32>
      %add3A_516 = arith.addf %add3A_497, %mul3A_515 : vector<16xf32>
      %get3A_517 = arith.constant 1 : i32
      %get3A_518 = arith.index_cast %get3A_517 : i32 to index
      %get3A_519 = arith.constant 144 : index
      %get3A_520 = tpu.vector_load %arg10[%get3A_518, %get3A_519] {strides = array<i32>} : memref<12x192xf32, #tpu.memory_space<vmem>>, vector<1x16xf32>,
      %get3A_521 = vector.shape_cast %get3A_520 : vector<1x16xf32> to vector<16xf32>
      %get3A_522 = arith.constant 0 : i32
      %get3A_523 = arith.index_cast %get3A_522 : i32 to index
      %get3A_524 = arith.constant 144 : index
      %get3A_525 = tpu.vector_load %arg9[%get3A_523, %get3A_524] {strides = array<i32>} : memref<2x192xf32, #tpu.memory_space<vmem>>, vector<1x16xf32>,
      %get3A_526 = vector.shape_cast %get3A_525 : vector<1x16xf32> to vector<16xf32>
      %mul3A_527 = arith.mulf %get3A_526, %get3A_521 : vector<16xf32>
      %add3A_528 = arith.addf %add3A_509, %mul3A_527 : vector<16xf32>
      %get3A_529 = arith.constant 1 : i32
      %get3A_530 = arith.index_cast %get3A_529 : i32 to index
      %get3A_531 = arith.constant 144 : index
      %get3A_532 = tpu.vector_load %arg9[%get3A_530, %get3A_531] {strides = array<i32>} : memref<2x192xf32, #tpu.memory_space<vmem>>, vector<1x16xf32>,
      %get3A_533 = vector.shape_cast %get3A_532 : vector<1x16xf32> to vector<16xf32>
      %mul3A_534 = arith.mulf %get3A_533, %get3A_521 : vector<16xf32>
      %add3A_535 = arith.addf %add3A_516, %mul3A_534 : vector<16xf32>
      %get3A_536 = arith.constant 1 : i32
      %get3A_537 = arith.index_cast %get3A_536 : i32 to index
      %get3A_538 = arith.constant 160 : index
      %get3A_539 = tpu.vector_load %arg10[%get3A_537, %get3A_538] {strides = array<i32>} : memref<12x192xf32, #tpu.memory_space<vmem>>, vector<1x16xf32>,
      %get3A_540 = vector.shape_cast %get3A_539 : vector<1x16xf32> to vector<16xf32>
      %get3A_541 = arith.constant 0 : i32
      %get3A_542 = arith.index_cast %get3A_541 : i32 to index
      %get3A_543 = arith.constant 160 : index
      %get3A_544 = tpu.vector_load %arg9[%get3A_542, %get3A_543] {strides = array<i32>} : memref<2x192xf32, #tpu.memory_space<vmem>>, vector<1x16xf32>,
      %get3A_545 = vector.shape_cast %get3A_544 : vector<1x16xf32> to vector<16xf32>
      %mul3A_546 = arith.mulf %get3A_545, %get3A_540 : vector<16xf32>
      %add3A_547 = arith.addf %add3A_528, %mul3A_546 : vector<16xf32>
      %get3A_548 = arith.constant 1 : i32
      %get3A_549 = arith.index_cast %get3A_548 : i32 to index
      %get3A_550 = arith.constant 160 : index
      %get3A_551 = tpu.vector_load %arg9[%get3A_549, %get3A_550] {strides = array<i32>} : memref<2x192xf32, #tpu.memory_space<vmem>>, vector<1x16xf32>,
      %get3A_552 = vector.shape_cast %get3A_551 : vector<1x16xf32> to vector<16xf32>
      %mul3A_553 = arith.mulf %get3A_552, %get3A_540 : vector<16xf32>
      %add3A_554 = arith.addf %add3A_535, %mul3A_553 : vector<16xf32>
      %get3A_555 = arith.constant 1 : i32
      %get3A_556 = arith.index_cast %get3A_555 : i32 to index
      %get3A_557 = arith.constant 176 : index
      %get3A_558 = tpu.vector_load %arg10[%get3A_556, %get3A_557] {strides = array<i32>} : memref<12x192xf32, #tpu.memory_space<vmem>>, vector<1x16xf32>,
      %get3A_559 = vector.shape_cast %get3A_558 : vector<1x16xf32> to vector<16xf32>
      %get3A_560 = arith.constant 0 : i32
      %get3A_561 = arith.index_cast %get3A_560 : i32 to index
      %get3A_562 = arith.constant 176 : index
      %get3A_563 = tpu.vector_load %arg9[%get3A_561, %get3A_562] {strides = array<i32>} : memref<2x192xf32, #tpu.memory_space<vmem>>, vector<1x16xf32>,
      %get3A_564 = vector.shape_cast %get3A_563 : vector<1x16xf32> to vector<16xf32>
      %mul3A_565 = arith.mulf %get3A_564, %get3A_559 : vector<16xf32>
      %add3A_566 = arith.addf %add3A_547, %mul3A_565 : vector<16xf32>
      %get3A_567 = arith.constant 1 : i32
      %get3A_568 = arith.index_cast %get3A_567 : i32 to index
      %get3A_569 = arith.constant 176 : index
      %get3A_570 = tpu.vector_load %arg9[%get3A_568, %get3A_569] {strides = array<i32>} : memref<2x192xf32, #tpu.memory_space<vmem>>, vector<1x16xf32>,
      %get3A_571 = vector.shape_cast %get3A_570 : vector<1x16xf32> to vector<16xf32>
      %mul3A_572 = arith.mulf %get3A_571, %get3A_559 : vector<16xf32>
      %add3A_573 = arith.addf %add3A_554, %mul3A_572 : vector<16xf32>
      %broadcast_in_dim3A_574 = arith.constant 1 : i32
      %broadcast_in_dim3A_575 = vector.broadcast %broadcast_in_dim3A_574 : i32 to vector<16xi32>
      %broadcast_in_dim3A_576 = vector.shape_cast %broadcast_in_dim3A_575 : vector<16xi32> to vector<16x1xi32>
      %gather3A_577 = vector.shape_cast %broadcast_in_dim3A_576 : vector<16x1xi32> to vector<16xi32>
      %gather3A_578 = tpu.dynamic_gather %get3A_29[%gather3A_577] in [0] : vector<16xf32>, vector<16xi32> -> vector<16xf32>
      %xor3A_579 = arith.constant 1 : i32
      %xor3A_580 = vector.broadcast %xor3A_579 : i32 to vector<16xi32>
      %xor3A_581 = arith.xori %iota3A, %xor3A_580 : vector<16xi32>
      %broadcast_in_dim3A_582 = vector.shape_cast %xor3A_581 : vector<16xi32> to vector<16x1xi32>
      %gather3A_583 = vector.shape_cast %broadcast_in_dim3A_582 : vector<16x1xi32> to vector<16xi32>
      %gather3A_584 = tpu.dynamic_gather %add3A_566[%gather3A_583] in [0] : vector<16xf32>, vector<16xi32> -> vector<16xf32>
      %add3A_585 = arith.addf %add3A_566, %gather3A_584 : vector<16xf32>
      %xor3A_586 = arith.constant 2 : i32
      %xor3A_587 = vector.broadcast %xor3A_586 : i32 to vector<16xi32>
      %xor3A_588 = arith.xori %iota3A, %xor3A_587 : vector<16xi32>
      %broadcast_in_dim3A_589 = vector.shape_cast %xor3A_588 : vector<16xi32> to vector<16x1xi32>
      %gather3A_590 = vector.shape_cast %broadcast_in_dim3A_589 : vector<16x1xi32> to vector<16xi32>
      %gather3A_591 = tpu.dynamic_gather %add3A_585[%gather3A_590] in [0] : vector<16xf32>, vector<16xi32> -> vector<16xf32>
      %add3A_592 = arith.addf %add3A_585, %gather3A_591 : vector<16xf32>
      %xor3A_593 = arith.constant 4 : i32
      %xor3A_594 = vector.broadcast %xor3A_593 : i32 to vector<16xi32>
      %xor3A_595 = arith.xori %iota3A, %xor3A_594 : vector<16xi32>
      %broadcast_in_dim3A_596 = vector.shape_cast %xor3A_595 : vector<16xi32> to vector<16x1xi32>
      %gather3A_597 = vector.shape_cast %broadcast_in_dim3A_596 : vector<16x1xi32> to vector<16xi32>
      %gather3A_598 = tpu.dynamic_gather %add3A_592[%gather3A_597] in [0] : vector<16xf32>, vector<16xi32> -> vector<16xf32>
      %add3A_599 = arith.addf %add3A_592, %gather3A_598 : vector<16xf32>
      %xor3A_600 = arith.constant 8 : i32
      %xor3A_601 = vector.broadcast %xor3A_600 : i32 to vector<16xi32>
      %xor3A_602 = arith.xori %iota3A, %xor3A_601 : vector<16xi32>
      %broadcast_in_dim3A_603 = vector.shape_cast %xor3A_602 : vector<16xi32> to vector<16x1xi32>
      %gather3A_604 = vector.shape_cast %broadcast_in_dim3A_603 : vector<16x1xi32> to vector<16xi32>
      %gather3A_605 = tpu.dynamic_gather %add3A_599[%gather3A_604] in [0] : vector<16xf32>, vector<16xi32> -> vector<16xf32>
      %add3A_606 = arith.addf %add3A_599, %gather3A_605 : vector<16xf32>
      %add3A_607 = arith.addf %add3A_606, %gather3A_578 : vector<16xf32>
      %max3A_608 = arith.constant 0.000000e+00 : f32
      %max3A_609 = vector.broadcast %max3A_608 : f32 to vector<16xf32>
      %max3A_610 = arith.maximumf %add3A_607, %max3A_609 : vector<16xf32>
      %xor3A_611 = arith.constant 1 : i32
      %xor3A_612 = vector.broadcast %xor3A_611 : i32 to vector<16xi32>
      %xor3A_613 = arith.xori %iota3A, %xor3A_612 : vector<16xi32>
      %broadcast_in_dim3A_614 = vector.shape_cast %xor3A_613 : vector<16xi32> to vector<16x1xi32>
      %gather3A_615 = vector.shape_cast %broadcast_in_dim3A_614 : vector<16x1xi32> to vector<16xi32>
      %gather3A_616 = tpu.dynamic_gather %add3A_573[%gather3A_615] in [0] : vector<16xf32>, vector<16xi32> -> vector<16xf32>
      %add3A_617 = arith.addf %add3A_573, %gather3A_616 : vector<16xf32>
      %xor3A_618 = arith.constant 2 : i32
      %xor3A_619 = vector.broadcast %xor3A_618 : i32 to vector<16xi32>
      %xor3A_620 = arith.xori %iota3A, %xor3A_619 : vector<16xi32>
      %broadcast_in_dim3A_621 = vector.shape_cast %xor3A_620 : vector<16xi32> to vector<16x1xi32>
      %gather3A_622 = vector.shape_cast %broadcast_in_dim3A_621 : vector<16x1xi32> to vector<16xi32>
      %gather3A_623 = tpu.dynamic_gather %add3A_617[%gather3A_622] in [0] : vector<16xf32>, vector<16xi32> -> vector<16xf32>
      %add3A_624 = arith.addf %add3A_617, %gather3A_623 : vector<16xf32>
      %xor3A_625 = arith.constant 4 : i32
      %xor3A_626 = vector.broadcast %xor3A_625 : i32 to vector<16xi32>
      %xor3A_627 = arith.xori %iota3A, %xor3A_626 : vector<16xi32>
      %broadcast_in_dim3A_628 = vector.shape_cast %xor3A_627 : vector<16xi32> to vector<16x1xi32>
      %gather3A_629 = vector.shape_cast %broadcast_in_dim3A_628 : vector<16x1xi32> to vector<16xi32>
      %gather3A_630 = tpu.dynamic_gather %add3A_624[%gather3A_629] in [0] : vector<16xf32>, vector<16xi32> -> vector<16xf32>
      %add3A_631 = arith.addf %add3A_624, %gather3A_630 : vector<16xf32>
      %xor3A_632 = arith.constant 8 : i32
      %xor3A_633 = vector.broadcast %xor3A_632 : i32 to vector<16xi32>
      %xor3A_634 = arith.xori %iota3A, %xor3A_633 : vector<16xi32>
      %broadcast_in_dim3A_635 = vector.shape_cast %xor3A_634 : vector<16xi32> to vector<16x1xi32>
      %gather3A_636 = vector.shape_cast %broadcast_in_dim3A_635 : vector<16x1xi32> to vector<16xi32>
      %gather3A_637 = tpu.dynamic_gather %add3A_631[%gather3A_636] in [0] : vector<16xf32>, vector<16xi32> -> vector<16xf32>
      %add3A_638 = arith.addf %add3A_631, %gather3A_637 : vector<16xf32>
      %add3A_639 = arith.addf %add3A_638, %gather3A_578 : vector<16xf32>
      %max3A_640 = arith.constant 0.000000e+00 : f32
      %max3A_641 = vector.broadcast %max3A_640 : f32 to vector<16xf32>
      %max3A_642 = arith.maximumf %add3A_639, %max3A_641 : vector<16xf32>
      %mul3A_643 = arith.mulf %convert_element_type3A_24, %max3A_610 : vector<16xf32>
      %mul3A_644 = arith.mulf %sub3A_27, %max3A_642 : vector<16xf32>
      %add3A_645 = arith.addf %mul3A_643, %mul3A_644 : vector<16xf32>
      %get3A_646 = arith.constant 1 : i32
      %get3A_647 = arith.index_cast %get3A_646 : i32 to index
      %get3A_648 = arith.constant 0 : index
      %get3A_649 = tpu.vector_load %arg12[%get3A_647, %get3A_648] {strides = array<i32>} : memref<12x16xf32, #tpu.memory_space<vmem>>, vector<1x16xf32>,
      %get3A_650 = vector.shape_cast %get3A_649 : vector<1x16xf32> to vector<16xf32>
      %mul3A_651 = arith.mulf %add3A_645, %get3A_650 : vector<16xf32>
      %add3A_652 = arith.addf %add3A_341, %mul3A_651 : vector<16xf32>
      %broadcast_in_dim3A_653 = arith.constant 0.000000e+00 : f32
      %broadcast_in_dim3A_654 = vector.broadcast %broadcast_in_dim3A_653 : f32 to vector<16xf32>
      %broadcast_in_dim3A_655 = arith.constant 0.000000e+00 : f32
      %broadcast_in_dim3A_656 = vector.broadcast %broadcast_in_dim3A_655 : f32 to vector<16xf32>
      %get3A_657 = arith.constant 2 : i32
      %get3A_658 = arith.index_cast %get3A_657 : i32 to index
      %get3A_659 = arith.constant 0 : index
      %get3A_660 = tpu.vector_load %arg10[%get3A_658, %get3A_659] {strides = array<i32>} : memref<12x192xf32, #tpu.memory_space<vmem>>, vector<1x16xf32>,
      %get3A_661 = vector.shape_cast %get3A_660 : vector<1x16xf32> to vector<16xf32>
      %get3A_662 = arith.constant 0 : i32
      %get3A_663 = arith.index_cast %get3A_662 : i32 to index
      %get3A_664 = arith.constant 0 : index
      %get3A_665 = tpu.vector_load %arg9[%get3A_663, %get3A_664] {strides = array<i32>} : memref<2x192xf32, #tpu.memory_space<vmem>>, vector<1x16xf32>,
      %get3A_666 = vector.shape_cast %get3A_665 : vector<1x16xf32> to vector<16xf32>
      %mul3A_667 = arith.mulf %get3A_666, %get3A_661 : vector<16xf32>
      %add3A_668 = arith.addf %broadcast_in_dim3A_654, %mul3A_667 : vector<16xf32>
      %get3A_669 = arith.constant 1 : i32
      %get3A_670 = arith.index_cast %get3A_669 : i32 to index
      %get3A_671 = arith.constant 0 : index
      %get3A_672 = tpu.vector_load %arg9[%get3A_670, %get3A_671] {strides = array<i32>} : memref<2x192xf32, #tpu.memory_space<vmem>>, vector<1x16xf32>,
      %get3A_673 = vector.shape_cast %get3A_672 : vector<1x16xf32> to vector<16xf32>
      %mul3A_674 = arith.mulf %get3A_673, %get3A_661 : vector<16xf32>
      %add3A_675 = arith.addf %broadcast_in_dim3A_656, %mul3A_674 : vector<16xf32>
      %get3A_676 = arith.constant 2 : i32
      %get3A_677 = arith.index_cast %get3A_676 : i32 to index
      %get3A_678 = arith.constant 16 : index
      %get3A_679 = tpu.vector_load %arg10[%get3A_677, %get3A_678] {strides = array<i32>} : memref<12x192xf32, #tpu.memory_space<vmem>>, vector<1x16xf32>,
      %get3A_680 = vector.shape_cast %get3A_679 : vector<1x16xf32> to vector<16xf32>
      %get3A_681 = arith.constant 0 : i32
      %get3A_682 = arith.index_cast %get3A_681 : i32 to index
      %get3A_683 = arith.constant 16 : index
      %get3A_684 = tpu.vector_load %arg9[%get3A_682, %get3A_683] {strides = array<i32>} : memref<2x192xf32, #tpu.memory_space<vmem>>, vector<1x16xf32>,
      %get3A_685 = vector.shape_cast %get3A_684 : vector<1x16xf32> to vector<16xf32>
      %mul3A_686 = arith.mulf %get3A_685, %get3A_680 : vector<16xf32>
      %add3A_687 = arith.addf %add3A_668, %mul3A_686 : vector<16xf32>
      %get3A_688 = arith.constant 1 : i32
      %get3A_689 = arith.index_cast %get3A_688 : i32 to index
      %get3A_690 = arith.constant 16 : index
      %get3A_691 = tpu.vector_load %arg9[%get3A_689, %get3A_690] {strides = array<i32>} : memref<2x192xf32, #tpu.memory_space<vmem>>, vector<1x16xf32>,
      %get3A_692 = vector.shape_cast %get3A_691 : vector<1x16xf32> to vector<16xf32>
      %mul3A_693 = arith.mulf %get3A_692, %get3A_680 : vector<16xf32>
      %add3A_694 = arith.addf %add3A_675, %mul3A_693 : vector<16xf32>
      %get3A_695 = arith.constant 2 : i32
      %get3A_696 = arith.index_cast %get3A_695 : i32 to index
      %get3A_697 = arith.constant 32 : index
      %get3A_698 = tpu.vector_load %arg10[%get3A_696, %get3A_697] {strides = array<i32>} : memref<12x192xf32, #tpu.memory_space<vmem>>, vector<1x16xf32>,
      %get3A_699 = vector.shape_cast %get3A_698 : vector<1x16xf32> to vector<16xf32>
      %get3A_700 = arith.constant 0 : i32
      %get3A_701 = arith.index_cast %get3A_700 : i32 to index
      %get3A_702 = arith.constant 32 : index
      %get3A_703 = tpu.vector_load %arg9[%get3A_701, %get3A_702] {strides = array<i32>} : memref<2x192xf32, #tpu.memory_space<vmem>>, vector<1x16xf32>,
      %get3A_704 = vector.shape_cast %get3A_703 : vector<1x16xf32> to vector<16xf32>
      %mul3A_705 = arith.mulf %get3A_704, %get3A_699 : vector<16xf32>
      %add3A_706 = arith.addf %add3A_687, %mul3A_705 : vector<16xf32>
      %get3A_707 = arith.constant 1 : i32
      %get3A_708 = arith.index_cast %get3A_707 : i32 to index
      %get3A_709 = arith.constant 32 : index
      %get3A_710 = tpu.vector_load %arg9[%get3A_708, %get3A_709] {strides = array<i32>} : memref<2x192xf32, #tpu.memory_space<vmem>>, vector<1x16xf32>,
      %get3A_711 = vector.shape_cast %get3A_710 : vector<1x16xf32> to vector<16xf32>
      %mul3A_712 = arith.mulf %get3A_711, %get3A_699 : vector<16xf32>
      %add3A_713 = arith.addf %add3A_694, %mul3A_712 : vector<16xf32>
      %get3A_714 = arith.constant 2 : i32
      %get3A_715 = arith.index_cast %get3A_714 : i32 to index
      %get3A_716 = arith.constant 48 : index
      %get3A_717 = tpu.vector_load %arg10[%get3A_715, %get3A_716] {strides = array<i32>} : memref<12x192xf32, #tpu.memory_space<vmem>>, vector<1x16xf32>,
      %get3A_718 = vector.shape_cast %get3A_717 : vector<1x16xf32> to vector<16xf32>
      %get3A_719 = arith.constant 0 : i32
      %get3A_720 = arith.index_cast %get3A_719 : i32 to index
      %get3A_721 = arith.constant 48 : index
      %get3A_722 = tpu.vector_load %arg9[%get3A_720, %get3A_721] {strides = array<i32>} : memref<2x192xf32, #tpu.memory_space<vmem>>, vector<1x16xf32>,
      %get3A_723 = vector.shape_cast %get3A_722 : vector<1x16xf32> to vector<16xf32>
      %mul3A_724 = arith.mulf %get3A_723, %get3A_718 : vector<16xf32>
      %add3A_725 = arith.addf %add3A_706, %mul3A_724 : vector<16xf32>
      %get3A_726 = arith.constant 1 : i32
      %get3A_727 = arith.index_cast %get3A_726 : i32 to index
      %get3A_728 = arith.constant 48 : index
      %get3A_729 = tpu.vector_load %arg9[%get3A_727, %get3A_728] {strides = array<i32>} : memref<2x192xf32, #tpu.memory_space<vmem>>, vector<1x16xf32>,
      %get3A_730 = vector.shape_cast %get3A_729 : vector<1x16xf32> to vector<16xf32>
      %mul3A_731 = arith.mulf %get3A_730, %get3A_718 : vector<16xf32>
      %add3A_732 = arith.addf %add3A_713, %mul3A_731 : vector<16xf32>
      %get3A_733 = arith.constant 2 : i32
      %get3A_734 = arith.index_cast %get3A_733 : i32 to index
      %get3A_735 = arith.constant 64 : index
      %get3A_736 = tpu.vector_load %arg10[%get3A_734, %get3A_735] {strides = array<i32>} : memref<12x192xf32, #tpu.memory_space<vmem>>, vector<1x16xf32>,
      %get3A_737 = vector.shape_cast %get3A_736 : vector<1x16xf32> to vector<16xf32>
      %get3A_738 = arith.constant 0 : i32
      %get3A_739 = arith.index_cast %get3A_738 : i32 to index
      %get3A_740 = arith.constant 64 : index
      %get3A_741 = tpu.vector_load %arg9[%get3A_739, %get3A_740] {strides = array<i32>} : memref<2x192xf32, #tpu.memory_space<vmem>>, vector<1x16xf32>,
      %get3A_742 = vector.shape_cast %get3A_741 : vector<1x16xf32> to vector<16xf32>
      %mul3A_743 = arith.mulf %get3A_742, %get3A_737 : vector<16xf32>
      %add3A_744 = arith.addf %add3A_725, %mul3A_743 : vector<16xf32>
      %get3A_745 = arith.constant 1 : i32
      %get3A_746 = arith.index_cast %get3A_745 : i32 to index
      %get3A_747 = arith.constant 64 : index
      %get3A_748 = tpu.vector_load %arg9[%get3A_746, %get3A_747] {strides = array<i32>} : memref<2x192xf32, #tpu.memory_space<vmem>>, vector<1x16xf32>,
      %get3A_749 = vector.shape_cast %get3A_748 : vector<1x16xf32> to vector<16xf32>
      %mul3A_750 = arith.mulf %get3A_749, %get3A_737 : vector<16xf32>
      %add3A_751 = arith.addf %add3A_732, %mul3A_750 : vector<16xf32>
      %get3A_752 = arith.constant 2 : i32
      %get3A_753 = arith.index_cast %get3A_752 : i32 to index
      %get3A_754 = arith.constant 80 : index
      %get3A_755 = tpu.vector_load %arg10[%get3A_753, %get3A_754] {strides = array<i32>} : memref<12x192xf32, #tpu.memory_space<vmem>>, vector<1x16xf32>,
      %get3A_756 = vector.shape_cast %get3A_755 : vector<1x16xf32> to vector<16xf32>
      %get3A_757 = arith.constant 0 : i32
      %get3A_758 = arith.index_cast %get3A_757 : i32 to index
      %get3A_759 = arith.constant 80 : index
      %get3A_760 = tpu.vector_load %arg9[%get3A_758, %get3A_759] {strides = array<i32>} : memref<2x192xf32, #tpu.memory_space<vmem>>, vector<1x16xf32>,
      %get3A_761 = vector.shape_cast %get3A_760 : vector<1x16xf32> to vector<16xf32>
      %mul3A_762 = arith.mulf %get3A_761, %get3A_756 : vector<16xf32>
      %add3A_763 = arith.addf %add3A_744, %mul3A_762 : vector<16xf32>
      %get3A_764 = arith.constant 1 : i32
      %get3A_765 = arith.index_cast %get3A_764 : i32 to index
      %get3A_766 = arith.constant 80 : index
      %get3A_767 = tpu.vector_load %arg9[%get3A_765, %get3A_766] {strides = array<i32>} : memref<2x192xf32, #tpu.memory_space<vmem>>, vector<1x16xf32>,
      %get3A_768 = vector.shape_cast %get3A_767 : vector<1x16xf32> to vector<16xf32>
      %mul3A_769 = arith.mulf %get3A_768, %get3A_756 : vector<16xf32>
      %add3A_770 = arith.addf %add3A_751, %mul3A_769 : vector<16xf32>
      %get3A_771 = arith.constant 2 : i32
      %get3A_772 = arith.index_cast %get3A_771 : i32 to index
      %get3A_773 = arith.constant 96 : index
      %get3A_774 = tpu.vector_load %arg10[%get3A_772, %get3A_773] {strides = array<i32>} : memref<12x192xf32, #tpu.memory_space<vmem>>, vector<1x16xf32>,
      %get3A_775 = vector.shape_cast %get3A_774 : vector<1x16xf32> to vector<16xf32>
      %get3A_776 = arith.constant 0 : i32
      %get3A_777 = arith.index_cast %get3A_776 : i32 to index
      %get3A_778 = arith.constant 96 : index
      %get3A_779 = tpu.vector_load %arg9[%get3A_777, %get3A_778] {strides = array<i32>} : memref<2x192xf32, #tpu.memory_space<vmem>>, vector<1x16xf32>,
      %get3A_780 = vector.shape_cast %get3A_779 : vector<1x16xf32> to vector<16xf32>
      %mul3A_781 = arith.mulf %get3A_780, %get3A_775 : vector<16xf32>
      %add3A_782 = arith.addf %add3A_763, %mul3A_781 : vector<16xf32>
      %get3A_783 = arith.constant 1 : i32
      %get3A_784 = arith.index_cast %get3A_783 : i32 to index
      %get3A_785 = arith.constant 96 : index
      %get3A_786 = tpu.vector_load %arg9[%get3A_784, %get3A_785] {strides = array<i32>} : memref<2x192xf32, #tpu.memory_space<vmem>>, vector<1x16xf32>,
      %get3A_787 = vector.shape_cast %get3A_786 : vector<1x16xf32> to vector<16xf32>
      %mul3A_788 = arith.mulf %get3A_787, %get3A_775 : vector<16xf32>
      %add3A_789 = arith.addf %add3A_770, %mul3A_788 : vector<16xf32>
      %get3A_790 = arith.constant 2 : i32
      %get3A_791 = arith.index_cast %get3A_790 : i32 to index
      %get3A_792 = arith.constant 112 : index
      %get3A_793 = tpu.vector_load %arg10[%get3A_791, %get3A_792] {strides = array<i32>} : memref<12x192xf32, #tpu.memory_space<vmem>>, vector<1x16xf32>,
      %get3A_794 = vector.shape_cast %get3A_793 : vector<1x16xf32> to vector<16xf32>
      %get3A_795 = arith.constant 0 : i32
      %get3A_796 = arith.index_cast %get3A_795 : i32 to index
      %get3A_797 = arith.constant 112 : index
      %get3A_798 = tpu.vector_load %arg9[%get3A_796, %get3A_797] {strides = array<i32>} : memref<2x192xf32, #tpu.memory_space<vmem>>, vector<1x16xf32>,
      %get3A_799 = vector.shape_cast %get3A_798 : vector<1x16xf32> to vector<16xf32>
      %mul3A_800 = arith.mulf %get3A_799, %get3A_794 : vector<16xf32>
      %add3A_801 = arith.addf %add3A_782, %mul3A_800 : vector<16xf32>
      %get3A_802 = arith.constant 1 : i32
      %get3A_803 = arith.index_cast %get3A_802 : i32 to index
      %get3A_804 = arith.constant 112 : index
      %get3A_805 = tpu.vector_load %arg9[%get3A_803, %get3A_804] {strides = array<i32>} : memref<2x192xf32, #tpu.memory_space<vmem>>, vector<1x16xf32>,
      %get3A_806 = vector.shape_cast %get3A_805 : vector<1x16xf32> to vector<16xf32>
      %mul3A_807 = arith.mulf %get3A_806, %get3A_794 : vector<16xf32>
      %add3A_808 = arith.addf %add3A_789, %mul3A_807 : vector<16xf32>
      %get3A_809 = arith.constant 2 : i32
      %get3A_810 = arith.index_cast %get3A_809 : i32 to index
      %get3A_811 = arith.constant 128 : index
      %get3A_812 = tpu.vector_load %arg10[%get3A_810, %get3A_811] {strides = array<i32>} : memref<12x192xf32, #tpu.memory_space<vmem>>, vector<1x16xf32>,
      %get3A_813 = vector.shape_cast %get3A_812 : vector<1x16xf32> to vector<16xf32>
      %get3A_814 = arith.constant 0 : i32
      %get3A_815 = arith.index_cast %get3A_814 : i32 to index
      %get3A_816 = arith.constant 128 : index
      %get3A_817 = tpu.vector_load %arg9[%get3A_815, %get3A_816] {strides = array<i32>} : memref<2x192xf32, #tpu.memory_space<vmem>>, vector<1x16xf32>,
      %get3A_818 = vector.shape_cast %get3A_817 : vector<1x16xf32> to vector<16xf32>
      %mul3A_819 = arith.mulf %get3A_818, %get3A_813 : vector<16xf32>
      %add3A_820 = arith.addf %add3A_801, %mul3A_819 : vector<16xf32>
      %get3A_821 = arith.constant 1 : i32
      %get3A_822 = arith.index_cast %get3A_821 : i32 to index
      %get3A_823 = arith.constant 128 : index
      %get3A_824 = tpu.vector_load %arg9[%get3A_822, %get3A_823] {strides = array<i32>} : memref<2x192xf32, #tpu.memory_space<vmem>>, vector<1x16xf32>,
      %get3A_825 = vector.shape_cast %get3A_824 : vector<1x16xf32> to vector<16xf32>
      %mul3A_826 = arith.mulf %get3A_825, %get3A_813 : vector<16xf32>
      %add3A_827 = arith.addf %add3A_808, %mul3A_826 : vector<16xf32>
      %get3A_828 = arith.constant 2 : i32
      %get3A_829 = arith.index_cast %get3A_828 : i32 to index
      %get3A_830 = arith.constant 144 : index
      %get3A_831 = tpu.vector_load %arg10[%get3A_829, %get3A_830] {strides = array<i32>} : memref<12x192xf32, #tpu.memory_space<vmem>>, vector<1x16xf32>,
      %get3A_832 = vector.shape_cast %get3A_831 : vector<1x16xf32> to vector<16xf32>
      %get3A_833 = arith.constant 0 : i32
      %get3A_834 = arith.index_cast %get3A_833 : i32 to index
      %get3A_835 = arith.constant 144 : index
      %get3A_836 = tpu.vector_load %arg9[%get3A_834, %get3A_835] {strides = array<i32>} : memref<2x192xf32, #tpu.memory_space<vmem>>, vector<1x16xf32>,
      %get3A_837 = vector.shape_cast %get3A_836 : vector<1x16xf32> to vector<16xf32>
      %mul3A_838 = arith.mulf %get3A_837, %get3A_832 : vector<16xf32>
      %add3A_839 = arith.addf %add3A_820, %mul3A_838 : vector<16xf32>
      %get3A_840 = arith.constant 1 : i32
      %get3A_841 = arith.index_cast %get3A_840 : i32 to index
      %get3A_842 = arith.constant 144 : index
      %get3A_843 = tpu.vector_load %arg9[%get3A_841, %get3A_842] {strides = array<i32>} : memref<2x192xf32, #tpu.memory_space<vmem>>, vector<1x16xf32>,
      %get3A_844 = vector.shape_cast %get3A_843 : vector<1x16xf32> to vector<16xf32>
      %mul3A_845 = arith.mulf %get3A_844, %get3A_832 : vector<16xf32>
      %add3A_846 = arith.addf %add3A_827, %mul3A_845 : vector<16xf32>
      %get3A_847 = arith.constant 2 : i32
      %get3A_848 = arith.index_cast %get3A_847 : i32 to index
      %get3A_849 = arith.constant 160 : index
      %get3A_850 = tpu.vector_load %arg10[%get3A_848, %get3A_849] {strides = array<i32>} : memref<12x192xf32, #tpu.memory_space<vmem>>, vector<1x16xf32>,
      %get3A_851 = vector.shape_cast %get3A_850 : vector<1x16xf32> to vector<16xf32>
      %get3A_852 = arith.constant 0 : i32
      %get3A_853 = arith.index_cast %get3A_852 : i32 to index
      %get3A_854 = arith.constant 160 : index
      %get3A_855 = tpu.vector_load %arg9[%get3A_853, %get3A_854] {strides = array<i32>} : memref<2x192xf32, #tpu.memory_space<vmem>>, vector<1x16xf32>,
      %get3A_856 = vector.shape_cast %get3A_855 : vector<1x16xf32> to vector<16xf32>
      %mul3A_857 = arith.mulf %get3A_856, %get3A_851 : vector<16xf32>
      %add3A_858 = arith.addf %add3A_839, %mul3A_857 : vector<16xf32>
      %get3A_859 = arith.constant 1 : i32
      %get3A_860 = arith.index_cast %get3A_859 : i32 to index
      %get3A_861 = arith.constant 160 : index
      %get3A_862 = tpu.vector_load %arg9[%get3A_860, %get3A_861] {strides = array<i32>} : memref<2x192xf32, #tpu.memory_space<vmem>>, vector<1x16xf32>,
      %get3A_863 = vector.shape_cast %get3A_862 : vector<1x16xf32> to vector<16xf32>
      %mul3A_864 = arith.mulf %get3A_863, %get3A_851 : vector<16xf32>
      %add3A_865 = arith.addf %add3A_846, %mul3A_864 : vector<16xf32>
      %get3A_866 = arith.constant 2 : i32
      %get3A_867 = arith.index_cast %get3A_866 : i32 to index
      %get3A_868 = arith.constant 176 : index
      %get3A_869 = tpu.vector_load %arg10[%get3A_867, %get3A_868] {strides = array<i32>} : memref<12x192xf32, #tpu.memory_space<vmem>>, vector<1x16xf32>,
      %get3A_870 = vector.shape_cast %get3A_869 : vector<1x16xf32> to vector<16xf32>
      %get3A_871 = arith.constant 0 : i32
      %get3A_872 = arith.index_cast %get3A_871 : i32 to index
      %get3A_873 = arith.constant 176 : index
      %get3A_874 = tpu.vector_load %arg9[%get3A_872, %get3A_873] {strides = array<i32>} : memref<2x192xf32, #tpu.memory_space<vmem>>, vector<1x16xf32>,
      %get3A_875 = vector.shape_cast %get3A_874 : vector<1x16xf32> to vector<16xf32>
      %mul3A_876 = arith.mulf %get3A_875, %get3A_870 : vector<16xf32>
      %add3A_877 = arith.addf %add3A_858, %mul3A_876 : vector<16xf32>
      %get3A_878 = arith.constant 1 : i32
      %get3A_879 = arith.index_cast %get3A_878 : i32 to index
      %get3A_880 = arith.constant 176 : index
      %get3A_881 = tpu.vector_load %arg9[%get3A_879, %get3A_880] {strides = array<i32>} : memref<2x192xf32, #tpu.memory_space<vmem>>, vector<1x16xf32>,
      %get3A_882 = vector.shape_cast %get3A_881 : vector<1x16xf32> to vector<16xf32>
      %mul3A_883 = arith.mulf %get3A_882, %get3A_870 : vector<16xf32>
      %add3A_884 = arith.addf %add3A_865, %mul3A_883 : vector<16xf32>
      %broadcast_in_dim3A_885 = arith.constant 2 : i32
      %broadcast_in_dim3A_886 = vector.broadcast %broadcast_in_dim3A_885 : i32 to vector<16xi32>
      %broadcast_in_dim3A_887 = vector.shape_cast %broadcast_in_dim3A_886 : vector<16xi32> to vector<16x1xi32>
      %gather3A_888 = vector.shape_cast %broadcast_in_dim3A_887 : vector<16x1xi32> to vector<16xi32>
      %gather3A_889 = tpu.dynamic_gather %get3A_29[%gather3A_888] in [0] : vector<16xf32>, vector<16xi32> -> vector<16xf32>
      %xor3A_890 = arith.constant 1 : i32
      %xor3A_891 = vector.broadcast %xor3A_890 : i32 to vector<16xi32>
      %xor3A_892 = arith.xori %iota3A, %xor3A_891 : vector<16xi32>
      %broadcast_in_dim3A_893 = vector.shape_cast %xor3A_892 : vector<16xi32> to vector<16x1xi32>
      %gather3A_894 = vector.shape_cast %broadcast_in_dim3A_893 : vector<16x1xi32> to vector<16xi32>
      %gather3A_895 = tpu.dynamic_gather %add3A_877[%gather3A_894] in [0] : vector<16xf32>, vector<16xi32> -> vector<16xf32>
      %add3A_896 = arith.addf %add3A_877, %gather3A_895 : vector<16xf32>
      %xor3A_897 = arith.constant 2 : i32
      %xor3A_898 = vector.broadcast %xor3A_897 : i32 to vector<16xi32>
      %xor3A_899 = arith.xori %iota3A, %xor3A_898 : vector<16xi32>
      %broadcast_in_dim3A_900 = vector.shape_cast %xor3A_899 : vector<16xi32> to vector<16x1xi32>
      %gather3A_901 = vector.shape_cast %broadcast_in_dim3A_900 : vector<16x1xi32> to vector<16xi32>
      %gather3A_902 = tpu.dynamic_gather %add3A_896[%gather3A_901] in [0] : vector<16xf32>, vector<16xi32> -> vector<16xf32>
      %add3A_903 = arith.addf %add3A_896, %gather3A_902 : vector<16xf32>
      %xor3A_904 = arith.constant 4 : i32
      %xor3A_905 = vector.broadcast %xor3A_904 : i32 to vector<16xi32>
      %xor3A_906 = arith.xori %iota3A, %xor3A_905 : vector<16xi32>
      %broadcast_in_dim3A_907 = vector.shape_cast %xor3A_906 : vector<16xi32> to vector<16x1xi32>
      %gather3A_908 = vector.shape_cast %broadcast_in_dim3A_907 : vector<16x1xi32> to vector<16xi32>
      %gather3A_909 = tpu.dynamic_gather %add3A_903[%gather3A_908] in [0] : vector<16xf32>, vector<16xi32> -> vector<16xf32>
      %add3A_910 = arith.addf %add3A_903, %gather3A_909 : vector<16xf32>
      %xor3A_911 = arith.constant 8 : i32
      %xor3A_912 = vector.broadcast %xor3A_911 : i32 to vector<16xi32>
      %xor3A_913 = arith.xori %iota3A, %xor3A_912 : vector<16xi32>
      %broadcast_in_dim3A_914 = vector.shape_cast %xor3A_913 : vector<16xi32> to vector<16x1xi32>
      %gather3A_915 = vector.shape_cast %broadcast_in_dim3A_914 : vector<16x1xi32> to vector<16xi32>
      %gather3A_916 = tpu.dynamic_gather %add3A_910[%gather3A_915] in [0] : vector<16xf32>, vector<16xi32> -> vector<16xf32>
      %add3A_917 = arith.addf %add3A_910, %gather3A_916 : vector<16xf32>
      %add3A_918 = arith.addf %add3A_917, %gather3A_889 : vector<16xf32>
      %max3A_919 = arith.constant 0.000000e+00 : f32
      %max3A_920 = vector.broadcast %max3A_919 : f32 to vector<16xf32>
      %max3A_921 = arith.maximumf %add3A_918, %max3A_920 : vector<16xf32>
      %xor3A_922 = arith.constant 1 : i32
      %xor3A_923 = vector.broadcast %xor3A_922 : i32 to vector<16xi32>
      %xor3A_924 = arith.xori %iota3A, %xor3A_923 : vector<16xi32>
      %broadcast_in_dim3A_925 = vector.shape_cast %xor3A_924 : vector<16xi32> to vector<16x1xi32>
      %gather3A_926 = vector.shape_cast %broadcast_in_dim3A_925 : vector<16x1xi32> to vector<16xi32>
      %gather3A_927 = tpu.dynamic_gather %add3A_884[%gather3A_926] in [0] : vector<16xf32>, vector<16xi32> -> vector<16xf32>
      %add3A_928 = arith.addf %add3A_884, %gather3A_927 : vector<16xf32>
      %xor3A_929 = arith.constant 2 : i32
      %xor3A_930 = vector.broadcast %xor3A_929 : i32 to vector<16xi32>
      %xor3A_931 = arith.xori %iota3A, %xor3A_930 : vector<16xi32>
      %broadcast_in_dim3A_932 = vector.shape_cast %xor3A_931 : vector<16xi32> to vector<16x1xi32>
      %gather3A_933 = vector.shape_cast %broadcast_in_dim3A_932 : vector<16x1xi32> to vector<16xi32>
      %gather3A_934 = tpu.dynamic_gather %add3A_928[%gather3A_933] in [0] : vector<16xf32>, vector<16xi32> -> vector<16xf32>
      %add3A_935 = arith.addf %add3A_928, %gather3A_934 : vector<16xf32>
      %xor3A_936 = arith.constant 4 : i32
      %xor3A_937 = vector.broadcast %xor3A_936 : i32 to vector<16xi32>
      %xor3A_938 = arith.xori %iota3A, %xor3A_937 : vector<16xi32>
      %broadcast_in_dim3A_939 = vector.shape_cast %xor3A_938 : vector<16xi32> to vector<16x1xi32>
      %gather3A_940 = vector.shape_cast %broadcast_in_dim3A_939 : vector<16x1xi32> to vector<16xi32>
      %gather3A_941 = tpu.dynamic_gather %add3A_935[%gather3A_940] in [0] : vector<16xf32>, vector<16xi32> -> vector<16xf32>
      %add3A_942 = arith.addf %add3A_935, %gather3A_941 : vector<16xf32>
      %xor3A_943 = arith.constant 8 : i32
      %xor3A_944 = vector.broadcast %xor3A_943 : i32 to vector<16xi32>
      %xor3A_945 = arith.xori %iota3A, %xor3A_944 : vector<16xi32>
      %broadcast_in_dim3A_946 = vector.shape_cast %xor3A_945 : vector<16xi32> to vector<16x1xi32>
      %gather3A_947 = vector.shape_cast %broadcast_in_dim3A_946 : vector<16x1xi32> to vector<16xi32>
      %gather3A_948 = tpu.dynamic_gather %add3A_942[%gather3A_947] in [0] : vector<16xf32>, vector<16xi32> -> vector<16xf32>
      %add3A_949 = arith.addf %add3A_942, %gather3A_948 : vector<16xf32>
      %add3A_950 = arith.addf %add3A_949, %gather3A_889 : vector<16xf32>
      %max3A_951 = arith.constant 0.000000e+00 : f32
      %max3A_952 = vector.broadcast %max3A_951 : f32 to vector<16xf32>
      %max3A_953 = arith.maximumf %add3A_950, %max3A_952 : vector<16xf32>
      %mul3A_954 = arith.mulf %convert_element_type3A_24, %max3A_921 : vector<16xf32>
      %mul3A_955 = arith.mulf %sub3A_27, %max3A_953 : vector<16xf32>
      %add3A_956 = arith.addf %mul3A_954, %mul3A_955 : vector<16xf32>
      %get3A_957 = arith.constant 2 : i32
      %get3A_958 = arith.index_cast %get3A_957 : i32 to index
      %get3A_959 = arith.constant 0 : index
      %get3A_960 = tpu.vector_load %arg12[%get3A_958, %get3A_959] {strides = array<i32>} : memref<12x16xf32, #tpu.memory_space<vmem>>, vector<1x16xf32>,
      %get3A_961 = vector.shape_cast %get3A_960 : vector<1x16xf32> to vector<16xf32>
      %mul3A_962 = arith.mulf %add3A_956, %get3A_961 : vector<16xf32>
      %add3A_963 = arith.addf %add3A_652, %mul3A_962 : vector<16xf32>
      %broadcast_in_dim3A_964 = arith.constant 0.000000e+00 : f32
      %broadcast_in_dim3A_965 = vector.broadcast %broadcast_in_dim3A_964 : f32 to vector<16xf32>
      %broadcast_in_dim3A_966 = arith.constant 0.000000e+00 : f32
      %broadcast_in_dim3A_967 = vector.broadcast %broadcast_in_dim3A_966 : f32 to vector<16xf32>
      %get3A_968 = arith.constant 3 : i32
      %get3A_969 = arith.index_cast %get3A_968 : i32 to index
      %get3A_970 = arith.constant 0 : index
      %get3A_971 = tpu.vector_load %arg10[%get3A_969, %get3A_970] {strides = array<i32>} : memref<12x192xf32, #tpu.memory_space<vmem>>, vector<1x16xf32>,
      %get3A_972 = vector.shape_cast %get3A_971 : vector<1x16xf32> to vector<16xf32>
      %get3A_973 = arith.constant 0 : i32
      %get3A_974 = arith.index_cast %get3A_973 : i32 to index
      %get3A_975 = arith.constant 0 : index
      %get3A_976 = tpu.vector_load %arg9[%get3A_974, %get3A_975] {strides = array<i32>} : memref<2x192xf32, #tpu.memory_space<vmem>>, vector<1x16xf32>,
      %get3A_977 = vector.shape_cast %get3A_976 : vector<1x16xf32> to vector<16xf32>
      %mul3A_978 = arith.mulf %get3A_977, %get3A_972 : vector<16xf32>
      %add3A_979 = arith.addf %broadcast_in_dim3A_965, %mul3A_978 : vector<16xf32>
      %get3A_980 = arith.constant 1 : i32
      %get3A_981 = arith.index_cast %get3A_980 : i32 to index
      %get3A_982 = arith.constant 0 : index
      %get3A_983 = tpu.vector_load %arg9[%get3A_981, %get3A_982] {strides = array<i32>} : memref<2x192xf32, #tpu.memory_space<vmem>>, vector<1x16xf32>,
      %get3A_984 = vector.shape_cast %get3A_983 : vector<1x16xf32> to vector<16xf32>
      %mul3A_985 = arith.mulf %get3A_984, %get3A_972 : vector<16xf32>
      %add3A_986 = arith.addf %broadcast_in_dim3A_967, %mul3A_985 : vector<16xf32>
      %get3A_987 = arith.constant 3 : i32
      %get3A_988 = arith.index_cast %get3A_987 : i32 to index
      %get3A_989 = arith.constant 16 : index
      %get3A_990 = tpu.vector_load %arg10[%get3A_988, %get3A_989] {strides = array<i32>} : memref<12x192xf32, #tpu.memory_space<vmem>>, vector<1x16xf32>,
      %get3A_991 = vector.shape_cast %get3A_990 : vector<1x16xf32> to vector<16xf32>
      %get3A_992 = arith.constant 0 : i32
      %get3A_993 = arith.index_cast %get3A_992 : i32 to index
      %get3A_994 = arith.constant 16 : index
      %get3A_995 = tpu.vector_load %arg9[%get3A_993, %get3A_994] {strides = array<i32>} : memref<2x192xf32, #tpu.memory_space<vmem>>, vector<1x16xf32>,
      %get3A_996 = vector.shape_cast %get3A_995 : vector<1x16xf32> to vector<16xf32>
      %mul3A_997 = arith.mulf %get3A_996, %get3A_991 : vector<16xf32>
      %add3A_998 = arith.addf %add3A_979, %mul3A_997 : vector<16xf32>
      %get3A_999 = arith.constant 1 : i32
      %get3A_1000 = arith.index_cast %get3A_999 : i32 to index
      %get3A_1001 = arith.constant 16 : index
      %get3A_1002 = tpu.vector_load %arg9[%get3A_1000, %get3A_1001] {strides = array<i32>} : memref<2x192xf32, #tpu.memory_space<vmem>>, vector<1x16xf32>,
      %get3A_1003 = vector.shape_cast %get3A_1002 : vector<1x16xf32> to vector<16xf32>
      %mul3A_1004 = arith.mulf %get3A_1003, %get3A_991 : vector<16xf32>
      %add3A_1005 = arith.addf %add3A_986, %mul3A_1004 : vector<16xf32>
      %get3A_1006 = arith.constant 3 : i32
      %get3A_1007 = arith.index_cast %get3A_1006 : i32 to index
      %get3A_1008 = arith.constant 32 : index
      %get3A_1009 = tpu.vector_load %arg10[%get3A_1007, %get3A_1008] {strides = array<i32>} : memref<12x192xf32, #tpu.memory_space<vmem>>, vector<1x16xf32>,
      %get3A_1010 = vector.shape_cast %get3A_1009 : vector<1x16xf32> to vector<16xf32>
      %get3A_1011 = arith.constant 0 : i32
      %get3A_1012 = arith.index_cast %get3A_1011 : i32 to index
      %get3A_1013 = arith.constant 32 : index
      %get3A_1014 = tpu.vector_load %arg9[%get3A_1012, %get3A_1013] {strides = array<i32>} : memref<2x192xf32, #tpu.memory_space<vmem>>, vector<1x16xf32>,
      %get3A_1015 = vector.shape_cast %get3A_1014 : vector<1x16xf32> to vector<16xf32>
      %mul3A_1016 = arith.mulf %get3A_1015, %get3A_1010 : vector<16xf32>
      %add3A_1017 = arith.addf %add3A_998, %mul3A_1016 : vector<16xf32>
      %get3A_1018 = arith.constant 1 : i32
      %get3A_1019 = arith.index_cast %get3A_1018 : i32 to index
      %get3A_1020 = arith.constant 32 : index
      %get3A_1021 = tpu.vector_load %arg9[%get3A_1019, %get3A_1020] {strides = array<i32>} : memref<2x192xf32, #tpu.memory_space<vmem>>, vector<1x16xf32>,
      %get3A_1022 = vector.shape_cast %get3A_1021 : vector<1x16xf32> to vector<16xf32>
      %mul3A_1023 = arith.mulf %get3A_1022, %get3A_1010 : vector<16xf32>
      %add3A_1024 = arith.addf %add3A_1005, %mul3A_1023 : vector<16xf32>
      %get3A_1025 = arith.constant 3 : i32
      %get3A_1026 = arith.index_cast %get3A_1025 : i32 to index
      %get3A_1027 = arith.constant 48 : index
      %get3A_1028 = tpu.vector_load %arg10[%get3A_1026, %get3A_1027] {strides = array<i32>} : memref<12x192xf32, #tpu.memory_space<vmem>>, vector<1x16xf32>,
      %get3A_1029 = vector.shape_cast %get3A_1028 : vector<1x16xf32> to vector<16xf32>
      %get3A_1030 = arith.constant 0 : i32
      %get3A_1031 = arith.index_cast %get3A_1030 : i32 to index
      %get3A_1032 = arith.constant 48 : index
      %get3A_1033 = tpu.vector_load %arg9[%get3A_1031, %get3A_1032] {strides = array<i32>} : memref<2x192xf32, #tpu.memory_space<vmem>>, vector<1x16xf32>,
      %get3A_1034 = vector.shape_cast %get3A_1033 : vector<1x16xf32> to vector<16xf32>
      %mul3A_1035 = arith.mulf %get3A_1034, %get3A_1029 : vector<16xf32>
      %add3A_1036 = arith.addf %add3A_1017, %mul3A_1035 : vector<16xf32>
      %get3A_1037 = arith.constant 1 : i32
      %get3A_1038 = arith.index_cast %get3A_1037 : i32 to index
      %get3A_1039 = arith.constant 48 : index
      %get3A_1040 = tpu.vector_load %arg9[%get3A_1038, %get3A_1039] {strides = array<i32>} : memref<2x192xf32, #tpu.memory_space<vmem>>, vector<1x16xf32>,
      %get3A_1041 = vector.shape_cast %get3A_1040 : vector<1x16xf32> to vector<16xf32>
      %mul3A_1042 = arith.mulf %get3A_1041, %get3A_1029 : vector<16xf32>
      %add3A_1043 = arith.addf %add3A_1024, %mul3A_1042 : vector<16xf32>
      %get3A_1044 = arith.constant 3 : i32
      %get3A_1045 = arith.index_cast %get3A_1044 : i32 to index
      %get3A_1046 = arith.constant 64 : index
      %get3A_1047 = tpu.vector_load %arg10[%get3A_1045, %get3A_1046] {strides = array<i32>} : memref<12x192xf32, #tpu.memory_space<vmem>>, vector<1x16xf32>,
      %get3A_1048 = vector.shape_cast %get3A_1047 : vector<1x16xf32> to vector<16xf32>
      %get3A_1049 = arith.constant 0 : i32
      %get3A_1050 = arith.index_cast %get3A_1049 : i32 to index
      %get3A_1051 = arith.constant 64 : index
      %get3A_1052 = tpu.vector_load %arg9[%get3A_1050, %get3A_1051] {strides = array<i32>} : memref<2x192xf32, #tpu.memory_space<vmem>>, vector<1x16xf32>,
      %get3A_1053 = vector.shape_cast %get3A_1052 : vector<1x16xf32> to vector<16xf32>
      %mul3A_1054 = arith.mulf %get3A_1053, %get3A_1048 : vector<16xf32>
      %add3A_1055 = arith.addf %add3A_1036, %mul3A_1054 : vector<16xf32>
      %get3A_1056 = arith.constant 1 : i32
      %get3A_1057 = arith.index_cast %get3A_1056 : i32 to index
      %get3A_1058 = arith.constant 64 : index
      %get3A_1059 = tpu.vector_load %arg9[%get3A_1057, %get3A_1058] {strides = array<i32>} : memref<2x192xf32, #tpu.memory_space<vmem>>, vector<1x16xf32>,
      %get3A_1060 = vector.shape_cast %get3A_1059 : vector<1x16xf32> to vector<16xf32>
      %mul3A_1061 = arith.mulf %get3A_1060, %get3A_1048 : vector<16xf32>
      %add3A_1062 = arith.addf %add3A_1043, %mul3A_1061 : vector<16xf32>
      %get3A_1063 = arith.constant 3 : i32
      %get3A_1064 = arith.index_cast %get3A_1063 : i32 to index
      %get3A_1065 = arith.constant 80 : index
      %get3A_1066 = tpu.vector_load %arg10[%get3A_1064, %get3A_1065] {strides = array<i32>} : memref<12x192xf32, #tpu.memory_space<vmem>>, vector<1x16xf32>,
      %get3A_1067 = vector.shape_cast %get3A_1066 : vector<1x16xf32> to vector<16xf32>
      %get3A_1068 = arith.constant 0 : i32
      %get3A_1069 = arith.index_cast %get3A_1068 : i32 to index
      %get3A_1070 = arith.constant 80 : index
      %get3A_1071 = tpu.vector_load %arg9[%get3A_1069, %get3A_1070] {strides = array<i32>} : memref<2x192xf32, #tpu.memory_space<vmem>>, vector<1x16xf32>,
      %get3A_1072 = vector.shape_cast %get3A_1071 : vector<1x16xf32> to vector<16xf32>
      %mul3A_1073 = arith.mulf %get3A_1072, %get3A_1067 : vector<16xf32>
      %add3A_1074 = arith.addf %add3A_1055, %mul3A_1073 : vector<16xf32>
      %get3A_1075 = arith.constant 1 : i32
      %get3A_1076 = arith.index_cast %get3A_1075 : i32 to index
      %get3A_1077 = arith.constant 80 : index
      %get3A_1078 = tpu.vector_load %arg9[%get3A_1076, %get3A_1077] {strides = array<i32>} : memref<2x192xf32, #tpu.memory_space<vmem>>, vector<1x16xf32>,
      %get3A_1079 = vector.shape_cast %get3A_1078 : vector<1x16xf32> to vector<16xf32>
      %mul3A_1080 = arith.mulf %get3A_1079, %get3A_1067 : vector<16xf32>
      %add3A_1081 = arith.addf %add3A_1062, %mul3A_1080 : vector<16xf32>
      %get3A_1082 = arith.constant 3 : i32
      %get3A_1083 = arith.index_cast %get3A_1082 : i32 to index
      %get3A_1084 = arith.constant 96 : index
      %get3A_1085 = tpu.vector_load %arg10[%get3A_1083, %get3A_1084] {strides = array<i32>} : memref<12x192xf32, #tpu.memory_space<vmem>>, vector<1x16xf32>,
      %get3A_1086 = vector.shape_cast %get3A_1085 : vector<1x16xf32> to vector<16xf32>
      %get3A_1087 = arith.constant 0 : i32
      %get3A_1088 = arith.index_cast %get3A_1087 : i32 to index
      %get3A_1089 = arith.constant 96 : index
      %get3A_1090 = tpu.vector_load %arg9[%get3A_1088, %get3A_1089] {strides = array<i32>} : memref<2x192xf32, #tpu.memory_space<vmem>>, vector<1x16xf32>,
      %get3A_1091 = vector.shape_cast %get3A_1090 : vector<1x16xf32> to vector<16xf32>
      %mul3A_1092 = arith.mulf %get3A_1091, %get3A_1086 : vector<16xf32>
      %add3A_1093 = arith.addf %add3A_1074, %mul3A_1092 : vector<16xf32>
      %get3A_1094 = arith.constant 1 : i32
      %get3A_1095 = arith.index_cast %get3A_1094 : i32 to index
      %get3A_1096 = arith.constant 96 : index
      %get3A_1097 = tpu.vector_load %arg9[%get3A_1095, %get3A_1096] {strides = array<i32>} : memref<2x192xf32, #tpu.memory_space<vmem>>, vector<1x16xf32>,
      %get3A_1098 = vector.shape_cast %get3A_1097 : vector<1x16xf32> to vector<16xf32>
      %mul3A_1099 = arith.mulf %get3A_1098, %get3A_1086 : vector<16xf32>
      %add3A_1100 = arith.addf %add3A_1081, %mul3A_1099 : vector<16xf32>
      %get3A_1101 = arith.constant 3 : i32
      %get3A_1102 = arith.index_cast %get3A_1101 : i32 to index
      %get3A_1103 = arith.constant 112 : index
      %get3A_1104 = tpu.vector_load %arg10[%get3A_1102, %get3A_1103] {strides = array<i32>} : memref<12x192xf32, #tpu.memory_space<vmem>>, vector<1x16xf32>,
      %get3A_1105 = vector.shape_cast %get3A_1104 : vector<1x16xf32> to vector<16xf32>
      %get3A_1106 = arith.constant 0 : i32
      %get3A_1107 = arith.index_cast %get3A_1106 : i32 to index
      %get3A_1108 = arith.constant 112 : index
      %get3A_1109 = tpu.vector_load %arg9[%get3A_1107, %get3A_1108] {strides = array<i32>} : memref<2x192xf32, #tpu.memory_space<vmem>>, vector<1x16xf32>,
      %get3A_1110 = vector.shape_cast %get3A_1109 : vector<1x16xf32> to vector<16xf32>
      %mul3A_1111 = arith.mulf %get3A_1110, %get3A_1105 : vector<16xf32>
      %add3A_1112 = arith.addf %add3A_1093, %mul3A_1111 : vector<16xf32>
      %get3A_1113 = arith.constant 1 : i32
      %get3A_1114 = arith.index_cast %get3A_1113 : i32 to index
      %get3A_1115 = arith.constant 112 : index
      %get3A_1116 = tpu.vector_load %arg9[%get3A_1114, %get3A_1115] {strides = array<i32>} : memref<2x192xf32, #tpu.memory_space<vmem>>, vector<1x16xf32>,
      %get3A_1117 = vector.shape_cast %get3A_1116 : vector<1x16xf32> to vector<16xf32>
      %mul3A_1118 = arith.mulf %get3A_1117, %get3A_1105 : vector<16xf32>
      %add3A_1119 = arith.addf %add3A_1100, %mul3A_1118 : vector<16xf32>
      %get3A_1120 = arith.constant 3 : i32
      %get3A_1121 = arith.index_cast %get3A_1120 : i32 to index
      %get3A_1122 = arith.constant 128 : index
      %get3A_1123 = tpu.vector_load %arg10[%get3A_1121, %get3A_1122] {strides = array<i32>} : memref<12x192xf32, #tpu.memory_space<vmem>>, vector<1x16xf32>,
      %get3A_1124 = vector.shape_cast %get3A_1123 : vector<1x16xf32> to vector<16xf32>
      %get3A_1125 = arith.constant 0 : i32
      %get3A_1126 = arith.index_cast %get3A_1125 : i32 to index
      %get3A_1127 = arith.constant 128 : index
      %get3A_1128 = tpu.vector_load %arg9[%get3A_1126, %get3A_1127] {strides = array<i32>} : memref<2x192xf32, #tpu.memory_space<vmem>>, vector<1x16xf32>,
      %get3A_1129 = vector.shape_cast %get3A_1128 : vector<1x16xf32> to vector<16xf32>
      %mul3A_1130 = arith.mulf %get3A_1129, %get3A_1124 : vector<16xf32>
      %add3A_1131 = arith.addf %add3A_1112, %mul3A_1130 : vector<16xf32>
      %get3A_1132 = arith.constant 1 : i32
      %get3A_1133 = arith.index_cast %get3A_1132 : i32 to index
      %get3A_1134 = arith.constant 128 : index
      %get3A_1135 = tpu.vector_load %arg9[%get3A_1133, %get3A_1134] {strides = array<i32>} : memref<2x192xf32, #tpu.memory_space<vmem>>, vector<1x16xf32>,
      %get3A_1136 = vector.shape_cast %get3A_1135 : vector<1x16xf32> to vector<16xf32>
      %mul3A_1137 = arith.mulf %get3A_1136, %get3A_1124 : vector<16xf32>
      %add3A_1138 = arith.addf %add3A_1119, %mul3A_1137 : vector<16xf32>
      %get3A_1139 = arith.constant 3 : i32
      %get3A_1140 = arith.index_cast %get3A_1139 : i32 to index
      %get3A_1141 = arith.constant 144 : index
      %get3A_1142 = tpu.vector_load %arg10[%get3A_1140, %get3A_1141] {strides = array<i32>} : memref<12x192xf32, #tpu.memory_space<vmem>>, vector<1x16xf32>,
      %get3A_1143 = vector.shape_cast %get3A_1142 : vector<1x16xf32> to vector<16xf32>
      %get3A_1144 = arith.constant 0 : i32
      %get3A_1145 = arith.index_cast %get3A_1144 : i32 to index
      %get3A_1146 = arith.constant 144 : index
      %get3A_1147 = tpu.vector_load %arg9[%get3A_1145, %get3A_1146] {strides = array<i32>} : memref<2x192xf32, #tpu.memory_space<vmem>>, vector<1x16xf32>,
      %get3A_1148 = vector.shape_cast %get3A_1147 : vector<1x16xf32> to vector<16xf32>
      %mul3A_1149 = arith.mulf %get3A_1148, %get3A_1143 : vector<16xf32>
      %add3A_1150 = arith.addf %add3A_1131, %mul3A_1149 : vector<16xf32>
      %get3A_1151 = arith.constant 1 : i32
      %get3A_1152 = arith.index_cast %get3A_1151 : i32 to index
      %get3A_1153 = arith.constant 144 : index
      %get3A_1154 = tpu.vector_load %arg9[%get3A_1152, %get3A_1153] {strides = array<i32>} : memref<2x192xf32, #tpu.memory_space<vmem>>, vector<1x16xf32>,
      %get3A_1155 = vector.shape_cast %get3A_1154 : vector<1x16xf32> to vector<16xf32>
      %mul3A_1156 = arith.mulf %get3A_1155, %get3A_1143 : vector<16xf32>
      %add3A_1157 = arith.addf %add3A_1138, %mul3A_1156 : vector<16xf32>
      %get3A_1158 = arith.constant 3 : i32
      %get3A_1159 = arith.index_cast %get3A_1158 : i32 to index
      %get3A_1160 = arith.constant 160 : index
      %get3A_1161 = tpu.vector_load %arg10[%get3A_1159, %get3A_1160] {strides = array<i32>} : memref<12x192xf32, #tpu.memory_space<vmem>>, vector<1x16xf32>,
      %get3A_1162 = vector.shape_cast %get3A_1161 : vector<1x16xf32> to vector<16xf32>
      %get3A_1163 = arith.constant 0 : i32
      %get3A_1164 = arith.index_cast %get3A_1163 : i32 to index
      %get3A_1165 = arith.constant 160 : index
      %get3A_1166 = tpu.vector_load %arg9[%get3A_1164, %get3A_1165] {strides = array<i32>} : memref<2x192xf32, #tpu.memory_space<vmem>>, vector<1x16xf32>,
      %get3A_1167 = vector.shape_cast %get3A_1166 : vector<1x16xf32> to vector<16xf32>
      %mul3A_1168 = arith.mulf %get3A_1167, %get3A_1162 : vector<16xf32>
      %add3A_1169 = arith.addf %add3A_1150, %mul3A_1168 : vector<16xf32>
      %get3A_1170 = arith.constant 1 : i32
      %get3A_1171 = arith.index_cast %get3A_1170 : i32 to index
      %get3A_1172 = arith.constant 160 : index
      %get3A_1173 = tpu.vector_load %arg9[%get3A_1171, %get3A_1172] {strides = array<i32>} : memref<2x192xf32, #tpu.memory_space<vmem>>, vector<1x16xf32>,
      %get3A_1174 = vector.shape_cast %get3A_1173 : vector<1x16xf32> to vector<16xf32>
      %mul3A_1175 = arith.mulf %get3A_1174, %get3A_1162 : vector<16xf32>
      %add3A_1176 = arith.addf %add3A_1157, %mul3A_1175 : vector<16xf32>
      %get3A_1177 = arith.constant 3 : i32
      %get3A_1178 = arith.index_cast %get3A_1177 : i32 to index
      %get3A_1179 = arith.constant 176 : index
      %get3A_1180 = tpu.vector_load %arg10[%get3A_1178, %get3A_1179] {strides = array<i32>} : memref<12x192xf32, #tpu.memory_space<vmem>>, vector<1x16xf32>,
      %get3A_1181 = vector.shape_cast %get3A_1180 : vector<1x16xf32> to vector<16xf32>
      %get3A_1182 = arith.constant 0 : i32
      %get3A_1183 = arith.index_cast %get3A_1182 : i32 to index
      %get3A_1184 = arith.constant 176 : index
      %get3A_1185 = tpu.vector_load %arg9[%get3A_1183, %get3A_1184] {strides = array<i32>} : memref<2x192xf32, #tpu.memory_space<vmem>>, vector<1x16xf32>,
      %get3A_1186 = vector.shape_cast %get3A_1185 : vector<1x16xf32> to vector<16xf32>
      %mul3A_1187 = arith.mulf %get3A_1186, %get3A_1181 : vector<16xf32>
      %add3A_1188 = arith.addf %add3A_1169, %mul3A_1187 : vector<16xf32>
      %get3A_1189 = arith.constant 1 : i32
      %get3A_1190 = arith.index_cast %get3A_1189 : i32 to index
      %get3A_1191 = arith.constant 176 : index
      %get3A_1192 = tpu.vector_load %arg9[%get3A_1190, %get3A_1191] {strides = array<i32>} : memref<2x192xf32, #tpu.memory_space<vmem>>, vector<1x16xf32>,
      %get3A_1193 = vector.shape_cast %get3A_1192 : vector<1x16xf32> to vector<16xf32>
      %mul3A_1194 = arith.mulf %get3A_1193, %get3A_1181 : vector<16xf32>
      %add3A_1195 = arith.addf %add3A_1176, %mul3A_1194 : vector<16xf32>
      %broadcast_in_dim3A_1196 = arith.constant 3 : i32
      %broadcast_in_dim3A_1197 = vector.broadcast %broadcast_in_dim3A_1196 : i32 to vector<16xi32>
      %broadcast_in_dim3A_1198 = vector.shape_cast %broadcast_in_dim3A_1197 : vector<16xi32> to vector<16x1xi32>
      %gather3A_1199 = vector.shape_cast %broadcast_in_dim3A_1198 : vector<16x1xi32> to vector<16xi32>
      %gather3A_1200 = tpu.dynamic_gather %get3A_29[%gather3A_1199] in [0] : vector<16xf32>, vector<16xi32> -> vector<16xf32>
      %xor3A_1201 = arith.constant 1 : i32
      %xor3A_1202 = vector.broadcast %xor3A_1201 : i32 to vector<16xi32>
      %xor3A_1203 = arith.xori %iota3A, %xor3A_1202 : vector<16xi32>
      %broadcast_in_dim3A_1204 = vector.shape_cast %xor3A_1203 : vector<16xi32> to vector<16x1xi32>
      %gather3A_1205 = vector.shape_cast %broadcast_in_dim3A_1204 : vector<16x1xi32> to vector<16xi32>
      %gather3A_1206 = tpu.dynamic_gather %add3A_1188[%gather3A_1205] in [0] : vector<16xf32>, vector<16xi32> -> vector<16xf32>
      %add3A_1207 = arith.addf %add3A_1188, %gather3A_1206 : vector<16xf32>
      %xor3A_1208 = arith.constant 2 : i32
      %xor3A_1209 = vector.broadcast %xor3A_1208 : i32 to vector<16xi32>
      %xor3A_1210 = arith.xori %iota3A, %xor3A_1209 : vector<16xi32>
      %broadcast_in_dim3A_1211 = vector.shape_cast %xor3A_1210 : vector<16xi32> to vector<16x1xi32>
      %gather3A_1212 = vector.shape_cast %broadcast_in_dim3A_1211 : vector<16x1xi32> to vector<16xi32>
      %gather3A_1213 = tpu.dynamic_gather %add3A_1207[%gather3A_1212] in [0] : vector<16xf32>, vector<16xi32> -> vector<16xf32>
      %add3A_1214 = arith.addf %add3A_1207, %gather3A_1213 : vector<16xf32>
      %xor3A_1215 = arith.constant 4 : i32
      %xor3A_1216 = vector.broadcast %xor3A_1215 : i32 to vector<16xi32>
      %xor3A_1217 = arith.xori %iota3A, %xor3A_1216 : vector<16xi32>
      %broadcast_in_dim3A_1218 = vector.shape_cast %xor3A_1217 : vector<16xi32> to vector<16x1xi32>
      %gather3A_1219 = vector.shape_cast %broadcast_in_dim3A_1218 : vector<16x1xi32> to vector<16xi32>
      %gather3A_1220 = tpu.dynamic_gather %add3A_1214[%gather3A_1219] in [0] : vector<16xf32>, vector<16xi32> -> vector<16xf32>
      %add3A_1221 = arith.addf %add3A_1214, %gather3A_1220 : vector<16xf32>
      %xor3A_1222 = arith.constant 8 : i32
      %xor3A_1223 = vector.broadcast %xor3A_1222 : i32 to vector<16xi32>
      %xor3A_1224 = arith.xori %iota3A, %xor3A_1223 : vector<16xi32>
      %broadcast_in_dim3A_1225 = vector.shape_cast %xor3A_1224 : vector<16xi32> to vector<16x1xi32>
      %gather3A_1226 = vector.shape_cast %broadcast_in_dim3A_1225 : vector<16x1xi32> to vector<16xi32>
      %gather3A_1227 = tpu.dynamic_gather %add3A_1221[%gather3A_1226] in [0] : vector<16xf32>, vector<16xi32> -> vector<16xf32>
      %add3A_1228 = arith.addf %add3A_1221, %gather3A_1227 : vector<16xf32>
      %add3A_1229 = arith.addf %add3A_1228, %gather3A_1200 : vector<16xf32>
      %max3A_1230 = arith.constant 0.000000e+00 : f32
      %max3A_1231 = vector.broadcast %max3A_1230 : f32 to vector<16xf32>
      %max3A_1232 = arith.maximumf %add3A_1229, %max3A_1231 : vector<16xf32>
      %xor3A_1233 = arith.constant 1 : i32
      %xor3A_1234 = vector.broadcast %xor3A_1233 : i32 to vector<16xi32>
      %xor3A_1235 = arith.xori %iota3A, %xor3A_1234 : vector<16xi32>
      %broadcast_in_dim3A_1236 = vector.shape_cast %xor3A_1235 : vector<16xi32> to vector<16x1xi32>
      %gather3A_1237 = vector.shape_cast %broadcast_in_dim3A_1236 : vector<16x1xi32> to vector<16xi32>
      %gather3A_1238 = tpu.dynamic_gather %add3A_1195[%gather3A_1237] in [0] : vector<16xf32>, vector<16xi32> -> vector<16xf32>
      %add3A_1239 = arith.addf %add3A_1195, %gather3A_1238 : vector<16xf32>
      %xor3A_1240 = arith.constant 2 : i32
      %xor3A_1241 = vector.broadcast %xor3A_1240 : i32 to vector<16xi32>
      %xor3A_1242 = arith.xori %iota3A, %xor3A_1241 : vector<16xi32>
      %broadcast_in_dim3A_1243 = vector.shape_cast %xor3A_1242 : vector<16xi32> to vector<16x1xi32>
      %gather3A_1244 = vector.shape_cast %broadcast_in_dim3A_1243 : vector<16x1xi32> to vector<16xi32>
      %gather3A_1245 = tpu.dynamic_gather %add3A_1239[%gather3A_1244] in [0] : vector<16xf32>, vector<16xi32> -> vector<16xf32>
      %add3A_1246 = arith.addf %add3A_1239, %gather3A_1245 : vector<16xf32>
      %xor3A_1247 = arith.constant 4 : i32
      %xor3A_1248 = vector.broadcast %xor3A_1247 : i32 to vector<16xi32>
      %xor3A_1249 = arith.xori %iota3A, %xor3A_1248 : vector<16xi32>
      %broadcast_in_dim3A_1250 = vector.shape_cast %xor3A_1249 : vector<16xi32> to vector<16x1xi32>
      %gather3A_1251 = vector.shape_cast %broadcast_in_dim3A_1250 : vector<16x1xi32> to vector<16xi32>
      %gather3A_1252 = tpu.dynamic_gather %add3A_1246[%gather3A_1251] in [0] : vector<16xf32>, vector<16xi32> -> vector<16xf32>
      %add3A_1253 = arith.addf %add3A_1246, %gather3A_1252 : vector<16xf32>
      %xor3A_1254 = arith.constant 8 : i32
      %xor3A_1255 = vector.broadcast %xor3A_1254 : i32 to vector<16xi32>
      %xor3A_1256 = arith.xori %iota3A, %xor3A_1255 : vector<16xi32>
      %broadcast_in_dim3A_1257 = vector.shape_cast %xor3A_1256 : vector<16xi32> to vector<16x1xi32>
      %gather3A_1258 = vector.shape_cast %broadcast_in_dim3A_1257 : vector<16x1xi32> to vector<16xi32>
      %gather3A_1259 = tpu.dynamic_gather %add3A_1253[%gather3A_1258] in [0] : vector<16xf32>, vector<16xi32> -> vector<16xf32>
      %add3A_1260 = arith.addf %add3A_1253, %gather3A_1259 : vector<16xf32>
      %add3A_1261 = arith.addf %add3A_1260, %gather3A_1200 : vector<16xf32>
      %max3A_1262 = arith.constant 0.000000e+00 : f32
      %max3A_1263 = vector.broadcast %max3A_1262 : f32 to vector<16xf32>
      %max3A_1264 = arith.maximumf %add3A_1261, %max3A_1263 : vector<16xf32>
      %mul3A_1265 = arith.mulf %convert_element_type3A_24, %max3A_1232 : vector<16xf32>
      %mul3A_1266 = arith.mulf %sub3A_27, %max3A_1264 : vector<16xf32>
      %add3A_1267 = arith.addf %mul3A_1265, %mul3A_1266 : vector<16xf32>
      %get3A_1268 = arith.constant 3 : i32
      %get3A_1269 = arith.index_cast %get3A_1268 : i32 to index
      %get3A_1270 = arith.constant 0 : index
      %get3A_1271 = tpu.vector_load %arg12[%get3A_1269, %get3A_1270] {strides = array<i32>} : memref<12x16xf32, #tpu.memory_space<vmem>>, vector<1x16xf32>,
      %get3A_1272 = vector.shape_cast %get3A_1271 : vector<1x16xf32> to vector<16xf32>
      %mul3A_1273 = arith.mulf %add3A_1267, %get3A_1272 : vector<16xf32>
      %add3A_1274 = arith.addf %add3A_963, %mul3A_1273 : vector<16xf32>
      %broadcast_in_dim3A_1275 = arith.constant 0.000000e+00 : f32
      %broadcast_in_dim3A_1276 = vector.broadcast %broadcast_in_dim3A_1275 : f32 to vector<16xf32>
      %broadcast_in_dim3A_1277 = arith.constant 0.000000e+00 : f32
      %broadcast_in_dim3A_1278 = vector.broadcast %broadcast_in_dim3A_1277 : f32 to vector<16xf32>
      %get3A_1279 = arith.constant 4 : i32
      %get3A_1280 = arith.index_cast %get3A_1279 : i32 to index
      %get3A_1281 = arith.constant 0 : index
      %get3A_1282 = tpu.vector_load %arg10[%get3A_1280, %get3A_1281] {strides = array<i32>} : memref<12x192xf32, #tpu.memory_space<vmem>>, vector<1x16xf32>,
      %get3A_1283 = vector.shape_cast %get3A_1282 : vector<1x16xf32> to vector<16xf32>
      %get3A_1284 = arith.constant 0 : i32
      %get3A_1285 = arith.index_cast %get3A_1284 : i32 to index
      %get3A_1286 = arith.constant 0 : index
      %get3A_1287 = tpu.vector_load %arg9[%get3A_1285, %get3A_1286] {strides = array<i32>} : memref<2x192xf32, #tpu.memory_space<vmem>>, vector<1x16xf32>,
      %get3A_1288 = vector.shape_cast %get3A_1287 : vector<1x16xf32> to vector<16xf32>
      %mul3A_1289 = arith.mulf %get3A_1288, %get3A_1283 : vector<16xf32>
      %add3A_1290 = arith.addf %broadcast_in_dim3A_1276, %mul3A_1289 : vector<16xf32>
      %get3A_1291 = arith.constant 1 : i32
      %get3A_1292 = arith.index_cast %get3A_1291 : i32 to index
      %get3A_1293 = arith.constant 0 : index
      %get3A_1294 = tpu.vector_load %arg9[%get3A_1292, %get3A_1293] {strides = array<i32>} : memref<2x192xf32, #tpu.memory_space<vmem>>, vector<1x16xf32>,
      %get3A_1295 = vector.shape_cast %get3A_1294 : vector<1x16xf32> to vector<16xf32>
      %mul3A_1296 = arith.mulf %get3A_1295, %get3A_1283 : vector<16xf32>
      %add3A_1297 = arith.addf %broadcast_in_dim3A_1278, %mul3A_1296 : vector<16xf32>
      %get3A_1298 = arith.constant 4 : i32
      %get3A_1299 = arith.index_cast %get3A_1298 : i32 to index
      %get3A_1300 = arith.constant 16 : index
      %get3A_1301 = tpu.vector_load %arg10[%get3A_1299, %get3A_1300] {strides = array<i32>} : memref<12x192xf32, #tpu.memory_space<vmem>>, vector<1x16xf32>,
      %get3A_1302 = vector.shape_cast %get3A_1301 : vector<1x16xf32> to vector<16xf32>
      %get3A_1303 = arith.constant 0 : i32
      %get3A_1304 = arith.index_cast %get3A_1303 : i32 to index
      %get3A_1305 = arith.constant 16 : index
      %get3A_1306 = tpu.vector_load %arg9[%get3A_1304, %get3A_1305] {strides = array<i32>} : memref<2x192xf32, #tpu.memory_space<vmem>>, vector<1x16xf32>,
      %get3A_1307 = vector.shape_cast %get3A_1306 : vector<1x16xf32> to vector<16xf32>
      %mul3A_1308 = arith.mulf %get3A_1307, %get3A_1302 : vector<16xf32>
      %add3A_1309 = arith.addf %add3A_1290, %mul3A_1308 : vector<16xf32>
      %get3A_1310 = arith.constant 1 : i32
      %get3A_1311 = arith.index_cast %get3A_1310 : i32 to index
      %get3A_1312 = arith.constant 16 : index
      %get3A_1313 = tpu.vector_load %arg9[%get3A_1311, %get3A_1312] {strides = array<i32>} : memref<2x192xf32, #tpu.memory_space<vmem>>, vector<1x16xf32>,
      %get3A_1314 = vector.shape_cast %get3A_1313 : vector<1x16xf32> to vector<16xf32>
      %mul3A_1315 = arith.mulf %get3A_1314, %get3A_1302 : vector<16xf32>
      %add3A_1316 = arith.addf %add3A_1297, %mul3A_1315 : vector<16xf32>
      %get3A_1317 = arith.constant 4 : i32
      %get3A_1318 = arith.index_cast %get3A_1317 : i32 to index
      %get3A_1319 = arith.constant 32 : index
      %get3A_1320 = tpu.vector_load %arg10[%get3A_1318, %get3A_1319] {strides = array<i32>} : memref<12x192xf32, #tpu.memory_space<vmem>>, vector<1x16xf32>,
      %get3A_1321 = vector.shape_cast %get3A_1320 : vector<1x16xf32> to vector<16xf32>
      %get3A_1322 = arith.constant 0 : i32
      %get3A_1323 = arith.index_cast %get3A_1322 : i32 to index
      %get3A_1324 = arith.constant 32 : index
      %get3A_1325 = tpu.vector_load %arg9[%get3A_1323, %get3A_1324] {strides = array<i32>} : memref<2x192xf32, #tpu.memory_space<vmem>>, vector<1x16xf32>,
      %get3A_1326 = vector.shape_cast %get3A_1325 : vector<1x16xf32> to vector<16xf32>
      %mul3A_1327 = arith.mulf %get3A_1326, %get3A_1321 : vector<16xf32>
      %add3A_1328 = arith.addf %add3A_1309, %mul3A_1327 : vector<16xf32>
      %get3A_1329 = arith.constant 1 : i32
      %get3A_1330 = arith.index_cast %get3A_1329 : i32 to index
      %get3A_1331 = arith.constant 32 : index
      %get3A_1332 = tpu.vector_load %arg9[%get3A_1330, %get3A_1331] {strides = array<i32>} : memref<2x192xf32, #tpu.memory_space<vmem>>, vector<1x16xf32>,
      %get3A_1333 = vector.shape_cast %get3A_1332 : vector<1x16xf32> to vector<16xf32>
      %mul3A_1334 = arith.mulf %get3A_1333, %get3A_1321 : vector<16xf32>
      %add3A_1335 = arith.addf %add3A_1316, %mul3A_1334 : vector<16xf32>
      %get3A_1336 = arith.constant 4 : i32
      %get3A_1337 = arith.index_cast %get3A_1336 : i32 to index
      %get3A_1338 = arith.constant 48 : index
      %get3A_1339 = tpu.vector_load %arg10[%get3A_1337, %get3A_1338] {strides = array<i32>} : memref<12x192xf32, #tpu.memory_space<vmem>>, vector<1x16xf32>,
      %get3A_1340 = vector.shape_cast %get3A_1339 : vector<1x16xf32> to vector<16xf32>
      %get3A_1341 = arith.constant 0 : i32
      %get3A_1342 = arith.index_cast %get3A_1341 : i32 to index
      %get3A_1343 = arith.constant 48 : index
      %get3A_1344 = tpu.vector_load %arg9[%get3A_1342, %get3A_1343] {strides = array<i32>} : memref<2x192xf32, #tpu.memory_space<vmem>>, vector<1x16xf32>,
      %get3A_1345 = vector.shape_cast %get3A_1344 : vector<1x16xf32> to vector<16xf32>
      %mul3A_1346 = arith.mulf %get3A_1345, %get3A_1340 : vector<16xf32>
      %add3A_1347 = arith.addf %add3A_1328, %mul3A_1346 : vector<16xf32>
      %get3A_1348 = arith.constant 1 : i32
      %get3A_1349 = arith.index_cast %get3A_1348 : i32 to index
      %get3A_1350 = arith.constant 48 : index
      %get3A_1351 = tpu.vector_load %arg9[%get3A_1349, %get3A_1350] {strides = array<i32>} : memref<2x192xf32, #tpu.memory_space<vmem>>, vector<1x16xf32>,
      %get3A_1352 = vector.shape_cast %get3A_1351 : vector<1x16xf32> to vector<16xf32>
      %mul3A_1353 = arith.mulf %get3A_1352, %get3A_1340 : vector<16xf32>
      %add3A_1354 = arith.addf %add3A_1335, %mul3A_1353 : vector<16xf32>
      %get3A_1355 = arith.constant 4 : i32
      %get3A_1356 = arith.index_cast %get3A_1355 : i32 to index
      %get3A_1357 = arith.constant 64 : index
      %get3A_1358 = tpu.vector_load %arg10[%get3A_1356, %get3A_1357] {strides = array<i32>} : memref<12x192xf32, #tpu.memory_space<vmem>>, vector<1x16xf32>,
      %get3A_1359 = vector.shape_cast %get3A_1358 : vector<1x16xf32> to vector<16xf32>
      %get3A_1360 = arith.constant 0 : i32
      %get3A_1361 = arith.index_cast %get3A_1360 : i32 to index
      %get3A_1362 = arith.constant 64 : index
      %get3A_1363 = tpu.vector_load %arg9[%get3A_1361, %get3A_1362] {strides = array<i32>} : memref<2x192xf32, #tpu.memory_space<vmem>>, vector<1x16xf32>,
      %get3A_1364 = vector.shape_cast %get3A_1363 : vector<1x16xf32> to vector<16xf32>
      %mul3A_1365 = arith.mulf %get3A_1364, %get3A_1359 : vector<16xf32>
      %add3A_1366 = arith.addf %add3A_1347, %mul3A_1365 : vector<16xf32>
      %get3A_1367 = arith.constant 1 : i32
      %get3A_1368 = arith.index_cast %get3A_1367 : i32 to index
      %get3A_1369 = arith.constant 64 : index
      %get3A_1370 = tpu.vector_load %arg9[%get3A_1368, %get3A_1369] {strides = array<i32>} : memref<2x192xf32, #tpu.memory_space<vmem>>, vector<1x16xf32>,
      %get3A_1371 = vector.shape_cast %get3A_1370 : vector<1x16xf32> to vector<16xf32>
      %mul3A_1372 = arith.mulf %get3A_1371, %get3A_1359 : vector<16xf32>
      %add3A_1373 = arith.addf %add3A_1354, %mul3A_1372 : vector<16xf32>
      %get3A_1374 = arith.constant 4 : i32
      %get3A_1375 = arith.index_cast %get3A_1374 : i32 to index
      %get3A_1376 = arith.constant 80 : index
      %get3A_1377 = tpu.vector_load %arg10[%get3A_1375, %get3A_1376] {strides = array<i32>} : memref<12x192xf32, #tpu.memory_space<vmem>>, vector<1x16xf32>,
      %get3A_1378 = vector.shape_cast %get3A_1377 : vector<1x16xf32> to vector<16xf32>
      %get3A_1379 = arith.constant 0 : i32
      %get3A_1380 = arith.index_cast %get3A_1379 : i32 to index
      %get3A_1381 = arith.constant 80 : index
      %get3A_1382 = tpu.vector_load %arg9[%get3A_1380, %get3A_1381] {strides = array<i32>} : memref<2x192xf32, #tpu.memory_space<vmem>>, vector<1x16xf32>,
      %get3A_1383 = vector.shape_cast %get3A_1382 : vector<1x16xf32> to vector<16xf32>
      %mul3A_1384 = arith.mulf %get3A_1383, %get3A_1378 : vector<16xf32>
      %add3A_1385 = arith.addf %add3A_1366, %mul3A_1384 : vector<16xf32>
      %get3A_1386 = arith.constant 1 : i32
      %get3A_1387 = arith.index_cast %get3A_1386 : i32 to index
      %get3A_1388 = arith.constant 80 : index
      %get3A_1389 = tpu.vector_load %arg9[%get3A_1387, %get3A_1388] {strides = array<i32>} : memref<2x192xf32, #tpu.memory_space<vmem>>, vector<1x16xf32>,
      %get3A_1390 = vector.shape_cast %get3A_1389 : vector<1x16xf32> to vector<16xf32>
      %mul3A_1391 = arith.mulf %get3A_1390, %get3A_1378 : vector<16xf32>
      %add3A_1392 = arith.addf %add3A_1373, %mul3A_1391 : vector<16xf32>
      %get3A_1393 = arith.constant 4 : i32
      %get3A_1394 = arith.index_cast %get3A_1393 : i32 to index
      %get3A_1395 = arith.constant 96 : index
      %get3A_1396 = tpu.vector_load %arg10[%get3A_1394, %get3A_1395] {strides = array<i32>} : memref<12x192xf32, #tpu.memory_space<vmem>>, vector<1x16xf32>,
      %get3A_1397 = vector.shape_cast %get3A_1396 : vector<1x16xf32> to vector<16xf32>
      %get3A_1398 = arith.constant 0 : i32
      %get3A_1399 = arith.index_cast %get3A_1398 : i32 to index
      %get3A_1400 = arith.constant 96 : index
      %get3A_1401 = tpu.vector_load %arg9[%get3A_1399, %get3A_1400] {strides = array<i32>} : memref<2x192xf32, #tpu.memory_space<vmem>>, vector<1x16xf32>,
      %get3A_1402 = vector.shape_cast %get3A_1401 : vector<1x16xf32> to vector<16xf32>
      %mul3A_1403 = arith.mulf %get3A_1402, %get3A_1397 : vector<16xf32>
      %add3A_1404 = arith.addf %add3A_1385, %mul3A_1403 : vector<16xf32>
      %get3A_1405 = arith.constant 1 : i32
      %get3A_1406 = arith.index_cast %get3A_1405 : i32 to index
      %get3A_1407 = arith.constant 96 : index
      %get3A_1408 = tpu.vector_load %arg9[%get3A_1406, %get3A_1407] {strides = array<i32>} : memref<2x192xf32, #tpu.memory_space<vmem>>, vector<1x16xf32>,
      %get3A_1409 = vector.shape_cast %get3A_1408 : vector<1x16xf32> to vector<16xf32>
      %mul3A_1410 = arith.mulf %get3A_1409, %get3A_1397 : vector<16xf32>
      %add3A_1411 = arith.addf %add3A_1392, %mul3A_1410 : vector<16xf32>
      %get3A_1412 = arith.constant 4 : i32
      %get3A_1413 = arith.index_cast %get3A_1412 : i32 to index
      %get3A_1414 = arith.constant 112 : index
      %get3A_1415 = tpu.vector_load %arg10[%get3A_1413, %get3A_1414] {strides = array<i32>} : memref<12x192xf32, #tpu.memory_space<vmem>>, vector<1x16xf32>,
      %get3A_1416 = vector.shape_cast %get3A_1415 : vector<1x16xf32> to vector<16xf32>
      %get3A_1417 = arith.constant 0 : i32
      %get3A_1418 = arith.index_cast %get3A_1417 : i32 to index
      %get3A_1419 = arith.constant 112 : index
      %get3A_1420 = tpu.vector_load %arg9[%get3A_1418, %get3A_1419] {strides = array<i32>} : memref<2x192xf32, #tpu.memory_space<vmem>>, vector<1x16xf32>,
      %get3A_1421 = vector.shape_cast %get3A_1420 : vector<1x16xf32> to vector<16xf32>
      %mul3A_1422 = arith.mulf %get3A_1421, %get3A_1416 : vector<16xf32>
      %add3A_1423 = arith.addf %add3A_1404, %mul3A_1422 : vector<16xf32>
      %get3A_1424 = arith.constant 1 : i32
      %get3A_1425 = arith.index_cast %get3A_1424 : i32 to index
      %get3A_1426 = arith.constant 112 : index
      %get3A_1427 = tpu.vector_load %arg9[%get3A_1425, %get3A_1426] {strides = array<i32>} : memref<2x192xf32, #tpu.memory_space<vmem>>, vector<1x16xf32>,
      %get3A_1428 = vector.shape_cast %get3A_1427 : vector<1x16xf32> to vector<16xf32>
      %mul3A_1429 = arith.mulf %get3A_1428, %get3A_1416 : vector<16xf32>
      %add3A_1430 = arith.addf %add3A_1411, %mul3A_1429 : vector<16xf32>
      %get3A_1431 = arith.constant 4 : i32
      %get3A_1432 = arith.index_cast %get3A_1431 : i32 to index
      %get3A_1433 = arith.constant 128 : index
      %get3A_1434 = tpu.vector_load %arg10[%get3A_1432, %get3A_1433] {strides = array<i32>} : memref<12x192xf32, #tpu.memory_space<vmem>>, vector<1x16xf32>,
      %get3A_1435 = vector.shape_cast %get3A_1434 : vector<1x16xf32> to vector<16xf32>
      %get3A_1436 = arith.constant 0 : i32
      %get3A_1437 = arith.index_cast %get3A_1436 : i32 to index
      %get3A_1438 = arith.constant 128 : index
      %get3A_1439 = tpu.vector_load %arg9[%get3A_1437, %get3A_1438] {strides = array<i32>} : memref<2x192xf32, #tpu.memory_space<vmem>>, vector<1x16xf32>,
      %get3A_1440 = vector.shape_cast %get3A_1439 : vector<1x16xf32> to vector<16xf32>
      %mul3A_1441 = arith.mulf %get3A_1440, %get3A_1435 : vector<16xf32>
      %add3A_1442 = arith.addf %add3A_1423, %mul3A_1441 : vector<16xf32>
      %get3A_1443 = arith.constant 1 : i32
      %get3A_1444 = arith.index_cast %get3A_1443 : i32 to index
      %get3A_1445 = arith.constant 128 : index
      %get3A_1446 = tpu.vector_load %arg9[%get3A_1444, %get3A_1445] {strides = array<i32>} : memref<2x192xf32, #tpu.memory_space<vmem>>, vector<1x16xf32>,
      %get3A_1447 = vector.shape_cast %get3A_1446 : vector<1x16xf32> to vector<16xf32>
      %mul3A_1448 = arith.mulf %get3A_1447, %get3A_1435 : vector<16xf32>
      %add3A_1449 = arith.addf %add3A_1430, %mul3A_1448 : vector<16xf32>
      %get3A_1450 = arith.constant 4 : i32
      %get3A_1451 = arith.index_cast %get3A_1450 : i32 to index
      %get3A_1452 = arith.constant 144 : index
      %get3A_1453 = tpu.vector_load %arg10[%get3A_1451, %get3A_1452] {strides = array<i32>} : memref<12x192xf32, #tpu.memory_space<vmem>>, vector<1x16xf32>,
      %get3A_1454 = vector.shape_cast %get3A_1453 : vector<1x16xf32> to vector<16xf32>
      %get3A_1455 = arith.constant 0 : i32
      %get3A_1456 = arith.index_cast %get3A_1455 : i32 to index
      %get3A_1457 = arith.constant 144 : index
      %get3A_1458 = tpu.vector_load %arg9[%get3A_1456, %get3A_1457] {strides = array<i32>} : memref<2x192xf32, #tpu.memory_space<vmem>>, vector<1x16xf32>,
      %get3A_1459 = vector.shape_cast %get3A_1458 : vector<1x16xf32> to vector<16xf32>
      %mul3A_1460 = arith.mulf %get3A_1459, %get3A_1454 : vector<16xf32>
      %add3A_1461 = arith.addf %add3A_1442, %mul3A_1460 : vector<16xf32>
      %get3A_1462 = arith.constant 1 : i32
      %get3A_1463 = arith.index_cast %get3A_1462 : i32 to index
      %get3A_1464 = arith.constant 144 : index
      %get3A_1465 = tpu.vector_load %arg9[%get3A_1463, %get3A_1464] {strides = array<i32>} : memref<2x192xf32, #tpu.memory_space<vmem>>, vector<1x16xf32>,
      %get3A_1466 = vector.shape_cast %get3A_1465 : vector<1x16xf32> to vector<16xf32>
      %mul3A_1467 = arith.mulf %get3A_1466, %get3A_1454 : vector<16xf32>
      %add3A_1468 = arith.addf %add3A_1449, %mul3A_1467 : vector<16xf32>
      %get3A_1469 = arith.constant 4 : i32
      %get3A_1470 = arith.index_cast %get3A_1469 : i32 to index
      %get3A_1471 = arith.constant 160 : index
      %get3A_1472 = tpu.vector_load %arg10[%get3A_1470, %get3A_1471] {strides = array<i32>} : memref<12x192xf32, #tpu.memory_space<vmem>>, vector<1x16xf32>,
      %get3A_1473 = vector.shape_cast %get3A_1472 : vector<1x16xf32> to vector<16xf32>
      %get3A_1474 = arith.constant 0 : i32
      %get3A_1475 = arith.index_cast %get3A_1474 : i32 to index
      %get3A_1476 = arith.constant 160 : index
      %get3A_1477 = tpu.vector_load %arg9[%get3A_1475, %get3A_1476] {strides = array<i32>} : memref<2x192xf32, #tpu.memory_space<vmem>>, vector<1x16xf32>,
      %get3A_1478 = vector.shape_cast %get3A_1477 : vector<1x16xf32> to vector<16xf32>
      %mul3A_1479 = arith.mulf %get3A_1478, %get3A_1473 : vector<16xf32>
      %add3A_1480 = arith.addf %add3A_1461, %mul3A_1479 : vector<16xf32>
      %get3A_1481 = arith.constant 1 : i32
      %get3A_1482 = arith.index_cast %get3A_1481 : i32 to index
      %get3A_1483 = arith.constant 160 : index
      %get3A_1484 = tpu.vector_load %arg9[%get3A_1482, %get3A_1483] {strides = array<i32>} : memref<2x192xf32, #tpu.memory_space<vmem>>, vector<1x16xf32>,
      %get3A_1485 = vector.shape_cast %get3A_1484 : vector<1x16xf32> to vector<16xf32>
      %mul3A_1486 = arith.mulf %get3A_1485, %get3A_1473 : vector<16xf32>
      %add3A_1487 = arith.addf %add3A_1468, %mul3A_1486 : vector<16xf32>
      %get3A_1488 = arith.constant 4 : i32
      %get3A_1489 = arith.index_cast %get3A_1488 : i32 to index
      %get3A_1490 = arith.constant 176 : index
      %get3A_1491 = tpu.vector_load %arg10[%get3A_1489, %get3A_1490] {strides = array<i32>} : memref<12x192xf32, #tpu.memory_space<vmem>>, vector<1x16xf32>,
      %get3A_1492 = vector.shape_cast %get3A_1491 : vector<1x16xf32> to vector<16xf32>
      %get3A_1493 = arith.constant 0 : i32
      %get3A_1494 = arith.index_cast %get3A_1493 : i32 to index
      %get3A_1495 = arith.constant 176 : index
      %get3A_1496 = tpu.vector_load %arg9[%get3A_1494, %get3A_1495] {strides = array<i32>} : memref<2x192xf32, #tpu.memory_space<vmem>>, vector<1x16xf32>,
      %get3A_1497 = vector.shape_cast %get3A_1496 : vector<1x16xf32> to vector<16xf32>
      %mul3A_1498 = arith.mulf %get3A_1497, %get3A_1492 : vector<16xf32>
      %add3A_1499 = arith.addf %add3A_1480, %mul3A_1498 : vector<16xf32>
      %get3A_1500 = arith.constant 1 : i32
      %get3A_1501 = arith.index_cast %get3A_1500 : i32 to index
      %get3A_1502 = arith.constant 176 : index
      %get3A_1503 = tpu.vector_load %arg9[%get3A_1501, %get3A_1502] {strides = array<i32>} : memref<2x192xf32, #tpu.memory_space<vmem>>, vector<1x16xf32>,
      %get3A_1504 = vector.shape_cast %get3A_1503 : vector<1x16xf32> to vector<16xf32>
      %mul3A_1505 = arith.mulf %get3A_1504, %get3A_1492 : vector<16xf32>
      %add3A_1506 = arith.addf %add3A_1487, %mul3A_1505 : vector<16xf32>
      %broadcast_in_dim3A_1507 = arith.constant 4 : i32
      %broadcast_in_dim3A_1508 = vector.broadcast %broadcast_in_dim3A_1507 : i32 to vector<16xi32>
      %broadcast_in_dim3A_1509 = vector.shape_cast %broadcast_in_dim3A_1508 : vector<16xi32> to vector<16x1xi32>
      %gather3A_1510 = vector.shape_cast %broadcast_in_dim3A_1509 : vector<16x1xi32> to vector<16xi32>
      %gather3A_1511 = tpu.dynamic_gather %get3A_29[%gather3A_1510] in [0] : vector<16xf32>, vector<16xi32> -> vector<16xf32>
      %xor3A_1512 = arith.constant 1 : i32
      %xor3A_1513 = vector.broadcast %xor3A_1512 : i32 to vector<16xi32>
      %xor3A_1514 = arith.xori %iota3A, %xor3A_1513 : vector<16xi32>
      %broadcast_in_dim3A_1515 = vector.shape_cast %xor3A_1514 : vector<16xi32> to vector<16x1xi32>
      %gather3A_1516 = vector.shape_cast %broadcast_in_dim3A_1515 : vector<16x1xi32> to vector<16xi32>
      %gather3A_1517 = tpu.dynamic_gather %add3A_1499[%gather3A_1516] in [0] : vector<16xf32>, vector<16xi32> -> vector<16xf32>
      %add3A_1518 = arith.addf %add3A_1499, %gather3A_1517 : vector<16xf32>
      %xor3A_1519 = arith.constant 2 : i32
      %xor3A_1520 = vector.broadcast %xor3A_1519 : i32 to vector<16xi32>
      %xor3A_1521 = arith.xori %iota3A, %xor3A_1520 : vector<16xi32>
      %broadcast_in_dim3A_1522 = vector.shape_cast %xor3A_1521 : vector<16xi32> to vector<16x1xi32>
      %gather3A_1523 = vector.shape_cast %broadcast_in_dim3A_1522 : vector<16x1xi32> to vector<16xi32>
      %gather3A_1524 = tpu.dynamic_gather %add3A_1518[%gather3A_1523] in [0] : vector<16xf32>, vector<16xi32> -> vector<16xf32>
      %add3A_1525 = arith.addf %add3A_1518, %gather3A_1524 : vector<16xf32>
      %xor3A_1526 = arith.constant 4 : i32
      %xor3A_1527 = vector.broadcast %xor3A_1526 : i32 to vector<16xi32>
      %xor3A_1528 = arith.xori %iota3A, %xor3A_1527 : vector<16xi32>
      %broadcast_in_dim3A_1529 = vector.shape_cast %xor3A_1528 : vector<16xi32> to vector<16x1xi32>
      %gather3A_1530 = vector.shape_cast %broadcast_in_dim3A_1529 : vector<16x1xi32> to vector<16xi32>
      %gather3A_1531 = tpu.dynamic_gather %add3A_1525[%gather3A_1530] in [0] : vector<16xf32>, vector<16xi32> -> vector<16xf32>
      %add3A_1532 = arith.addf %add3A_1525, %gather3A_1531 : vector<16xf32>
      %xor3A_1533 = arith.constant 8 : i32
      %xor3A_1534 = vector.broadcast %xor3A_1533 : i32 to vector<16xi32>
      %xor3A_1535 = arith.xori %iota3A, %xor3A_1534 : vector<16xi32>
      %broadcast_in_dim3A_1536 = vector.shape_cast %xor3A_1535 : vector<16xi32> to vector<16x1xi32>
      %gather3A_1537 = vector.shape_cast %broadcast_in_dim3A_1536 : vector<16x1xi32> to vector<16xi32>
      %gather3A_1538 = tpu.dynamic_gather %add3A_1532[%gather3A_1537] in [0] : vector<16xf32>, vector<16xi32> -> vector<16xf32>
      %add3A_1539 = arith.addf %add3A_1532, %gather3A_1538 : vector<16xf32>
      %add3A_1540 = arith.addf %add3A_1539, %gather3A_1511 : vector<16xf32>
      %max3A_1541 = arith.constant 0.000000e+00 : f32
      %max3A_1542 = vector.broadcast %max3A_1541 : f32 to vector<16xf32>
      %max3A_1543 = arith.maximumf %add3A_1540, %max3A_1542 : vector<16xf32>
      %xor3A_1544 = arith.constant 1 : i32
      %xor3A_1545 = vector.broadcast %xor3A_1544 : i32 to vector<16xi32>
      %xor3A_1546 = arith.xori %iota3A, %xor3A_1545 : vector<16xi32>
      %broadcast_in_dim3A_1547 = vector.shape_cast %xor3A_1546 : vector<16xi32> to vector<16x1xi32>
      %gather3A_1548 = vector.shape_cast %broadcast_in_dim3A_1547 : vector<16x1xi32> to vector<16xi32>
      %gather3A_1549 = tpu.dynamic_gather %add3A_1506[%gather3A_1548] in [0] : vector<16xf32>, vector<16xi32> -> vector<16xf32>
      %add3A_1550 = arith.addf %add3A_1506, %gather3A_1549 : vector<16xf32>
      %xor3A_1551 = arith.constant 2 : i32
      %xor3A_1552 = vector.broadcast %xor3A_1551 : i32 to vector<16xi32>
      %xor3A_1553 = arith.xori %iota3A, %xor3A_1552 : vector<16xi32>
      %broadcast_in_dim3A_1554 = vector.shape_cast %xor3A_1553 : vector<16xi32> to vector<16x1xi32>
      %gather3A_1555 = vector.shape_cast %broadcast_in_dim3A_1554 : vector<16x1xi32> to vector<16xi32>
      %gather3A_1556 = tpu.dynamic_gather %add3A_1550[%gather3A_1555] in [0] : vector<16xf32>, vector<16xi32> -> vector<16xf32>
      %add3A_1557 = arith.addf %add3A_1550, %gather3A_1556 : vector<16xf32>
      %xor3A_1558 = arith.constant 4 : i32
      %xor3A_1559 = vector.broadcast %xor3A_1558 : i32 to vector<16xi32>
      %xor3A_1560 = arith.xori %iota3A, %xor3A_1559 : vector<16xi32>
      %broadcast_in_dim3A_1561 = vector.shape_cast %xor3A_1560 : vector<16xi32> to vector<16x1xi32>
      %gather3A_1562 = vector.shape_cast %broadcast_in_dim3A_1561 : vector<16x1xi32> to vector<16xi32>
      %gather3A_1563 = tpu.dynamic_gather %add3A_1557[%gather3A_1562] in [0] : vector<16xf32>, vector<16xi32> -> vector<16xf32>
      %add3A_1564 = arith.addf %add3A_1557, %gather3A_1563 : vector<16xf32>
      %xor3A_1565 = arith.constant 8 : i32
      %xor3A_1566 = vector.broadcast %xor3A_1565 : i32 to vector<16xi32>
      %xor3A_1567 = arith.xori %iota3A, %xor3A_1566 : vector<16xi32>
      %broadcast_in_dim3A_1568 = vector.shape_cast %xor3A_1567 : vector<16xi32> to vector<16x1xi32>
      %gather3A_1569 = vector.shape_cast %broadcast_in_dim3A_1568 : vector<16x1xi32> to vector<16xi32>
      %gather3A_1570 = tpu.dynamic_gather %add3A_1564[%gather3A_1569] in [0] : vector<16xf32>, vector<16xi32> -> vector<16xf32>
      %add3A_1571 = arith.addf %add3A_1564, %gather3A_1570 : vector<16xf32>
      %add3A_1572 = arith.addf %add3A_1571, %gather3A_1511 : vector<16xf32>
      %max3A_1573 = arith.constant 0.000000e+00 : f32
      %max3A_1574 = vector.broadcast %max3A_1573 : f32 to vector<16xf32>
      %max3A_1575 = arith.maximumf %add3A_1572, %max3A_1574 : vector<16xf32>
      %mul3A_1576 = arith.mulf %convert_element_type3A_24, %max3A_1543 : vector<16xf32>
      %mul3A_1577 = arith.mulf %sub3A_27, %max3A_1575 : vector<16xf32>
      %add3A_1578 = arith.addf %mul3A_1576, %mul3A_1577 : vector<16xf32>
      %get3A_1579 = arith.constant 4 : i32
      %get3A_1580 = arith.index_cast %get3A_1579 : i32 to index
      %get3A_1581 = arith.constant 0 : index
      %get3A_1582 = tpu.vector_load %arg12[%get3A_1580, %get3A_1581] {strides = array<i32>} : memref<12x16xf32, #tpu.memory_space<vmem>>, vector<1x16xf32>,
      %get3A_1583 = vector.shape_cast %get3A_1582 : vector<1x16xf32> to vector<16xf32>
      %mul3A_1584 = arith.mulf %add3A_1578, %get3A_1583 : vector<16xf32>
      %add3A_1585 = arith.addf %add3A_1274, %mul3A_1584 : vector<16xf32>
      %broadcast_in_dim3A_1586 = arith.constant 0.000000e+00 : f32
      %broadcast_in_dim3A_1587 = vector.broadcast %broadcast_in_dim3A_1586 : f32 to vector<16xf32>
      %broadcast_in_dim3A_1588 = arith.constant 0.000000e+00 : f32
      %broadcast_in_dim3A_1589 = vector.broadcast %broadcast_in_dim3A_1588 : f32 to vector<16xf32>
      %get3A_1590 = arith.constant 5 : i32
      %get3A_1591 = arith.index_cast %get3A_1590 : i32 to index
      %get3A_1592 = arith.constant 0 : index
      %get3A_1593 = tpu.vector_load %arg10[%get3A_1591, %get3A_1592] {strides = array<i32>} : memref<12x192xf32, #tpu.memory_space<vmem>>, vector<1x16xf32>,
      %get3A_1594 = vector.shape_cast %get3A_1593 : vector<1x16xf32> to vector<16xf32>
      %get3A_1595 = arith.constant 0 : i32
      %get3A_1596 = arith.index_cast %get3A_1595 : i32 to index
      %get3A_1597 = arith.constant 0 : index
      %get3A_1598 = tpu.vector_load %arg9[%get3A_1596, %get3A_1597] {strides = array<i32>} : memref<2x192xf32, #tpu.memory_space<vmem>>, vector<1x16xf32>,
      %get3A_1599 = vector.shape_cast %get3A_1598 : vector<1x16xf32> to vector<16xf32>
      %mul3A_1600 = arith.mulf %get3A_1599, %get3A_1594 : vector<16xf32>
      %add3A_1601 = arith.addf %broadcast_in_dim3A_1587, %mul3A_1600 : vector<16xf32>
      %get3A_1602 = arith.constant 1 : i32
      %get3A_1603 = arith.index_cast %get3A_1602 : i32 to index
      %get3A_1604 = arith.constant 0 : index
      %get3A_1605 = tpu.vector_load %arg9[%get3A_1603, %get3A_1604] {strides = array<i32>} : memref<2x192xf32, #tpu.memory_space<vmem>>, vector<1x16xf32>,
      %get3A_1606 = vector.shape_cast %get3A_1605 : vector<1x16xf32> to vector<16xf32>
      %mul3A_1607 = arith.mulf %get3A_1606, %get3A_1594 : vector<16xf32>
      %add3A_1608 = arith.addf %broadcast_in_dim3A_1589, %mul3A_1607 : vector<16xf32>
      %get3A_1609 = arith.constant 5 : i32
      %get3A_1610 = arith.index_cast %get3A_1609 : i32 to index
      %get3A_1611 = arith.constant 16 : index
      %get3A_1612 = tpu.vector_load %arg10[%get3A_1610, %get3A_1611] {strides = array<i32>} : memref<12x192xf32, #tpu.memory_space<vmem>>, vector<1x16xf32>,
      %get3A_1613 = vector.shape_cast %get3A_1612 : vector<1x16xf32> to vector<16xf32>
      %get3A_1614 = arith.constant 0 : i32
      %get3A_1615 = arith.index_cast %get3A_1614 : i32 to index
      %get3A_1616 = arith.constant 16 : index
      %get3A_1617 = tpu.vector_load %arg9[%get3A_1615, %get3A_1616] {strides = array<i32>} : memref<2x192xf32, #tpu.memory_space<vmem>>, vector<1x16xf32>,
      %get3A_1618 = vector.shape_cast %get3A_1617 : vector<1x16xf32> to vector<16xf32>
      %mul3A_1619 = arith.mulf %get3A_1618, %get3A_1613 : vector<16xf32>
      %add3A_1620 = arith.addf %add3A_1601, %mul3A_1619 : vector<16xf32>
      %get3A_1621 = arith.constant 1 : i32
      %get3A_1622 = arith.index_cast %get3A_1621 : i32 to index
      %get3A_1623 = arith.constant 16 : index
      %get3A_1624 = tpu.vector_load %arg9[%get3A_1622, %get3A_1623] {strides = array<i32>} : memref<2x192xf32, #tpu.memory_space<vmem>>, vector<1x16xf32>,
      %get3A_1625 = vector.shape_cast %get3A_1624 : vector<1x16xf32> to vector<16xf32>
      %mul3A_1626 = arith.mulf %get3A_1625, %get3A_1613 : vector<16xf32>
      %add3A_1627 = arith.addf %add3A_1608, %mul3A_1626 : vector<16xf32>
      %get3A_1628 = arith.constant 5 : i32
      %get3A_1629 = arith.index_cast %get3A_1628 : i32 to index
      %get3A_1630 = arith.constant 32 : index
      %get3A_1631 = tpu.vector_load %arg10[%get3A_1629, %get3A_1630] {strides = array<i32>} : memref<12x192xf32, #tpu.memory_space<vmem>>, vector<1x16xf32>,
      %get3A_1632 = vector.shape_cast %get3A_1631 : vector<1x16xf32> to vector<16xf32>
      %get3A_1633 = arith.constant 0 : i32
      %get3A_1634 = arith.index_cast %get3A_1633 : i32 to index
      %get3A_1635 = arith.constant 32 : index
      %get3A_1636 = tpu.vector_load %arg9[%get3A_1634, %get3A_1635] {strides = array<i32>} : memref<2x192xf32, #tpu.memory_space<vmem>>, vector<1x16xf32>,
      %get3A_1637 = vector.shape_cast %get3A_1636 : vector<1x16xf32> to vector<16xf32>
      %mul3A_1638 = arith.mulf %get3A_1637, %get3A_1632 : vector<16xf32>
      %add3A_1639 = arith.addf %add3A_1620, %mul3A_1638 : vector<16xf32>
      %get3A_1640 = arith.constant 1 : i32
      %get3A_1641 = arith.index_cast %get3A_1640 : i32 to index
      %get3A_1642 = arith.constant 32 : index
      %get3A_1643 = tpu.vector_load %arg9[%get3A_1641, %get3A_1642] {strides = array<i32>} : memref<2x192xf32, #tpu.memory_space<vmem>>, vector<1x16xf32>,
      %get3A_1644 = vector.shape_cast %get3A_1643 : vector<1x16xf32> to vector<16xf32>
      %mul3A_1645 = arith.mulf %get3A_1644, %get3A_1632 : vector<16xf32>
      %add3A_1646 = arith.addf %add3A_1627, %mul3A_1645 : vector<16xf32>
      %get3A_1647 = arith.constant 5 : i32
      %get3A_1648 = arith.index_cast %get3A_1647 : i32 to index
      %get3A_1649 = arith.constant 48 : index
      %get3A_1650 = tpu.vector_load %arg10[%get3A_1648, %get3A_1649] {strides = array<i32>} : memref<12x192xf32, #tpu.memory_space<vmem>>, vector<1x16xf32>,
      %get3A_1651 = vector.shape_cast %get3A_1650 : vector<1x16xf32> to vector<16xf32>
      %get3A_1652 = arith.constant 0 : i32
      %get3A_1653 = arith.index_cast %get3A_1652 : i32 to index
      %get3A_1654 = arith.constant 48 : index
      %get3A_1655 = tpu.vector_load %arg9[%get3A_1653, %get3A_1654] {strides = array<i32>} : memref<2x192xf32, #tpu.memory_space<vmem>>, vector<1x16xf32>,
      %get3A_1656 = vector.shape_cast %get3A_1655 : vector<1x16xf32> to vector<16xf32>
      %mul3A_1657 = arith.mulf %get3A_1656, %get3A_1651 : vector<16xf32>
      %add3A_1658 = arith.addf %add3A_1639, %mul3A_1657 : vector<16xf32>
      %get3A_1659 = arith.constant 1 : i32
      %get3A_1660 = arith.index_cast %get3A_1659 : i32 to index
      %get3A_1661 = arith.constant 48 : index
      %get3A_1662 = tpu.vector_load %arg9[%get3A_1660, %get3A_1661] {strides = array<i32>} : memref<2x192xf32, #tpu.memory_space<vmem>>, vector<1x16xf32>,
      %get3A_1663 = vector.shape_cast %get3A_1662 : vector<1x16xf32> to vector<16xf32>
      %mul3A_1664 = arith.mulf %get3A_1663, %get3A_1651 : vector<16xf32>
      %add3A_1665 = arith.addf %add3A_1646, %mul3A_1664 : vector<16xf32>
      %get3A_1666 = arith.constant 5 : i32
      %get3A_1667 = arith.index_cast %get3A_1666 : i32 to index
      %get3A_1668 = arith.constant 64 : index
      %get3A_1669 = tpu.vector_load %arg10[%get3A_1667, %get3A_1668] {strides = array<i32>} : memref<12x192xf32, #tpu.memory_space<vmem>>, vector<1x16xf32>,
      %get3A_1670 = vector.shape_cast %get3A_1669 : vector<1x16xf32> to vector<16xf32>
      %get3A_1671 = arith.constant 0 : i32
      %get3A_1672 = arith.index_cast %get3A_1671 : i32 to index
      %get3A_1673 = arith.constant 64 : index
      %get3A_1674 = tpu.vector_load %arg9[%get3A_1672, %get3A_1673] {strides = array<i32>} : memref<2x192xf32, #tpu.memory_space<vmem>>, vector<1x16xf32>,
      %get3A_1675 = vector.shape_cast %get3A_1674 : vector<1x16xf32> to vector<16xf32>
      %mul3A_1676 = arith.mulf %get3A_1675, %get3A_1670 : vector<16xf32>
      %add3A_1677 = arith.addf %add3A_1658, %mul3A_1676 : vector<16xf32>
      %get3A_1678 = arith.constant 1 : i32
      %get3A_1679 = arith.index_cast %get3A_1678 : i32 to index
      %get3A_1680 = arith.constant 64 : index
      %get3A_1681 = tpu.vector_load %arg9[%get3A_1679, %get3A_1680] {strides = array<i32>} : memref<2x192xf32, #tpu.memory_space<vmem>>, vector<1x16xf32>,
      %get3A_1682 = vector.shape_cast %get3A_1681 : vector<1x16xf32> to vector<16xf32>
      %mul3A_1683 = arith.mulf %get3A_1682, %get3A_1670 : vector<16xf32>
      %add3A_1684 = arith.addf %add3A_1665, %mul3A_1683 : vector<16xf32>
      %get3A_1685 = arith.constant 5 : i32
      %get3A_1686 = arith.index_cast %get3A_1685 : i32 to index
      %get3A_1687 = arith.constant 80 : index
      %get3A_1688 = tpu.vector_load %arg10[%get3A_1686, %get3A_1687] {strides = array<i32>} : memref<12x192xf32, #tpu.memory_space<vmem>>, vector<1x16xf32>,
      %get3A_1689 = vector.shape_cast %get3A_1688 : vector<1x16xf32> to vector<16xf32>
      %get3A_1690 = arith.constant 0 : i32
      %get3A_1691 = arith.index_cast %get3A_1690 : i32 to index
      %get3A_1692 = arith.constant 80 : index
      %get3A_1693 = tpu.vector_load %arg9[%get3A_1691, %get3A_1692] {strides = array<i32>} : memref<2x192xf32, #tpu.memory_space<vmem>>, vector<1x16xf32>,
      %get3A_1694 = vector.shape_cast %get3A_1693 : vector<1x16xf32> to vector<16xf32>
      %mul3A_1695 = arith.mulf %get3A_1694, %get3A_1689 : vector<16xf32>
      %add3A_1696 = arith.addf %add3A_1677, %mul3A_1695 : vector<16xf32>
      %get3A_1697 = arith.constant 1 : i32
      %get3A_1698 = arith.index_cast %get3A_1697 : i32 to index
      %get3A_1699 = arith.constant 80 : index
      %get3A_1700 = tpu.vector_load %arg9[%get3A_1698, %get3A_1699] {strides = array<i32>} : memref<2x192xf32, #tpu.memory_space<vmem>>, vector<1x16xf32>,
      %get3A_1701 = vector.shape_cast %get3A_1700 : vector<1x16xf32> to vector<16xf32>
      %mul3A_1702 = arith.mulf %get3A_1701, %get3A_1689 : vector<16xf32>
      %add3A_1703 = arith.addf %add3A_1684, %mul3A_1702 : vector<16xf32>
      %get3A_1704 = arith.constant 5 : i32
      %get3A_1705 = arith.index_cast %get3A_1704 : i32 to index
      %get3A_1706 = arith.constant 96 : index
      %get3A_1707 = tpu.vector_load %arg10[%get3A_1705, %get3A_1706] {strides = array<i32>} : memref<12x192xf32, #tpu.memory_space<vmem>>, vector<1x16xf32>,
      %get3A_1708 = vector.shape_cast %get3A_1707 : vector<1x16xf32> to vector<16xf32>
      %get3A_1709 = arith.constant 0 : i32
      %get3A_1710 = arith.index_cast %get3A_1709 : i32 to index
      %get3A_1711 = arith.constant 96 : index
      %get3A_1712 = tpu.vector_load %arg9[%get3A_1710, %get3A_1711] {strides = array<i32>} : memref<2x192xf32, #tpu.memory_space<vmem>>, vector<1x16xf32>,
      %get3A_1713 = vector.shape_cast %get3A_1712 : vector<1x16xf32> to vector<16xf32>
      %mul3A_1714 = arith.mulf %get3A_1713, %get3A_1708 : vector<16xf32>
      %add3A_1715 = arith.addf %add3A_1696, %mul3A_1714 : vector<16xf32>
      %get3A_1716 = arith.constant 1 : i32
      %get3A_1717 = arith.index_cast %get3A_1716 : i32 to index
      %get3A_1718 = arith.constant 96 : index
      %get3A_1719 = tpu.vector_load %arg9[%get3A_1717, %get3A_1718] {strides = array<i32>} : memref<2x192xf32, #tpu.memory_space<vmem>>, vector<1x16xf32>,
      %get3A_1720 = vector.shape_cast %get3A_1719 : vector<1x16xf32> to vector<16xf32>
      %mul3A_1721 = arith.mulf %get3A_1720, %get3A_1708 : vector<16xf32>
      %add3A_1722 = arith.addf %add3A_1703, %mul3A_1721 : vector<16xf32>
      %get3A_1723 = arith.constant 5 : i32
      %get3A_1724 = arith.index_cast %get3A_1723 : i32 to index
      %get3A_1725 = arith.constant 112 : index
      %get3A_1726 = tpu.vector_load %arg10[%get3A_1724, %get3A_1725] {strides = array<i32>} : memref<12x192xf32, #tpu.memory_space<vmem>>, vector<1x16xf32>,
      %get3A_1727 = vector.shape_cast %get3A_1726 : vector<1x16xf32> to vector<16xf32>
      %get3A_1728 = arith.constant 0 : i32
      %get3A_1729 = arith.index_cast %get3A_1728 : i32 to index
      %get3A_1730 = arith.constant 112 : index
      %get3A_1731 = tpu.vector_load %arg9[%get3A_1729, %get3A_1730] {strides = array<i32>} : memref<2x192xf32, #tpu.memory_space<vmem>>, vector<1x16xf32>,
      %get3A_1732 = vector.shape_cast %get3A_1731 : vector<1x16xf32> to vector<16xf32>
      %mul3A_1733 = arith.mulf %get3A_1732, %get3A_1727 : vector<16xf32>
      %add3A_1734 = arith.addf %add3A_1715, %mul3A_1733 : vector<16xf32>
      %get3A_1735 = arith.constant 1 : i32
      %get3A_1736 = arith.index_cast %get3A_1735 : i32 to index
      %get3A_1737 = arith.constant 112 : index
      %get3A_1738 = tpu.vector_load %arg9[%get3A_1736, %get3A_1737] {strides = array<i32>} : memref<2x192xf32, #tpu.memory_space<vmem>>, vector<1x16xf32>,
      %get3A_1739 = vector.shape_cast %get3A_1738 : vector<1x16xf32> to vector<16xf32>
      %mul3A_1740 = arith.mulf %get3A_1739, %get3A_1727 : vector<16xf32>
      %add3A_1741 = arith.addf %add3A_1722, %mul3A_1740 : vector<16xf32>
      %get3A_1742 = arith.constant 5 : i32
      %get3A_1743 = arith.index_cast %get3A_1742 : i32 to index
      %get3A_1744 = arith.constant 128 : index
      %get3A_1745 = tpu.vector_load %arg10[%get3A_1743, %get3A_1744] {strides = array<i32>} : memref<12x192xf32, #tpu.memory_space<vmem>>, vector<1x16xf32>,
      %get3A_1746 = vector.shape_cast %get3A_1745 : vector<1x16xf32> to vector<16xf32>
      %get3A_1747 = arith.constant 0 : i32
      %get3A_1748 = arith.index_cast %get3A_1747 : i32 to index
      %get3A_1749 = arith.constant 128 : index
      %get3A_1750 = tpu.vector_load %arg9[%get3A_1748, %get3A_1749] {strides = array<i32>} : memref<2x192xf32, #tpu.memory_space<vmem>>, vector<1x16xf32>,
      %get3A_1751 = vector.shape_cast %get3A_1750 : vector<1x16xf32> to vector<16xf32>
      %mul3A_1752 = arith.mulf %get3A_1751, %get3A_1746 : vector<16xf32>
      %add3A_1753 = arith.addf %add3A_1734, %mul3A_1752 : vector<16xf32>
      %get3A_1754 = arith.constant 1 : i32
      %get3A_1755 = arith.index_cast %get3A_1754 : i32 to index
      %get3A_1756 = arith.constant 128 : index
      %get3A_1757 = tpu.vector_load %arg9[%get3A_1755, %get3A_1756] {strides = array<i32>} : memref<2x192xf32, #tpu.memory_space<vmem>>, vector<1x16xf32>,
      %get3A_1758 = vector.shape_cast %get3A_1757 : vector<1x16xf32> to vector<16xf32>
      %mul3A_1759 = arith.mulf %get3A_1758, %get3A_1746 : vector<16xf32>
      %add3A_1760 = arith.addf %add3A_1741, %mul3A_1759 : vector<16xf32>
      %get3A_1761 = arith.constant 5 : i32
      %get3A_1762 = arith.index_cast %get3A_1761 : i32 to index
      %get3A_1763 = arith.constant 144 : index
      %get3A_1764 = tpu.vector_load %arg10[%get3A_1762, %get3A_1763] {strides = array<i32>} : memref<12x192xf32, #tpu.memory_space<vmem>>, vector<1x16xf32>,
      %get3A_1765 = vector.shape_cast %get3A_1764 : vector<1x16xf32> to vector<16xf32>
      %get3A_1766 = arith.constant 0 : i32
      %get3A_1767 = arith.index_cast %get3A_1766 : i32 to index
      %get3A_1768 = arith.constant 144 : index
      %get3A_1769 = tpu.vector_load %arg9[%get3A_1767, %get3A_1768] {strides = array<i32>} : memref<2x192xf32, #tpu.memory_space<vmem>>, vector<1x16xf32>,
      %get3A_1770 = vector.shape_cast %get3A_1769 : vector<1x16xf32> to vector<16xf32>
      %mul3A_1771 = arith.mulf %get3A_1770, %get3A_1765 : vector<16xf32>
      %add3A_1772 = arith.addf %add3A_1753, %mul3A_1771 : vector<16xf32>
      %get3A_1773 = arith.constant 1 : i32
      %get3A_1774 = arith.index_cast %get3A_1773 : i32 to index
      %get3A_1775 = arith.constant 144 : index
      %get3A_1776 = tpu.vector_load %arg9[%get3A_1774, %get3A_1775] {strides = array<i32>} : memref<2x192xf32, #tpu.memory_space<vmem>>, vector<1x16xf32>,
      %get3A_1777 = vector.shape_cast %get3A_1776 : vector<1x16xf32> to vector<16xf32>
      %mul3A_1778 = arith.mulf %get3A_1777, %get3A_1765 : vector<16xf32>
      %add3A_1779 = arith.addf %add3A_1760, %mul3A_1778 : vector<16xf32>
      %get3A_1780 = arith.constant 5 : i32
      %get3A_1781 = arith.index_cast %get3A_1780 : i32 to index
      %get3A_1782 = arith.constant 160 : index
      %get3A_1783 = tpu.vector_load %arg10[%get3A_1781, %get3A_1782] {strides = array<i32>} : memref<12x192xf32, #tpu.memory_space<vmem>>, vector<1x16xf32>,
      %get3A_1784 = vector.shape_cast %get3A_1783 : vector<1x16xf32> to vector<16xf32>
      %get3A_1785 = arith.constant 0 : i32
      %get3A_1786 = arith.index_cast %get3A_1785 : i32 to index
      %get3A_1787 = arith.constant 160 : index
      %get3A_1788 = tpu.vector_load %arg9[%get3A_1786, %get3A_1787] {strides = array<i32>} : memref<2x192xf32, #tpu.memory_space<vmem>>, vector<1x16xf32>,
      %get3A_1789 = vector.shape_cast %get3A_1788 : vector<1x16xf32> to vector<16xf32>
      %mul3A_1790 = arith.mulf %get3A_1789, %get3A_1784 : vector<16xf32>
      %add3A_1791 = arith.addf %add3A_1772, %mul3A_1790 : vector<16xf32>
      %get3A_1792 = arith.constant 1 : i32
      %get3A_1793 = arith.index_cast %get3A_1792 : i32 to index
      %get3A_1794 = arith.constant 160 : index
      %get3A_1795 = tpu.vector_load %arg9[%get3A_1793, %get3A_1794] {strides = array<i32>} : memref<2x192xf32, #tpu.memory_space<vmem>>, vector<1x16xf32>,
      %get3A_1796 = vector.shape_cast %get3A_1795 : vector<1x16xf32> to vector<16xf32>
      %mul3A_1797 = arith.mulf %get3A_1796, %get3A_1784 : vector<16xf32>
      %add3A_1798 = arith.addf %add3A_1779, %mul3A_1797 : vector<16xf32>
      %get3A_1799 = arith.constant 5 : i32
      %get3A_1800 = arith.index_cast %get3A_1799 : i32 to index
      %get3A_1801 = arith.constant 176 : index
      %get3A_1802 = tpu.vector_load %arg10[%get3A_1800, %get3A_1801] {strides = array<i32>} : memref<12x192xf32, #tpu.memory_space<vmem>>, vector<1x16xf32>,
      %get3A_1803 = vector.shape_cast %get3A_1802 : vector<1x16xf32> to vector<16xf32>
      %get3A_1804 = arith.constant 0 : i32
      %get3A_1805 = arith.index_cast %get3A_1804 : i32 to index
      %get3A_1806 = arith.constant 176 : index
      %get3A_1807 = tpu.vector_load %arg9[%get3A_1805, %get3A_1806] {strides = array<i32>} : memref<2x192xf32, #tpu.memory_space<vmem>>, vector<1x16xf32>,
      %get3A_1808 = vector.shape_cast %get3A_1807 : vector<1x16xf32> to vector<16xf32>
      %mul3A_1809 = arith.mulf %get3A_1808, %get3A_1803 : vector<16xf32>
      %add3A_1810 = arith.addf %add3A_1791, %mul3A_1809 : vector<16xf32>
      %get3A_1811 = arith.constant 1 : i32
      %get3A_1812 = arith.index_cast %get3A_1811 : i32 to index
      %get3A_1813 = arith.constant 176 : index
      %get3A_1814 = tpu.vector_load %arg9[%get3A_1812, %get3A_1813] {strides = array<i32>} : memref<2x192xf32, #tpu.memory_space<vmem>>, vector<1x16xf32>,
      %get3A_1815 = vector.shape_cast %get3A_1814 : vector<1x16xf32> to vector<16xf32>
      %mul3A_1816 = arith.mulf %get3A_1815, %get3A_1803 : vector<16xf32>
      %add3A_1817 = arith.addf %add3A_1798, %mul3A_1816 : vector<16xf32>
      %broadcast_in_dim3A_1818 = arith.constant 5 : i32
      %broadcast_in_dim3A_1819 = vector.broadcast %broadcast_in_dim3A_1818 : i32 to vector<16xi32>
      %broadcast_in_dim3A_1820 = vector.shape_cast %broadcast_in_dim3A_1819 : vector<16xi32> to vector<16x1xi32>
      %gather3A_1821 = vector.shape_cast %broadcast_in_dim3A_1820 : vector<16x1xi32> to vector<16xi32>
      %gather3A_1822 = tpu.dynamic_gather %get3A_29[%gather3A_1821] in [0] : vector<16xf32>, vector<16xi32> -> vector<16xf32>
      %xor3A_1823 = arith.constant 1 : i32
      %xor3A_1824 = vector.broadcast %xor3A_1823 : i32 to vector<16xi32>
      %xor3A_1825 = arith.xori %iota3A, %xor3A_1824 : vector<16xi32>
      %broadcast_in_dim3A_1826 = vector.shape_cast %xor3A_1825 : vector<16xi32> to vector<16x1xi32>
      %gather3A_1827 = vector.shape_cast %broadcast_in_dim3A_1826 : vector<16x1xi32> to vector<16xi32>
      %gather3A_1828 = tpu.dynamic_gather %add3A_1810[%gather3A_1827] in [0] : vector<16xf32>, vector<16xi32> -> vector<16xf32>
      %add3A_1829 = arith.addf %add3A_1810, %gather3A_1828 : vector<16xf32>
      %xor3A_1830 = arith.constant 2 : i32
      %xor3A_1831 = vector.broadcast %xor3A_1830 : i32 to vector<16xi32>
      %xor3A_1832 = arith.xori %iota3A, %xor3A_1831 : vector<16xi32>
      %broadcast_in_dim3A_1833 = vector.shape_cast %xor3A_1832 : vector<16xi32> to vector<16x1xi32>
      %gather3A_1834 = vector.shape_cast %broadcast_in_dim3A_1833 : vector<16x1xi32> to vector<16xi32>
      %gather3A_1835 = tpu.dynamic_gather %add3A_1829[%gather3A_1834] in [0] : vector<16xf32>, vector<16xi32> -> vector<16xf32>
      %add3A_1836 = arith.addf %add3A_1829, %gather3A_1835 : vector<16xf32>
      %xor3A_1837 = arith.constant 4 : i32
      %xor3A_1838 = vector.broadcast %xor3A_1837 : i32 to vector<16xi32>
      %xor3A_1839 = arith.xori %iota3A, %xor3A_1838 : vector<16xi32>
      %broadcast_in_dim3A_1840 = vector.shape_cast %xor3A_1839 : vector<16xi32> to vector<16x1xi32>
      %gather3A_1841 = vector.shape_cast %broadcast_in_dim3A_1840 : vector<16x1xi32> to vector<16xi32>
      %gather3A_1842 = tpu.dynamic_gather %add3A_1836[%gather3A_1841] in [0] : vector<16xf32>, vector<16xi32> -> vector<16xf32>
      %add3A_1843 = arith.addf %add3A_1836, %gather3A_1842 : vector<16xf32>
      %xor3A_1844 = arith.constant 8 : i32
      %xor3A_1845 = vector.broadcast %xor3A_1844 : i32 to vector<16xi32>
      %xor3A_1846 = arith.xori %iota3A, %xor3A_1845 : vector<16xi32>
      %broadcast_in_dim3A_1847 = vector.shape_cast %xor3A_1846 : vector<16xi32> to vector<16x1xi32>
      %gather3A_1848 = vector.shape_cast %broadcast_in_dim3A_1847 : vector<16x1xi32> to vector<16xi32>
      %gather3A_1849 = tpu.dynamic_gather %add3A_1843[%gather3A_1848] in [0] : vector<16xf32>, vector<16xi32> -> vector<16xf32>
      %add3A_1850 = arith.addf %add3A_1843, %gather3A_1849 : vector<16xf32>
      %add3A_1851 = arith.addf %add3A_1850, %gather3A_1822 : vector<16xf32>
      %max3A_1852 = arith.constant 0.000000e+00 : f32
      %max3A_1853 = vector.broadcast %max3A_1852 : f32 to vector<16xf32>
      %max3A_1854 = arith.maximumf %add3A_1851, %max3A_1853 : vector<16xf32>
      %xor3A_1855 = arith.constant 1 : i32
      %xor3A_1856 = vector.broadcast %xor3A_1855 : i32 to vector<16xi32>
      %xor3A_1857 = arith.xori %iota3A, %xor3A_1856 : vector<16xi32>
      %broadcast_in_dim3A_1858 = vector.shape_cast %xor3A_1857 : vector<16xi32> to vector<16x1xi32>
      %gather3A_1859 = vector.shape_cast %broadcast_in_dim3A_1858 : vector<16x1xi32> to vector<16xi32>
      %gather3A_1860 = tpu.dynamic_gather %add3A_1817[%gather3A_1859] in [0] : vector<16xf32>, vector<16xi32> -> vector<16xf32>
      %add3A_1861 = arith.addf %add3A_1817, %gather3A_1860 : vector<16xf32>
      %xor3A_1862 = arith.constant 2 : i32
      %xor3A_1863 = vector.broadcast %xor3A_1862 : i32 to vector<16xi32>
      %xor3A_1864 = arith.xori %iota3A, %xor3A_1863 : vector<16xi32>
      %broadcast_in_dim3A_1865 = vector.shape_cast %xor3A_1864 : vector<16xi32> to vector<16x1xi32>
      %gather3A_1866 = vector.shape_cast %broadcast_in_dim3A_1865 : vector<16x1xi32> to vector<16xi32>
      %gather3A_1867 = tpu.dynamic_gather %add3A_1861[%gather3A_1866] in [0] : vector<16xf32>, vector<16xi32> -> vector<16xf32>
      %add3A_1868 = arith.addf %add3A_1861, %gather3A_1867 : vector<16xf32>
      %xor3A_1869 = arith.constant 4 : i32
      %xor3A_1870 = vector.broadcast %xor3A_1869 : i32 to vector<16xi32>
      %xor3A_1871 = arith.xori %iota3A, %xor3A_1870 : vector<16xi32>
      %broadcast_in_dim3A_1872 = vector.shape_cast %xor3A_1871 : vector<16xi32> to vector<16x1xi32>
      %gather3A_1873 = vector.shape_cast %broadcast_in_dim3A_1872 : vector<16x1xi32> to vector<16xi32>
      %gather3A_1874 = tpu.dynamic_gather %add3A_1868[%gather3A_1873] in [0] : vector<16xf32>, vector<16xi32> -> vector<16xf32>
      %add3A_1875 = arith.addf %add3A_1868, %gather3A_1874 : vector<16xf32>
      %xor3A_1876 = arith.constant 8 : i32
      %xor3A_1877 = vector.broadcast %xor3A_1876 : i32 to vector<16xi32>
      %xor3A_1878 = arith.xori %iota3A, %xor3A_1877 : vector<16xi32>
      %broadcast_in_dim3A_1879 = vector.shape_cast %xor3A_1878 : vector<16xi32> to vector<16x1xi32>
      %gather3A_1880 = vector.shape_cast %broadcast_in_dim3A_1879 : vector<16x1xi32> to vector<16xi32>
      %gather3A_1881 = tpu.dynamic_gather %add3A_1875[%gather3A_1880] in [0] : vector<16xf32>, vector<16xi32> -> vector<16xf32>
      %add3A_1882 = arith.addf %add3A_1875, %gather3A_1881 : vector<16xf32>
      %add3A_1883 = arith.addf %add3A_1882, %gather3A_1822 : vector<16xf32>
      %max3A_1884 = arith.constant 0.000000e+00 : f32
      %max3A_1885 = vector.broadcast %max3A_1884 : f32 to vector<16xf32>
      %max3A_1886 = arith.maximumf %add3A_1883, %max3A_1885 : vector<16xf32>
      %mul3A_1887 = arith.mulf %convert_element_type3A_24, %max3A_1854 : vector<16xf32>
      %mul3A_1888 = arith.mulf %sub3A_27, %max3A_1886 : vector<16xf32>
      %add3A_1889 = arith.addf %mul3A_1887, %mul3A_1888 : vector<16xf32>
      %get3A_1890 = arith.constant 5 : i32
      %get3A_1891 = arith.index_cast %get3A_1890 : i32 to index
      %get3A_1892 = arith.constant 0 : index
      %get3A_1893 = tpu.vector_load %arg12[%get3A_1891, %get3A_1892] {strides = array<i32>} : memref<12x16xf32, #tpu.memory_space<vmem>>, vector<1x16xf32>,
      %get3A_1894 = vector.shape_cast %get3A_1893 : vector<1x16xf32> to vector<16xf32>
      %mul3A_1895 = arith.mulf %add3A_1889, %get3A_1894 : vector<16xf32>
      %add3A_1896 = arith.addf %add3A_1585, %mul3A_1895 : vector<16xf32>
      %broadcast_in_dim3A_1897 = arith.constant 0.000000e+00 : f32
      %broadcast_in_dim3A_1898 = vector.broadcast %broadcast_in_dim3A_1897 : f32 to vector<16xf32>
      %broadcast_in_dim3A_1899 = arith.constant 0.000000e+00 : f32
      %broadcast_in_dim3A_1900 = vector.broadcast %broadcast_in_dim3A_1899 : f32 to vector<16xf32>
      %get3A_1901 = arith.constant 6 : i32
      %get3A_1902 = arith.index_cast %get3A_1901 : i32 to index
      %get3A_1903 = arith.constant 0 : index
      %get3A_1904 = tpu.vector_load %arg10[%get3A_1902, %get3A_1903] {strides = array<i32>} : memref<12x192xf32, #tpu.memory_space<vmem>>, vector<1x16xf32>,
      %get3A_1905 = vector.shape_cast %get3A_1904 : vector<1x16xf32> to vector<16xf32>
      %get3A_1906 = arith.constant 0 : i32
      %get3A_1907 = arith.index_cast %get3A_1906 : i32 to index
      %get3A_1908 = arith.constant 0 : index
      %get3A_1909 = tpu.vector_load %arg9[%get3A_1907, %get3A_1908] {strides = array<i32>} : memref<2x192xf32, #tpu.memory_space<vmem>>, vector<1x16xf32>,
      %get3A_1910 = vector.shape_cast %get3A_1909 : vector<1x16xf32> to vector<16xf32>
      %mul3A_1911 = arith.mulf %get3A_1910, %get3A_1905 : vector<16xf32>
      %add3A_1912 = arith.addf %broadcast_in_dim3A_1898, %mul3A_1911 : vector<16xf32>
      %get3A_1913 = arith.constant 1 : i32
      %get3A_1914 = arith.index_cast %get3A_1913 : i32 to index
      %get3A_1915 = arith.constant 0 : index
      %get3A_1916 = tpu.vector_load %arg9[%get3A_1914, %get3A_1915] {strides = array<i32>} : memref<2x192xf32, #tpu.memory_space<vmem>>, vector<1x16xf32>,
      %get3A_1917 = vector.shape_cast %get3A_1916 : vector<1x16xf32> to vector<16xf32>
      %mul3A_1918 = arith.mulf %get3A_1917, %get3A_1905 : vector<16xf32>
      %add3A_1919 = arith.addf %broadcast_in_dim3A_1900, %mul3A_1918 : vector<16xf32>
      %get3A_1920 = arith.constant 6 : i32
      %get3A_1921 = arith.index_cast %get3A_1920 : i32 to index
      %get3A_1922 = arith.constant 16 : index
      %get3A_1923 = tpu.vector_load %arg10[%get3A_1921, %get3A_1922] {strides = array<i32>} : memref<12x192xf32, #tpu.memory_space<vmem>>, vector<1x16xf32>,
      %get3A_1924 = vector.shape_cast %get3A_1923 : vector<1x16xf32> to vector<16xf32>
      %get3A_1925 = arith.constant 0 : i32
      %get3A_1926 = arith.index_cast %get3A_1925 : i32 to index
      %get3A_1927 = arith.constant 16 : index
      %get3A_1928 = tpu.vector_load %arg9[%get3A_1926, %get3A_1927] {strides = array<i32>} : memref<2x192xf32, #tpu.memory_space<vmem>>, vector<1x16xf32>,
      %get3A_1929 = vector.shape_cast %get3A_1928 : vector<1x16xf32> to vector<16xf32>
      %mul3A_1930 = arith.mulf %get3A_1929, %get3A_1924 : vector<16xf32>
      %add3A_1931 = arith.addf %add3A_1912, %mul3A_1930 : vector<16xf32>
      %get3A_1932 = arith.constant 1 : i32
      %get3A_1933 = arith.index_cast %get3A_1932 : i32 to index
      %get3A_1934 = arith.constant 16 : index
      %get3A_1935 = tpu.vector_load %arg9[%get3A_1933, %get3A_1934] {strides = array<i32>} : memref<2x192xf32, #tpu.memory_space<vmem>>, vector<1x16xf32>,
      %get3A_1936 = vector.shape_cast %get3A_1935 : vector<1x16xf32> to vector<16xf32>
      %mul3A_1937 = arith.mulf %get3A_1936, %get3A_1924 : vector<16xf32>
      %add3A_1938 = arith.addf %add3A_1919, %mul3A_1937 : vector<16xf32>
      %get3A_1939 = arith.constant 6 : i32
      %get3A_1940 = arith.index_cast %get3A_1939 : i32 to index
      %get3A_1941 = arith.constant 32 : index
      %get3A_1942 = tpu.vector_load %arg10[%get3A_1940, %get3A_1941] {strides = array<i32>} : memref<12x192xf32, #tpu.memory_space<vmem>>, vector<1x16xf32>,
      %get3A_1943 = vector.shape_cast %get3A_1942 : vector<1x16xf32> to vector<16xf32>
      %get3A_1944 = arith.constant 0 : i32
      %get3A_1945 = arith.index_cast %get3A_1944 : i32 to index
      %get3A_1946 = arith.constant 32 : index
      %get3A_1947 = tpu.vector_load %arg9[%get3A_1945, %get3A_1946] {strides = array<i32>} : memref<2x192xf32, #tpu.memory_space<vmem>>, vector<1x16xf32>,
      %get3A_1948 = vector.shape_cast %get3A_1947 : vector<1x16xf32> to vector<16xf32>
      %mul3A_1949 = arith.mulf %get3A_1948, %get3A_1943 : vector<16xf32>
      %add3A_1950 = arith.addf %add3A_1931, %mul3A_1949 : vector<16xf32>
      %get3A_1951 = arith.constant 1 : i32
      %get3A_1952 = arith.index_cast %get3A_1951 : i32 to index
      %get3A_1953 = arith.constant 32 : index
      %get3A_1954 = tpu.vector_load %arg9[%get3A_1952, %get3A_1953] {strides = array<i32>} : memref<2x192xf32, #tpu.memory_space<vmem>>, vector<1x16xf32>,
      %get3A_1955 = vector.shape_cast %get3A_1954 : vector<1x16xf32> to vector<16xf32>
      %mul3A_1956 = arith.mulf %get3A_1955, %get3A_1943 : vector<16xf32>
      %add3A_1957 = arith.addf %add3A_1938, %mul3A_1956 : vector<16xf32>
      %get3A_1958 = arith.constant 6 : i32
      %get3A_1959 = arith.index_cast %get3A_1958 : i32 to index
      %get3A_1960 = arith.constant 48 : index
      %get3A_1961 = tpu.vector_load %arg10[%get3A_1959, %get3A_1960] {strides = array<i32>} : memref<12x192xf32, #tpu.memory_space<vmem>>, vector<1x16xf32>,
      %get3A_1962 = vector.shape_cast %get3A_1961 : vector<1x16xf32> to vector<16xf32>
      %get3A_1963 = arith.constant 0 : i32
      %get3A_1964 = arith.index_cast %get3A_1963 : i32 to index
      %get3A_1965 = arith.constant 48 : index
      %get3A_1966 = tpu.vector_load %arg9[%get3A_1964, %get3A_1965] {strides = array<i32>} : memref<2x192xf32, #tpu.memory_space<vmem>>, vector<1x16xf32>,
      %get3A_1967 = vector.shape_cast %get3A_1966 : vector<1x16xf32> to vector<16xf32>
      %mul3A_1968 = arith.mulf %get3A_1967, %get3A_1962 : vector<16xf32>
      %add3A_1969 = arith.addf %add3A_1950, %mul3A_1968 : vector<16xf32>
      %get3A_1970 = arith.constant 1 : i32
      %get3A_1971 = arith.index_cast %get3A_1970 : i32 to index
      %get3A_1972 = arith.constant 48 : index
      %get3A_1973 = tpu.vector_load %arg9[%get3A_1971, %get3A_1972] {strides = array<i32>} : memref<2x192xf32, #tpu.memory_space<vmem>>, vector<1x16xf32>,
      %get3A_1974 = vector.shape_cast %get3A_1973 : vector<1x16xf32> to vector<16xf32>
      %mul3A_1975 = arith.mulf %get3A_1974, %get3A_1962 : vector<16xf32>
      %add3A_1976 = arith.addf %add3A_1957, %mul3A_1975 : vector<16xf32>
      %get3A_1977 = arith.constant 6 : i32
      %get3A_1978 = arith.index_cast %get3A_1977 : i32 to index
      %get3A_1979 = arith.constant 64 : index
      %get3A_1980 = tpu.vector_load %arg10[%get3A_1978, %get3A_1979] {strides = array<i32>} : memref<12x192xf32, #tpu.memory_space<vmem>>, vector<1x16xf32>,
      %get3A_1981 = vector.shape_cast %get3A_1980 : vector<1x16xf32> to vector<16xf32>
      %get3A_1982 = arith.constant 0 : i32
      %get3A_1983 = arith.index_cast %get3A_1982 : i32 to index
      %get3A_1984 = arith.constant 64 : index
      %get3A_1985 = tpu.vector_load %arg9[%get3A_1983, %get3A_1984] {strides = array<i32>} : memref<2x192xf32, #tpu.memory_space<vmem>>, vector<1x16xf32>,
      %get3A_1986 = vector.shape_cast %get3A_1985 : vector<1x16xf32> to vector<16xf32>
      %mul3A_1987 = arith.mulf %get3A_1986, %get3A_1981 : vector<16xf32>
      %add3A_1988 = arith.addf %add3A_1969, %mul3A_1987 : vector<16xf32>
      %get3A_1989 = arith.constant 1 : i32
      %get3A_1990 = arith.index_cast %get3A_1989 : i32 to index
      %get3A_1991 = arith.constant 64 : index
      %get3A_1992 = tpu.vector_load %arg9[%get3A_1990, %get3A_1991] {strides = array<i32>} : memref<2x192xf32, #tpu.memory_space<vmem>>, vector<1x16xf32>,
      %get3A_1993 = vector.shape_cast %get3A_1992 : vector<1x16xf32> to vector<16xf32>
      %mul3A_1994 = arith.mulf %get3A_1993, %get3A_1981 : vector<16xf32>
      %add3A_1995 = arith.addf %add3A_1976, %mul3A_1994 : vector<16xf32>
      %get3A_1996 = arith.constant 6 : i32
      %get3A_1997 = arith.index_cast %get3A_1996 : i32 to index
      %get3A_1998 = arith.constant 80 : index
      %get3A_1999 = tpu.vector_load %arg10[%get3A_1997, %get3A_1998] {strides = array<i32>} : memref<12x192xf32, #tpu.memory_space<vmem>>, vector<1x16xf32>,
      %get3A_2000 = vector.shape_cast %get3A_1999 : vector<1x16xf32> to vector<16xf32>
      %get3A_2001 = arith.constant 0 : i32
      %get3A_2002 = arith.index_cast %get3A_2001 : i32 to index
      %get3A_2003 = arith.constant 80 : index
      %get3A_2004 = tpu.vector_load %arg9[%get3A_2002, %get3A_2003] {strides = array<i32>} : memref<2x192xf32, #tpu.memory_space<vmem>>, vector<1x16xf32>,
      %get3A_2005 = vector.shape_cast %get3A_2004 : vector<1x16xf32> to vector<16xf32>
      %mul3A_2006 = arith.mulf %get3A_2005, %get3A_2000 : vector<16xf32>
      %add3A_2007 = arith.addf %add3A_1988, %mul3A_2006 : vector<16xf32>
      %get3A_2008 = arith.constant 1 : i32
      %get3A_2009 = arith.index_cast %get3A_2008 : i32 to index
      %get3A_2010 = arith.constant 80 : index
      %get3A_2011 = tpu.vector_load %arg9[%get3A_2009, %get3A_2010] {strides = array<i32>} : memref<2x192xf32, #tpu.memory_space<vmem>>, vector<1x16xf32>,
      %get3A_2012 = vector.shape_cast %get3A_2011 : vector<1x16xf32> to vector<16xf32>
      %mul3A_2013 = arith.mulf %get3A_2012, %get3A_2000 : vector<16xf32>
      %add3A_2014 = arith.addf %add3A_1995, %mul3A_2013 : vector<16xf32>
      %get3A_2015 = arith.constant 6 : i32
      %get3A_2016 = arith.index_cast %get3A_2015 : i32 to index
      %get3A_2017 = arith.constant 96 : index
      %get3A_2018 = tpu.vector_load %arg10[%get3A_2016, %get3A_2017] {strides = array<i32>} : memref<12x192xf32, #tpu.memory_space<vmem>>, vector<1x16xf32>,
      %get3A_2019 = vector.shape_cast %get3A_2018 : vector<1x16xf32> to vector<16xf32>
      %get3A_2020 = arith.constant 0 : i32
      %get3A_2021 = arith.index_cast %get3A_2020 : i32 to index
      %get3A_2022 = arith.constant 96 : index
      %get3A_2023 = tpu.vector_load %arg9[%get3A_2021, %get3A_2022] {strides = array<i32>} : memref<2x192xf32, #tpu.memory_space<vmem>>, vector<1x16xf32>,
      %get3A_2024 = vector.shape_cast %get3A_2023 : vector<1x16xf32> to vector<16xf32>
      %mul3A_2025 = arith.mulf %get3A_2024, %get3A_2019 : vector<16xf32>
      %add3A_2026 = arith.addf %add3A_2007, %mul3A_2025 : vector<16xf32>
      %get3A_2027 = arith.constant 1 : i32
      %get3A_2028 = arith.index_cast %get3A_2027 : i32 to index
      %get3A_2029 = arith.constant 96 : index
      %get3A_2030 = tpu.vector_load %arg9[%get3A_2028, %get3A_2029] {strides = array<i32>} : memref<2x192xf32, #tpu.memory_space<vmem>>, vector<1x16xf32>,
      %get3A_2031 = vector.shape_cast %get3A_2030 : vector<1x16xf32> to vector<16xf32>
      %mul3A_2032 = arith.mulf %get3A_2031, %get3A_2019 : vector<16xf32>
      %add3A_2033 = arith.addf %add3A_2014, %mul3A_2032 : vector<16xf32>
      %get3A_2034 = arith.constant 6 : i32
      %get3A_2035 = arith.index_cast %get3A_2034 : i32 to index
      %get3A_2036 = arith.constant 112 : index
      %get3A_2037 = tpu.vector_load %arg10[%get3A_2035, %get3A_2036] {strides = array<i32>} : memref<12x192xf32, #tpu.memory_space<vmem>>, vector<1x16xf32>,
      %get3A_2038 = vector.shape_cast %get3A_2037 : vector<1x16xf32> to vector<16xf32>
      %get3A_2039 = arith.constant 0 : i32
      %get3A_2040 = arith.index_cast %get3A_2039 : i32 to index
      %get3A_2041 = arith.constant 112 : index
      %get3A_2042 = tpu.vector_load %arg9[%get3A_2040, %get3A_2041] {strides = array<i32>} : memref<2x192xf32, #tpu.memory_space<vmem>>, vector<1x16xf32>,
      %get3A_2043 = vector.shape_cast %get3A_2042 : vector<1x16xf32> to vector<16xf32>
      %mul3A_2044 = arith.mulf %get3A_2043, %get3A_2038 : vector<16xf32>
      %add3A_2045 = arith.addf %add3A_2026, %mul3A_2044 : vector<16xf32>
      %get3A_2046 = arith.constant 1 : i32
      %get3A_2047 = arith.index_cast %get3A_2046 : i32 to index
      %get3A_2048 = arith.constant 112 : index
      %get3A_2049 = tpu.vector_load %arg9[%get3A_2047, %get3A_2048] {strides = array<i32>} : memref<2x192xf32, #tpu.memory_space<vmem>>, vector<1x16xf32>,
      %get3A_2050 = vector.shape_cast %get3A_2049 : vector<1x16xf32> to vector<16xf32>
      %mul3A_2051 = arith.mulf %get3A_2050, %get3A_2038 : vector<16xf32>
      %add3A_2052 = arith.addf %add3A_2033, %mul3A_2051 : vector<16xf32>
      %get3A_2053 = arith.constant 6 : i32
      %get3A_2054 = arith.index_cast %get3A_2053 : i32 to index
      %get3A_2055 = arith.constant 128 : index
      %get3A_2056 = tpu.vector_load %arg10[%get3A_2054, %get3A_2055] {strides = array<i32>} : memref<12x192xf32, #tpu.memory_space<vmem>>, vector<1x16xf32>,
      %get3A_2057 = vector.shape_cast %get3A_2056 : vector<1x16xf32> to vector<16xf32>
      %get3A_2058 = arith.constant 0 : i32
      %get3A_2059 = arith.index_cast %get3A_2058 : i32 to index
      %get3A_2060 = arith.constant 128 : index
      %get3A_2061 = tpu.vector_load %arg9[%get3A_2059, %get3A_2060] {strides = array<i32>} : memref<2x192xf32, #tpu.memory_space<vmem>>, vector<1x16xf32>,
      %get3A_2062 = vector.shape_cast %get3A_2061 : vector<1x16xf32> to vector<16xf32>
      %mul3A_2063 = arith.mulf %get3A_2062, %get3A_2057 : vector<16xf32>
      %add3A_2064 = arith.addf %add3A_2045, %mul3A_2063 : vector<16xf32>
      %get3A_2065 = arith.constant 1 : i32
      %get3A_2066 = arith.index_cast %get3A_2065 : i32 to index
      %get3A_2067 = arith.constant 128 : index
      %get3A_2068 = tpu.vector_load %arg9[%get3A_2066, %get3A_2067] {strides = array<i32>} : memref<2x192xf32, #tpu.memory_space<vmem>>, vector<1x16xf32>,
      %get3A_2069 = vector.shape_cast %get3A_2068 : vector<1x16xf32> to vector<16xf32>
      %mul3A_2070 = arith.mulf %get3A_2069, %get3A_2057 : vector<16xf32>
      %add3A_2071 = arith.addf %add3A_2052, %mul3A_2070 : vector<16xf32>
      %get3A_2072 = arith.constant 6 : i32
      %get3A_2073 = arith.index_cast %get3A_2072 : i32 to index
      %get3A_2074 = arith.constant 144 : index
      %get3A_2075 = tpu.vector_load %arg10[%get3A_2073, %get3A_2074] {strides = array<i32>} : memref<12x192xf32, #tpu.memory_space<vmem>>, vector<1x16xf32>,
      %get3A_2076 = vector.shape_cast %get3A_2075 : vector<1x16xf32> to vector<16xf32>
      %get3A_2077 = arith.constant 0 : i32
      %get3A_2078 = arith.index_cast %get3A_2077 : i32 to index
      %get3A_2079 = arith.constant 144 : index
      %get3A_2080 = tpu.vector_load %arg9[%get3A_2078, %get3A_2079] {strides = array<i32>} : memref<2x192xf32, #tpu.memory_space<vmem>>, vector<1x16xf32>,
      %get3A_2081 = vector.shape_cast %get3A_2080 : vector<1x16xf32> to vector<16xf32>
      %mul3A_2082 = arith.mulf %get3A_2081, %get3A_2076 : vector<16xf32>
      %add3A_2083 = arith.addf %add3A_2064, %mul3A_2082 : vector<16xf32>
      %get3A_2084 = arith.constant 1 : i32
      %get3A_2085 = arith.index_cast %get3A_2084 : i32 to index
      %get3A_2086 = arith.constant 144 : index
      %get3A_2087 = tpu.vector_load %arg9[%get3A_2085, %get3A_2086] {strides = array<i32>} : memref<2x192xf32, #tpu.memory_space<vmem>>, vector<1x16xf32>,
      %get3A_2088 = vector.shape_cast %get3A_2087 : vector<1x16xf32> to vector<16xf32>
      %mul3A_2089 = arith.mulf %get3A_2088, %get3A_2076 : vector<16xf32>
      %add3A_2090 = arith.addf %add3A_2071, %mul3A_2089 : vector<16xf32>
      %get3A_2091 = arith.constant 6 : i32
      %get3A_2092 = arith.index_cast %get3A_2091 : i32 to index
      %get3A_2093 = arith.constant 160 : index
      %get3A_2094 = tpu.vector_load %arg10[%get3A_2092, %get3A_2093] {strides = array<i32>} : memref<12x192xf32, #tpu.memory_space<vmem>>, vector<1x16xf32>,
      %get3A_2095 = vector.shape_cast %get3A_2094 : vector<1x16xf32> to vector<16xf32>
      %get3A_2096 = arith.constant 0 : i32
      %get3A_2097 = arith.index_cast %get3A_2096 : i32 to index
      %get3A_2098 = arith.constant 160 : index
      %get3A_2099 = tpu.vector_load %arg9[%get3A_2097, %get3A_2098] {strides = array<i32>} : memref<2x192xf32, #tpu.memory_space<vmem>>, vector<1x16xf32>,
      %get3A_2100 = vector.shape_cast %get3A_2099 : vector<1x16xf32> to vector<16xf32>
      %mul3A_2101 = arith.mulf %get3A_2100, %get3A_2095 : vector<16xf32>
      %add3A_2102 = arith.addf %add3A_2083, %mul3A_2101 : vector<16xf32>
      %get3A_2103 = arith.constant 1 : i32
      %get3A_2104 = arith.index_cast %get3A_2103 : i32 to index
      %get3A_2105 = arith.constant 160 : index
      %get3A_2106 = tpu.vector_load %arg9[%get3A_2104, %get3A_2105] {strides = array<i32>} : memref<2x192xf32, #tpu.memory_space<vmem>>, vector<1x16xf32>,
      %get3A_2107 = vector.shape_cast %get3A_2106 : vector<1x16xf32> to vector<16xf32>
      %mul3A_2108 = arith.mulf %get3A_2107, %get3A_2095 : vector<16xf32>
      %add3A_2109 = arith.addf %add3A_2090, %mul3A_2108 : vector<16xf32>
      %get3A_2110 = arith.constant 6 : i32
      %get3A_2111 = arith.index_cast %get3A_2110 : i32 to index
      %get3A_2112 = arith.constant 176 : index
      %get3A_2113 = tpu.vector_load %arg10[%get3A_2111, %get3A_2112] {strides = array<i32>} : memref<12x192xf32, #tpu.memory_space<vmem>>, vector<1x16xf32>,
      %get3A_2114 = vector.shape_cast %get3A_2113 : vector<1x16xf32> to vector<16xf32>
      %get3A_2115 = arith.constant 0 : i32
      %get3A_2116 = arith.index_cast %get3A_2115 : i32 to index
      %get3A_2117 = arith.constant 176 : index
      %get3A_2118 = tpu.vector_load %arg9[%get3A_2116, %get3A_2117] {strides = array<i32>} : memref<2x192xf32, #tpu.memory_space<vmem>>, vector<1x16xf32>,
      %get3A_2119 = vector.shape_cast %get3A_2118 : vector<1x16xf32> to vector<16xf32>
      %mul3A_2120 = arith.mulf %get3A_2119, %get3A_2114 : vector<16xf32>
      %add3A_2121 = arith.addf %add3A_2102, %mul3A_2120 : vector<16xf32>
      %get3A_2122 = arith.constant 1 : i32
      %get3A_2123 = arith.index_cast %get3A_2122 : i32 to index
      %get3A_2124 = arith.constant 176 : index
      %get3A_2125 = tpu.vector_load %arg9[%get3A_2123, %get3A_2124] {strides = array<i32>} : memref<2x192xf32, #tpu.memory_space<vmem>>, vector<1x16xf32>,
      %get3A_2126 = vector.shape_cast %get3A_2125 : vector<1x16xf32> to vector<16xf32>
      %mul3A_2127 = arith.mulf %get3A_2126, %get3A_2114 : vector<16xf32>
      %add3A_2128 = arith.addf %add3A_2109, %mul3A_2127 : vector<16xf32>
      %broadcast_in_dim3A_2129 = arith.constant 6 : i32
      %broadcast_in_dim3A_2130 = vector.broadcast %broadcast_in_dim3A_2129 : i32 to vector<16xi32>
      %broadcast_in_dim3A_2131 = vector.shape_cast %broadcast_in_dim3A_2130 : vector<16xi32> to vector<16x1xi32>
      %gather3A_2132 = vector.shape_cast %broadcast_in_dim3A_2131 : vector<16x1xi32> to vector<16xi32>
      %gather3A_2133 = tpu.dynamic_gather %get3A_29[%gather3A_2132] in [0] : vector<16xf32>, vector<16xi32> -> vector<16xf32>
      %xor3A_2134 = arith.constant 1 : i32
      %xor3A_2135 = vector.broadcast %xor3A_2134 : i32 to vector<16xi32>
      %xor3A_2136 = arith.xori %iota3A, %xor3A_2135 : vector<16xi32>
      %broadcast_in_dim3A_2137 = vector.shape_cast %xor3A_2136 : vector<16xi32> to vector<16x1xi32>
      %gather3A_2138 = vector.shape_cast %broadcast_in_dim3A_2137 : vector<16x1xi32> to vector<16xi32>
      %gather3A_2139 = tpu.dynamic_gather %add3A_2121[%gather3A_2138] in [0] : vector<16xf32>, vector<16xi32> -> vector<16xf32>
      %add3A_2140 = arith.addf %add3A_2121, %gather3A_2139 : vector<16xf32>
      %xor3A_2141 = arith.constant 2 : i32
      %xor3A_2142 = vector.broadcast %xor3A_2141 : i32 to vector<16xi32>
      %xor3A_2143 = arith.xori %iota3A, %xor3A_2142 : vector<16xi32>
      %broadcast_in_dim3A_2144 = vector.shape_cast %xor3A_2143 : vector<16xi32> to vector<16x1xi32>
      %gather3A_2145 = vector.shape_cast %broadcast_in_dim3A_2144 : vector<16x1xi32> to vector<16xi32>
      %gather3A_2146 = tpu.dynamic_gather %add3A_2140[%gather3A_2145] in [0] : vector<16xf32>, vector<16xi32> -> vector<16xf32>
      %add3A_2147 = arith.addf %add3A_2140, %gather3A_2146 : vector<16xf32>
      %xor3A_2148 = arith.constant 4 : i32
      %xor3A_2149 = vector.broadcast %xor3A_2148 : i32 to vector<16xi32>
      %xor3A_2150 = arith.xori %iota3A, %xor3A_2149 : vector<16xi32>
      %broadcast_in_dim3A_2151 = vector.shape_cast %xor3A_2150 : vector<16xi32> to vector<16x1xi32>
      %gather3A_2152 = vector.shape_cast %broadcast_in_dim3A_2151 : vector<16x1xi32> to vector<16xi32>
      %gather3A_2153 = tpu.dynamic_gather %add3A_2147[%gather3A_2152] in [0] : vector<16xf32>, vector<16xi32> -> vector<16xf32>
      %add3A_2154 = arith.addf %add3A_2147, %gather3A_2153 : vector<16xf32>
      %xor3A_2155 = arith.constant 8 : i32
      %xor3A_2156 = vector.broadcast %xor3A_2155 : i32 to vector<16xi32>
      %xor3A_2157 = arith.xori %iota3A, %xor3A_2156 : vector<16xi32>
      %broadcast_in_dim3A_2158 = vector.shape_cast %xor3A_2157 : vector<16xi32> to vector<16x1xi32>
      %gather3A_2159 = vector.shape_cast %broadcast_in_dim3A_2158 : vector<16x1xi32> to vector<16xi32>
      %gather3A_2160 = tpu.dynamic_gather %add3A_2154[%gather3A_2159] in [0] : vector<16xf32>, vector<16xi32> -> vector<16xf32>
      %add3A_2161 = arith.addf %add3A_2154, %gather3A_2160 : vector<16xf32>
      %add3A_2162 = arith.addf %add3A_2161, %gather3A_2133 : vector<16xf32>
      %max3A_2163 = arith.constant 0.000000e+00 : f32
      %max3A_2164 = vector.broadcast %max3A_2163 : f32 to vector<16xf32>
      %max3A_2165 = arith.maximumf %add3A_2162, %max3A_2164 : vector<16xf32>
      %xor3A_2166 = arith.constant 1 : i32
      %xor3A_2167 = vector.broadcast %xor3A_2166 : i32 to vector<16xi32>
      %xor3A_2168 = arith.xori %iota3A, %xor3A_2167 : vector<16xi32>
      %broadcast_in_dim3A_2169 = vector.shape_cast %xor3A_2168 : vector<16xi32> to vector<16x1xi32>
      %gather3A_2170 = vector.shape_cast %broadcast_in_dim3A_2169 : vector<16x1xi32> to vector<16xi32>
      %gather3A_2171 = tpu.dynamic_gather %add3A_2128[%gather3A_2170] in [0] : vector<16xf32>, vector<16xi32> -> vector<16xf32>
      %add3A_2172 = arith.addf %add3A_2128, %gather3A_2171 : vector<16xf32>
      %xor3A_2173 = arith.constant 2 : i32
      %xor3A_2174 = vector.broadcast %xor3A_2173 : i32 to vector<16xi32>
      %xor3A_2175 = arith.xori %iota3A, %xor3A_2174 : vector<16xi32>
      %broadcast_in_dim3A_2176 = vector.shape_cast %xor3A_2175 : vector<16xi32> to vector<16x1xi32>
      %gather3A_2177 = vector.shape_cast %broadcast_in_dim3A_2176 : vector<16x1xi32> to vector<16xi32>
      %gather3A_2178 = tpu.dynamic_gather %add3A_2172[%gather3A_2177] in [0] : vector<16xf32>, vector<16xi32> -> vector<16xf32>
      %add3A_2179 = arith.addf %add3A_2172, %gather3A_2178 : vector<16xf32>
      %xor3A_2180 = arith.constant 4 : i32
      %xor3A_2181 = vector.broadcast %xor3A_2180 : i32 to vector<16xi32>
      %xor3A_2182 = arith.xori %iota3A, %xor3A_2181 : vector<16xi32>
      %broadcast_in_dim3A_2183 = vector.shape_cast %xor3A_2182 : vector<16xi32> to vector<16x1xi32>
      %gather3A_2184 = vector.shape_cast %broadcast_in_dim3A_2183 : vector<16x1xi32> to vector<16xi32>
      %gather3A_2185 = tpu.dynamic_gather %add3A_2179[%gather3A_2184] in [0] : vector<16xf32>, vector<16xi32> -> vector<16xf32>
      %add3A_2186 = arith.addf %add3A_2179, %gather3A_2185 : vector<16xf32>
      %xor3A_2187 = arith.constant 8 : i32
      %xor3A_2188 = vector.broadcast %xor3A_2187 : i32 to vector<16xi32>
      %xor3A_2189 = arith.xori %iota3A, %xor3A_2188 : vector<16xi32>
      %broadcast_in_dim3A_2190 = vector.shape_cast %xor3A_2189 : vector<16xi32> to vector<16x1xi32>
      %gather3A_2191 = vector.shape_cast %broadcast_in_dim3A_2190 : vector<16x1xi32> to vector<16xi32>
      %gather3A_2192 = tpu.dynamic_gather %add3A_2186[%gather3A_2191] in [0] : vector<16xf32>, vector<16xi32> -> vector<16xf32>
      %add3A_2193 = arith.addf %add3A_2186, %gather3A_2192 : vector<16xf32>
      %add3A_2194 = arith.addf %add3A_2193, %gather3A_2133 : vector<16xf32>
      %max3A_2195 = arith.constant 0.000000e+00 : f32
      %max3A_2196 = vector.broadcast %max3A_2195 : f32 to vector<16xf32>
      %max3A_2197 = arith.maximumf %add3A_2194, %max3A_2196 : vector<16xf32>
      %mul3A_2198 = arith.mulf %convert_element_type3A_24, %max3A_2165 : vector<16xf32>
      %mul3A_2199 = arith.mulf %sub3A_27, %max3A_2197 : vector<16xf32>
      %add3A_2200 = arith.addf %mul3A_2198, %mul3A_2199 : vector<16xf32>
      %get3A_2201 = arith.constant 6 : i32
      %get3A_2202 = arith.index_cast %get3A_2201 : i32 to index
      %get3A_2203 = arith.constant 0 : index
      %get3A_2204 = tpu.vector_load %arg12[%get3A_2202, %get3A_2203] {strides = array<i32>} : memref<12x16xf32, #tpu.memory_space<vmem>>, vector<1x16xf32>,
      %get3A_2205 = vector.shape_cast %get3A_2204 : vector<1x16xf32> to vector<16xf32>
      %mul3A_2206 = arith.mulf %add3A_2200, %get3A_2205 : vector<16xf32>
      %add3A_2207 = arith.addf %add3A_1896, %mul3A_2206 : vector<16xf32>
      %broadcast_in_dim3A_2208 = arith.constant 0.000000e+00 : f32
      %broadcast_in_dim3A_2209 = vector.broadcast %broadcast_in_dim3A_2208 : f32 to vector<16xf32>
      %broadcast_in_dim3A_2210 = arith.constant 0.000000e+00 : f32
      %broadcast_in_dim3A_2211 = vector.broadcast %broadcast_in_dim3A_2210 : f32 to vector<16xf32>
      %get3A_2212 = arith.constant 7 : i32
      %get3A_2213 = arith.index_cast %get3A_2212 : i32 to index
      %get3A_2214 = arith.constant 0 : index
      %get3A_2215 = tpu.vector_load %arg10[%get3A_2213, %get3A_2214] {strides = array<i32>} : memref<12x192xf32, #tpu.memory_space<vmem>>, vector<1x16xf32>,
      %get3A_2216 = vector.shape_cast %get3A_2215 : vector<1x16xf32> to vector<16xf32>
      %get3A_2217 = arith.constant 0 : i32
      %get3A_2218 = arith.index_cast %get3A_2217 : i32 to index
      %get3A_2219 = arith.constant 0 : index
      %get3A_2220 = tpu.vector_load %arg9[%get3A_2218, %get3A_2219] {strides = array<i32>} : memref<2x192xf32, #tpu.memory_space<vmem>>, vector<1x16xf32>,
      %get3A_2221 = vector.shape_cast %get3A_2220 : vector<1x16xf32> to vector<16xf32>
      %mul3A_2222 = arith.mulf %get3A_2221, %get3A_2216 : vector<16xf32>
      %add3A_2223 = arith.addf %broadcast_in_dim3A_2209, %mul3A_2222 : vector<16xf32>
      %get3A_2224 = arith.constant 1 : i32
      %get3A_2225 = arith.index_cast %get3A_2224 : i32 to index
      %get3A_2226 = arith.constant 0 : index
      %get3A_2227 = tpu.vector_load %arg9[%get3A_2225, %get3A_2226] {strides = array<i32>} : memref<2x192xf32, #tpu.memory_space<vmem>>, vector<1x16xf32>,
      %get3A_2228 = vector.shape_cast %get3A_2227 : vector<1x16xf32> to vector<16xf32>
      %mul3A_2229 = arith.mulf %get3A_2228, %get3A_2216 : vector<16xf32>
      %add3A_2230 = arith.addf %broadcast_in_dim3A_2211, %mul3A_2229 : vector<16xf32>
      %get3A_2231 = arith.constant 7 : i32
      %get3A_2232 = arith.index_cast %get3A_2231 : i32 to index
      %get3A_2233 = arith.constant 16 : index
      %get3A_2234 = tpu.vector_load %arg10[%get3A_2232, %get3A_2233] {strides = array<i32>} : memref<12x192xf32, #tpu.memory_space<vmem>>, vector<1x16xf32>,
      %get3A_2235 = vector.shape_cast %get3A_2234 : vector<1x16xf32> to vector<16xf32>
      %get3A_2236 = arith.constant 0 : i32
      %get3A_2237 = arith.index_cast %get3A_2236 : i32 to index
      %get3A_2238 = arith.constant 16 : index
      %get3A_2239 = tpu.vector_load %arg9[%get3A_2237, %get3A_2238] {strides = array<i32>} : memref<2x192xf32, #tpu.memory_space<vmem>>, vector<1x16xf32>,
      %get3A_2240 = vector.shape_cast %get3A_2239 : vector<1x16xf32> to vector<16xf32>
      %mul3A_2241 = arith.mulf %get3A_2240, %get3A_2235 : vector<16xf32>
      %add3A_2242 = arith.addf %add3A_2223, %mul3A_2241 : vector<16xf32>
      %get3A_2243 = arith.constant 1 : i32
      %get3A_2244 = arith.index_cast %get3A_2243 : i32 to index
      %get3A_2245 = arith.constant 16 : index
      %get3A_2246 = tpu.vector_load %arg9[%get3A_2244, %get3A_2245] {strides = array<i32>} : memref<2x192xf32, #tpu.memory_space<vmem>>, vector<1x16xf32>,
      %get3A_2247 = vector.shape_cast %get3A_2246 : vector<1x16xf32> to vector<16xf32>
      %mul3A_2248 = arith.mulf %get3A_2247, %get3A_2235 : vector<16xf32>
      %add3A_2249 = arith.addf %add3A_2230, %mul3A_2248 : vector<16xf32>
      %get3A_2250 = arith.constant 7 : i32
      %get3A_2251 = arith.index_cast %get3A_2250 : i32 to index
      %get3A_2252 = arith.constant 32 : index
      %get3A_2253 = tpu.vector_load %arg10[%get3A_2251, %get3A_2252] {strides = array<i32>} : memref<12x192xf32, #tpu.memory_space<vmem>>, vector<1x16xf32>,
      %get3A_2254 = vector.shape_cast %get3A_2253 : vector<1x16xf32> to vector<16xf32>
      %get3A_2255 = arith.constant 0 : i32
      %get3A_2256 = arith.index_cast %get3A_2255 : i32 to index
      %get3A_2257 = arith.constant 32 : index
      %get3A_2258 = tpu.vector_load %arg9[%get3A_2256, %get3A_2257] {strides = array<i32>} : memref<2x192xf32, #tpu.memory_space<vmem>>, vector<1x16xf32>,
      %get3A_2259 = vector.shape_cast %get3A_2258 : vector<1x16xf32> to vector<16xf32>
      %mul3A_2260 = arith.mulf %get3A_2259, %get3A_2254 : vector<16xf32>
      %add3A_2261 = arith.addf %add3A_2242, %mul3A_2260 : vector<16xf32>
      %get3A_2262 = arith.constant 1 : i32
      %get3A_2263 = arith.index_cast %get3A_2262 : i32 to index
      %get3A_2264 = arith.constant 32 : index
      %get3A_2265 = tpu.vector_load %arg9[%get3A_2263, %get3A_2264] {strides = array<i32>} : memref<2x192xf32, #tpu.memory_space<vmem>>, vector<1x16xf32>,
      %get3A_2266 = vector.shape_cast %get3A_2265 : vector<1x16xf32> to vector<16xf32>
      %mul3A_2267 = arith.mulf %get3A_2266, %get3A_2254 : vector<16xf32>
      %add3A_2268 = arith.addf %add3A_2249, %mul3A_2267 : vector<16xf32>
      %get3A_2269 = arith.constant 7 : i32
      %get3A_2270 = arith.index_cast %get3A_2269 : i32 to index
      %get3A_2271 = arith.constant 48 : index
      %get3A_2272 = tpu.vector_load %arg10[%get3A_2270, %get3A_2271] {strides = array<i32>} : memref<12x192xf32, #tpu.memory_space<vmem>>, vector<1x16xf32>,
      %get3A_2273 = vector.shape_cast %get3A_2272 : vector<1x16xf32> to vector<16xf32>
      %get3A_2274 = arith.constant 0 : i32
      %get3A_2275 = arith.index_cast %get3A_2274 : i32 to index
      %get3A_2276 = arith.constant 48 : index
      %get3A_2277 = tpu.vector_load %arg9[%get3A_2275, %get3A_2276] {strides = array<i32>} : memref<2x192xf32, #tpu.memory_space<vmem>>, vector<1x16xf32>,
      %get3A_2278 = vector.shape_cast %get3A_2277 : vector<1x16xf32> to vector<16xf32>
      %mul3A_2279 = arith.mulf %get3A_2278, %get3A_2273 : vector<16xf32>
      %add3A_2280 = arith.addf %add3A_2261, %mul3A_2279 : vector<16xf32>
      %get3A_2281 = arith.constant 1 : i32
      %get3A_2282 = arith.index_cast %get3A_2281 : i32 to index
      %get3A_2283 = arith.constant 48 : index
      %get3A_2284 = tpu.vector_load %arg9[%get3A_2282, %get3A_2283] {strides = array<i32>} : memref<2x192xf32, #tpu.memory_space<vmem>>, vector<1x16xf32>,
      %get3A_2285 = vector.shape_cast %get3A_2284 : vector<1x16xf32> to vector<16xf32>
      %mul3A_2286 = arith.mulf %get3A_2285, %get3A_2273 : vector<16xf32>
      %add3A_2287 = arith.addf %add3A_2268, %mul3A_2286 : vector<16xf32>
      %get3A_2288 = arith.constant 7 : i32
      %get3A_2289 = arith.index_cast %get3A_2288 : i32 to index
      %get3A_2290 = arith.constant 64 : index
      %get3A_2291 = tpu.vector_load %arg10[%get3A_2289, %get3A_2290] {strides = array<i32>} : memref<12x192xf32, #tpu.memory_space<vmem>>, vector<1x16xf32>,
      %get3A_2292 = vector.shape_cast %get3A_2291 : vector<1x16xf32> to vector<16xf32>
      %get3A_2293 = arith.constant 0 : i32
      %get3A_2294 = arith.index_cast %get3A_2293 : i32 to index
      %get3A_2295 = arith.constant 64 : index
      %get3A_2296 = tpu.vector_load %arg9[%get3A_2294, %get3A_2295] {strides = array<i32>} : memref<2x192xf32, #tpu.memory_space<vmem>>, vector<1x16xf32>,
      %get3A_2297 = vector.shape_cast %get3A_2296 : vector<1x16xf32> to vector<16xf32>
      %mul3A_2298 = arith.mulf %get3A_2297, %get3A_2292 : vector<16xf32>
      %add3A_2299 = arith.addf %add3A_2280, %mul3A_2298 : vector<16xf32>
      %get3A_2300 = arith.constant 1 : i32
      %get3A_2301 = arith.index_cast %get3A_2300 : i32 to index
      %get3A_2302 = arith.constant 64 : index
      %get3A_2303 = tpu.vector_load %arg9[%get3A_2301, %get3A_2302] {strides = array<i32>} : memref<2x192xf32, #tpu.memory_space<vmem>>, vector<1x16xf32>,
      %get3A_2304 = vector.shape_cast %get3A_2303 : vector<1x16xf32> to vector<16xf32>
      %mul3A_2305 = arith.mulf %get3A_2304, %get3A_2292 : vector<16xf32>
      %add3A_2306 = arith.addf %add3A_2287, %mul3A_2305 : vector<16xf32>
      %get3A_2307 = arith.constant 7 : i32
      %get3A_2308 = arith.index_cast %get3A_2307 : i32 to index
      %get3A_2309 = arith.constant 80 : index
      %get3A_2310 = tpu.vector_load %arg10[%get3A_2308, %get3A_2309] {strides = array<i32>} : memref<12x192xf32, #tpu.memory_space<vmem>>, vector<1x16xf32>,
      %get3A_2311 = vector.shape_cast %get3A_2310 : vector<1x16xf32> to vector<16xf32>
      %get3A_2312 = arith.constant 0 : i32
      %get3A_2313 = arith.index_cast %get3A_2312 : i32 to index
      %get3A_2314 = arith.constant 80 : index
      %get3A_2315 = tpu.vector_load %arg9[%get3A_2313, %get3A_2314] {strides = array<i32>} : memref<2x192xf32, #tpu.memory_space<vmem>>, vector<1x16xf32>,
      %get3A_2316 = vector.shape_cast %get3A_2315 : vector<1x16xf32> to vector<16xf32>
      %mul3A_2317 = arith.mulf %get3A_2316, %get3A_2311 : vector<16xf32>
      %add3A_2318 = arith.addf %add3A_2299, %mul3A_2317 : vector<16xf32>
      %get3A_2319 = arith.constant 1 : i32
      %get3A_2320 = arith.index_cast %get3A_2319 : i32 to index
      %get3A_2321 = arith.constant 80 : index
      %get3A_2322 = tpu.vector_load %arg9[%get3A_2320, %get3A_2321] {strides = array<i32>} : memref<2x192xf32, #tpu.memory_space<vmem>>, vector<1x16xf32>,
      %get3A_2323 = vector.shape_cast %get3A_2322 : vector<1x16xf32> to vector<16xf32>
      %mul3A_2324 = arith.mulf %get3A_2323, %get3A_2311 : vector<16xf32>
      %add3A_2325 = arith.addf %add3A_2306, %mul3A_2324 : vector<16xf32>
      %get3A_2326 = arith.constant 7 : i32
      %get3A_2327 = arith.index_cast %get3A_2326 : i32 to index
      %get3A_2328 = arith.constant 96 : index
      %get3A_2329 = tpu.vector_load %arg10[%get3A_2327, %get3A_2328] {strides = array<i32>} : memref<12x192xf32, #tpu.memory_space<vmem>>, vector<1x16xf32>,
      %get3A_2330 = vector.shape_cast %get3A_2329 : vector<1x16xf32> to vector<16xf32>
      %get3A_2331 = arith.constant 0 : i32
      %get3A_2332 = arith.index_cast %get3A_2331 : i32 to index
      %get3A_2333 = arith.constant 96 : index
      %get3A_2334 = tpu.vector_load %arg9[%get3A_2332, %get3A_2333] {strides = array<i32>} : memref<2x192xf32, #tpu.memory_space<vmem>>, vector<1x16xf32>,
      %get3A_2335 = vector.shape_cast %get3A_2334 : vector<1x16xf32> to vector<16xf32>
      %mul3A_2336 = arith.mulf %get3A_2335, %get3A_2330 : vector<16xf32>
      %add3A_2337 = arith.addf %add3A_2318, %mul3A_2336 : vector<16xf32>
      %get3A_2338 = arith.constant 1 : i32
      %get3A_2339 = arith.index_cast %get3A_2338 : i32 to index
      %get3A_2340 = arith.constant 96 : index
      %get3A_2341 = tpu.vector_load %arg9[%get3A_2339, %get3A_2340] {strides = array<i32>} : memref<2x192xf32, #tpu.memory_space<vmem>>, vector<1x16xf32>,
      %get3A_2342 = vector.shape_cast %get3A_2341 : vector<1x16xf32> to vector<16xf32>
      %mul3A_2343 = arith.mulf %get3A_2342, %get3A_2330 : vector<16xf32>
      %add3A_2344 = arith.addf %add3A_2325, %mul3A_2343 : vector<16xf32>
      %get3A_2345 = arith.constant 7 : i32
      %get3A_2346 = arith.index_cast %get3A_2345 : i32 to index
      %get3A_2347 = arith.constant 112 : index
      %get3A_2348 = tpu.vector_load %arg10[%get3A_2346, %get3A_2347] {strides = array<i32>} : memref<12x192xf32, #tpu.memory_space<vmem>>, vector<1x16xf32>,
      %get3A_2349 = vector.shape_cast %get3A_2348 : vector<1x16xf32> to vector<16xf32>
      %get3A_2350 = arith.constant 0 : i32
      %get3A_2351 = arith.index_cast %get3A_2350 : i32 to index
      %get3A_2352 = arith.constant 112 : index
      %get3A_2353 = tpu.vector_load %arg9[%get3A_2351, %get3A_2352] {strides = array<i32>} : memref<2x192xf32, #tpu.memory_space<vmem>>, vector<1x16xf32>,
      %get3A_2354 = vector.shape_cast %get3A_2353 : vector<1x16xf32> to vector<16xf32>
      %mul3A_2355 = arith.mulf %get3A_2354, %get3A_2349 : vector<16xf32>
      %add3A_2356 = arith.addf %add3A_2337, %mul3A_2355 : vector<16xf32>
      %get3A_2357 = arith.constant 1 : i32
      %get3A_2358 = arith.index_cast %get3A_2357 : i32 to index
      %get3A_2359 = arith.constant 112 : index
      %get3A_2360 = tpu.vector_load %arg9[%get3A_2358, %get3A_2359] {strides = array<i32>} : memref<2x192xf32, #tpu.memory_space<vmem>>, vector<1x16xf32>,
      %get3A_2361 = vector.shape_cast %get3A_2360 : vector<1x16xf32> to vector<16xf32>
      %mul3A_2362 = arith.mulf %get3A_2361, %get3A_2349 : vector<16xf32>
      %add3A_2363 = arith.addf %add3A_2344, %mul3A_2362 : vector<16xf32>
      %get3A_2364 = arith.constant 7 : i32
      %get3A_2365 = arith.index_cast %get3A_2364 : i32 to index
      %get3A_2366 = arith.constant 128 : index
      %get3A_2367 = tpu.vector_load %arg10[%get3A_2365, %get3A_2366] {strides = array<i32>} : memref<12x192xf32, #tpu.memory_space<vmem>>, vector<1x16xf32>,
      %get3A_2368 = vector.shape_cast %get3A_2367 : vector<1x16xf32> to vector<16xf32>
      %get3A_2369 = arith.constant 0 : i32
      %get3A_2370 = arith.index_cast %get3A_2369 : i32 to index
      %get3A_2371 = arith.constant 128 : index
      %get3A_2372 = tpu.vector_load %arg9[%get3A_2370, %get3A_2371] {strides = array<i32>} : memref<2x192xf32, #tpu.memory_space<vmem>>, vector<1x16xf32>,
      %get3A_2373 = vector.shape_cast %get3A_2372 : vector<1x16xf32> to vector<16xf32>
      %mul3A_2374 = arith.mulf %get3A_2373, %get3A_2368 : vector<16xf32>
      %add3A_2375 = arith.addf %add3A_2356, %mul3A_2374 : vector<16xf32>
      %get3A_2376 = arith.constant 1 : i32
      %get3A_2377 = arith.index_cast %get3A_2376 : i32 to index
      %get3A_2378 = arith.constant 128 : index
      %get3A_2379 = tpu.vector_load %arg9[%get3A_2377, %get3A_2378] {strides = array<i32>} : memref<2x192xf32, #tpu.memory_space<vmem>>, vector<1x16xf32>,
      %get3A_2380 = vector.shape_cast %get3A_2379 : vector<1x16xf32> to vector<16xf32>
      %mul3A_2381 = arith.mulf %get3A_2380, %get3A_2368 : vector<16xf32>
      %add3A_2382 = arith.addf %add3A_2363, %mul3A_2381 : vector<16xf32>
      %get3A_2383 = arith.constant 7 : i32
      %get3A_2384 = arith.index_cast %get3A_2383 : i32 to index
      %get3A_2385 = arith.constant 144 : index
      %get3A_2386 = tpu.vector_load %arg10[%get3A_2384, %get3A_2385] {strides = array<i32>} : memref<12x192xf32, #tpu.memory_space<vmem>>, vector<1x16xf32>,
      %get3A_2387 = vector.shape_cast %get3A_2386 : vector<1x16xf32> to vector<16xf32>
      %get3A_2388 = arith.constant 0 : i32
      %get3A_2389 = arith.index_cast %get3A_2388 : i32 to index
      %get3A_2390 = arith.constant 144 : index
      %get3A_2391 = tpu.vector_load %arg9[%get3A_2389, %get3A_2390] {strides = array<i32>} : memref<2x192xf32, #tpu.memory_space<vmem>>, vector<1x16xf32>,
      %get3A_2392 = vector.shape_cast %get3A_2391 : vector<1x16xf32> to vector<16xf32>
      %mul3A_2393 = arith.mulf %get3A_2392, %get3A_2387 : vector<16xf32>
      %add3A_2394 = arith.addf %add3A_2375, %mul3A_2393 : vector<16xf32>
      %get3A_2395 = arith.constant 1 : i32
      %get3A_2396 = arith.index_cast %get3A_2395 : i32 to index
      %get3A_2397 = arith.constant 144 : index
      %get3A_2398 = tpu.vector_load %arg9[%get3A_2396, %get3A_2397] {strides = array<i32>} : memref<2x192xf32, #tpu.memory_space<vmem>>, vector<1x16xf32>,
      %get3A_2399 = vector.shape_cast %get3A_2398 : vector<1x16xf32> to vector<16xf32>
      %mul3A_2400 = arith.mulf %get3A_2399, %get3A_2387 : vector<16xf32>
      %add3A_2401 = arith.addf %add3A_2382, %mul3A_2400 : vector<16xf32>
      %get3A_2402 = arith.constant 7 : i32
      %get3A_2403 = arith.index_cast %get3A_2402 : i32 to index
      %get3A_2404 = arith.constant 160 : index
      %get3A_2405 = tpu.vector_load %arg10[%get3A_2403, %get3A_2404] {strides = array<i32>} : memref<12x192xf32, #tpu.memory_space<vmem>>, vector<1x16xf32>,
      %get3A_2406 = vector.shape_cast %get3A_2405 : vector<1x16xf32> to vector<16xf32>
      %get3A_2407 = arith.constant 0 : i32
      %get3A_2408 = arith.index_cast %get3A_2407 : i32 to index
      %get3A_2409 = arith.constant 160 : index
      %get3A_2410 = tpu.vector_load %arg9[%get3A_2408, %get3A_2409] {strides = array<i32>} : memref<2x192xf32, #tpu.memory_space<vmem>>, vector<1x16xf32>,
      %get3A_2411 = vector.shape_cast %get3A_2410 : vector<1x16xf32> to vector<16xf32>
      %mul3A_2412 = arith.mulf %get3A_2411, %get3A_2406 : vector<16xf32>
      %add3A_2413 = arith.addf %add3A_2394, %mul3A_2412 : vector<16xf32>
      %get3A_2414 = arith.constant 1 : i32
      %get3A_2415 = arith.index_cast %get3A_2414 : i32 to index
      %get3A_2416 = arith.constant 160 : index
      %get3A_2417 = tpu.vector_load %arg9[%get3A_2415, %get3A_2416] {strides = array<i32>} : memref<2x192xf32, #tpu.memory_space<vmem>>, vector<1x16xf32>,
      %get3A_2418 = vector.shape_cast %get3A_2417 : vector<1x16xf32> to vector<16xf32>
      %mul3A_2419 = arith.mulf %get3A_2418, %get3A_2406 : vector<16xf32>
      %add3A_2420 = arith.addf %add3A_2401, %mul3A_2419 : vector<16xf32>
      %get3A_2421 = arith.constant 7 : i32
      %get3A_2422 = arith.index_cast %get3A_2421 : i32 to index
      %get3A_2423 = arith.constant 176 : index
      %get3A_2424 = tpu.vector_load %arg10[%get3A_2422, %get3A_2423] {strides = array<i32>} : memref<12x192xf32, #tpu.memory_space<vmem>>, vector<1x16xf32>,
      %get3A_2425 = vector.shape_cast %get3A_2424 : vector<1x16xf32> to vector<16xf32>
      %get3A_2426 = arith.constant 0 : i32
      %get3A_2427 = arith.index_cast %get3A_2426 : i32 to index
      %get3A_2428 = arith.constant 176 : index
      %get3A_2429 = tpu.vector_load %arg9[%get3A_2427, %get3A_2428] {strides = array<i32>} : memref<2x192xf32, #tpu.memory_space<vmem>>, vector<1x16xf32>,
      %get3A_2430 = vector.shape_cast %get3A_2429 : vector<1x16xf32> to vector<16xf32>
      %mul3A_2431 = arith.mulf %get3A_2430, %get3A_2425 : vector<16xf32>
      %add3A_2432 = arith.addf %add3A_2413, %mul3A_2431 : vector<16xf32>
      %get3A_2433 = arith.constant 1 : i32
      %get3A_2434 = arith.index_cast %get3A_2433 : i32 to index
      %get3A_2435 = arith.constant 176 : index
      %get3A_2436 = tpu.vector_load %arg9[%get3A_2434, %get3A_2435] {strides = array<i32>} : memref<2x192xf32, #tpu.memory_space<vmem>>, vector<1x16xf32>,
      %get3A_2437 = vector.shape_cast %get3A_2436 : vector<1x16xf32> to vector<16xf32>
      %mul3A_2438 = arith.mulf %get3A_2437, %get3A_2425 : vector<16xf32>
      %add3A_2439 = arith.addf %add3A_2420, %mul3A_2438 : vector<16xf32>
      %broadcast_in_dim3A_2440 = arith.constant 7 : i32
      %broadcast_in_dim3A_2441 = vector.broadcast %broadcast_in_dim3A_2440 : i32 to vector<16xi32>
      %broadcast_in_dim3A_2442 = vector.shape_cast %broadcast_in_dim3A_2441 : vector<16xi32> to vector<16x1xi32>
      %gather3A_2443 = vector.shape_cast %broadcast_in_dim3A_2442 : vector<16x1xi32> to vector<16xi32>
      %gather3A_2444 = tpu.dynamic_gather %get3A_29[%gather3A_2443] in [0] : vector<16xf32>, vector<16xi32> -> vector<16xf32>
      %xor3A_2445 = arith.constant 1 : i32
      %xor3A_2446 = vector.broadcast %xor3A_2445 : i32 to vector<16xi32>
      %xor3A_2447 = arith.xori %iota3A, %xor3A_2446 : vector<16xi32>
      %broadcast_in_dim3A_2448 = vector.shape_cast %xor3A_2447 : vector<16xi32> to vector<16x1xi32>
      %gather3A_2449 = vector.shape_cast %broadcast_in_dim3A_2448 : vector<16x1xi32> to vector<16xi32>
      %gather3A_2450 = tpu.dynamic_gather %add3A_2432[%gather3A_2449] in [0] : vector<16xf32>, vector<16xi32> -> vector<16xf32>
      %add3A_2451 = arith.addf %add3A_2432, %gather3A_2450 : vector<16xf32>
      %xor3A_2452 = arith.constant 2 : i32
      %xor3A_2453 = vector.broadcast %xor3A_2452 : i32 to vector<16xi32>
      %xor3A_2454 = arith.xori %iota3A, %xor3A_2453 : vector<16xi32>
      %broadcast_in_dim3A_2455 = vector.shape_cast %xor3A_2454 : vector<16xi32> to vector<16x1xi32>
      %gather3A_2456 = vector.shape_cast %broadcast_in_dim3A_2455 : vector<16x1xi32> to vector<16xi32>
      %gather3A_2457 = tpu.dynamic_gather %add3A_2451[%gather3A_2456] in [0] : vector<16xf32>, vector<16xi32> -> vector<16xf32>
      %add3A_2458 = arith.addf %add3A_2451, %gather3A_2457 : vector<16xf32>
      %xor3A_2459 = arith.constant 4 : i32
      %xor3A_2460 = vector.broadcast %xor3A_2459 : i32 to vector<16xi32>
      %xor3A_2461 = arith.xori %iota3A, %xor3A_2460 : vector<16xi32>
      %broadcast_in_dim3A_2462 = vector.shape_cast %xor3A_2461 : vector<16xi32> to vector<16x1xi32>
      %gather3A_2463 = vector.shape_cast %broadcast_in_dim3A_2462 : vector<16x1xi32> to vector<16xi32>
      %gather3A_2464 = tpu.dynamic_gather %add3A_2458[%gather3A_2463] in [0] : vector<16xf32>, vector<16xi32> -> vector<16xf32>
      %add3A_2465 = arith.addf %add3A_2458, %gather3A_2464 : vector<16xf32>
      %xor3A_2466 = arith.constant 8 : i32
      %xor3A_2467 = vector.broadcast %xor3A_2466 : i32 to vector<16xi32>
      %xor3A_2468 = arith.xori %iota3A, %xor3A_2467 : vector<16xi32>
      %broadcast_in_dim3A_2469 = vector.shape_cast %xor3A_2468 : vector<16xi32> to vector<16x1xi32>
      %gather3A_2470 = vector.shape_cast %broadcast_in_dim3A_2469 : vector<16x1xi32> to vector<16xi32>
      %gather3A_2471 = tpu.dynamic_gather %add3A_2465[%gather3A_2470] in [0] : vector<16xf32>, vector<16xi32> -> vector<16xf32>
      %add3A_2472 = arith.addf %add3A_2465, %gather3A_2471 : vector<16xf32>
      %add3A_2473 = arith.addf %add3A_2472, %gather3A_2444 : vector<16xf32>
      %max3A_2474 = arith.constant 0.000000e+00 : f32
      %max3A_2475 = vector.broadcast %max3A_2474 : f32 to vector<16xf32>
      %max3A_2476 = arith.maximumf %add3A_2473, %max3A_2475 : vector<16xf32>
      %xor3A_2477 = arith.constant 1 : i32
      %xor3A_2478 = vector.broadcast %xor3A_2477 : i32 to vector<16xi32>
      %xor3A_2479 = arith.xori %iota3A, %xor3A_2478 : vector<16xi32>
      %broadcast_in_dim3A_2480 = vector.shape_cast %xor3A_2479 : vector<16xi32> to vector<16x1xi32>
      %gather3A_2481 = vector.shape_cast %broadcast_in_dim3A_2480 : vector<16x1xi32> to vector<16xi32>
      %gather3A_2482 = tpu.dynamic_gather %add3A_2439[%gather3A_2481] in [0] : vector<16xf32>, vector<16xi32> -> vector<16xf32>
      %add3A_2483 = arith.addf %add3A_2439, %gather3A_2482 : vector<16xf32>
      %xor3A_2484 = arith.constant 2 : i32
      %xor3A_2485 = vector.broadcast %xor3A_2484 : i32 to vector<16xi32>
      %xor3A_2486 = arith.xori %iota3A, %xor3A_2485 : vector<16xi32>
      %broadcast_in_dim3A_2487 = vector.shape_cast %xor3A_2486 : vector<16xi32> to vector<16x1xi32>
      %gather3A_2488 = vector.shape_cast %broadcast_in_dim3A_2487 : vector<16x1xi32> to vector<16xi32>
      %gather3A_2489 = tpu.dynamic_gather %add3A_2483[%gather3A_2488] in [0] : vector<16xf32>, vector<16xi32> -> vector<16xf32>
      %add3A_2490 = arith.addf %add3A_2483, %gather3A_2489 : vector<16xf32>
      %xor3A_2491 = arith.constant 4 : i32
      %xor3A_2492 = vector.broadcast %xor3A_2491 : i32 to vector<16xi32>
      %xor3A_2493 = arith.xori %iota3A, %xor3A_2492 : vector<16xi32>
      %broadcast_in_dim3A_2494 = vector.shape_cast %xor3A_2493 : vector<16xi32> to vector<16x1xi32>
      %gather3A_2495 = vector.shape_cast %broadcast_in_dim3A_2494 : vector<16x1xi32> to vector<16xi32>
      %gather3A_2496 = tpu.dynamic_gather %add3A_2490[%gather3A_2495] in [0] : vector<16xf32>, vector<16xi32> -> vector<16xf32>
      %add3A_2497 = arith.addf %add3A_2490, %gather3A_2496 : vector<16xf32>
      %xor3A_2498 = arith.constant 8 : i32
      %xor3A_2499 = vector.broadcast %xor3A_2498 : i32 to vector<16xi32>
      %xor3A_2500 = arith.xori %iota3A, %xor3A_2499 : vector<16xi32>
      %broadcast_in_dim3A_2501 = vector.shape_cast %xor3A_2500 : vector<16xi32> to vector<16x1xi32>
      %gather3A_2502 = vector.shape_cast %broadcast_in_dim3A_2501 : vector<16x1xi32> to vector<16xi32>
      %gather3A_2503 = tpu.dynamic_gather %add3A_2497[%gather3A_2502] in [0] : vector<16xf32>, vector<16xi32> -> vector<16xf32>
      %add3A_2504 = arith.addf %add3A_2497, %gather3A_2503 : vector<16xf32>
      %add3A_2505 = arith.addf %add3A_2504, %gather3A_2444 : vector<16xf32>
      %max3A_2506 = arith.constant 0.000000e+00 : f32
      %max3A_2507 = vector.broadcast %max3A_2506 : f32 to vector<16xf32>
      %max3A_2508 = arith.maximumf %add3A_2505, %max3A_2507 : vector<16xf32>
      %mul3A_2509 = arith.mulf %convert_element_type3A_24, %max3A_2476 : vector<16xf32>
      %mul3A_2510 = arith.mulf %sub3A_27, %max3A_2508 : vector<16xf32>
      %add3A_2511 = arith.addf %mul3A_2509, %mul3A_2510 : vector<16xf32>
      %get3A_2512 = arith.constant 7 : i32
      %get3A_2513 = arith.index_cast %get3A_2512 : i32 to index
      %get3A_2514 = arith.constant 0 : index
      %get3A_2515 = tpu.vector_load %arg12[%get3A_2513, %get3A_2514] {strides = array<i32>} : memref<12x16xf32, #tpu.memory_space<vmem>>, vector<1x16xf32>,
      %get3A_2516 = vector.shape_cast %get3A_2515 : vector<1x16xf32> to vector<16xf32>
      %mul3A_2517 = arith.mulf %add3A_2511, %get3A_2516 : vector<16xf32>
      %add3A_2518 = arith.addf %add3A_2207, %mul3A_2517 : vector<16xf32>
      %broadcast_in_dim3A_2519 = arith.constant 0.000000e+00 : f32
      %broadcast_in_dim3A_2520 = vector.broadcast %broadcast_in_dim3A_2519 : f32 to vector<16xf32>
      %broadcast_in_dim3A_2521 = arith.constant 0.000000e+00 : f32
      %broadcast_in_dim3A_2522 = vector.broadcast %broadcast_in_dim3A_2521 : f32 to vector<16xf32>
      %get3A_2523 = arith.constant 8 : i32
      %get3A_2524 = arith.index_cast %get3A_2523 : i32 to index
      %get3A_2525 = arith.constant 0 : index
      %get3A_2526 = tpu.vector_load %arg10[%get3A_2524, %get3A_2525] {strides = array<i32>} : memref<12x192xf32, #tpu.memory_space<vmem>>, vector<1x16xf32>,
      %get3A_2527 = vector.shape_cast %get3A_2526 : vector<1x16xf32> to vector<16xf32>
      %get3A_2528 = arith.constant 0 : i32
      %get3A_2529 = arith.index_cast %get3A_2528 : i32 to index
      %get3A_2530 = arith.constant 0 : index
      %get3A_2531 = tpu.vector_load %arg9[%get3A_2529, %get3A_2530] {strides = array<i32>} : memref<2x192xf32, #tpu.memory_space<vmem>>, vector<1x16xf32>,
      %get3A_2532 = vector.shape_cast %get3A_2531 : vector<1x16xf32> to vector<16xf32>
      %mul3A_2533 = arith.mulf %get3A_2532, %get3A_2527 : vector<16xf32>
      %add3A_2534 = arith.addf %broadcast_in_dim3A_2520, %mul3A_2533 : vector<16xf32>
      %get3A_2535 = arith.constant 1 : i32
      %get3A_2536 = arith.index_cast %get3A_2535 : i32 to index
      %get3A_2537 = arith.constant 0 : index
      %get3A_2538 = tpu.vector_load %arg9[%get3A_2536, %get3A_2537] {strides = array<i32>} : memref<2x192xf32, #tpu.memory_space<vmem>>, vector<1x16xf32>,
      %get3A_2539 = vector.shape_cast %get3A_2538 : vector<1x16xf32> to vector<16xf32>
      %mul3A_2540 = arith.mulf %get3A_2539, %get3A_2527 : vector<16xf32>
      %add3A_2541 = arith.addf %broadcast_in_dim3A_2522, %mul3A_2540 : vector<16xf32>
      %get3A_2542 = arith.constant 8 : i32
      %get3A_2543 = arith.index_cast %get3A_2542 : i32 to index
      %get3A_2544 = arith.constant 16 : index
      %get3A_2545 = tpu.vector_load %arg10[%get3A_2543, %get3A_2544] {strides = array<i32>} : memref<12x192xf32, #tpu.memory_space<vmem>>, vector<1x16xf32>,
      %get3A_2546 = vector.shape_cast %get3A_2545 : vector<1x16xf32> to vector<16xf32>
      %get3A_2547 = arith.constant 0 : i32
      %get3A_2548 = arith.index_cast %get3A_2547 : i32 to index
      %get3A_2549 = arith.constant 16 : index
      %get3A_2550 = tpu.vector_load %arg9[%get3A_2548, %get3A_2549] {strides = array<i32>} : memref<2x192xf32, #tpu.memory_space<vmem>>, vector<1x16xf32>,
      %get3A_2551 = vector.shape_cast %get3A_2550 : vector<1x16xf32> to vector<16xf32>
      %mul3A_2552 = arith.mulf %get3A_2551, %get3A_2546 : vector<16xf32>
      %add3A_2553 = arith.addf %add3A_2534, %mul3A_2552 : vector<16xf32>
      %get3A_2554 = arith.constant 1 : i32
      %get3A_2555 = arith.index_cast %get3A_2554 : i32 to index
      %get3A_2556 = arith.constant 16 : index
      %get3A_2557 = tpu.vector_load %arg9[%get3A_2555, %get3A_2556] {strides = array<i32>} : memref<2x192xf32, #tpu.memory_space<vmem>>, vector<1x16xf32>,
      %get3A_2558 = vector.shape_cast %get3A_2557 : vector<1x16xf32> to vector<16xf32>
      %mul3A_2559 = arith.mulf %get3A_2558, %get3A_2546 : vector<16xf32>
      %add3A_2560 = arith.addf %add3A_2541, %mul3A_2559 : vector<16xf32>
      %get3A_2561 = arith.constant 8 : i32
      %get3A_2562 = arith.index_cast %get3A_2561 : i32 to index
      %get3A_2563 = arith.constant 32 : index
      %get3A_2564 = tpu.vector_load %arg10[%get3A_2562, %get3A_2563] {strides = array<i32>} : memref<12x192xf32, #tpu.memory_space<vmem>>, vector<1x16xf32>,
      %get3A_2565 = vector.shape_cast %get3A_2564 : vector<1x16xf32> to vector<16xf32>
      %get3A_2566 = arith.constant 0 : i32
      %get3A_2567 = arith.index_cast %get3A_2566 : i32 to index
      %get3A_2568 = arith.constant 32 : index
      %get3A_2569 = tpu.vector_load %arg9[%get3A_2567, %get3A_2568] {strides = array<i32>} : memref<2x192xf32, #tpu.memory_space<vmem>>, vector<1x16xf32>,
      %get3A_2570 = vector.shape_cast %get3A_2569 : vector<1x16xf32> to vector<16xf32>
      %mul3A_2571 = arith.mulf %get3A_2570, %get3A_2565 : vector<16xf32>
      %add3A_2572 = arith.addf %add3A_2553, %mul3A_2571 : vector<16xf32>
      %get3A_2573 = arith.constant 1 : i32
      %get3A_2574 = arith.index_cast %get3A_2573 : i32 to index
      %get3A_2575 = arith.constant 32 : index
      %get3A_2576 = tpu.vector_load %arg9[%get3A_2574, %get3A_2575] {strides = array<i32>} : memref<2x192xf32, #tpu.memory_space<vmem>>, vector<1x16xf32>,
      %get3A_2577 = vector.shape_cast %get3A_2576 : vector<1x16xf32> to vector<16xf32>
      %mul3A_2578 = arith.mulf %get3A_2577, %get3A_2565 : vector<16xf32>
      %add3A_2579 = arith.addf %add3A_2560, %mul3A_2578 : vector<16xf32>
      %get3A_2580 = arith.constant 8 : i32
      %get3A_2581 = arith.index_cast %get3A_2580 : i32 to index
      %get3A_2582 = arith.constant 48 : index
      %get3A_2583 = tpu.vector_load %arg10[%get3A_2581, %get3A_2582] {strides = array<i32>} : memref<12x192xf32, #tpu.memory_space<vmem>>, vector<1x16xf32>,
      %get3A_2584 = vector.shape_cast %get3A_2583 : vector<1x16xf32> to vector<16xf32>
      %get3A_2585 = arith.constant 0 : i32
      %get3A_2586 = arith.index_cast %get3A_2585 : i32 to index
      %get3A_2587 = arith.constant 48 : index
      %get3A_2588 = tpu.vector_load %arg9[%get3A_2586, %get3A_2587] {strides = array<i32>} : memref<2x192xf32, #tpu.memory_space<vmem>>, vector<1x16xf32>,
      %get3A_2589 = vector.shape_cast %get3A_2588 : vector<1x16xf32> to vector<16xf32>
      %mul3A_2590 = arith.mulf %get3A_2589, %get3A_2584 : vector<16xf32>
      %add3A_2591 = arith.addf %add3A_2572, %mul3A_2590 : vector<16xf32>
      %get3A_2592 = arith.constant 1 : i32
      %get3A_2593 = arith.index_cast %get3A_2592 : i32 to index
      %get3A_2594 = arith.constant 48 : index
      %get3A_2595 = tpu.vector_load %arg9[%get3A_2593, %get3A_2594] {strides = array<i32>} : memref<2x192xf32, #tpu.memory_space<vmem>>, vector<1x16xf32>,
      %get3A_2596 = vector.shape_cast %get3A_2595 : vector<1x16xf32> to vector<16xf32>
      %mul3A_2597 = arith.mulf %get3A_2596, %get3A_2584 : vector<16xf32>
      %add3A_2598 = arith.addf %add3A_2579, %mul3A_2597 : vector<16xf32>
      %get3A_2599 = arith.constant 8 : i32
      %get3A_2600 = arith.index_cast %get3A_2599 : i32 to index
      %get3A_2601 = arith.constant 64 : index
      %get3A_2602 = tpu.vector_load %arg10[%get3A_2600, %get3A_2601] {strides = array<i32>} : memref<12x192xf32, #tpu.memory_space<vmem>>, vector<1x16xf32>,
      %get3A_2603 = vector.shape_cast %get3A_2602 : vector<1x16xf32> to vector<16xf32>
      %get3A_2604 = arith.constant 0 : i32
      %get3A_2605 = arith.index_cast %get3A_2604 : i32 to index
      %get3A_2606 = arith.constant 64 : index
      %get3A_2607 = tpu.vector_load %arg9[%get3A_2605, %get3A_2606] {strides = array<i32>} : memref<2x192xf32, #tpu.memory_space<vmem>>, vector<1x16xf32>,
      %get3A_2608 = vector.shape_cast %get3A_2607 : vector<1x16xf32> to vector<16xf32>
      %mul3A_2609 = arith.mulf %get3A_2608, %get3A_2603 : vector<16xf32>
      %add3A_2610 = arith.addf %add3A_2591, %mul3A_2609 : vector<16xf32>
      %get3A_2611 = arith.constant 1 : i32
      %get3A_2612 = arith.index_cast %get3A_2611 : i32 to index
      %get3A_2613 = arith.constant 64 : index
      %get3A_2614 = tpu.vector_load %arg9[%get3A_2612, %get3A_2613] {strides = array<i32>} : memref<2x192xf32, #tpu.memory_space<vmem>>, vector<1x16xf32>,
      %get3A_2615 = vector.shape_cast %get3A_2614 : vector<1x16xf32> to vector<16xf32>
      %mul3A_2616 = arith.mulf %get3A_2615, %get3A_2603 : vector<16xf32>
      %add3A_2617 = arith.addf %add3A_2598, %mul3A_2616 : vector<16xf32>
      %get3A_2618 = arith.constant 8 : i32
      %get3A_2619 = arith.index_cast %get3A_2618 : i32 to index
      %get3A_2620 = arith.constant 80 : index
      %get3A_2621 = tpu.vector_load %arg10[%get3A_2619, %get3A_2620] {strides = array<i32>} : memref<12x192xf32, #tpu.memory_space<vmem>>, vector<1x16xf32>,
      %get3A_2622 = vector.shape_cast %get3A_2621 : vector<1x16xf32> to vector<16xf32>
      %get3A_2623 = arith.constant 0 : i32
      %get3A_2624 = arith.index_cast %get3A_2623 : i32 to index
      %get3A_2625 = arith.constant 80 : index
      %get3A_2626 = tpu.vector_load %arg9[%get3A_2624, %get3A_2625] {strides = array<i32>} : memref<2x192xf32, #tpu.memory_space<vmem>>, vector<1x16xf32>,
      %get3A_2627 = vector.shape_cast %get3A_2626 : vector<1x16xf32> to vector<16xf32>
      %mul3A_2628 = arith.mulf %get3A_2627, %get3A_2622 : vector<16xf32>
      %add3A_2629 = arith.addf %add3A_2610, %mul3A_2628 : vector<16xf32>
      %get3A_2630 = arith.constant 1 : i32
      %get3A_2631 = arith.index_cast %get3A_2630 : i32 to index
      %get3A_2632 = arith.constant 80 : index
      %get3A_2633 = tpu.vector_load %arg9[%get3A_2631, %get3A_2632] {strides = array<i32>} : memref<2x192xf32, #tpu.memory_space<vmem>>, vector<1x16xf32>,
      %get3A_2634 = vector.shape_cast %get3A_2633 : vector<1x16xf32> to vector<16xf32>
      %mul3A_2635 = arith.mulf %get3A_2634, %get3A_2622 : vector<16xf32>
      %add3A_2636 = arith.addf %add3A_2617, %mul3A_2635 : vector<16xf32>
      %get3A_2637 = arith.constant 8 : i32
      %get3A_2638 = arith.index_cast %get3A_2637 : i32 to index
      %get3A_2639 = arith.constant 96 : index
      %get3A_2640 = tpu.vector_load %arg10[%get3A_2638, %get3A_2639] {strides = array<i32>} : memref<12x192xf32, #tpu.memory_space<vmem>>, vector<1x16xf32>,
      %get3A_2641 = vector.shape_cast %get3A_2640 : vector<1x16xf32> to vector<16xf32>
      %get3A_2642 = arith.constant 0 : i32
      %get3A_2643 = arith.index_cast %get3A_2642 : i32 to index
      %get3A_2644 = arith.constant 96 : index
      %get3A_2645 = tpu.vector_load %arg9[%get3A_2643, %get3A_2644] {strides = array<i32>} : memref<2x192xf32, #tpu.memory_space<vmem>>, vector<1x16xf32>,
      %get3A_2646 = vector.shape_cast %get3A_2645 : vector<1x16xf32> to vector<16xf32>
      %mul3A_2647 = arith.mulf %get3A_2646, %get3A_2641 : vector<16xf32>
      %add3A_2648 = arith.addf %add3A_2629, %mul3A_2647 : vector<16xf32>
      %get3A_2649 = arith.constant 1 : i32
      %get3A_2650 = arith.index_cast %get3A_2649 : i32 to index
      %get3A_2651 = arith.constant 96 : index
      %get3A_2652 = tpu.vector_load %arg9[%get3A_2650, %get3A_2651] {strides = array<i32>} : memref<2x192xf32, #tpu.memory_space<vmem>>, vector<1x16xf32>,
      %get3A_2653 = vector.shape_cast %get3A_2652 : vector<1x16xf32> to vector<16xf32>
      %mul3A_2654 = arith.mulf %get3A_2653, %get3A_2641 : vector<16xf32>
      %add3A_2655 = arith.addf %add3A_2636, %mul3A_2654 : vector<16xf32>
      %get3A_2656 = arith.constant 8 : i32
      %get3A_2657 = arith.index_cast %get3A_2656 : i32 to index
      %get3A_2658 = arith.constant 112 : index
      %get3A_2659 = tpu.vector_load %arg10[%get3A_2657, %get3A_2658] {strides = array<i32>} : memref<12x192xf32, #tpu.memory_space<vmem>>, vector<1x16xf32>,
      %get3A_2660 = vector.shape_cast %get3A_2659 : vector<1x16xf32> to vector<16xf32>
      %get3A_2661 = arith.constant 0 : i32
      %get3A_2662 = arith.index_cast %get3A_2661 : i32 to index
      %get3A_2663 = arith.constant 112 : index
      %get3A_2664 = tpu.vector_load %arg9[%get3A_2662, %get3A_2663] {strides = array<i32>} : memref<2x192xf32, #tpu.memory_space<vmem>>, vector<1x16xf32>,
      %get3A_2665 = vector.shape_cast %get3A_2664 : vector<1x16xf32> to vector<16xf32>
      %mul3A_2666 = arith.mulf %get3A_2665, %get3A_2660 : vector<16xf32>
      %add3A_2667 = arith.addf %add3A_2648, %mul3A_2666 : vector<16xf32>
      %get3A_2668 = arith.constant 1 : i32
      %get3A_2669 = arith.index_cast %get3A_2668 : i32 to index
      %get3A_2670 = arith.constant 112 : index
      %get3A_2671 = tpu.vector_load %arg9[%get3A_2669, %get3A_2670] {strides = array<i32>} : memref<2x192xf32, #tpu.memory_space<vmem>>, vector<1x16xf32>,
      %get3A_2672 = vector.shape_cast %get3A_2671 : vector<1x16xf32> to vector<16xf32>
      %mul3A_2673 = arith.mulf %get3A_2672, %get3A_2660 : vector<16xf32>
      %add3A_2674 = arith.addf %add3A_2655, %mul3A_2673 : vector<16xf32>
      %get3A_2675 = arith.constant 8 : i32
      %get3A_2676 = arith.index_cast %get3A_2675 : i32 to index
      %get3A_2677 = arith.constant 128 : index
      %get3A_2678 = tpu.vector_load %arg10[%get3A_2676, %get3A_2677] {strides = array<i32>} : memref<12x192xf32, #tpu.memory_space<vmem>>, vector<1x16xf32>,
      %get3A_2679 = vector.shape_cast %get3A_2678 : vector<1x16xf32> to vector<16xf32>
      %get3A_2680 = arith.constant 0 : i32
      %get3A_2681 = arith.index_cast %get3A_2680 : i32 to index
      %get3A_2682 = arith.constant 128 : index
      %get3A_2683 = tpu.vector_load %arg9[%get3A_2681, %get3A_2682] {strides = array<i32>} : memref<2x192xf32, #tpu.memory_space<vmem>>, vector<1x16xf32>,
      %get3A_2684 = vector.shape_cast %get3A_2683 : vector<1x16xf32> to vector<16xf32>
      %mul3A_2685 = arith.mulf %get3A_2684, %get3A_2679 : vector<16xf32>
      %add3A_2686 = arith.addf %add3A_2667, %mul3A_2685 : vector<16xf32>
      %get3A_2687 = arith.constant 1 : i32
      %get3A_2688 = arith.index_cast %get3A_2687 : i32 to index
      %get3A_2689 = arith.constant 128 : index
      %get3A_2690 = tpu.vector_load %arg9[%get3A_2688, %get3A_2689] {strides = array<i32>} : memref<2x192xf32, #tpu.memory_space<vmem>>, vector<1x16xf32>,
      %get3A_2691 = vector.shape_cast %get3A_2690 : vector<1x16xf32> to vector<16xf32>
      %mul3A_2692 = arith.mulf %get3A_2691, %get3A_2679 : vector<16xf32>
      %add3A_2693 = arith.addf %add3A_2674, %mul3A_2692 : vector<16xf32>
      %get3A_2694 = arith.constant 8 : i32
      %get3A_2695 = arith.index_cast %get3A_2694 : i32 to index
      %get3A_2696 = arith.constant 144 : index
      %get3A_2697 = tpu.vector_load %arg10[%get3A_2695, %get3A_2696] {strides = array<i32>} : memref<12x192xf32, #tpu.memory_space<vmem>>, vector<1x16xf32>,
      %get3A_2698 = vector.shape_cast %get3A_2697 : vector<1x16xf32> to vector<16xf32>
      %get3A_2699 = arith.constant 0 : i32
      %get3A_2700 = arith.index_cast %get3A_2699 : i32 to index
      %get3A_2701 = arith.constant 144 : index
      %get3A_2702 = tpu.vector_load %arg9[%get3A_2700, %get3A_2701] {strides = array<i32>} : memref<2x192xf32, #tpu.memory_space<vmem>>, vector<1x16xf32>,
      %get3A_2703 = vector.shape_cast %get3A_2702 : vector<1x16xf32> to vector<16xf32>
      %mul3A_2704 = arith.mulf %get3A_2703, %get3A_2698 : vector<16xf32>
      %add3A_2705 = arith.addf %add3A_2686, %mul3A_2704 : vector<16xf32>
      %get3A_2706 = arith.constant 1 : i32
      %get3A_2707 = arith.index_cast %get3A_2706 : i32 to index
      %get3A_2708 = arith.constant 144 : index
      %get3A_2709 = tpu.vector_load %arg9[%get3A_2707, %get3A_2708] {strides = array<i32>} : memref<2x192xf32, #tpu.memory_space<vmem>>, vector<1x16xf32>,
      %get3A_2710 = vector.shape_cast %get3A_2709 : vector<1x16xf32> to vector<16xf32>
      %mul3A_2711 = arith.mulf %get3A_2710, %get3A_2698 : vector<16xf32>
      %add3A_2712 = arith.addf %add3A_2693, %mul3A_2711 : vector<16xf32>
      %get3A_2713 = arith.constant 8 : i32
      %get3A_2714 = arith.index_cast %get3A_2713 : i32 to index
      %get3A_2715 = arith.constant 160 : index
      %get3A_2716 = tpu.vector_load %arg10[%get3A_2714, %get3A_2715] {strides = array<i32>} : memref<12x192xf32, #tpu.memory_space<vmem>>, vector<1x16xf32>,
      %get3A_2717 = vector.shape_cast %get3A_2716 : vector<1x16xf32> to vector<16xf32>
      %get3A_2718 = arith.constant 0 : i32
      %get3A_2719 = arith.index_cast %get3A_2718 : i32 to index
      %get3A_2720 = arith.constant 160 : index
      %get3A_2721 = tpu.vector_load %arg9[%get3A_2719, %get3A_2720] {strides = array<i32>} : memref<2x192xf32, #tpu.memory_space<vmem>>, vector<1x16xf32>,
      %get3A_2722 = vector.shape_cast %get3A_2721 : vector<1x16xf32> to vector<16xf32>
      %mul3A_2723 = arith.mulf %get3A_2722, %get3A_2717 : vector<16xf32>
      %add3A_2724 = arith.addf %add3A_2705, %mul3A_2723 : vector<16xf32>
      %get3A_2725 = arith.constant 1 : i32
      %get3A_2726 = arith.index_cast %get3A_2725 : i32 to index
      %get3A_2727 = arith.constant 160 : index
      %get3A_2728 = tpu.vector_load %arg9[%get3A_2726, %get3A_2727] {strides = array<i32>} : memref<2x192xf32, #tpu.memory_space<vmem>>, vector<1x16xf32>,
      %get3A_2729 = vector.shape_cast %get3A_2728 : vector<1x16xf32> to vector<16xf32>
      %mul3A_2730 = arith.mulf %get3A_2729, %get3A_2717 : vector<16xf32>
      %add3A_2731 = arith.addf %add3A_2712, %mul3A_2730 : vector<16xf32>
      %get3A_2732 = arith.constant 8 : i32
      %get3A_2733 = arith.index_cast %get3A_2732 : i32 to index
      %get3A_2734 = arith.constant 176 : index
      %get3A_2735 = tpu.vector_load %arg10[%get3A_2733, %get3A_2734] {strides = array<i32>} : memref<12x192xf32, #tpu.memory_space<vmem>>, vector<1x16xf32>,
      %get3A_2736 = vector.shape_cast %get3A_2735 : vector<1x16xf32> to vector<16xf32>
      %get3A_2737 = arith.constant 0 : i32
      %get3A_2738 = arith.index_cast %get3A_2737 : i32 to index
      %get3A_2739 = arith.constant 176 : index
      %get3A_2740 = tpu.vector_load %arg9[%get3A_2738, %get3A_2739] {strides = array<i32>} : memref<2x192xf32, #tpu.memory_space<vmem>>, vector<1x16xf32>,
      %get3A_2741 = vector.shape_cast %get3A_2740 : vector<1x16xf32> to vector<16xf32>
      %mul3A_2742 = arith.mulf %get3A_2741, %get3A_2736 : vector<16xf32>
      %add3A_2743 = arith.addf %add3A_2724, %mul3A_2742 : vector<16xf32>
      %get3A_2744 = arith.constant 1 : i32
      %get3A_2745 = arith.index_cast %get3A_2744 : i32 to index
      %get3A_2746 = arith.constant 176 : index
      %get3A_2747 = tpu.vector_load %arg9[%get3A_2745, %get3A_2746] {strides = array<i32>} : memref<2x192xf32, #tpu.memory_space<vmem>>, vector<1x16xf32>,
      %get3A_2748 = vector.shape_cast %get3A_2747 : vector<1x16xf32> to vector<16xf32>
      %mul3A_2749 = arith.mulf %get3A_2748, %get3A_2736 : vector<16xf32>
      %add3A_2750 = arith.addf %add3A_2731, %mul3A_2749 : vector<16xf32>
      %broadcast_in_dim3A_2751 = arith.constant 8 : i32
      %broadcast_in_dim3A_2752 = vector.broadcast %broadcast_in_dim3A_2751 : i32 to vector<16xi32>
      %broadcast_in_dim3A_2753 = vector.shape_cast %broadcast_in_dim3A_2752 : vector<16xi32> to vector<16x1xi32>
      %gather3A_2754 = vector.shape_cast %broadcast_in_dim3A_2753 : vector<16x1xi32> to vector<16xi32>
      %gather3A_2755 = tpu.dynamic_gather %get3A_29[%gather3A_2754] in [0] : vector<16xf32>, vector<16xi32> -> vector<16xf32>
      %xor3A_2756 = arith.constant 1 : i32
      %xor3A_2757 = vector.broadcast %xor3A_2756 : i32 to vector<16xi32>
      %xor3A_2758 = arith.xori %iota3A, %xor3A_2757 : vector<16xi32>
      %broadcast_in_dim3A_2759 = vector.shape_cast %xor3A_2758 : vector<16xi32> to vector<16x1xi32>
      %gather3A_2760 = vector.shape_cast %broadcast_in_dim3A_2759 : vector<16x1xi32> to vector<16xi32>
      %gather3A_2761 = tpu.dynamic_gather %add3A_2743[%gather3A_2760] in [0] : vector<16xf32>, vector<16xi32> -> vector<16xf32>
      %add3A_2762 = arith.addf %add3A_2743, %gather3A_2761 : vector<16xf32>
      %xor3A_2763 = arith.constant 2 : i32
      %xor3A_2764 = vector.broadcast %xor3A_2763 : i32 to vector<16xi32>
      %xor3A_2765 = arith.xori %iota3A, %xor3A_2764 : vector<16xi32>
      %broadcast_in_dim3A_2766 = vector.shape_cast %xor3A_2765 : vector<16xi32> to vector<16x1xi32>
      %gather3A_2767 = vector.shape_cast %broadcast_in_dim3A_2766 : vector<16x1xi32> to vector<16xi32>
      %gather3A_2768 = tpu.dynamic_gather %add3A_2762[%gather3A_2767] in [0] : vector<16xf32>, vector<16xi32> -> vector<16xf32>
      %add3A_2769 = arith.addf %add3A_2762, %gather3A_2768 : vector<16xf32>
      %xor3A_2770 = arith.constant 4 : i32
      %xor3A_2771 = vector.broadcast %xor3A_2770 : i32 to vector<16xi32>
      %xor3A_2772 = arith.xori %iota3A, %xor3A_2771 : vector<16xi32>
      %broadcast_in_dim3A_2773 = vector.shape_cast %xor3A_2772 : vector<16xi32> to vector<16x1xi32>
      %gather3A_2774 = vector.shape_cast %broadcast_in_dim3A_2773 : vector<16x1xi32> to vector<16xi32>
      %gather3A_2775 = tpu.dynamic_gather %add3A_2769[%gather3A_2774] in [0] : vector<16xf32>, vector<16xi32> -> vector<16xf32>
      %add3A_2776 = arith.addf %add3A_2769, %gather3A_2775 : vector<16xf32>
      %xor3A_2777 = arith.constant 8 : i32
      %xor3A_2778 = vector.broadcast %xor3A_2777 : i32 to vector<16xi32>
      %xor3A_2779 = arith.xori %iota3A, %xor3A_2778 : vector<16xi32>
      %broadcast_in_dim3A_2780 = vector.shape_cast %xor3A_2779 : vector<16xi32> to vector<16x1xi32>
      %gather3A_2781 = vector.shape_cast %broadcast_in_dim3A_2780 : vector<16x1xi32> to vector<16xi32>
      %gather3A_2782 = tpu.dynamic_gather %add3A_2776[%gather3A_2781] in [0] : vector<16xf32>, vector<16xi32> -> vector<16xf32>
      %add3A_2783 = arith.addf %add3A_2776, %gather3A_2782 : vector<16xf32>
      %add3A_2784 = arith.addf %add3A_2783, %gather3A_2755 : vector<16xf32>
      %max3A_2785 = arith.constant 0.000000e+00 : f32
      %max3A_2786 = vector.broadcast %max3A_2785 : f32 to vector<16xf32>
      %max3A_2787 = arith.maximumf %add3A_2784, %max3A_2786 : vector<16xf32>
      %xor3A_2788 = arith.constant 1 : i32
      %xor3A_2789 = vector.broadcast %xor3A_2788 : i32 to vector<16xi32>
      %xor3A_2790 = arith.xori %iota3A, %xor3A_2789 : vector<16xi32>
      %broadcast_in_dim3A_2791 = vector.shape_cast %xor3A_2790 : vector<16xi32> to vector<16x1xi32>
      %gather3A_2792 = vector.shape_cast %broadcast_in_dim3A_2791 : vector<16x1xi32> to vector<16xi32>
      %gather3A_2793 = tpu.dynamic_gather %add3A_2750[%gather3A_2792] in [0] : vector<16xf32>, vector<16xi32> -> vector<16xf32>
      %add3A_2794 = arith.addf %add3A_2750, %gather3A_2793 : vector<16xf32>
      %xor3A_2795 = arith.constant 2 : i32
      %xor3A_2796 = vector.broadcast %xor3A_2795 : i32 to vector<16xi32>
      %xor3A_2797 = arith.xori %iota3A, %xor3A_2796 : vector<16xi32>
      %broadcast_in_dim3A_2798 = vector.shape_cast %xor3A_2797 : vector<16xi32> to vector<16x1xi32>
      %gather3A_2799 = vector.shape_cast %broadcast_in_dim3A_2798 : vector<16x1xi32> to vector<16xi32>
      %gather3A_2800 = tpu.dynamic_gather %add3A_2794[%gather3A_2799] in [0] : vector<16xf32>, vector<16xi32> -> vector<16xf32>
      %add3A_2801 = arith.addf %add3A_2794, %gather3A_2800 : vector<16xf32>
      %xor3A_2802 = arith.constant 4 : i32
      %xor3A_2803 = vector.broadcast %xor3A_2802 : i32 to vector<16xi32>
      %xor3A_2804 = arith.xori %iota3A, %xor3A_2803 : vector<16xi32>
      %broadcast_in_dim3A_2805 = vector.shape_cast %xor3A_2804 : vector<16xi32> to vector<16x1xi32>
      %gather3A_2806 = vector.shape_cast %broadcast_in_dim3A_2805 : vector<16x1xi32> to vector<16xi32>
      %gather3A_2807 = tpu.dynamic_gather %add3A_2801[%gather3A_2806] in [0] : vector<16xf32>, vector<16xi32> -> vector<16xf32>
      %add3A_2808 = arith.addf %add3A_2801, %gather3A_2807 : vector<16xf32>
      %xor3A_2809 = arith.constant 8 : i32
      %xor3A_2810 = vector.broadcast %xor3A_2809 : i32 to vector<16xi32>
      %xor3A_2811 = arith.xori %iota3A, %xor3A_2810 : vector<16xi32>
      %broadcast_in_dim3A_2812 = vector.shape_cast %xor3A_2811 : vector<16xi32> to vector<16x1xi32>
      %gather3A_2813 = vector.shape_cast %broadcast_in_dim3A_2812 : vector<16x1xi32> to vector<16xi32>
      %gather3A_2814 = tpu.dynamic_gather %add3A_2808[%gather3A_2813] in [0] : vector<16xf32>, vector<16xi32> -> vector<16xf32>
      %add3A_2815 = arith.addf %add3A_2808, %gather3A_2814 : vector<16xf32>
      %add3A_2816 = arith.addf %add3A_2815, %gather3A_2755 : vector<16xf32>
      %max3A_2817 = arith.constant 0.000000e+00 : f32
      %max3A_2818 = vector.broadcast %max3A_2817 : f32 to vector<16xf32>
      %max3A_2819 = arith.maximumf %add3A_2816, %max3A_2818 : vector<16xf32>
      %mul3A_2820 = arith.mulf %convert_element_type3A_24, %max3A_2787 : vector<16xf32>
      %mul3A_2821 = arith.mulf %sub3A_27, %max3A_2819 : vector<16xf32>
      %add3A_2822 = arith.addf %mul3A_2820, %mul3A_2821 : vector<16xf32>
      %get3A_2823 = arith.constant 8 : i32
      %get3A_2824 = arith.index_cast %get3A_2823 : i32 to index
      %get3A_2825 = arith.constant 0 : index
      %get3A_2826 = tpu.vector_load %arg12[%get3A_2824, %get3A_2825] {strides = array<i32>} : memref<12x16xf32, #tpu.memory_space<vmem>>, vector<1x16xf32>,
      %get3A_2827 = vector.shape_cast %get3A_2826 : vector<1x16xf32> to vector<16xf32>
      %mul3A_2828 = arith.mulf %add3A_2822, %get3A_2827 : vector<16xf32>
      %add3A_2829 = arith.addf %add3A_2518, %mul3A_2828 : vector<16xf32>
      %broadcast_in_dim3A_2830 = arith.constant 0.000000e+00 : f32
      %broadcast_in_dim3A_2831 = vector.broadcast %broadcast_in_dim3A_2830 : f32 to vector<16xf32>
      %broadcast_in_dim3A_2832 = arith.constant 0.000000e+00 : f32
      %broadcast_in_dim3A_2833 = vector.broadcast %broadcast_in_dim3A_2832 : f32 to vector<16xf32>
      %get3A_2834 = arith.constant 9 : i32
      %get3A_2835 = arith.index_cast %get3A_2834 : i32 to index
      %get3A_2836 = arith.constant 0 : index
      %get3A_2837 = tpu.vector_load %arg10[%get3A_2835, %get3A_2836] {strides = array<i32>} : memref<12x192xf32, #tpu.memory_space<vmem>>, vector<1x16xf32>,
      %get3A_2838 = vector.shape_cast %get3A_2837 : vector<1x16xf32> to vector<16xf32>
      %get3A_2839 = arith.constant 0 : i32
      %get3A_2840 = arith.index_cast %get3A_2839 : i32 to index
      %get3A_2841 = arith.constant 0 : index
      %get3A_2842 = tpu.vector_load %arg9[%get3A_2840, %get3A_2841] {strides = array<i32>} : memref<2x192xf32, #tpu.memory_space<vmem>>, vector<1x16xf32>,
      %get3A_2843 = vector.shape_cast %get3A_2842 : vector<1x16xf32> to vector<16xf32>
      %mul3A_2844 = arith.mulf %get3A_2843, %get3A_2838 : vector<16xf32>
      %add3A_2845 = arith.addf %broadcast_in_dim3A_2831, %mul3A_2844 : vector<16xf32>
      %get3A_2846 = arith.constant 1 : i32
      %get3A_2847 = arith.index_cast %get3A_2846 : i32 to index
      %get3A_2848 = arith.constant 0 : index
      %get3A_2849 = tpu.vector_load %arg9[%get3A_2847, %get3A_2848] {strides = array<i32>} : memref<2x192xf32, #tpu.memory_space<vmem>>, vector<1x16xf32>,
      %get3A_2850 = vector.shape_cast %get3A_2849 : vector<1x16xf32> to vector<16xf32>
      %mul3A_2851 = arith.mulf %get3A_2850, %get3A_2838 : vector<16xf32>
      %add3A_2852 = arith.addf %broadcast_in_dim3A_2833, %mul3A_2851 : vector<16xf32>
      %get3A_2853 = arith.constant 9 : i32
      %get3A_2854 = arith.index_cast %get3A_2853 : i32 to index
      %get3A_2855 = arith.constant 16 : index
      %get3A_2856 = tpu.vector_load %arg10[%get3A_2854, %get3A_2855] {strides = array<i32>} : memref<12x192xf32, #tpu.memory_space<vmem>>, vector<1x16xf32>,
      %get3A_2857 = vector.shape_cast %get3A_2856 : vector<1x16xf32> to vector<16xf32>
      %get3A_2858 = arith.constant 0 : i32
      %get3A_2859 = arith.index_cast %get3A_2858 : i32 to index
      %get3A_2860 = arith.constant 16 : index
      %get3A_2861 = tpu.vector_load %arg9[%get3A_2859, %get3A_2860] {strides = array<i32>} : memref<2x192xf32, #tpu.memory_space<vmem>>, vector<1x16xf32>,
      %get3A_2862 = vector.shape_cast %get3A_2861 : vector<1x16xf32> to vector<16xf32>
      %mul3A_2863 = arith.mulf %get3A_2862, %get3A_2857 : vector<16xf32>
      %add3A_2864 = arith.addf %add3A_2845, %mul3A_2863 : vector<16xf32>
      %get3A_2865 = arith.constant 1 : i32
      %get3A_2866 = arith.index_cast %get3A_2865 : i32 to index
      %get3A_2867 = arith.constant 16 : index
      %get3A_2868 = tpu.vector_load %arg9[%get3A_2866, %get3A_2867] {strides = array<i32>} : memref<2x192xf32, #tpu.memory_space<vmem>>, vector<1x16xf32>,
      %get3A_2869 = vector.shape_cast %get3A_2868 : vector<1x16xf32> to vector<16xf32>
      %mul3A_2870 = arith.mulf %get3A_2869, %get3A_2857 : vector<16xf32>
      %add3A_2871 = arith.addf %add3A_2852, %mul3A_2870 : vector<16xf32>
      %get3A_2872 = arith.constant 9 : i32
      %get3A_2873 = arith.index_cast %get3A_2872 : i32 to index
      %get3A_2874 = arith.constant 32 : index
      %get3A_2875 = tpu.vector_load %arg10[%get3A_2873, %get3A_2874] {strides = array<i32>} : memref<12x192xf32, #tpu.memory_space<vmem>>, vector<1x16xf32>,
      %get3A_2876 = vector.shape_cast %get3A_2875 : vector<1x16xf32> to vector<16xf32>
      %get3A_2877 = arith.constant 0 : i32
      %get3A_2878 = arith.index_cast %get3A_2877 : i32 to index
      %get3A_2879 = arith.constant 32 : index
      %get3A_2880 = tpu.vector_load %arg9[%get3A_2878, %get3A_2879] {strides = array<i32>} : memref<2x192xf32, #tpu.memory_space<vmem>>, vector<1x16xf32>,
      %get3A_2881 = vector.shape_cast %get3A_2880 : vector<1x16xf32> to vector<16xf32>
      %mul3A_2882 = arith.mulf %get3A_2881, %get3A_2876 : vector<16xf32>
      %add3A_2883 = arith.addf %add3A_2864, %mul3A_2882 : vector<16xf32>
      %get3A_2884 = arith.constant 1 : i32
      %get3A_2885 = arith.index_cast %get3A_2884 : i32 to index
      %get3A_2886 = arith.constant 32 : index
      %get3A_2887 = tpu.vector_load %arg9[%get3A_2885, %get3A_2886] {strides = array<i32>} : memref<2x192xf32, #tpu.memory_space<vmem>>, vector<1x16xf32>,
      %get3A_2888 = vector.shape_cast %get3A_2887 : vector<1x16xf32> to vector<16xf32>
      %mul3A_2889 = arith.mulf %get3A_2888, %get3A_2876 : vector<16xf32>
      %add3A_2890 = arith.addf %add3A_2871, %mul3A_2889 : vector<16xf32>
      %get3A_2891 = arith.constant 9 : i32
      %get3A_2892 = arith.index_cast %get3A_2891 : i32 to index
      %get3A_2893 = arith.constant 48 : index
      %get3A_2894 = tpu.vector_load %arg10[%get3A_2892, %get3A_2893] {strides = array<i32>} : memref<12x192xf32, #tpu.memory_space<vmem>>, vector<1x16xf32>,
      %get3A_2895 = vector.shape_cast %get3A_2894 : vector<1x16xf32> to vector<16xf32>
      %get3A_2896 = arith.constant 0 : i32
      %get3A_2897 = arith.index_cast %get3A_2896 : i32 to index
      %get3A_2898 = arith.constant 48 : index
      %get3A_2899 = tpu.vector_load %arg9[%get3A_2897, %get3A_2898] {strides = array<i32>} : memref<2x192xf32, #tpu.memory_space<vmem>>, vector<1x16xf32>,
      %get3A_2900 = vector.shape_cast %get3A_2899 : vector<1x16xf32> to vector<16xf32>
      %mul3A_2901 = arith.mulf %get3A_2900, %get3A_2895 : vector<16xf32>
      %add3A_2902 = arith.addf %add3A_2883, %mul3A_2901 : vector<16xf32>
      %get3A_2903 = arith.constant 1 : i32
      %get3A_2904 = arith.index_cast %get3A_2903 : i32 to index
      %get3A_2905 = arith.constant 48 : index
      %get3A_2906 = tpu.vector_load %arg9[%get3A_2904, %get3A_2905] {strides = array<i32>} : memref<2x192xf32, #tpu.memory_space<vmem>>, vector<1x16xf32>,
      %get3A_2907 = vector.shape_cast %get3A_2906 : vector<1x16xf32> to vector<16xf32>
      %mul3A_2908 = arith.mulf %get3A_2907, %get3A_2895 : vector<16xf32>
      %add3A_2909 = arith.addf %add3A_2890, %mul3A_2908 : vector<16xf32>
      %get3A_2910 = arith.constant 9 : i32
      %get3A_2911 = arith.index_cast %get3A_2910 : i32 to index
      %get3A_2912 = arith.constant 64 : index
      %get3A_2913 = tpu.vector_load %arg10[%get3A_2911, %get3A_2912] {strides = array<i32>} : memref<12x192xf32, #tpu.memory_space<vmem>>, vector<1x16xf32>,
      %get3A_2914 = vector.shape_cast %get3A_2913 : vector<1x16xf32> to vector<16xf32>
      %get3A_2915 = arith.constant 0 : i32
      %get3A_2916 = arith.index_cast %get3A_2915 : i32 to index
      %get3A_2917 = arith.constant 64 : index
      %get3A_2918 = tpu.vector_load %arg9[%get3A_2916, %get3A_2917] {strides = array<i32>} : memref<2x192xf32, #tpu.memory_space<vmem>>, vector<1x16xf32>,
      %get3A_2919 = vector.shape_cast %get3A_2918 : vector<1x16xf32> to vector<16xf32>
      %mul3A_2920 = arith.mulf %get3A_2919, %get3A_2914 : vector<16xf32>
      %add3A_2921 = arith.addf %add3A_2902, %mul3A_2920 : vector<16xf32>
      %get3A_2922 = arith.constant 1 : i32
      %get3A_2923 = arith.index_cast %get3A_2922 : i32 to index
      %get3A_2924 = arith.constant 64 : index
      %get3A_2925 = tpu.vector_load %arg9[%get3A_2923, %get3A_2924] {strides = array<i32>} : memref<2x192xf32, #tpu.memory_space<vmem>>, vector<1x16xf32>,
      %get3A_2926 = vector.shape_cast %get3A_2925 : vector<1x16xf32> to vector<16xf32>
      %mul3A_2927 = arith.mulf %get3A_2926, %get3A_2914 : vector<16xf32>
      %add3A_2928 = arith.addf %add3A_2909, %mul3A_2927 : vector<16xf32>
      %get3A_2929 = arith.constant 9 : i32
      %get3A_2930 = arith.index_cast %get3A_2929 : i32 to index
      %get3A_2931 = arith.constant 80 : index
      %get3A_2932 = tpu.vector_load %arg10[%get3A_2930, %get3A_2931] {strides = array<i32>} : memref<12x192xf32, #tpu.memory_space<vmem>>, vector<1x16xf32>,
      %get3A_2933 = vector.shape_cast %get3A_2932 : vector<1x16xf32> to vector<16xf32>
      %get3A_2934 = arith.constant 0 : i32
      %get3A_2935 = arith.index_cast %get3A_2934 : i32 to index
      %get3A_2936 = arith.constant 80 : index
      %get3A_2937 = tpu.vector_load %arg9[%get3A_2935, %get3A_2936] {strides = array<i32>} : memref<2x192xf32, #tpu.memory_space<vmem>>, vector<1x16xf32>,
      %get3A_2938 = vector.shape_cast %get3A_2937 : vector<1x16xf32> to vector<16xf32>
      %mul3A_2939 = arith.mulf %get3A_2938, %get3A_2933 : vector<16xf32>
      %add3A_2940 = arith.addf %add3A_2921, %mul3A_2939 : vector<16xf32>
      %get3A_2941 = arith.constant 1 : i32
      %get3A_2942 = arith.index_cast %get3A_2941 : i32 to index
      %get3A_2943 = arith.constant 80 : index
      %get3A_2944 = tpu.vector_load %arg9[%get3A_2942, %get3A_2943] {strides = array<i32>} : memref<2x192xf32, #tpu.memory_space<vmem>>, vector<1x16xf32>,
      %get3A_2945 = vector.shape_cast %get3A_2944 : vector<1x16xf32> to vector<16xf32>
      %mul3A_2946 = arith.mulf %get3A_2945, %get3A_2933 : vector<16xf32>
      %add3A_2947 = arith.addf %add3A_2928, %mul3A_2946 : vector<16xf32>
      %get3A_2948 = arith.constant 9 : i32
      %get3A_2949 = arith.index_cast %get3A_2948 : i32 to index
      %get3A_2950 = arith.constant 96 : index
      %get3A_2951 = tpu.vector_load %arg10[%get3A_2949, %get3A_2950] {strides = array<i32>} : memref<12x192xf32, #tpu.memory_space<vmem>>, vector<1x16xf32>,
      %get3A_2952 = vector.shape_cast %get3A_2951 : vector<1x16xf32> to vector<16xf32>
      %get3A_2953 = arith.constant 0 : i32
      %get3A_2954 = arith.index_cast %get3A_2953 : i32 to index
      %get3A_2955 = arith.constant 96 : index
      %get3A_2956 = tpu.vector_load %arg9[%get3A_2954, %get3A_2955] {strides = array<i32>} : memref<2x192xf32, #tpu.memory_space<vmem>>, vector<1x16xf32>,
      %get3A_2957 = vector.shape_cast %get3A_2956 : vector<1x16xf32> to vector<16xf32>
      %mul3A_2958 = arith.mulf %get3A_2957, %get3A_2952 : vector<16xf32>
      %add3A_2959 = arith.addf %add3A_2940, %mul3A_2958 : vector<16xf32>
      %get3A_2960 = arith.constant 1 : i32
      %get3A_2961 = arith.index_cast %get3A_2960 : i32 to index
      %get3A_2962 = arith.constant 96 : index
      %get3A_2963 = tpu.vector_load %arg9[%get3A_2961, %get3A_2962] {strides = array<i32>} : memref<2x192xf32, #tpu.memory_space<vmem>>, vector<1x16xf32>,
      %get3A_2964 = vector.shape_cast %get3A_2963 : vector<1x16xf32> to vector<16xf32>
      %mul3A_2965 = arith.mulf %get3A_2964, %get3A_2952 : vector<16xf32>
      %add3A_2966 = arith.addf %add3A_2947, %mul3A_2965 : vector<16xf32>
      %get3A_2967 = arith.constant 9 : i32
      %get3A_2968 = arith.index_cast %get3A_2967 : i32 to index
      %get3A_2969 = arith.constant 112 : index
      %get3A_2970 = tpu.vector_load %arg10[%get3A_2968, %get3A_2969] {strides = array<i32>} : memref<12x192xf32, #tpu.memory_space<vmem>>, vector<1x16xf32>,
      %get3A_2971 = vector.shape_cast %get3A_2970 : vector<1x16xf32> to vector<16xf32>
      %get3A_2972 = arith.constant 0 : i32
      %get3A_2973 = arith.index_cast %get3A_2972 : i32 to index
      %get3A_2974 = arith.constant 112 : index
      %get3A_2975 = tpu.vector_load %arg9[%get3A_2973, %get3A_2974] {strides = array<i32>} : memref<2x192xf32, #tpu.memory_space<vmem>>, vector<1x16xf32>,
      %get3A_2976 = vector.shape_cast %get3A_2975 : vector<1x16xf32> to vector<16xf32>
      %mul3A_2977 = arith.mulf %get3A_2976, %get3A_2971 : vector<16xf32>
      %add3A_2978 = arith.addf %add3A_2959, %mul3A_2977 : vector<16xf32>
      %get3A_2979 = arith.constant 1 : i32
      %get3A_2980 = arith.index_cast %get3A_2979 : i32 to index
      %get3A_2981 = arith.constant 112 : index
      %get3A_2982 = tpu.vector_load %arg9[%get3A_2980, %get3A_2981] {strides = array<i32>} : memref<2x192xf32, #tpu.memory_space<vmem>>, vector<1x16xf32>,
      %get3A_2983 = vector.shape_cast %get3A_2982 : vector<1x16xf32> to vector<16xf32>
      %mul3A_2984 = arith.mulf %get3A_2983, %get3A_2971 : vector<16xf32>
      %add3A_2985 = arith.addf %add3A_2966, %mul3A_2984 : vector<16xf32>
      %get3A_2986 = arith.constant 9 : i32
      %get3A_2987 = arith.index_cast %get3A_2986 : i32 to index
      %get3A_2988 = arith.constant 128 : index
      %get3A_2989 = tpu.vector_load %arg10[%get3A_2987, %get3A_2988] {strides = array<i32>} : memref<12x192xf32, #tpu.memory_space<vmem>>, vector<1x16xf32>,
      %get3A_2990 = vector.shape_cast %get3A_2989 : vector<1x16xf32> to vector<16xf32>
      %get3A_2991 = arith.constant 0 : i32
      %get3A_2992 = arith.index_cast %get3A_2991 : i32 to index
      %get3A_2993 = arith.constant 128 : index
      %get3A_2994 = tpu.vector_load %arg9[%get3A_2992, %get3A_2993] {strides = array<i32>} : memref<2x192xf32, #tpu.memory_space<vmem>>, vector<1x16xf32>,
      %get3A_2995 = vector.shape_cast %get3A_2994 : vector<1x16xf32> to vector<16xf32>
      %mul3A_2996 = arith.mulf %get3A_2995, %get3A_2990 : vector<16xf32>
      %add3A_2997 = arith.addf %add3A_2978, %mul3A_2996 : vector<16xf32>
      %get3A_2998 = arith.constant 1 : i32
      %get3A_2999 = arith.index_cast %get3A_2998 : i32 to index
      %get3A_3000 = arith.constant 128 : index
      %get3A_3001 = tpu.vector_load %arg9[%get3A_2999, %get3A_3000] {strides = array<i32>} : memref<2x192xf32, #tpu.memory_space<vmem>>, vector<1x16xf32>,
      %get3A_3002 = vector.shape_cast %get3A_3001 : vector<1x16xf32> to vector<16xf32>
      %mul3A_3003 = arith.mulf %get3A_3002, %get3A_2990 : vector<16xf32>
      %add3A_3004 = arith.addf %add3A_2985, %mul3A_3003 : vector<16xf32>
      %get3A_3005 = arith.constant 9 : i32
      %get3A_3006 = arith.index_cast %get3A_3005 : i32 to index
      %get3A_3007 = arith.constant 144 : index
      %get3A_3008 = tpu.vector_load %arg10[%get3A_3006, %get3A_3007] {strides = array<i32>} : memref<12x192xf32, #tpu.memory_space<vmem>>, vector<1x16xf32>,
      %get3A_3009 = vector.shape_cast %get3A_3008 : vector<1x16xf32> to vector<16xf32>
      %get3A_3010 = arith.constant 0 : i32
      %get3A_3011 = arith.index_cast %get3A_3010 : i32 to index
      %get3A_3012 = arith.constant 144 : index
      %get3A_3013 = tpu.vector_load %arg9[%get3A_3011, %get3A_3012] {strides = array<i32>} : memref<2x192xf32, #tpu.memory_space<vmem>>, vector<1x16xf32>,
      %get3A_3014 = vector.shape_cast %get3A_3013 : vector<1x16xf32> to vector<16xf32>
      %mul3A_3015 = arith.mulf %get3A_3014, %get3A_3009 : vector<16xf32>
      %add3A_3016 = arith.addf %add3A_2997, %mul3A_3015 : vector<16xf32>
      %get3A_3017 = arith.constant 1 : i32
      %get3A_3018 = arith.index_cast %get3A_3017 : i32 to index
      %get3A_3019 = arith.constant 144 : index
      %get3A_3020 = tpu.vector_load %arg9[%get3A_3018, %get3A_3019] {strides = array<i32>} : memref<2x192xf32, #tpu.memory_space<vmem>>, vector<1x16xf32>,
      %get3A_3021 = vector.shape_cast %get3A_3020 : vector<1x16xf32> to vector<16xf32>
      %mul3A_3022 = arith.mulf %get3A_3021, %get3A_3009 : vector<16xf32>
      %add3A_3023 = arith.addf %add3A_3004, %mul3A_3022 : vector<16xf32>
      %get3A_3024 = arith.constant 9 : i32
      %get3A_3025 = arith.index_cast %get3A_3024 : i32 to index
      %get3A_3026 = arith.constant 160 : index
      %get3A_3027 = tpu.vector_load %arg10[%get3A_3025, %get3A_3026] {strides = array<i32>} : memref<12x192xf32, #tpu.memory_space<vmem>>, vector<1x16xf32>,
      %get3A_3028 = vector.shape_cast %get3A_3027 : vector<1x16xf32> to vector<16xf32>
      %get3A_3029 = arith.constant 0 : i32
      %get3A_3030 = arith.index_cast %get3A_3029 : i32 to index
      %get3A_3031 = arith.constant 160 : index
      %get3A_3032 = tpu.vector_load %arg9[%get3A_3030, %get3A_3031] {strides = array<i32>} : memref<2x192xf32, #tpu.memory_space<vmem>>, vector<1x16xf32>,
      %get3A_3033 = vector.shape_cast %get3A_3032 : vector<1x16xf32> to vector<16xf32>
      %mul3A_3034 = arith.mulf %get3A_3033, %get3A_3028 : vector<16xf32>
      %add3A_3035 = arith.addf %add3A_3016, %mul3A_3034 : vector<16xf32>
      %get3A_3036 = arith.constant 1 : i32
      %get3A_3037 = arith.index_cast %get3A_3036 : i32 to index
      %get3A_3038 = arith.constant 160 : index
      %get3A_3039 = tpu.vector_load %arg9[%get3A_3037, %get3A_3038] {strides = array<i32>} : memref<2x192xf32, #tpu.memory_space<vmem>>, vector<1x16xf32>,
      %get3A_3040 = vector.shape_cast %get3A_3039 : vector<1x16xf32> to vector<16xf32>
      %mul3A_3041 = arith.mulf %get3A_3040, %get3A_3028 : vector<16xf32>
      %add3A_3042 = arith.addf %add3A_3023, %mul3A_3041 : vector<16xf32>
      %get3A_3043 = arith.constant 9 : i32
      %get3A_3044 = arith.index_cast %get3A_3043 : i32 to index
      %get3A_3045 = arith.constant 176 : index
      %get3A_3046 = tpu.vector_load %arg10[%get3A_3044, %get3A_3045] {strides = array<i32>} : memref<12x192xf32, #tpu.memory_space<vmem>>, vector<1x16xf32>,
      %get3A_3047 = vector.shape_cast %get3A_3046 : vector<1x16xf32> to vector<16xf32>
      %get3A_3048 = arith.constant 0 : i32
      %get3A_3049 = arith.index_cast %get3A_3048 : i32 to index
      %get3A_3050 = arith.constant 176 : index
      %get3A_3051 = tpu.vector_load %arg9[%get3A_3049, %get3A_3050] {strides = array<i32>} : memref<2x192xf32, #tpu.memory_space<vmem>>, vector<1x16xf32>,
      %get3A_3052 = vector.shape_cast %get3A_3051 : vector<1x16xf32> to vector<16xf32>
      %mul3A_3053 = arith.mulf %get3A_3052, %get3A_3047 : vector<16xf32>
      %add3A_3054 = arith.addf %add3A_3035, %mul3A_3053 : vector<16xf32>
      %get3A_3055 = arith.constant 1 : i32
      %get3A_3056 = arith.index_cast %get3A_3055 : i32 to index
      %get3A_3057 = arith.constant 176 : index
      %get3A_3058 = tpu.vector_load %arg9[%get3A_3056, %get3A_3057] {strides = array<i32>} : memref<2x192xf32, #tpu.memory_space<vmem>>, vector<1x16xf32>,
      %get3A_3059 = vector.shape_cast %get3A_3058 : vector<1x16xf32> to vector<16xf32>
      %mul3A_3060 = arith.mulf %get3A_3059, %get3A_3047 : vector<16xf32>
      %add3A_3061 = arith.addf %add3A_3042, %mul3A_3060 : vector<16xf32>
      %broadcast_in_dim3A_3062 = arith.constant 9 : i32
      %broadcast_in_dim3A_3063 = vector.broadcast %broadcast_in_dim3A_3062 : i32 to vector<16xi32>
      %broadcast_in_dim3A_3064 = vector.shape_cast %broadcast_in_dim3A_3063 : vector<16xi32> to vector<16x1xi32>
      %gather3A_3065 = vector.shape_cast %broadcast_in_dim3A_3064 : vector<16x1xi32> to vector<16xi32>
      %gather3A_3066 = tpu.dynamic_gather %get3A_29[%gather3A_3065] in [0] : vector<16xf32>, vector<16xi32> -> vector<16xf32>
      %xor3A_3067 = arith.constant 1 : i32
      %xor3A_3068 = vector.broadcast %xor3A_3067 : i32 to vector<16xi32>
      %xor3A_3069 = arith.xori %iota3A, %xor3A_3068 : vector<16xi32>
      %broadcast_in_dim3A_3070 = vector.shape_cast %xor3A_3069 : vector<16xi32> to vector<16x1xi32>
      %gather3A_3071 = vector.shape_cast %broadcast_in_dim3A_3070 : vector<16x1xi32> to vector<16xi32>
      %gather3A_3072 = tpu.dynamic_gather %add3A_3054[%gather3A_3071] in [0] : vector<16xf32>, vector<16xi32> -> vector<16xf32>
      %add3A_3073 = arith.addf %add3A_3054, %gather3A_3072 : vector<16xf32>
      %xor3A_3074 = arith.constant 2 : i32
      %xor3A_3075 = vector.broadcast %xor3A_3074 : i32 to vector<16xi32>
      %xor3A_3076 = arith.xori %iota3A, %xor3A_3075 : vector<16xi32>
      %broadcast_in_dim3A_3077 = vector.shape_cast %xor3A_3076 : vector<16xi32> to vector<16x1xi32>
      %gather3A_3078 = vector.shape_cast %broadcast_in_dim3A_3077 : vector<16x1xi32> to vector<16xi32>
      %gather3A_3079 = tpu.dynamic_gather %add3A_3073[%gather3A_3078] in [0] : vector<16xf32>, vector<16xi32> -> vector<16xf32>
      %add3A_3080 = arith.addf %add3A_3073, %gather3A_3079 : vector<16xf32>
      %xor3A_3081 = arith.constant 4 : i32
      %xor3A_3082 = vector.broadcast %xor3A_3081 : i32 to vector<16xi32>
      %xor3A_3083 = arith.xori %iota3A, %xor3A_3082 : vector<16xi32>
      %broadcast_in_dim3A_3084 = vector.shape_cast %xor3A_3083 : vector<16xi32> to vector<16x1xi32>
      %gather3A_3085 = vector.shape_cast %broadcast_in_dim3A_3084 : vector<16x1xi32> to vector<16xi32>
      %gather3A_3086 = tpu.dynamic_gather %add3A_3080[%gather3A_3085] in [0] : vector<16xf32>, vector<16xi32> -> vector<16xf32>
      %add3A_3087 = arith.addf %add3A_3080, %gather3A_3086 : vector<16xf32>
      %xor3A_3088 = arith.constant 8 : i32
      %xor3A_3089 = vector.broadcast %xor3A_3088 : i32 to vector<16xi32>
      %xor3A_3090 = arith.xori %iota3A, %xor3A_3089 : vector<16xi32>
      %broadcast_in_dim3A_3091 = vector.shape_cast %xor3A_3090 : vector<16xi32> to vector<16x1xi32>
      %gather3A_3092 = vector.shape_cast %broadcast_in_dim3A_3091 : vector<16x1xi32> to vector<16xi32>
      %gather3A_3093 = tpu.dynamic_gather %add3A_3087[%gather3A_3092] in [0] : vector<16xf32>, vector<16xi32> -> vector<16xf32>
      %add3A_3094 = arith.addf %add3A_3087, %gather3A_3093 : vector<16xf32>
      %add3A_3095 = arith.addf %add3A_3094, %gather3A_3066 : vector<16xf32>
      %max3A_3096 = arith.constant 0.000000e+00 : f32
      %max3A_3097 = vector.broadcast %max3A_3096 : f32 to vector<16xf32>
      %max3A_3098 = arith.maximumf %add3A_3095, %max3A_3097 : vector<16xf32>
      %xor3A_3099 = arith.constant 1 : i32
      %xor3A_3100 = vector.broadcast %xor3A_3099 : i32 to vector<16xi32>
      %xor3A_3101 = arith.xori %iota3A, %xor3A_3100 : vector<16xi32>
      %broadcast_in_dim3A_3102 = vector.shape_cast %xor3A_3101 : vector<16xi32> to vector<16x1xi32>
      %gather3A_3103 = vector.shape_cast %broadcast_in_dim3A_3102 : vector<16x1xi32> to vector<16xi32>
      %gather3A_3104 = tpu.dynamic_gather %add3A_3061[%gather3A_3103] in [0] : vector<16xf32>, vector<16xi32> -> vector<16xf32>
      %add3A_3105 = arith.addf %add3A_3061, %gather3A_3104 : vector<16xf32>
      %xor3A_3106 = arith.constant 2 : i32
      %xor3A_3107 = vector.broadcast %xor3A_3106 : i32 to vector<16xi32>
      %xor3A_3108 = arith.xori %iota3A, %xor3A_3107 : vector<16xi32>
      %broadcast_in_dim3A_3109 = vector.shape_cast %xor3A_3108 : vector<16xi32> to vector<16x1xi32>
      %gather3A_3110 = vector.shape_cast %broadcast_in_dim3A_3109 : vector<16x1xi32> to vector<16xi32>
      %gather3A_3111 = tpu.dynamic_gather %add3A_3105[%gather3A_3110] in [0] : vector<16xf32>, vector<16xi32> -> vector<16xf32>
      %add3A_3112 = arith.addf %add3A_3105, %gather3A_3111 : vector<16xf32>
      %xor3A_3113 = arith.constant 4 : i32
      %xor3A_3114 = vector.broadcast %xor3A_3113 : i32 to vector<16xi32>
      %xor3A_3115 = arith.xori %iota3A, %xor3A_3114 : vector<16xi32>
      %broadcast_in_dim3A_3116 = vector.shape_cast %xor3A_3115 : vector<16xi32> to vector<16x1xi32>
      %gather3A_3117 = vector.shape_cast %broadcast_in_dim3A_3116 : vector<16x1xi32> to vector<16xi32>
      %gather3A_3118 = tpu.dynamic_gather %add3A_3112[%gather3A_3117] in [0] : vector<16xf32>, vector<16xi32> -> vector<16xf32>
      %add3A_3119 = arith.addf %add3A_3112, %gather3A_3118 : vector<16xf32>
      %xor3A_3120 = arith.constant 8 : i32
      %xor3A_3121 = vector.broadcast %xor3A_3120 : i32 to vector<16xi32>
      %xor3A_3122 = arith.xori %iota3A, %xor3A_3121 : vector<16xi32>
      %broadcast_in_dim3A_3123 = vector.shape_cast %xor3A_3122 : vector<16xi32> to vector<16x1xi32>
      %gather3A_3124 = vector.shape_cast %broadcast_in_dim3A_3123 : vector<16x1xi32> to vector<16xi32>
      %gather3A_3125 = tpu.dynamic_gather %add3A_3119[%gather3A_3124] in [0] : vector<16xf32>, vector<16xi32> -> vector<16xf32>
      %add3A_3126 = arith.addf %add3A_3119, %gather3A_3125 : vector<16xf32>
      %add3A_3127 = arith.addf %add3A_3126, %gather3A_3066 : vector<16xf32>
      %max3A_3128 = arith.constant 0.000000e+00 : f32
      %max3A_3129 = vector.broadcast %max3A_3128 : f32 to vector<16xf32>
      %max3A_3130 = arith.maximumf %add3A_3127, %max3A_3129 : vector<16xf32>
      %mul3A_3131 = arith.mulf %convert_element_type3A_24, %max3A_3098 : vector<16xf32>
      %mul3A_3132 = arith.mulf %sub3A_27, %max3A_3130 : vector<16xf32>
      %add3A_3133 = arith.addf %mul3A_3131, %mul3A_3132 : vector<16xf32>
      %get3A_3134 = arith.constant 9 : i32
      %get3A_3135 = arith.index_cast %get3A_3134 : i32 to index
      %get3A_3136 = arith.constant 0 : index
      %get3A_3137 = tpu.vector_load %arg12[%get3A_3135, %get3A_3136] {strides = array<i32>} : memref<12x16xf32, #tpu.memory_space<vmem>>, vector<1x16xf32>,
      %get3A_3138 = vector.shape_cast %get3A_3137 : vector<1x16xf32> to vector<16xf32>
      %mul3A_3139 = arith.mulf %add3A_3133, %get3A_3138 : vector<16xf32>
      %add3A_3140 = arith.addf %add3A_2829, %mul3A_3139 : vector<16xf32>
      %broadcast_in_dim3A_3141 = arith.constant 0.000000e+00 : f32
      %broadcast_in_dim3A_3142 = vector.broadcast %broadcast_in_dim3A_3141 : f32 to vector<16xf32>
      %broadcast_in_dim3A_3143 = arith.constant 0.000000e+00 : f32
      %broadcast_in_dim3A_3144 = vector.broadcast %broadcast_in_dim3A_3143 : f32 to vector<16xf32>
      %get3A_3145 = arith.constant 10 : i32
      %get3A_3146 = arith.index_cast %get3A_3145 : i32 to index
      %get3A_3147 = arith.constant 0 : index
      %get3A_3148 = tpu.vector_load %arg10[%get3A_3146, %get3A_3147] {strides = array<i32>} : memref<12x192xf32, #tpu.memory_space<vmem>>, vector<1x16xf32>,
      %get3A_3149 = vector.shape_cast %get3A_3148 : vector<1x16xf32> to vector<16xf32>
      %get3A_3150 = arith.constant 0 : i32
      %get3A_3151 = arith.index_cast %get3A_3150 : i32 to index
      %get3A_3152 = arith.constant 0 : index
      %get3A_3153 = tpu.vector_load %arg9[%get3A_3151, %get3A_3152] {strides = array<i32>} : memref<2x192xf32, #tpu.memory_space<vmem>>, vector<1x16xf32>,
      %get3A_3154 = vector.shape_cast %get3A_3153 : vector<1x16xf32> to vector<16xf32>
      %mul3A_3155 = arith.mulf %get3A_3154, %get3A_3149 : vector<16xf32>
      %add3A_3156 = arith.addf %broadcast_in_dim3A_3142, %mul3A_3155 : vector<16xf32>
      %get3A_3157 = arith.constant 1 : i32
      %get3A_3158 = arith.index_cast %get3A_3157 : i32 to index
      %get3A_3159 = arith.constant 0 : index
      %get3A_3160 = tpu.vector_load %arg9[%get3A_3158, %get3A_3159] {strides = array<i32>} : memref<2x192xf32, #tpu.memory_space<vmem>>, vector<1x16xf32>,
      %get3A_3161 = vector.shape_cast %get3A_3160 : vector<1x16xf32> to vector<16xf32>
      %mul3A_3162 = arith.mulf %get3A_3161, %get3A_3149 : vector<16xf32>
      %add3A_3163 = arith.addf %broadcast_in_dim3A_3144, %mul3A_3162 : vector<16xf32>
      %get3A_3164 = arith.constant 10 : i32
      %get3A_3165 = arith.index_cast %get3A_3164 : i32 to index
      %get3A_3166 = arith.constant 16 : index
      %get3A_3167 = tpu.vector_load %arg10[%get3A_3165, %get3A_3166] {strides = array<i32>} : memref<12x192xf32, #tpu.memory_space<vmem>>, vector<1x16xf32>,
      %get3A_3168 = vector.shape_cast %get3A_3167 : vector<1x16xf32> to vector<16xf32>
      %get3A_3169 = arith.constant 0 : i32
      %get3A_3170 = arith.index_cast %get3A_3169 : i32 to index
      %get3A_3171 = arith.constant 16 : index
      %get3A_3172 = tpu.vector_load %arg9[%get3A_3170, %get3A_3171] {strides = array<i32>} : memref<2x192xf32, #tpu.memory_space<vmem>>, vector<1x16xf32>,
      %get3A_3173 = vector.shape_cast %get3A_3172 : vector<1x16xf32> to vector<16xf32>
      %mul3A_3174 = arith.mulf %get3A_3173, %get3A_3168 : vector<16xf32>
      %add3A_3175 = arith.addf %add3A_3156, %mul3A_3174 : vector<16xf32>
      %get3A_3176 = arith.constant 1 : i32
      %get3A_3177 = arith.index_cast %get3A_3176 : i32 to index
      %get3A_3178 = arith.constant 16 : index
      %get3A_3179 = tpu.vector_load %arg9[%get3A_3177, %get3A_3178] {strides = array<i32>} : memref<2x192xf32, #tpu.memory_space<vmem>>, vector<1x16xf32>,
      %get3A_3180 = vector.shape_cast %get3A_3179 : vector<1x16xf32> to vector<16xf32>
      %mul3A_3181 = arith.mulf %get3A_3180, %get3A_3168 : vector<16xf32>
      %add3A_3182 = arith.addf %add3A_3163, %mul3A_3181 : vector<16xf32>
      %get3A_3183 = arith.constant 10 : i32
      %get3A_3184 = arith.index_cast %get3A_3183 : i32 to index
      %get3A_3185 = arith.constant 32 : index
      %get3A_3186 = tpu.vector_load %arg10[%get3A_3184, %get3A_3185] {strides = array<i32>} : memref<12x192xf32, #tpu.memory_space<vmem>>, vector<1x16xf32>,
      %get3A_3187 = vector.shape_cast %get3A_3186 : vector<1x16xf32> to vector<16xf32>
      %get3A_3188 = arith.constant 0 : i32
      %get3A_3189 = arith.index_cast %get3A_3188 : i32 to index
      %get3A_3190 = arith.constant 32 : index
      %get3A_3191 = tpu.vector_load %arg9[%get3A_3189, %get3A_3190] {strides = array<i32>} : memref<2x192xf32, #tpu.memory_space<vmem>>, vector<1x16xf32>,
      %get3A_3192 = vector.shape_cast %get3A_3191 : vector<1x16xf32> to vector<16xf32>
      %mul3A_3193 = arith.mulf %get3A_3192, %get3A_3187 : vector<16xf32>
      %add3A_3194 = arith.addf %add3A_3175, %mul3A_3193 : vector<16xf32>
      %get3A_3195 = arith.constant 1 : i32
      %get3A_3196 = arith.index_cast %get3A_3195 : i32 to index
      %get3A_3197 = arith.constant 32 : index
      %get3A_3198 = tpu.vector_load %arg9[%get3A_3196, %get3A_3197] {strides = array<i32>} : memref<2x192xf32, #tpu.memory_space<vmem>>, vector<1x16xf32>,
      %get3A_3199 = vector.shape_cast %get3A_3198 : vector<1x16xf32> to vector<16xf32>
      %mul3A_3200 = arith.mulf %get3A_3199, %get3A_3187 : vector<16xf32>
      %add3A_3201 = arith.addf %add3A_3182, %mul3A_3200 : vector<16xf32>
      %get3A_3202 = arith.constant 10 : i32
      %get3A_3203 = arith.index_cast %get3A_3202 : i32 to index
      %get3A_3204 = arith.constant 48 : index
      %get3A_3205 = tpu.vector_load %arg10[%get3A_3203, %get3A_3204] {strides = array<i32>} : memref<12x192xf32, #tpu.memory_space<vmem>>, vector<1x16xf32>,
      %get3A_3206 = vector.shape_cast %get3A_3205 : vector<1x16xf32> to vector<16xf32>
      %get3A_3207 = arith.constant 0 : i32
      %get3A_3208 = arith.index_cast %get3A_3207 : i32 to index
      %get3A_3209 = arith.constant 48 : index
      %get3A_3210 = tpu.vector_load %arg9[%get3A_3208, %get3A_3209] {strides = array<i32>} : memref<2x192xf32, #tpu.memory_space<vmem>>, vector<1x16xf32>,
      %get3A_3211 = vector.shape_cast %get3A_3210 : vector<1x16xf32> to vector<16xf32>
      %mul3A_3212 = arith.mulf %get3A_3211, %get3A_3206 : vector<16xf32>
      %add3A_3213 = arith.addf %add3A_3194, %mul3A_3212 : vector<16xf32>
      %get3A_3214 = arith.constant 1 : i32
      %get3A_3215 = arith.index_cast %get3A_3214 : i32 to index
      %get3A_3216 = arith.constant 48 : index
      %get3A_3217 = tpu.vector_load %arg9[%get3A_3215, %get3A_3216] {strides = array<i32>} : memref<2x192xf32, #tpu.memory_space<vmem>>, vector<1x16xf32>,
      %get3A_3218 = vector.shape_cast %get3A_3217 : vector<1x16xf32> to vector<16xf32>
      %mul3A_3219 = arith.mulf %get3A_3218, %get3A_3206 : vector<16xf32>
      %add3A_3220 = arith.addf %add3A_3201, %mul3A_3219 : vector<16xf32>
      %get3A_3221 = arith.constant 10 : i32
      %get3A_3222 = arith.index_cast %get3A_3221 : i32 to index
      %get3A_3223 = arith.constant 64 : index
      %get3A_3224 = tpu.vector_load %arg10[%get3A_3222, %get3A_3223] {strides = array<i32>} : memref<12x192xf32, #tpu.memory_space<vmem>>, vector<1x16xf32>,
      %get3A_3225 = vector.shape_cast %get3A_3224 : vector<1x16xf32> to vector<16xf32>
      %get3A_3226 = arith.constant 0 : i32
      %get3A_3227 = arith.index_cast %get3A_3226 : i32 to index
      %get3A_3228 = arith.constant 64 : index
      %get3A_3229 = tpu.vector_load %arg9[%get3A_3227, %get3A_3228] {strides = array<i32>} : memref<2x192xf32, #tpu.memory_space<vmem>>, vector<1x16xf32>,
      %get3A_3230 = vector.shape_cast %get3A_3229 : vector<1x16xf32> to vector<16xf32>
      %mul3A_3231 = arith.mulf %get3A_3230, %get3A_3225 : vector<16xf32>
      %add3A_3232 = arith.addf %add3A_3213, %mul3A_3231 : vector<16xf32>
      %get3A_3233 = arith.constant 1 : i32
      %get3A_3234 = arith.index_cast %get3A_3233 : i32 to index
      %get3A_3235 = arith.constant 64 : index
      %get3A_3236 = tpu.vector_load %arg9[%get3A_3234, %get3A_3235] {strides = array<i32>} : memref<2x192xf32, #tpu.memory_space<vmem>>, vector<1x16xf32>,
      %get3A_3237 = vector.shape_cast %get3A_3236 : vector<1x16xf32> to vector<16xf32>
      %mul3A_3238 = arith.mulf %get3A_3237, %get3A_3225 : vector<16xf32>
      %add3A_3239 = arith.addf %add3A_3220, %mul3A_3238 : vector<16xf32>
      %get3A_3240 = arith.constant 10 : i32
      %get3A_3241 = arith.index_cast %get3A_3240 : i32 to index
      %get3A_3242 = arith.constant 80 : index
      %get3A_3243 = tpu.vector_load %arg10[%get3A_3241, %get3A_3242] {strides = array<i32>} : memref<12x192xf32, #tpu.memory_space<vmem>>, vector<1x16xf32>,
      %get3A_3244 = vector.shape_cast %get3A_3243 : vector<1x16xf32> to vector<16xf32>
      %get3A_3245 = arith.constant 0 : i32
      %get3A_3246 = arith.index_cast %get3A_3245 : i32 to index
      %get3A_3247 = arith.constant 80 : index
      %get3A_3248 = tpu.vector_load %arg9[%get3A_3246, %get3A_3247] {strides = array<i32>} : memref<2x192xf32, #tpu.memory_space<vmem>>, vector<1x16xf32>,
      %get3A_3249 = vector.shape_cast %get3A_3248 : vector<1x16xf32> to vector<16xf32>
      %mul3A_3250 = arith.mulf %get3A_3249, %get3A_3244 : vector<16xf32>
      %add3A_3251 = arith.addf %add3A_3232, %mul3A_3250 : vector<16xf32>
      %get3A_3252 = arith.constant 1 : i32
      %get3A_3253 = arith.index_cast %get3A_3252 : i32 to index
      %get3A_3254 = arith.constant 80 : index
      %get3A_3255 = tpu.vector_load %arg9[%get3A_3253, %get3A_3254] {strides = array<i32>} : memref<2x192xf32, #tpu.memory_space<vmem>>, vector<1x16xf32>,
      %get3A_3256 = vector.shape_cast %get3A_3255 : vector<1x16xf32> to vector<16xf32>
      %mul3A_3257 = arith.mulf %get3A_3256, %get3A_3244 : vector<16xf32>
      %add3A_3258 = arith.addf %add3A_3239, %mul3A_3257 : vector<16xf32>
      %get3A_3259 = arith.constant 10 : i32
      %get3A_3260 = arith.index_cast %get3A_3259 : i32 to index
      %get3A_3261 = arith.constant 96 : index
      %get3A_3262 = tpu.vector_load %arg10[%get3A_3260, %get3A_3261] {strides = array<i32>} : memref<12x192xf32, #tpu.memory_space<vmem>>, vector<1x16xf32>,
      %get3A_3263 = vector.shape_cast %get3A_3262 : vector<1x16xf32> to vector<16xf32>
      %get3A_3264 = arith.constant 0 : i32
      %get3A_3265 = arith.index_cast %get3A_3264 : i32 to index
      %get3A_3266 = arith.constant 96 : index
      %get3A_3267 = tpu.vector_load %arg9[%get3A_3265, %get3A_3266] {strides = array<i32>} : memref<2x192xf32, #tpu.memory_space<vmem>>, vector<1x16xf32>,
      %get3A_3268 = vector.shape_cast %get3A_3267 : vector<1x16xf32> to vector<16xf32>
      %mul3A_3269 = arith.mulf %get3A_3268, %get3A_3263 : vector<16xf32>
      %add3A_3270 = arith.addf %add3A_3251, %mul3A_3269 : vector<16xf32>
      %get3A_3271 = arith.constant 1 : i32
      %get3A_3272 = arith.index_cast %get3A_3271 : i32 to index
      %get3A_3273 = arith.constant 96 : index
      %get3A_3274 = tpu.vector_load %arg9[%get3A_3272, %get3A_3273] {strides = array<i32>} : memref<2x192xf32, #tpu.memory_space<vmem>>, vector<1x16xf32>,
      %get3A_3275 = vector.shape_cast %get3A_3274 : vector<1x16xf32> to vector<16xf32>
      %mul3A_3276 = arith.mulf %get3A_3275, %get3A_3263 : vector<16xf32>
      %add3A_3277 = arith.addf %add3A_3258, %mul3A_3276 : vector<16xf32>
      %get3A_3278 = arith.constant 10 : i32
      %get3A_3279 = arith.index_cast %get3A_3278 : i32 to index
      %get3A_3280 = arith.constant 112 : index
      %get3A_3281 = tpu.vector_load %arg10[%get3A_3279, %get3A_3280] {strides = array<i32>} : memref<12x192xf32, #tpu.memory_space<vmem>>, vector<1x16xf32>,
      %get3A_3282 = vector.shape_cast %get3A_3281 : vector<1x16xf32> to vector<16xf32>
      %get3A_3283 = arith.constant 0 : i32
      %get3A_3284 = arith.index_cast %get3A_3283 : i32 to index
      %get3A_3285 = arith.constant 112 : index
      %get3A_3286 = tpu.vector_load %arg9[%get3A_3284, %get3A_3285] {strides = array<i32>} : memref<2x192xf32, #tpu.memory_space<vmem>>, vector<1x16xf32>,
      %get3A_3287 = vector.shape_cast %get3A_3286 : vector<1x16xf32> to vector<16xf32>
      %mul3A_3288 = arith.mulf %get3A_3287, %get3A_3282 : vector<16xf32>
      %add3A_3289 = arith.addf %add3A_3270, %mul3A_3288 : vector<16xf32>
      %get3A_3290 = arith.constant 1 : i32
      %get3A_3291 = arith.index_cast %get3A_3290 : i32 to index
      %get3A_3292 = arith.constant 112 : index
      %get3A_3293 = tpu.vector_load %arg9[%get3A_3291, %get3A_3292] {strides = array<i32>} : memref<2x192xf32, #tpu.memory_space<vmem>>, vector<1x16xf32>,
      %get3A_3294 = vector.shape_cast %get3A_3293 : vector<1x16xf32> to vector<16xf32>
      %mul3A_3295 = arith.mulf %get3A_3294, %get3A_3282 : vector<16xf32>
      %add3A_3296 = arith.addf %add3A_3277, %mul3A_3295 : vector<16xf32>
      %get3A_3297 = arith.constant 10 : i32
      %get3A_3298 = arith.index_cast %get3A_3297 : i32 to index
      %get3A_3299 = arith.constant 128 : index
      %get3A_3300 = tpu.vector_load %arg10[%get3A_3298, %get3A_3299] {strides = array<i32>} : memref<12x192xf32, #tpu.memory_space<vmem>>, vector<1x16xf32>,
      %get3A_3301 = vector.shape_cast %get3A_3300 : vector<1x16xf32> to vector<16xf32>
      %get3A_3302 = arith.constant 0 : i32
      %get3A_3303 = arith.index_cast %get3A_3302 : i32 to index
      %get3A_3304 = arith.constant 128 : index
      %get3A_3305 = tpu.vector_load %arg9[%get3A_3303, %get3A_3304] {strides = array<i32>} : memref<2x192xf32, #tpu.memory_space<vmem>>, vector<1x16xf32>,
      %get3A_3306 = vector.shape_cast %get3A_3305 : vector<1x16xf32> to vector<16xf32>
      %mul3A_3307 = arith.mulf %get3A_3306, %get3A_3301 : vector<16xf32>
      %add3A_3308 = arith.addf %add3A_3289, %mul3A_3307 : vector<16xf32>
      %get3A_3309 = arith.constant 1 : i32
      %get3A_3310 = arith.index_cast %get3A_3309 : i32 to index
      %get3A_3311 = arith.constant 128 : index
      %get3A_3312 = tpu.vector_load %arg9[%get3A_3310, %get3A_3311] {strides = array<i32>} : memref<2x192xf32, #tpu.memory_space<vmem>>, vector<1x16xf32>,
      %get3A_3313 = vector.shape_cast %get3A_3312 : vector<1x16xf32> to vector<16xf32>
      %mul3A_3314 = arith.mulf %get3A_3313, %get3A_3301 : vector<16xf32>
      %add3A_3315 = arith.addf %add3A_3296, %mul3A_3314 : vector<16xf32>
      %get3A_3316 = arith.constant 10 : i32
      %get3A_3317 = arith.index_cast %get3A_3316 : i32 to index
      %get3A_3318 = arith.constant 144 : index
      %get3A_3319 = tpu.vector_load %arg10[%get3A_3317, %get3A_3318] {strides = array<i32>} : memref<12x192xf32, #tpu.memory_space<vmem>>, vector<1x16xf32>,
      %get3A_3320 = vector.shape_cast %get3A_3319 : vector<1x16xf32> to vector<16xf32>
      %get3A_3321 = arith.constant 0 : i32
      %get3A_3322 = arith.index_cast %get3A_3321 : i32 to index
      %get3A_3323 = arith.constant 144 : index
      %get3A_3324 = tpu.vector_load %arg9[%get3A_3322, %get3A_3323] {strides = array<i32>} : memref<2x192xf32, #tpu.memory_space<vmem>>, vector<1x16xf32>,
      %get3A_3325 = vector.shape_cast %get3A_3324 : vector<1x16xf32> to vector<16xf32>
      %mul3A_3326 = arith.mulf %get3A_3325, %get3A_3320 : vector<16xf32>
      %add3A_3327 = arith.addf %add3A_3308, %mul3A_3326 : vector<16xf32>
      %get3A_3328 = arith.constant 1 : i32
      %get3A_3329 = arith.index_cast %get3A_3328 : i32 to index
      %get3A_3330 = arith.constant 144 : index
      %get3A_3331 = tpu.vector_load %arg9[%get3A_3329, %get3A_3330] {strides = array<i32>} : memref<2x192xf32, #tpu.memory_space<vmem>>, vector<1x16xf32>,
      %get3A_3332 = vector.shape_cast %get3A_3331 : vector<1x16xf32> to vector<16xf32>
      %mul3A_3333 = arith.mulf %get3A_3332, %get3A_3320 : vector<16xf32>
      %add3A_3334 = arith.addf %add3A_3315, %mul3A_3333 : vector<16xf32>
      %get3A_3335 = arith.constant 10 : i32
      %get3A_3336 = arith.index_cast %get3A_3335 : i32 to index
      %get3A_3337 = arith.constant 160 : index
      %get3A_3338 = tpu.vector_load %arg10[%get3A_3336, %get3A_3337] {strides = array<i32>} : memref<12x192xf32, #tpu.memory_space<vmem>>, vector<1x16xf32>,
      %get3A_3339 = vector.shape_cast %get3A_3338 : vector<1x16xf32> to vector<16xf32>
      %get3A_3340 = arith.constant 0 : i32
      %get3A_3341 = arith.index_cast %get3A_3340 : i32 to index
      %get3A_3342 = arith.constant 160 : index
      %get3A_3343 = tpu.vector_load %arg9[%get3A_3341, %get3A_3342] {strides = array<i32>} : memref<2x192xf32, #tpu.memory_space<vmem>>, vector<1x16xf32>,
      %get3A_3344 = vector.shape_cast %get3A_3343 : vector<1x16xf32> to vector<16xf32>
      %mul3A_3345 = arith.mulf %get3A_3344, %get3A_3339 : vector<16xf32>
      %add3A_3346 = arith.addf %add3A_3327, %mul3A_3345 : vector<16xf32>
      %get3A_3347 = arith.constant 1 : i32
      %get3A_3348 = arith.index_cast %get3A_3347 : i32 to index
      %get3A_3349 = arith.constant 160 : index
      %get3A_3350 = tpu.vector_load %arg9[%get3A_3348, %get3A_3349] {strides = array<i32>} : memref<2x192xf32, #tpu.memory_space<vmem>>, vector<1x16xf32>,
      %get3A_3351 = vector.shape_cast %get3A_3350 : vector<1x16xf32> to vector<16xf32>
      %mul3A_3352 = arith.mulf %get3A_3351, %get3A_3339 : vector<16xf32>
      %add3A_3353 = arith.addf %add3A_3334, %mul3A_3352 : vector<16xf32>
      %get3A_3354 = arith.constant 10 : i32
      %get3A_3355 = arith.index_cast %get3A_3354 : i32 to index
      %get3A_3356 = arith.constant 176 : index
      %get3A_3357 = tpu.vector_load %arg10[%get3A_3355, %get3A_3356] {strides = array<i32>} : memref<12x192xf32, #tpu.memory_space<vmem>>, vector<1x16xf32>,
      %get3A_3358 = vector.shape_cast %get3A_3357 : vector<1x16xf32> to vector<16xf32>
      %get3A_3359 = arith.constant 0 : i32
      %get3A_3360 = arith.index_cast %get3A_3359 : i32 to index
      %get3A_3361 = arith.constant 176 : index
      %get3A_3362 = tpu.vector_load %arg9[%get3A_3360, %get3A_3361] {strides = array<i32>} : memref<2x192xf32, #tpu.memory_space<vmem>>, vector<1x16xf32>,
      %get3A_3363 = vector.shape_cast %get3A_3362 : vector<1x16xf32> to vector<16xf32>
      %mul3A_3364 = arith.mulf %get3A_3363, %get3A_3358 : vector<16xf32>
      %add3A_3365 = arith.addf %add3A_3346, %mul3A_3364 : vector<16xf32>
      %get3A_3366 = arith.constant 1 : i32
      %get3A_3367 = arith.index_cast %get3A_3366 : i32 to index
      %get3A_3368 = arith.constant 176 : index
      %get3A_3369 = tpu.vector_load %arg9[%get3A_3367, %get3A_3368] {strides = array<i32>} : memref<2x192xf32, #tpu.memory_space<vmem>>, vector<1x16xf32>,
      %get3A_3370 = vector.shape_cast %get3A_3369 : vector<1x16xf32> to vector<16xf32>
      %mul3A_3371 = arith.mulf %get3A_3370, %get3A_3358 : vector<16xf32>
      %add3A_3372 = arith.addf %add3A_3353, %mul3A_3371 : vector<16xf32>
      %broadcast_in_dim3A_3373 = arith.constant 10 : i32
      %broadcast_in_dim3A_3374 = vector.broadcast %broadcast_in_dim3A_3373 : i32 to vector<16xi32>
      %broadcast_in_dim3A_3375 = vector.shape_cast %broadcast_in_dim3A_3374 : vector<16xi32> to vector<16x1xi32>
      %gather3A_3376 = vector.shape_cast %broadcast_in_dim3A_3375 : vector<16x1xi32> to vector<16xi32>
      %gather3A_3377 = tpu.dynamic_gather %get3A_29[%gather3A_3376] in [0] : vector<16xf32>, vector<16xi32> -> vector<16xf32>
      %xor3A_3378 = arith.constant 1 : i32
      %xor3A_3379 = vector.broadcast %xor3A_3378 : i32 to vector<16xi32>
      %xor3A_3380 = arith.xori %iota3A, %xor3A_3379 : vector<16xi32>
      %broadcast_in_dim3A_3381 = vector.shape_cast %xor3A_3380 : vector<16xi32> to vector<16x1xi32>
      %gather3A_3382 = vector.shape_cast %broadcast_in_dim3A_3381 : vector<16x1xi32> to vector<16xi32>
      %gather3A_3383 = tpu.dynamic_gather %add3A_3365[%gather3A_3382] in [0] : vector<16xf32>, vector<16xi32> -> vector<16xf32>
      %add3A_3384 = arith.addf %add3A_3365, %gather3A_3383 : vector<16xf32>
      %xor3A_3385 = arith.constant 2 : i32
      %xor3A_3386 = vector.broadcast %xor3A_3385 : i32 to vector<16xi32>
      %xor3A_3387 = arith.xori %iota3A, %xor3A_3386 : vector<16xi32>
      %broadcast_in_dim3A_3388 = vector.shape_cast %xor3A_3387 : vector<16xi32> to vector<16x1xi32>
      %gather3A_3389 = vector.shape_cast %broadcast_in_dim3A_3388 : vector<16x1xi32> to vector<16xi32>
      %gather3A_3390 = tpu.dynamic_gather %add3A_3384[%gather3A_3389] in [0] : vector<16xf32>, vector<16xi32> -> vector<16xf32>
      %add3A_3391 = arith.addf %add3A_3384, %gather3A_3390 : vector<16xf32>
      %xor3A_3392 = arith.constant 4 : i32
      %xor3A_3393 = vector.broadcast %xor3A_3392 : i32 to vector<16xi32>
      %xor3A_3394 = arith.xori %iota3A, %xor3A_3393 : vector<16xi32>
      %broadcast_in_dim3A_3395 = vector.shape_cast %xor3A_3394 : vector<16xi32> to vector<16x1xi32>
      %gather3A_3396 = vector.shape_cast %broadcast_in_dim3A_3395 : vector<16x1xi32> to vector<16xi32>
      %gather3A_3397 = tpu.dynamic_gather %add3A_3391[%gather3A_3396] in [0] : vector<16xf32>, vector<16xi32> -> vector<16xf32>
      %add3A_3398 = arith.addf %add3A_3391, %gather3A_3397 : vector<16xf32>
      %xor3A_3399 = arith.constant 8 : i32
      %xor3A_3400 = vector.broadcast %xor3A_3399 : i32 to vector<16xi32>
      %xor3A_3401 = arith.xori %iota3A, %xor3A_3400 : vector<16xi32>
      %broadcast_in_dim3A_3402 = vector.shape_cast %xor3A_3401 : vector<16xi32> to vector<16x1xi32>
      %gather3A_3403 = vector.shape_cast %broadcast_in_dim3A_3402 : vector<16x1xi32> to vector<16xi32>
      %gather3A_3404 = tpu.dynamic_gather %add3A_3398[%gather3A_3403] in [0] : vector<16xf32>, vector<16xi32> -> vector<16xf32>
      %add3A_3405 = arith.addf %add3A_3398, %gather3A_3404 : vector<16xf32>
      %add3A_3406 = arith.addf %add3A_3405, %gather3A_3377 : vector<16xf32>
      %max3A_3407 = arith.constant 0.000000e+00 : f32
      %max3A_3408 = vector.broadcast %max3A_3407 : f32 to vector<16xf32>
      %max3A_3409 = arith.maximumf %add3A_3406, %max3A_3408 : vector<16xf32>
      %xor3A_3410 = arith.constant 1 : i32
      %xor3A_3411 = vector.broadcast %xor3A_3410 : i32 to vector<16xi32>
      %xor3A_3412 = arith.xori %iota3A, %xor3A_3411 : vector<16xi32>
      %broadcast_in_dim3A_3413 = vector.shape_cast %xor3A_3412 : vector<16xi32> to vector<16x1xi32>
      %gather3A_3414 = vector.shape_cast %broadcast_in_dim3A_3413 : vector<16x1xi32> to vector<16xi32>
      %gather3A_3415 = tpu.dynamic_gather %add3A_3372[%gather3A_3414] in [0] : vector<16xf32>, vector<16xi32> -> vector<16xf32>
      %add3A_3416 = arith.addf %add3A_3372, %gather3A_3415 : vector<16xf32>
      %xor3A_3417 = arith.constant 2 : i32
      %xor3A_3418 = vector.broadcast %xor3A_3417 : i32 to vector<16xi32>
      %xor3A_3419 = arith.xori %iota3A, %xor3A_3418 : vector<16xi32>
      %broadcast_in_dim3A_3420 = vector.shape_cast %xor3A_3419 : vector<16xi32> to vector<16x1xi32>
      %gather3A_3421 = vector.shape_cast %broadcast_in_dim3A_3420 : vector<16x1xi32> to vector<16xi32>
      %gather3A_3422 = tpu.dynamic_gather %add3A_3416[%gather3A_3421] in [0] : vector<16xf32>, vector<16xi32> -> vector<16xf32>
      %add3A_3423 = arith.addf %add3A_3416, %gather3A_3422 : vector<16xf32>
      %xor3A_3424 = arith.constant 4 : i32
      %xor3A_3425 = vector.broadcast %xor3A_3424 : i32 to vector<16xi32>
      %xor3A_3426 = arith.xori %iota3A, %xor3A_3425 : vector<16xi32>
      %broadcast_in_dim3A_3427 = vector.shape_cast %xor3A_3426 : vector<16xi32> to vector<16x1xi32>
      %gather3A_3428 = vector.shape_cast %broadcast_in_dim3A_3427 : vector<16x1xi32> to vector<16xi32>
      %gather3A_3429 = tpu.dynamic_gather %add3A_3423[%gather3A_3428] in [0] : vector<16xf32>, vector<16xi32> -> vector<16xf32>
      %add3A_3430 = arith.addf %add3A_3423, %gather3A_3429 : vector<16xf32>
      %xor3A_3431 = arith.constant 8 : i32
      %xor3A_3432 = vector.broadcast %xor3A_3431 : i32 to vector<16xi32>
      %xor3A_3433 = arith.xori %iota3A, %xor3A_3432 : vector<16xi32>
      %broadcast_in_dim3A_3434 = vector.shape_cast %xor3A_3433 : vector<16xi32> to vector<16x1xi32>
      %gather3A_3435 = vector.shape_cast %broadcast_in_dim3A_3434 : vector<16x1xi32> to vector<16xi32>
      %gather3A_3436 = tpu.dynamic_gather %add3A_3430[%gather3A_3435] in [0] : vector<16xf32>, vector<16xi32> -> vector<16xf32>
      %add3A_3437 = arith.addf %add3A_3430, %gather3A_3436 : vector<16xf32>
      %add3A_3438 = arith.addf %add3A_3437, %gather3A_3377 : vector<16xf32>
      %max3A_3439 = arith.constant 0.000000e+00 : f32
      %max3A_3440 = vector.broadcast %max3A_3439 : f32 to vector<16xf32>
      %max3A_3441 = arith.maximumf %add3A_3438, %max3A_3440 : vector<16xf32>
      %mul3A_3442 = arith.mulf %convert_element_type3A_24, %max3A_3409 : vector<16xf32>
      %mul3A_3443 = arith.mulf %sub3A_27, %max3A_3441 : vector<16xf32>
      %add3A_3444 = arith.addf %mul3A_3442, %mul3A_3443 : vector<16xf32>
      %get3A_3445 = arith.constant 10 : i32
      %get3A_3446 = arith.index_cast %get3A_3445 : i32 to index
      %get3A_3447 = arith.constant 0 : index
      %get3A_3448 = tpu.vector_load %arg12[%get3A_3446, %get3A_3447] {strides = array<i32>} : memref<12x16xf32, #tpu.memory_space<vmem>>, vector<1x16xf32>,
      %get3A_3449 = vector.shape_cast %get3A_3448 : vector<1x16xf32> to vector<16xf32>
      %mul3A_3450 = arith.mulf %add3A_3444, %get3A_3449 : vector<16xf32>
      %add3A_3451 = arith.addf %add3A_3140, %mul3A_3450 : vector<16xf32>
      %broadcast_in_dim3A_3452 = arith.constant 0.000000e+00 : f32
      %broadcast_in_dim3A_3453 = vector.broadcast %broadcast_in_dim3A_3452 : f32 to vector<16xf32>
      %broadcast_in_dim3A_3454 = arith.constant 0.000000e+00 : f32
      %broadcast_in_dim3A_3455 = vector.broadcast %broadcast_in_dim3A_3454 : f32 to vector<16xf32>
      %get3A_3456 = arith.constant 11 : i32
      %get3A_3457 = arith.index_cast %get3A_3456 : i32 to index
      %get3A_3458 = arith.constant 0 : index
      %get3A_3459 = tpu.vector_load %arg10[%get3A_3457, %get3A_3458] {strides = array<i32>} : memref<12x192xf32, #tpu.memory_space<vmem>>, vector<1x16xf32>,
      %get3A_3460 = vector.shape_cast %get3A_3459 : vector<1x16xf32> to vector<16xf32>
      %get3A_3461 = arith.constant 0 : i32
      %get3A_3462 = arith.index_cast %get3A_3461 : i32 to index
      %get3A_3463 = arith.constant 0 : index
      %get3A_3464 = tpu.vector_load %arg9[%get3A_3462, %get3A_3463] {strides = array<i32>} : memref<2x192xf32, #tpu.memory_space<vmem>>, vector<1x16xf32>,
      %get3A_3465 = vector.shape_cast %get3A_3464 : vector<1x16xf32> to vector<16xf32>
      %mul3A_3466 = arith.mulf %get3A_3465, %get3A_3460 : vector<16xf32>
      %add3A_3467 = arith.addf %broadcast_in_dim3A_3453, %mul3A_3466 : vector<16xf32>
      %get3A_3468 = arith.constant 1 : i32
      %get3A_3469 = arith.index_cast %get3A_3468 : i32 to index
      %get3A_3470 = arith.constant 0 : index
      %get3A_3471 = tpu.vector_load %arg9[%get3A_3469, %get3A_3470] {strides = array<i32>} : memref<2x192xf32, #tpu.memory_space<vmem>>, vector<1x16xf32>,
      %get3A_3472 = vector.shape_cast %get3A_3471 : vector<1x16xf32> to vector<16xf32>
      %mul3A_3473 = arith.mulf %get3A_3472, %get3A_3460 : vector<16xf32>
      %add3A_3474 = arith.addf %broadcast_in_dim3A_3455, %mul3A_3473 : vector<16xf32>
      %get3A_3475 = arith.constant 11 : i32
      %get3A_3476 = arith.index_cast %get3A_3475 : i32 to index
      %get3A_3477 = arith.constant 16 : index
      %get3A_3478 = tpu.vector_load %arg10[%get3A_3476, %get3A_3477] {strides = array<i32>} : memref<12x192xf32, #tpu.memory_space<vmem>>, vector<1x16xf32>,
      %get3A_3479 = vector.shape_cast %get3A_3478 : vector<1x16xf32> to vector<16xf32>
      %get3A_3480 = arith.constant 0 : i32
      %get3A_3481 = arith.index_cast %get3A_3480 : i32 to index
      %get3A_3482 = arith.constant 16 : index
      %get3A_3483 = tpu.vector_load %arg9[%get3A_3481, %get3A_3482] {strides = array<i32>} : memref<2x192xf32, #tpu.memory_space<vmem>>, vector<1x16xf32>,
      %get3A_3484 = vector.shape_cast %get3A_3483 : vector<1x16xf32> to vector<16xf32>
      %mul3A_3485 = arith.mulf %get3A_3484, %get3A_3479 : vector<16xf32>
      %add3A_3486 = arith.addf %add3A_3467, %mul3A_3485 : vector<16xf32>
      %get3A_3487 = arith.constant 1 : i32
      %get3A_3488 = arith.index_cast %get3A_3487 : i32 to index
      %get3A_3489 = arith.constant 16 : index
      %get3A_3490 = tpu.vector_load %arg9[%get3A_3488, %get3A_3489] {strides = array<i32>} : memref<2x192xf32, #tpu.memory_space<vmem>>, vector<1x16xf32>,
      %get3A_3491 = vector.shape_cast %get3A_3490 : vector<1x16xf32> to vector<16xf32>
      %mul3A_3492 = arith.mulf %get3A_3491, %get3A_3479 : vector<16xf32>
      %add3A_3493 = arith.addf %add3A_3474, %mul3A_3492 : vector<16xf32>
      %get3A_3494 = arith.constant 11 : i32
      %get3A_3495 = arith.index_cast %get3A_3494 : i32 to index
      %get3A_3496 = arith.constant 32 : index
      %get3A_3497 = tpu.vector_load %arg10[%get3A_3495, %get3A_3496] {strides = array<i32>} : memref<12x192xf32, #tpu.memory_space<vmem>>, vector<1x16xf32>,
      %get3A_3498 = vector.shape_cast %get3A_3497 : vector<1x16xf32> to vector<16xf32>
      %get3A_3499 = arith.constant 0 : i32
      %get3A_3500 = arith.index_cast %get3A_3499 : i32 to index
      %get3A_3501 = arith.constant 32 : index
      %get3A_3502 = tpu.vector_load %arg9[%get3A_3500, %get3A_3501] {strides = array<i32>} : memref<2x192xf32, #tpu.memory_space<vmem>>, vector<1x16xf32>,
      %get3A_3503 = vector.shape_cast %get3A_3502 : vector<1x16xf32> to vector<16xf32>
      %mul3A_3504 = arith.mulf %get3A_3503, %get3A_3498 : vector<16xf32>
      %add3A_3505 = arith.addf %add3A_3486, %mul3A_3504 : vector<16xf32>
      %get3A_3506 = arith.constant 1 : i32
      %get3A_3507 = arith.index_cast %get3A_3506 : i32 to index
      %get3A_3508 = arith.constant 32 : index
      %get3A_3509 = tpu.vector_load %arg9[%get3A_3507, %get3A_3508] {strides = array<i32>} : memref<2x192xf32, #tpu.memory_space<vmem>>, vector<1x16xf32>,
      %get3A_3510 = vector.shape_cast %get3A_3509 : vector<1x16xf32> to vector<16xf32>
      %mul3A_3511 = arith.mulf %get3A_3510, %get3A_3498 : vector<16xf32>
      %add3A_3512 = arith.addf %add3A_3493, %mul3A_3511 : vector<16xf32>
      %get3A_3513 = arith.constant 11 : i32
      %get3A_3514 = arith.index_cast %get3A_3513 : i32 to index
      %get3A_3515 = arith.constant 48 : index
      %get3A_3516 = tpu.vector_load %arg10[%get3A_3514, %get3A_3515] {strides = array<i32>} : memref<12x192xf32, #tpu.memory_space<vmem>>, vector<1x16xf32>,
      %get3A_3517 = vector.shape_cast %get3A_3516 : vector<1x16xf32> to vector<16xf32>
      %get3A_3518 = arith.constant 0 : i32
      %get3A_3519 = arith.index_cast %get3A_3518 : i32 to index
      %get3A_3520 = arith.constant 48 : index
      %get3A_3521 = tpu.vector_load %arg9[%get3A_3519, %get3A_3520] {strides = array<i32>} : memref<2x192xf32, #tpu.memory_space<vmem>>, vector<1x16xf32>,
      %get3A_3522 = vector.shape_cast %get3A_3521 : vector<1x16xf32> to vector<16xf32>
      %mul3A_3523 = arith.mulf %get3A_3522, %get3A_3517 : vector<16xf32>
      %add3A_3524 = arith.addf %add3A_3505, %mul3A_3523 : vector<16xf32>
      %get3A_3525 = arith.constant 1 : i32
      %get3A_3526 = arith.index_cast %get3A_3525 : i32 to index
      %get3A_3527 = arith.constant 48 : index
      %get3A_3528 = tpu.vector_load %arg9[%get3A_3526, %get3A_3527] {strides = array<i32>} : memref<2x192xf32, #tpu.memory_space<vmem>>, vector<1x16xf32>,
      %get3A_3529 = vector.shape_cast %get3A_3528 : vector<1x16xf32> to vector<16xf32>
      %mul3A_3530 = arith.mulf %get3A_3529, %get3A_3517 : vector<16xf32>
      %add3A_3531 = arith.addf %add3A_3512, %mul3A_3530 : vector<16xf32>
      %get3A_3532 = arith.constant 11 : i32
      %get3A_3533 = arith.index_cast %get3A_3532 : i32 to index
      %get3A_3534 = arith.constant 64 : index
      %get3A_3535 = tpu.vector_load %arg10[%get3A_3533, %get3A_3534] {strides = array<i32>} : memref<12x192xf32, #tpu.memory_space<vmem>>, vector<1x16xf32>,
      %get3A_3536 = vector.shape_cast %get3A_3535 : vector<1x16xf32> to vector<16xf32>
      %get3A_3537 = arith.constant 0 : i32
      %get3A_3538 = arith.index_cast %get3A_3537 : i32 to index
      %get3A_3539 = arith.constant 64 : index
      %get3A_3540 = tpu.vector_load %arg9[%get3A_3538, %get3A_3539] {strides = array<i32>} : memref<2x192xf32, #tpu.memory_space<vmem>>, vector<1x16xf32>,
      %get3A_3541 = vector.shape_cast %get3A_3540 : vector<1x16xf32> to vector<16xf32>
      %mul3A_3542 = arith.mulf %get3A_3541, %get3A_3536 : vector<16xf32>
      %add3A_3543 = arith.addf %add3A_3524, %mul3A_3542 : vector<16xf32>
      %get3A_3544 = arith.constant 1 : i32
      %get3A_3545 = arith.index_cast %get3A_3544 : i32 to index
      %get3A_3546 = arith.constant 64 : index
      %get3A_3547 = tpu.vector_load %arg9[%get3A_3545, %get3A_3546] {strides = array<i32>} : memref<2x192xf32, #tpu.memory_space<vmem>>, vector<1x16xf32>,
      %get3A_3548 = vector.shape_cast %get3A_3547 : vector<1x16xf32> to vector<16xf32>
      %mul3A_3549 = arith.mulf %get3A_3548, %get3A_3536 : vector<16xf32>
      %add3A_3550 = arith.addf %add3A_3531, %mul3A_3549 : vector<16xf32>
      %get3A_3551 = arith.constant 11 : i32
      %get3A_3552 = arith.index_cast %get3A_3551 : i32 to index
      %get3A_3553 = arith.constant 80 : index
      %get3A_3554 = tpu.vector_load %arg10[%get3A_3552, %get3A_3553] {strides = array<i32>} : memref<12x192xf32, #tpu.memory_space<vmem>>, vector<1x16xf32>,
      %get3A_3555 = vector.shape_cast %get3A_3554 : vector<1x16xf32> to vector<16xf32>
      %get3A_3556 = arith.constant 0 : i32
      %get3A_3557 = arith.index_cast %get3A_3556 : i32 to index
      %get3A_3558 = arith.constant 80 : index
      %get3A_3559 = tpu.vector_load %arg9[%get3A_3557, %get3A_3558] {strides = array<i32>} : memref<2x192xf32, #tpu.memory_space<vmem>>, vector<1x16xf32>,
      %get3A_3560 = vector.shape_cast %get3A_3559 : vector<1x16xf32> to vector<16xf32>
      %mul3A_3561 = arith.mulf %get3A_3560, %get3A_3555 : vector<16xf32>
      %add3A_3562 = arith.addf %add3A_3543, %mul3A_3561 : vector<16xf32>
      %get3A_3563 = arith.constant 1 : i32
      %get3A_3564 = arith.index_cast %get3A_3563 : i32 to index
      %get3A_3565 = arith.constant 80 : index
      %get3A_3566 = tpu.vector_load %arg9[%get3A_3564, %get3A_3565] {strides = array<i32>} : memref<2x192xf32, #tpu.memory_space<vmem>>, vector<1x16xf32>,
      %get3A_3567 = vector.shape_cast %get3A_3566 : vector<1x16xf32> to vector<16xf32>
      %mul3A_3568 = arith.mulf %get3A_3567, %get3A_3555 : vector<16xf32>
      %add3A_3569 = arith.addf %add3A_3550, %mul3A_3568 : vector<16xf32>
      %get3A_3570 = arith.constant 11 : i32
      %get3A_3571 = arith.index_cast %get3A_3570 : i32 to index
      %get3A_3572 = arith.constant 96 : index
      %get3A_3573 = tpu.vector_load %arg10[%get3A_3571, %get3A_3572] {strides = array<i32>} : memref<12x192xf32, #tpu.memory_space<vmem>>, vector<1x16xf32>,
      %get3A_3574 = vector.shape_cast %get3A_3573 : vector<1x16xf32> to vector<16xf32>
      %get3A_3575 = arith.constant 0 : i32
      %get3A_3576 = arith.index_cast %get3A_3575 : i32 to index
      %get3A_3577 = arith.constant 96 : index
      %get3A_3578 = tpu.vector_load %arg9[%get3A_3576, %get3A_3577] {strides = array<i32>} : memref<2x192xf32, #tpu.memory_space<vmem>>, vector<1x16xf32>,
      %get3A_3579 = vector.shape_cast %get3A_3578 : vector<1x16xf32> to vector<16xf32>
      %mul3A_3580 = arith.mulf %get3A_3579, %get3A_3574 : vector<16xf32>
      %add3A_3581 = arith.addf %add3A_3562, %mul3A_3580 : vector<16xf32>
      %get3A_3582 = arith.constant 1 : i32
      %get3A_3583 = arith.index_cast %get3A_3582 : i32 to index
      %get3A_3584 = arith.constant 96 : index
      %get3A_3585 = tpu.vector_load %arg9[%get3A_3583, %get3A_3584] {strides = array<i32>} : memref<2x192xf32, #tpu.memory_space<vmem>>, vector<1x16xf32>,
      %get3A_3586 = vector.shape_cast %get3A_3585 : vector<1x16xf32> to vector<16xf32>
      %mul3A_3587 = arith.mulf %get3A_3586, %get3A_3574 : vector<16xf32>
      %add3A_3588 = arith.addf %add3A_3569, %mul3A_3587 : vector<16xf32>
      %get3A_3589 = arith.constant 11 : i32
      %get3A_3590 = arith.index_cast %get3A_3589 : i32 to index
      %get3A_3591 = arith.constant 112 : index
      %get3A_3592 = tpu.vector_load %arg10[%get3A_3590, %get3A_3591] {strides = array<i32>} : memref<12x192xf32, #tpu.memory_space<vmem>>, vector<1x16xf32>,
      %get3A_3593 = vector.shape_cast %get3A_3592 : vector<1x16xf32> to vector<16xf32>
      %get3A_3594 = arith.constant 0 : i32
      %get3A_3595 = arith.index_cast %get3A_3594 : i32 to index
      %get3A_3596 = arith.constant 112 : index
      %get3A_3597 = tpu.vector_load %arg9[%get3A_3595, %get3A_3596] {strides = array<i32>} : memref<2x192xf32, #tpu.memory_space<vmem>>, vector<1x16xf32>,
      %get3A_3598 = vector.shape_cast %get3A_3597 : vector<1x16xf32> to vector<16xf32>
      %mul3A_3599 = arith.mulf %get3A_3598, %get3A_3593 : vector<16xf32>
      %add3A_3600 = arith.addf %add3A_3581, %mul3A_3599 : vector<16xf32>
      %get3A_3601 = arith.constant 1 : i32
      %get3A_3602 = arith.index_cast %get3A_3601 : i32 to index
      %get3A_3603 = arith.constant 112 : index
      %get3A_3604 = tpu.vector_load %arg9[%get3A_3602, %get3A_3603] {strides = array<i32>} : memref<2x192xf32, #tpu.memory_space<vmem>>, vector<1x16xf32>,
      %get3A_3605 = vector.shape_cast %get3A_3604 : vector<1x16xf32> to vector<16xf32>
      %mul3A_3606 = arith.mulf %get3A_3605, %get3A_3593 : vector<16xf32>
      %add3A_3607 = arith.addf %add3A_3588, %mul3A_3606 : vector<16xf32>
      %get3A_3608 = arith.constant 11 : i32
      %get3A_3609 = arith.index_cast %get3A_3608 : i32 to index
      %get3A_3610 = arith.constant 128 : index
      %get3A_3611 = tpu.vector_load %arg10[%get3A_3609, %get3A_3610] {strides = array<i32>} : memref<12x192xf32, #tpu.memory_space<vmem>>, vector<1x16xf32>,
      %get3A_3612 = vector.shape_cast %get3A_3611 : vector<1x16xf32> to vector<16xf32>
      %get3A_3613 = arith.constant 0 : i32
      %get3A_3614 = arith.index_cast %get3A_3613 : i32 to index
      %get3A_3615 = arith.constant 128 : index
      %get3A_3616 = tpu.vector_load %arg9[%get3A_3614, %get3A_3615] {strides = array<i32>} : memref<2x192xf32, #tpu.memory_space<vmem>>, vector<1x16xf32>,
      %get3A_3617 = vector.shape_cast %get3A_3616 : vector<1x16xf32> to vector<16xf32>
      %mul3A_3618 = arith.mulf %get3A_3617, %get3A_3612 : vector<16xf32>
      %add3A_3619 = arith.addf %add3A_3600, %mul3A_3618 : vector<16xf32>
      %get3A_3620 = arith.constant 1 : i32
      %get3A_3621 = arith.index_cast %get3A_3620 : i32 to index
      %get3A_3622 = arith.constant 128 : index
      %get3A_3623 = tpu.vector_load %arg9[%get3A_3621, %get3A_3622] {strides = array<i32>} : memref<2x192xf32, #tpu.memory_space<vmem>>, vector<1x16xf32>,
      %get3A_3624 = vector.shape_cast %get3A_3623 : vector<1x16xf32> to vector<16xf32>
      %mul3A_3625 = arith.mulf %get3A_3624, %get3A_3612 : vector<16xf32>
      %add3A_3626 = arith.addf %add3A_3607, %mul3A_3625 : vector<16xf32>
      %get3A_3627 = arith.constant 11 : i32
      %get3A_3628 = arith.index_cast %get3A_3627 : i32 to index
      %get3A_3629 = arith.constant 144 : index
      %get3A_3630 = tpu.vector_load %arg10[%get3A_3628, %get3A_3629] {strides = array<i32>} : memref<12x192xf32, #tpu.memory_space<vmem>>, vector<1x16xf32>,
      %get3A_3631 = vector.shape_cast %get3A_3630 : vector<1x16xf32> to vector<16xf32>
      %get3A_3632 = arith.constant 0 : i32
      %get3A_3633 = arith.index_cast %get3A_3632 : i32 to index
      %get3A_3634 = arith.constant 144 : index
      %get3A_3635 = tpu.vector_load %arg9[%get3A_3633, %get3A_3634] {strides = array<i32>} : memref<2x192xf32, #tpu.memory_space<vmem>>, vector<1x16xf32>,
      %get3A_3636 = vector.shape_cast %get3A_3635 : vector<1x16xf32> to vector<16xf32>
      %mul3A_3637 = arith.mulf %get3A_3636, %get3A_3631 : vector<16xf32>
      %add3A_3638 = arith.addf %add3A_3619, %mul3A_3637 : vector<16xf32>
      %get3A_3639 = arith.constant 1 : i32
      %get3A_3640 = arith.index_cast %get3A_3639 : i32 to index
      %get3A_3641 = arith.constant 144 : index
      %get3A_3642 = tpu.vector_load %arg9[%get3A_3640, %get3A_3641] {strides = array<i32>} : memref<2x192xf32, #tpu.memory_space<vmem>>, vector<1x16xf32>,
      %get3A_3643 = vector.shape_cast %get3A_3642 : vector<1x16xf32> to vector<16xf32>
      %mul3A_3644 = arith.mulf %get3A_3643, %get3A_3631 : vector<16xf32>
      %add3A_3645 = arith.addf %add3A_3626, %mul3A_3644 : vector<16xf32>
      %get3A_3646 = arith.constant 11 : i32
      %get3A_3647 = arith.index_cast %get3A_3646 : i32 to index
      %get3A_3648 = arith.constant 160 : index
      %get3A_3649 = tpu.vector_load %arg10[%get3A_3647, %get3A_3648] {strides = array<i32>} : memref<12x192xf32, #tpu.memory_space<vmem>>, vector<1x16xf32>,
      %get3A_3650 = vector.shape_cast %get3A_3649 : vector<1x16xf32> to vector<16xf32>
      %get3A_3651 = arith.constant 0 : i32
      %get3A_3652 = arith.index_cast %get3A_3651 : i32 to index
      %get3A_3653 = arith.constant 160 : index
      %get3A_3654 = tpu.vector_load %arg9[%get3A_3652, %get3A_3653] {strides = array<i32>} : memref<2x192xf32, #tpu.memory_space<vmem>>, vector<1x16xf32>,
      %get3A_3655 = vector.shape_cast %get3A_3654 : vector<1x16xf32> to vector<16xf32>
      %mul3A_3656 = arith.mulf %get3A_3655, %get3A_3650 : vector<16xf32>
      %add3A_3657 = arith.addf %add3A_3638, %mul3A_3656 : vector<16xf32>
      %get3A_3658 = arith.constant 1 : i32
      %get3A_3659 = arith.index_cast %get3A_3658 : i32 to index
      %get3A_3660 = arith.constant 160 : index
      %get3A_3661 = tpu.vector_load %arg9[%get3A_3659, %get3A_3660] {strides = array<i32>} : memref<2x192xf32, #tpu.memory_space<vmem>>, vector<1x16xf32>,
      %get3A_3662 = vector.shape_cast %get3A_3661 : vector<1x16xf32> to vector<16xf32>
      %mul3A_3663 = arith.mulf %get3A_3662, %get3A_3650 : vector<16xf32>
      %add3A_3664 = arith.addf %add3A_3645, %mul3A_3663 : vector<16xf32>
      %get3A_3665 = arith.constant 11 : i32
      %get3A_3666 = arith.index_cast %get3A_3665 : i32 to index
      %get3A_3667 = arith.constant 176 : index
      %get3A_3668 = tpu.vector_load %arg10[%get3A_3666, %get3A_3667] {strides = array<i32>} : memref<12x192xf32, #tpu.memory_space<vmem>>, vector<1x16xf32>,
      %get3A_3669 = vector.shape_cast %get3A_3668 : vector<1x16xf32> to vector<16xf32>
      %get3A_3670 = arith.constant 0 : i32
      %get3A_3671 = arith.index_cast %get3A_3670 : i32 to index
      %get3A_3672 = arith.constant 176 : index
      %get3A_3673 = tpu.vector_load %arg9[%get3A_3671, %get3A_3672] {strides = array<i32>} : memref<2x192xf32, #tpu.memory_space<vmem>>, vector<1x16xf32>,
      %get3A_3674 = vector.shape_cast %get3A_3673 : vector<1x16xf32> to vector<16xf32>
      %mul3A_3675 = arith.mulf %get3A_3674, %get3A_3669 : vector<16xf32>
      %add3A_3676 = arith.addf %add3A_3657, %mul3A_3675 : vector<16xf32>
      %get3A_3677 = arith.constant 1 : i32
      %get3A_3678 = arith.index_cast %get3A_3677 : i32 to index
      %get3A_3679 = arith.constant 176 : index
      %get3A_3680 = tpu.vector_load %arg9[%get3A_3678, %get3A_3679] {strides = array<i32>} : memref<2x192xf32, #tpu.memory_space<vmem>>, vector<1x16xf32>,
      %get3A_3681 = vector.shape_cast %get3A_3680 : vector<1x16xf32> to vector<16xf32>
      %mul3A_3682 = arith.mulf %get3A_3681, %get3A_3669 : vector<16xf32>
      %add3A_3683 = arith.addf %add3A_3664, %mul3A_3682 : vector<16xf32>
      %broadcast_in_dim3A_3684 = arith.constant 11 : i32
      %broadcast_in_dim3A_3685 = vector.broadcast %broadcast_in_dim3A_3684 : i32 to vector<16xi32>
      %broadcast_in_dim3A_3686 = vector.shape_cast %broadcast_in_dim3A_3685 : vector<16xi32> to vector<16x1xi32>
      %gather3A_3687 = vector.shape_cast %broadcast_in_dim3A_3686 : vector<16x1xi32> to vector<16xi32>
      %gather3A_3688 = tpu.dynamic_gather %get3A_29[%gather3A_3687] in [0] : vector<16xf32>, vector<16xi32> -> vector<16xf32>
      %xor3A_3689 = arith.constant 1 : i32
      %xor3A_3690 = vector.broadcast %xor3A_3689 : i32 to vector<16xi32>
      %xor3A_3691 = arith.xori %iota3A, %xor3A_3690 : vector<16xi32>
      %broadcast_in_dim3A_3692 = vector.shape_cast %xor3A_3691 : vector<16xi32> to vector<16x1xi32>
      %gather3A_3693 = vector.shape_cast %broadcast_in_dim3A_3692 : vector<16x1xi32> to vector<16xi32>
      %gather3A_3694 = tpu.dynamic_gather %add3A_3676[%gather3A_3693] in [0] : vector<16xf32>, vector<16xi32> -> vector<16xf32>
      %add3A_3695 = arith.addf %add3A_3676, %gather3A_3694 : vector<16xf32>
      %xor3A_3696 = arith.constant 2 : i32
      %xor3A_3697 = vector.broadcast %xor3A_3696 : i32 to vector<16xi32>
      %xor3A_3698 = arith.xori %iota3A, %xor3A_3697 : vector<16xi32>
      %broadcast_in_dim3A_3699 = vector.shape_cast %xor3A_3698 : vector<16xi32> to vector<16x1xi32>
      %gather3A_3700 = vector.shape_cast %broadcast_in_dim3A_3699 : vector<16x1xi32> to vector<16xi32>
      %gather3A_3701 = tpu.dynamic_gather %add3A_3695[%gather3A_3700] in [0] : vector<16xf32>, vector<16xi32> -> vector<16xf32>
      %add3A_3702 = arith.addf %add3A_3695, %gather3A_3701 : vector<16xf32>
      %xor3A_3703 = arith.constant 4 : i32
      %xor3A_3704 = vector.broadcast %xor3A_3703 : i32 to vector<16xi32>
      %xor3A_3705 = arith.xori %iota3A, %xor3A_3704 : vector<16xi32>
      %broadcast_in_dim3A_3706 = vector.shape_cast %xor3A_3705 : vector<16xi32> to vector<16x1xi32>
      %gather3A_3707 = vector.shape_cast %broadcast_in_dim3A_3706 : vector<16x1xi32> to vector<16xi32>
      %gather3A_3708 = tpu.dynamic_gather %add3A_3702[%gather3A_3707] in [0] : vector<16xf32>, vector<16xi32> -> vector<16xf32>
      %add3A_3709 = arith.addf %add3A_3702, %gather3A_3708 : vector<16xf32>
      %xor3A_3710 = arith.constant 8 : i32
      %xor3A_3711 = vector.broadcast %xor3A_3710 : i32 to vector<16xi32>
      %xor3A_3712 = arith.xori %iota3A, %xor3A_3711 : vector<16xi32>
      %broadcast_in_dim3A_3713 = vector.shape_cast %xor3A_3712 : vector<16xi32> to vector<16x1xi32>
      %gather3A_3714 = vector.shape_cast %broadcast_in_dim3A_3713 : vector<16x1xi32> to vector<16xi32>
      %gather3A_3715 = tpu.dynamic_gather %add3A_3709[%gather3A_3714] in [0] : vector<16xf32>, vector<16xi32> -> vector<16xf32>
      %add3A_3716 = arith.addf %add3A_3709, %gather3A_3715 : vector<16xf32>
      %add3A_3717 = arith.addf %add3A_3716, %gather3A_3688 : vector<16xf32>
      %max3A_3718 = arith.constant 0.000000e+00 : f32
      %max3A_3719 = vector.broadcast %max3A_3718 : f32 to vector<16xf32>
      %max3A_3720 = arith.maximumf %add3A_3717, %max3A_3719 : vector<16xf32>
      %xor3A_3721 = arith.constant 1 : i32
      %xor3A_3722 = vector.broadcast %xor3A_3721 : i32 to vector<16xi32>
      %xor3A_3723 = arith.xori %iota3A, %xor3A_3722 : vector<16xi32>
      %broadcast_in_dim3A_3724 = vector.shape_cast %xor3A_3723 : vector<16xi32> to vector<16x1xi32>
      %gather3A_3725 = vector.shape_cast %broadcast_in_dim3A_3724 : vector<16x1xi32> to vector<16xi32>
      %gather3A_3726 = tpu.dynamic_gather %add3A_3683[%gather3A_3725] in [0] : vector<16xf32>, vector<16xi32> -> vector<16xf32>
      %add3A_3727 = arith.addf %add3A_3683, %gather3A_3726 : vector<16xf32>
      %xor3A_3728 = arith.constant 2 : i32
      %xor3A_3729 = vector.broadcast %xor3A_3728 : i32 to vector<16xi32>
      %xor3A_3730 = arith.xori %iota3A, %xor3A_3729 : vector<16xi32>
      %broadcast_in_dim3A_3731 = vector.shape_cast %xor3A_3730 : vector<16xi32> to vector<16x1xi32>
      %gather3A_3732 = vector.shape_cast %broadcast_in_dim3A_3731 : vector<16x1xi32> to vector<16xi32>
      %gather3A_3733 = tpu.dynamic_gather %add3A_3727[%gather3A_3732] in [0] : vector<16xf32>, vector<16xi32> -> vector<16xf32>
      %add3A_3734 = arith.addf %add3A_3727, %gather3A_3733 : vector<16xf32>
      %xor3A_3735 = arith.constant 4 : i32
      %xor3A_3736 = vector.broadcast %xor3A_3735 : i32 to vector<16xi32>
      %xor3A_3737 = arith.xori %iota3A, %xor3A_3736 : vector<16xi32>
      %broadcast_in_dim3A_3738 = vector.shape_cast %xor3A_3737 : vector<16xi32> to vector<16x1xi32>
      %gather3A_3739 = vector.shape_cast %broadcast_in_dim3A_3738 : vector<16x1xi32> to vector<16xi32>
      %gather3A_3740 = tpu.dynamic_gather %add3A_3734[%gather3A_3739] in [0] : vector<16xf32>, vector<16xi32> -> vector<16xf32>
      %add3A_3741 = arith.addf %add3A_3734, %gather3A_3740 : vector<16xf32>
      %xor3A_3742 = arith.constant 8 : i32
      %xor3A_3743 = vector.broadcast %xor3A_3742 : i32 to vector<16xi32>
      %xor3A_3744 = arith.xori %iota3A, %xor3A_3743 : vector<16xi32>
      %broadcast_in_dim3A_3745 = vector.shape_cast %xor3A_3744 : vector<16xi32> to vector<16x1xi32>
      %gather3A_3746 = vector.shape_cast %broadcast_in_dim3A_3745 : vector<16x1xi32> to vector<16xi32>
      %gather3A_3747 = tpu.dynamic_gather %add3A_3741[%gather3A_3746] in [0] : vector<16xf32>, vector<16xi32> -> vector<16xf32>
      %add3A_3748 = arith.addf %add3A_3741, %gather3A_3747 : vector<16xf32>
      %add3A_3749 = arith.addf %add3A_3748, %gather3A_3688 : vector<16xf32>
      %max3A_3750 = arith.constant 0.000000e+00 : f32
      %max3A_3751 = vector.broadcast %max3A_3750 : f32 to vector<16xf32>
      %max3A_3752 = arith.maximumf %add3A_3749, %max3A_3751 : vector<16xf32>
      %mul3A_3753 = arith.mulf %convert_element_type3A_24, %max3A_3720 : vector<16xf32>
      %mul3A_3754 = arith.mulf %sub3A_27, %max3A_3752 : vector<16xf32>
      %add3A_3755 = arith.addf %mul3A_3753, %mul3A_3754 : vector<16xf32>
      %get3A_3756 = arith.constant 11 : i32
      %get3A_3757 = arith.index_cast %get3A_3756 : i32 to index
      %get3A_3758 = arith.constant 0 : index
      %get3A_3759 = tpu.vector_load %arg12[%get3A_3757, %get3A_3758] {strides = array<i32>} : memref<12x16xf32, #tpu.memory_space<vmem>>, vector<1x16xf32>,
      %get3A_3760 = vector.shape_cast %get3A_3759 : vector<1x16xf32> to vector<16xf32>
      %mul3A_3761 = arith.mulf %add3A_3755, %get3A_3760 : vector<16xf32>
      %add3A_3762 = arith.addf %add3A_3451, %mul3A_3761 : vector<16xf32>
      %max3A_3763 = arith.constant 0.000000e+00 : f32
      %max3A_3764 = vector.broadcast %max3A_3763 : f32 to vector<16xf32>
      %max3A_3765 = arith.maximumf %add3A_3762, %max3A_3764 : vector<16xf32>
      %convert_element_type3A_3766 = arith.fptosi %max3A_3765 : vector<16xf32> to vector<16xi32>
      %min3A_3767 = arith.constant 5 : i32
      %min3A_3768 = vector.broadcast %min3A_3767 : i32 to vector<16xi32>
      %min3A_3769 = arith.minsi %convert_element_type3A_3766, %min3A_3768 : vector<16xi32>
      %convert_element_type3A_3770 = arith.sitofp %min3A_3769 : vector<16xi32> to vector<16xf32>
      %sub3A_3771 = arith.subf %max3A_3765, %convert_element_type3A_3770 : vector<16xf32>
      %add3A_3772 = arith.constant 1.000000e+00 : f32
      %add3A_3773 = vector.broadcast %add3A_3772 : f32 to vector<16xf32>
      %add3A_3774 = arith.addf %convert_element_type3A_3770, %add3A_3773 : vector<16xf32>
      %sub3A_3775 = arith.subf %add3A_3774, %max3A_3765 : vector<16xf32>
      %sub3A_3776 = arith.constant 0 : i32
      %sub3A_3777 = vector.broadcast %sub3A_3776 : i32 to vector<16xi32>
      %sub3A_3778 = arith.subi %min3A_3769, %sub3A_3777 : vector<16xi32>
      %abs3A = math.absi %sub3A_3778 : vector<16xi32>
      %min3A_3779 = arith.constant 1 : i32
      %min3A_3780 = vector.broadcast %min3A_3779 : i32 to vector<16xi32>
      %min3A_3781 = arith.minsi %abs3A, %min3A_3780 : vector<16xi32>
      %sub3A_3782 = arith.constant 1 : i32
      %sub3A_3783 = vector.broadcast %sub3A_3782 : i32 to vector<16xi32>
      %sub3A_3784 = arith.subi %sub3A_3783, %min3A_3781 : vector<16xi32>
      %convert_element_type3A_3785 = arith.sitofp %sub3A_3784 : vector<16xi32> to vector<16xf32>
      %sub3A_3786 = arith.constant -1 : i32
      %sub3A_3787 = vector.broadcast %sub3A_3786 : i32 to vector<16xi32>
      %sub3A_3788 = arith.subi %min3A_3769, %sub3A_3787 : vector<16xi32>
      %abs3A_3789 = math.absi %sub3A_3788 : vector<16xi32>
      %min3A_3790 = arith.constant 1 : i32
      %min3A_3791 = vector.broadcast %min3A_3790 : i32 to vector<16xi32>
      %min3A_3792 = arith.minsi %abs3A_3789, %min3A_3791 : vector<16xi32>
      %sub3A_3793 = arith.constant 1 : i32
      %sub3A_3794 = vector.broadcast %sub3A_3793 : i32 to vector<16xi32>
      %sub3A_3795 = arith.subi %sub3A_3794, %min3A_3792 : vector<16xi32>
      %convert_element_type3A_3796 = arith.sitofp %sub3A_3795 : vector<16xi32> to vector<16xf32>
      %mul3A_3797 = arith.mulf %convert_element_type3A_3785, %sub3A_3775 : vector<16xf32>
      %mul3A_3798 = arith.mulf %convert_element_type3A_3796, %sub3A_3771 : vector<16xf32>
      %add3A_3799 = arith.addf %mul3A_3797, %mul3A_3798 : vector<16xf32>
      %swap3A = arith.constant 0 : i32
      %swap3A_3800 = arith.index_cast %swap3A : i32 to index
      %swap3A_3801 = arith.constant 0 : index
      %swap3A_3802 = tpu.vector_load %arg14[%swap3A_3800, %swap3A_3801] {strides = array<i32>} : memref<7x16xf32, #tpu.memory_space<vmem>>, vector<1x16xf32>,
      %swap3A_3803 = vector.shape_cast %swap3A_3802 : vector<1x16xf32> to vector<16xf32>
      %swap3A_3804 = vector.shape_cast %add3A_3799 : vector<16xf32> to vector<1x16xf32>
      tpu.vector_store %arg14[%swap3A_3800, %swap3A_3801], %swap3A_3804 {strides = array<i32>} : memref<7x16xf32, #tpu.memory_space<vmem>>, vector<1x16xf32>,
      %sub3A_3805 = arith.constant 1 : i32
      %sub3A_3806 = vector.broadcast %sub3A_3805 : i32 to vector<16xi32>
      %sub3A_3807 = arith.subi %min3A_3769, %sub3A_3806 : vector<16xi32>
      %abs3A_3808 = math.absi %sub3A_3807 : vector<16xi32>
      %min3A_3809 = arith.constant 1 : i32
      %min3A_3810 = vector.broadcast %min3A_3809 : i32 to vector<16xi32>
      %min3A_3811 = arith.minsi %abs3A_3808, %min3A_3810 : vector<16xi32>
      %sub3A_3812 = arith.constant 1 : i32
      %sub3A_3813 = vector.broadcast %sub3A_3812 : i32 to vector<16xi32>
      %sub3A_3814 = arith.subi %sub3A_3813, %min3A_3811 : vector<16xi32>
      %convert_element_type3A_3815 = arith.sitofp %sub3A_3814 : vector<16xi32> to vector<16xf32>
      %sub3A_3816 = arith.constant 0 : i32
      %sub3A_3817 = vector.broadcast %sub3A_3816 : i32 to vector<16xi32>
      %sub3A_3818 = arith.subi %min3A_3769, %sub3A_3817 : vector<16xi32>
      %abs3A_3819 = math.absi %sub3A_3818 : vector<16xi32>
      %min3A_3820 = arith.constant 1 : i32
      %min3A_3821 = vector.broadcast %min3A_3820 : i32 to vector<16xi32>
      %min3A_3822 = arith.minsi %abs3A_3819, %min3A_3821 : vector<16xi32>
      %sub3A_3823 = arith.constant 1 : i32
      %sub3A_3824 = vector.broadcast %sub3A_3823 : i32 to vector<16xi32>
      %sub3A_3825 = arith.subi %sub3A_3824, %min3A_3822 : vector<16xi32>
      %convert_element_type3A_3826 = arith.sitofp %sub3A_3825 : vector<16xi32> to vector<16xf32>
      %mul3A_3827 = arith.mulf %convert_element_type3A_3815, %sub3A_3775 : vector<16xf32>
      %mul3A_3828 = arith.mulf %convert_element_type3A_3826, %sub3A_3771 : vector<16xf32>
      %add3A_3829 = arith.addf %mul3A_3827, %mul3A_3828 : vector<16xf32>
      %swap3A_3830 = arith.constant 1 : i32
      %swap3A_3831 = arith.index_cast %swap3A_3830 : i32 to index
      %swap3A_3832 = arith.constant 0 : index
      %swap3A_3833 = tpu.vector_load %arg14[%swap3A_3831, %swap3A_3832] {strides = array<i32>} : memref<7x16xf32, #tpu.memory_space<vmem>>, vector<1x16xf32>,
      %swap3A_3834 = vector.shape_cast %swap3A_3833 : vector<1x16xf32> to vector<16xf32>
      %swap3A_3835 = vector.shape_cast %add3A_3829 : vector<16xf32> to vector<1x16xf32>
      tpu.vector_store %arg14[%swap3A_3831, %swap3A_3832], %swap3A_3835 {strides = array<i32>} : memref<7x16xf32, #tpu.memory_space<vmem>>, vector<1x16xf32>,
      %sub3A_3836 = arith.constant 2 : i32
      %sub3A_3837 = vector.broadcast %sub3A_3836 : i32 to vector<16xi32>
      %sub3A_3838 = arith.subi %min3A_3769, %sub3A_3837 : vector<16xi32>
      %abs3A_3839 = math.absi %sub3A_3838 : vector<16xi32>
      %min3A_3840 = arith.constant 1 : i32
      %min3A_3841 = vector.broadcast %min3A_3840 : i32 to vector<16xi32>
      %min3A_3842 = arith.minsi %abs3A_3839, %min3A_3841 : vector<16xi32>
      %sub3A_3843 = arith.constant 1 : i32
      %sub3A_3844 = vector.broadcast %sub3A_3843 : i32 to vector<16xi32>
      %sub3A_3845 = arith.subi %sub3A_3844, %min3A_3842 : vector<16xi32>
      %convert_element_type3A_3846 = arith.sitofp %sub3A_3845 : vector<16xi32> to vector<16xf32>
      %sub3A_3847 = arith.constant 1 : i32
      %sub3A_3848 = vector.broadcast %sub3A_3847 : i32 to vector<16xi32>
      %sub3A_3849 = arith.subi %min3A_3769, %sub3A_3848 : vector<16xi32>
      %abs3A_3850 = math.absi %sub3A_3849 : vector<16xi32>
      %min3A_3851 = arith.constant 1 : i32
      %min3A_3852 = vector.broadcast %min3A_3851 : i32 to vector<16xi32>
      %min3A_3853 = arith.minsi %abs3A_3850, %min3A_3852 : vector<16xi32>
      %sub3A_3854 = arith.constant 1 : i32
      %sub3A_3855 = vector.broadcast %sub3A_3854 : i32 to vector<16xi32>
      %sub3A_3856 = arith.subi %sub3A_3855, %min3A_3853 : vector<16xi32>
      %convert_element_type3A_3857 = arith.sitofp %sub3A_3856 : vector<16xi32> to vector<16xf32>
      %mul3A_3858 = arith.mulf %convert_element_type3A_3846, %sub3A_3775 : vector<16xf32>
      %mul3A_3859 = arith.mulf %convert_element_type3A_3857, %sub3A_3771 : vector<16xf32>
      %add3A_3860 = arith.addf %mul3A_3858, %mul3A_3859 : vector<16xf32>
      %swap3A_3861 = arith.constant 2 : i32
      %swap3A_3862 = arith.index_cast %swap3A_3861 : i32 to index
      %swap3A_3863 = arith.constant 0 : index
      %swap3A_3864 = tpu.vector_load %arg14[%swap3A_3862, %swap3A_3863] {strides = array<i32>} : memref<7x16xf32, #tpu.memory_space<vmem>>, vector<1x16xf32>,
      %swap3A_3865 = vector.shape_cast %swap3A_3864 : vector<1x16xf32> to vector<16xf32>
      %swap3A_3866 = vector.shape_cast %add3A_3860 : vector<16xf32> to vector<1x16xf32>
      tpu.vector_store %arg14[%swap3A_3862, %swap3A_3863], %swap3A_3866 {strides = array<i32>} : memref<7x16xf32, #tpu.memory_space<vmem>>, vector<1x16xf32>,
      %sub3A_3867 = arith.constant 3 : i32
      %sub3A_3868 = vector.broadcast %sub3A_3867 : i32 to vector<16xi32>
      %sub3A_3869 = arith.subi %min3A_3769, %sub3A_3868 : vector<16xi32>
      %abs3A_3870 = math.absi %sub3A_3869 : vector<16xi32>
      %min3A_3871 = arith.constant 1 : i32
      %min3A_3872 = vector.broadcast %min3A_3871 : i32 to vector<16xi32>
      %min3A_3873 = arith.minsi %abs3A_3870, %min3A_3872 : vector<16xi32>
      %sub3A_3874 = arith.constant 1 : i32
      %sub3A_3875 = vector.broadcast %sub3A_3874 : i32 to vector<16xi32>
      %sub3A_3876 = arith.subi %sub3A_3875, %min3A_3873 : vector<16xi32>
      %convert_element_type3A_3877 = arith.sitofp %sub3A_3876 : vector<16xi32> to vector<16xf32>
      %sub3A_3878 = arith.constant 2 : i32
      %sub3A_3879 = vector.broadcast %sub3A_3878 : i32 to vector<16xi32>
      %sub3A_3880 = arith.subi %min3A_3769, %sub3A_3879 : vector<16xi32>
      %abs3A_3881 = math.absi %sub3A_3880 : vector<16xi32>
      %min3A_3882 = arith.constant 1 : i32
      %min3A_3883 = vector.broadcast %min3A_3882 : i32 to vector<16xi32>
      %min3A_3884 = arith.minsi %abs3A_3881, %min3A_3883 : vector<16xi32>
      %sub3A_3885 = arith.constant 1 : i32
      %sub3A_3886 = vector.broadcast %sub3A_3885 : i32 to vector<16xi32>
      %sub3A_3887 = arith.subi %sub3A_3886, %min3A_3884 : vector<16xi32>
      %convert_element_type3A_3888 = arith.sitofp %sub3A_3887 : vector<16xi32> to vector<16xf32>
      %mul3A_3889 = arith.mulf %convert_element_type3A_3877, %sub3A_3775 : vector<16xf32>
      %mul3A_3890 = arith.mulf %convert_element_type3A_3888, %sub3A_3771 : vector<16xf32>
      %add3A_3891 = arith.addf %mul3A_3889, %mul3A_3890 : vector<16xf32>
      %swap3A_3892 = arith.constant 3 : i32
      %swap3A_3893 = arith.index_cast %swap3A_3892 : i32 to index
      %swap3A_3894 = arith.constant 0 : index
      %swap3A_3895 = tpu.vector_load %arg14[%swap3A_3893, %swap3A_3894] {strides = array<i32>} : memref<7x16xf32, #tpu.memory_space<vmem>>, vector<1x16xf32>,
      %swap3A_3896 = vector.shape_cast %swap3A_3895 : vector<1x16xf32> to vector<16xf32>
      %swap3A_3897 = vector.shape_cast %add3A_3891 : vector<16xf32> to vector<1x16xf32>
      tpu.vector_store %arg14[%swap3A_3893, %swap3A_3894], %swap3A_3897 {strides = array<i32>} : memref<7x16xf32, #tpu.memory_space<vmem>>, vector<1x16xf32>,
      %sub3A_3898 = arith.constant 4 : i32
      %sub3A_3899 = vector.broadcast %sub3A_3898 : i32 to vector<16xi32>
      %sub3A_3900 = arith.subi %min3A_3769, %sub3A_3899 : vector<16xi32>
      %abs3A_3901 = math.absi %sub3A_3900 : vector<16xi32>
      %min3A_3902 = arith.constant 1 : i32
      %min3A_3903 = vector.broadcast %min3A_3902 : i32 to vector<16xi32>
      %min3A_3904 = arith.minsi %abs3A_3901, %min3A_3903 : vector<16xi32>
      %sub3A_3905 = arith.constant 1 : i32
      %sub3A_3906 = vector.broadcast %sub3A_3905 : i32 to vector<16xi32>
      %sub3A_3907 = arith.subi %sub3A_3906, %min3A_3904 : vector<16xi32>
      %convert_element_type3A_3908 = arith.sitofp %sub3A_3907 : vector<16xi32> to vector<16xf32>
      %sub3A_3909 = arith.constant 3 : i32
      %sub3A_3910 = vector.broadcast %sub3A_3909 : i32 to vector<16xi32>
      %sub3A_3911 = arith.subi %min3A_3769, %sub3A_3910 : vector<16xi32>
      %abs3A_3912 = math.absi %sub3A_3911 : vector<16xi32>
      %min3A_3913 = arith.constant 1 : i32
      %min3A_3914 = vector.broadcast %min3A_3913 : i32 to vector<16xi32>
      %min3A_3915 = arith.minsi %abs3A_3912, %min3A_3914 : vector<16xi32>
      %sub3A_3916 = arith.constant 1 : i32
      %sub3A_3917 = vector.broadcast %sub3A_3916 : i32 to vector<16xi32>
      %sub3A_3918 = arith.subi %sub3A_3917, %min3A_3915 : vector<16xi32>
      %convert_element_type3A_3919 = arith.sitofp %sub3A_3918 : vector<16xi32> to vector<16xf32>
      %mul3A_3920 = arith.mulf %convert_element_type3A_3908, %sub3A_3775 : vector<16xf32>
      %mul3A_3921 = arith.mulf %convert_element_type3A_3919, %sub3A_3771 : vector<16xf32>
      %add3A_3922 = arith.addf %mul3A_3920, %mul3A_3921 : vector<16xf32>
      %swap3A_3923 = arith.constant 4 : i32
      %swap3A_3924 = arith.index_cast %swap3A_3923 : i32 to index
      %swap3A_3925 = arith.constant 0 : index
      %swap3A_3926 = tpu.vector_load %arg14[%swap3A_3924, %swap3A_3925] {strides = array<i32>} : memref<7x16xf32, #tpu.memory_space<vmem>>, vector<1x16xf32>,
      %swap3A_3927 = vector.shape_cast %swap3A_3926 : vector<1x16xf32> to vector<16xf32>
      %swap3A_3928 = vector.shape_cast %add3A_3922 : vector<16xf32> to vector<1x16xf32>
      tpu.vector_store %arg14[%swap3A_3924, %swap3A_3925], %swap3A_3928 {strides = array<i32>} : memref<7x16xf32, #tpu.memory_space<vmem>>, vector<1x16xf32>,
      %sub3A_3929 = arith.constant 5 : i32
      %sub3A_3930 = vector.broadcast %sub3A_3929 : i32 to vector<16xi32>
      %sub3A_3931 = arith.subi %min3A_3769, %sub3A_3930 : vector<16xi32>
      %abs3A_3932 = math.absi %sub3A_3931 : vector<16xi32>
      %min3A_3933 = arith.constant 1 : i32
      %min3A_3934 = vector.broadcast %min3A_3933 : i32 to vector<16xi32>
      %min3A_3935 = arith.minsi %abs3A_3932, %min3A_3934 : vector<16xi32>
      %sub3A_3936 = arith.constant 1 : i32
      %sub3A_3937 = vector.broadcast %sub3A_3936 : i32 to vector<16xi32>
      %sub3A_3938 = arith.subi %sub3A_3937, %min3A_3935 : vector<16xi32>
      %convert_element_type3A_3939 = arith.sitofp %sub3A_3938 : vector<16xi32> to vector<16xf32>
      %sub3A_3940 = arith.constant 4 : i32
      %sub3A_3941 = vector.broadcast %sub3A_3940 : i32 to vector<16xi32>
      %sub3A_3942 = arith.subi %min3A_3769, %sub3A_3941 : vector<16xi32>
      %abs3A_3943 = math.absi %sub3A_3942 : vector<16xi32>
      %min3A_3944 = arith.constant 1 : i32
      %min3A_3945 = vector.broadcast %min3A_3944 : i32 to vector<16xi32>
      %min3A_3946 = arith.minsi %abs3A_3943, %min3A_3945 : vector<16xi32>
      %sub3A_3947 = arith.constant 1 : i32
      %sub3A_3948 = vector.broadcast %sub3A_3947 : i32 to vector<16xi32>
      %sub3A_3949 = arith.subi %sub3A_3948, %min3A_3946 : vector<16xi32>
      %convert_element_type3A_3950 = arith.sitofp %sub3A_3949 : vector<16xi32> to vector<16xf32>
      %mul3A_3951 = arith.mulf %convert_element_type3A_3939, %sub3A_3775 : vector<16xf32>
      %mul3A_3952 = arith.mulf %convert_element_type3A_3950, %sub3A_3771 : vector<16xf32>
      %add3A_3953 = arith.addf %mul3A_3951, %mul3A_3952 : vector<16xf32>
      %swap3A_3954 = arith.constant 5 : i32
      %swap3A_3955 = arith.index_cast %swap3A_3954 : i32 to index
      %swap3A_3956 = arith.constant 0 : index
      %swap3A_3957 = tpu.vector_load %arg14[%swap3A_3955, %swap3A_3956] {strides = array<i32>} : memref<7x16xf32, #tpu.memory_space<vmem>>, vector<1x16xf32>,
      %swap3A_3958 = vector.shape_cast %swap3A_3957 : vector<1x16xf32> to vector<16xf32>
      %swap3A_3959 = vector.shape_cast %add3A_3953 : vector<16xf32> to vector<1x16xf32>
      tpu.vector_store %arg14[%swap3A_3955, %swap3A_3956], %swap3A_3959 {strides = array<i32>} : memref<7x16xf32, #tpu.memory_space<vmem>>, vector<1x16xf32>,
      %sub3A_3960 = arith.constant 6 : i32
      %sub3A_3961 = vector.broadcast %sub3A_3960 : i32 to vector<16xi32>
      %sub3A_3962 = arith.subi %min3A_3769, %sub3A_3961 : vector<16xi32>
      %abs3A_3963 = math.absi %sub3A_3962 : vector<16xi32>
      %min3A_3964 = arith.constant 1 : i32
      %min3A_3965 = vector.broadcast %min3A_3964 : i32 to vector<16xi32>
      %min3A_3966 = arith.minsi %abs3A_3963, %min3A_3965 : vector<16xi32>
      %sub3A_3967 = arith.constant 1 : i32
      %sub3A_3968 = vector.broadcast %sub3A_3967 : i32 to vector<16xi32>
      %sub3A_3969 = arith.subi %sub3A_3968, %min3A_3966 : vector<16xi32>
      %convert_element_type3A_3970 = arith.sitofp %sub3A_3969 : vector<16xi32> to vector<16xf32>
      %sub3A_3971 = arith.constant 5 : i32
      %sub3A_3972 = vector.broadcast %sub3A_3971 : i32 to vector<16xi32>
      %sub3A_3973 = arith.subi %min3A_3769, %sub3A_3972 : vector<16xi32>
      %abs3A_3974 = math.absi %sub3A_3973 : vector<16xi32>
      %min3A_3975 = arith.constant 1 : i32
      %min3A_3976 = vector.broadcast %min3A_3975 : i32 to vector<16xi32>
      %min3A_3977 = arith.minsi %abs3A_3974, %min3A_3976 : vector<16xi32>
      %sub3A_3978 = arith.constant 1 : i32
      %sub3A_3979 = vector.broadcast %sub3A_3978 : i32 to vector<16xi32>
      %sub3A_3980 = arith.subi %sub3A_3979, %min3A_3977 : vector<16xi32>
      %convert_element_type3A_3981 = arith.sitofp %sub3A_3980 : vector<16xi32> to vector<16xf32>
      %mul3A_3982 = arith.mulf %convert_element_type3A_3970, %sub3A_3775 : vector<16xf32>
      %mul3A_3983 = arith.mulf %convert_element_type3A_3981, %sub3A_3771 : vector<16xf32>
      %add3A_3984 = arith.addf %mul3A_3982, %mul3A_3983 : vector<16xf32>
      %swap3A_3985 = arith.constant 6 : i32
      %swap3A_3986 = arith.index_cast %swap3A_3985 : i32 to index
      %swap3A_3987 = arith.constant 0 : index
      %swap3A_3988 = tpu.vector_load %arg14[%swap3A_3986, %swap3A_3987] {strides = array<i32>} : memref<7x16xf32, #tpu.memory_space<vmem>>, vector<1x16xf32>,
      %swap3A_3989 = vector.shape_cast %swap3A_3988 : vector<1x16xf32> to vector<16xf32>
      %swap3A_3990 = vector.shape_cast %add3A_3984 : vector<16xf32> to vector<1x16xf32>
      tpu.vector_store %arg14[%swap3A_3986, %swap3A_3987], %swap3A_3990 {strides = array<i32>} : memref<7x16xf32, #tpu.memory_space<vmem>>, vector<1x16xf32>,
      %add3A_3991 = arith.constant 1 : i32
      %add3A_3992 = vector.broadcast %add3A_3991 : i32 to vector<16xi32>
      %add3A_3993 = arith.addi %min3A_3769, %add3A_3992 : vector<16xi32>
      %swap3A_3994 = arith.constant 0 : index
      %swap3A_3995 = tpu.vector_load %arg15[%swap3A_3994] {strides = array<i32>} : memref<16xi32, #tpu.memory_space<vmem>>, vector<16xi32>,
      %swap3A_3996 = vector.shape_cast %swap3A_3995 : vector<16xi32> to vector<16xi32>
      %swap3A_3997 = vector.shape_cast %add3A_3993 : vector<16xi32> to vector<16xi32>
      tpu.vector_store %arg15[%swap3A_3994], %swap3A_3997 {strides = array<i32>} : memref<16xi32, #tpu.memory_space<vmem>>, vector<16xi32>,
      "tpu.region"() ({
        %run_scoped3A = tpu.sem_alloc : memref<!tpu.dma_semaphore, #tpu.memory_space<semaphore_mem>>
        %dma_start3A = arith.constant 0 : i32
        %dma_start3A_3998 = arith.constant 0 : i32
        %dma_start3A_3999 = tpu.memref_slice %arg7[%add3A, %dma_start3A, %dma_start3A_3998] : memref<24x7x16xf32, #tpu.memory_space<hbm>> -> memref<1x7x16xf32, #tpu.memory_space<hbm>>
        %dma_start3A_4000 = tpu.memref_squeeze %dma_start3A_3999 : memref<1x7x16xf32, #tpu.memory_space<hbm>> -> memref<7x16xf32, #tpu.memory_space<hbm>>
        %dma_start3A_4001 = arith.constant 0 : i32
        %dma_start3A_4002 = arith.constant 0 : i32
        %dma_start3A_4003 = tpu.memref_slice %arg7[%add3A, %dma_start3A_4001, %dma_start3A_4002] : memref<24x7x16xf32, #tpu.memory_space<hbm>> -> memref<1x7x16xf32, #tpu.memory_space<hbm>>
        %dma_start3A_4004 = tpu.memref_squeeze %dma_start3A_4003 : memref<1x7x16xf32, #tpu.memory_space<hbm>> -> memref<7x16xf32, #tpu.memory_space<hbm>>
        tpu.enqueue_dma source(%arg14 : memref<7x16xf32, #tpu.memory_space<vmem>>) target(%dma_start3A_4004 : memref<7x16xf32, #tpu.memory_space<hbm>>) target_semaphore(%run_scoped3A : memref<!tpu.dma_semaphore, #tpu.memory_space<semaphore_mem>>)
        %dma_wait3A = arith.constant 0 : i32
        %dma_wait3A_4005 = arith.constant 0 : i32
        %dma_wait3A_4006 = tpu.memref_slice %arg7[%add3A, %dma_wait3A, %dma_wait3A_4005] : memref<24x7x16xf32, #tpu.memory_space<hbm>> -> memref<1x7x16xf32, #tpu.memory_space<hbm>>
        %dma_wait3A_4007 = tpu.memref_squeeze %dma_wait3A_4006 : memref<1x7x16xf32, #tpu.memory_space<hbm>> -> memref<7x16xf32, #tpu.memory_space<hbm>>
        %dma_wait3A_4008 = arith.constant 0 : i32
        %dma_wait3A_4009 = arith.constant 0 : i32
        %dma_wait3A_4010 = tpu.memref_slice %arg7[%add3A, %dma_wait3A_4008, %dma_wait3A_4009] : memref<24x7x16xf32, #tpu.memory_space<hbm>> -> memref<1x7x16xf32, #tpu.memory_space<hbm>>
        %dma_wait3A_4011 = tpu.memref_squeeze %dma_wait3A_4010 : memref<1x7x16xf32, #tpu.memory_space<hbm>> -> memref<7x16xf32, #tpu.memory_space<hbm>>
        tpu.wait_dma2 semaphore(%run_scoped3A : memref<!tpu.dma_semaphore, #tpu.memory_space<semaphore_mem>>) src(%arg14 : memref<7x16xf32, #tpu.memory_space<vmem>>) dst(%dma_wait3A_4011 : memref<7x16xf32, #tpu.memory_space<hbm>>)
        tpu.yield
      }) : () -> ()
      "tpu.region"() ({
        %run_scoped3A = tpu.sem_alloc : memref<!tpu.dma_semaphore, #tpu.memory_space<semaphore_mem>>
        %dma_start3A = tpu.memref_slice %arg8[%mul3A_14] : memref<384xi32, #tpu.memory_space<hbm>> -> memref<16xi32, #tpu.memory_space<hbm>>
        %dma_start3A_3998 = tpu.memref_slice %arg8[%mul3A_14] : memref<384xi32, #tpu.memory_space<hbm>> -> memref<16xi32, #tpu.memory_space<hbm>>
        tpu.enqueue_dma source(%arg15 : memref<16xi32, #tpu.memory_space<vmem>>) target(%dma_start3A_3998 : memref<16xi32, #tpu.memory_space<hbm>>) target_semaphore(%run_scoped3A : memref<!tpu.dma_semaphore, #tpu.memory_space<semaphore_mem>>)
        %dma_wait3A = tpu.memref_slice %arg8[%mul3A_14] : memref<384xi32, #tpu.memory_space<hbm>> -> memref<16xi32, #tpu.memory_space<hbm>>
        %dma_wait3A_3999 = tpu.memref_slice %arg8[%mul3A_14] : memref<384xi32, #tpu.memory_space<hbm>> -> memref<16xi32, #tpu.memory_space<hbm>>
        tpu.wait_dma2 semaphore(%run_scoped3A : memref<!tpu.dma_semaphore, #tpu.memory_space<semaphore_mem>>) src(%arg15 : memref<16xi32, #tpu.memory_space<vmem>>) dst(%dma_wait3A_3999 : memref<16xi32, #tpu.memory_space<hbm>>)
        tpu.yield
      }) : () -> ()
    } else {
    }
    return
  }
}

module attributes {stable_mosaic.version = 14 : i64} {
  func.func @_means_body(%arg0: i32, %arg1: memref<16x224x224xf32, #tpu.memory_space<vmem>>, %arg2: memref<1x1x16xf32, #tpu.memory_space<vmem>>) attributes {dimension_semantics = [#tpu.dimension_semantics<arbitrary>], iteration_bounds = array<i64: 24>, scalar_prefetch = 0 : i64, scratch_operands = 0 : i64, tpu.core_type = #tpu.core_type<tc>, window_params = [{transform_indices = @transform_0, window_bounds = array<i64: 16, 224, 224>}, {transform_indices = @transform_1, window_bounds = array<i64: 1, 1, 16>}]} {
    %get3A = arith.constant 0 : index
    %get3A_0 = arith.constant 0 : index
    %get3A_1 = arith.constant 0 : index
    %get3A_2 = vector.load %arg1[%get3A, %get3A_0, %get3A_1] : memref<16x224x224xf32, #tpu.memory_space<vmem>>, vector<16x224x224xf32>
    %reduce_sum3A = arith.constant dense<0.000000e+00> : vector<16xf32>
    %reduce_sum3A_3 = vector.multi_reduction <add>, %get3A_2, %reduce_sum3A [1, 2] : vector<16x224x224xf32> to vector<16xf32>
    %swap3A = arith.constant 0 : index
    %swap3A_4 = arith.constant 0 : index
    %swap3A_5 = arith.constant 0 : index
    %swap3A_6 = vector.load %arg2[%swap3A, %swap3A_4, %swap3A_5] : memref<1x1x16xf32, #tpu.memory_space<vmem>>, vector<1x1x16xf32>
    %swap3A_7 = vector.shape_cast %swap3A_6 : vector<1x1x16xf32> to vector<16xf32>
    %swap3A_8 = vector.shape_cast %reduce_sum3A_3 : vector<16xf32> to vector<1x1x16xf32>
    tpu.vector_store %arg2[%swap3A, %swap3A_4, %swap3A_5], %swap3A_8 {strides = array<i32>} : memref<1x1x16xf32, #tpu.memory_space<vmem>>, vector<1x1x16xf32>,
    return
  }
  func.func @transform_0(%arg0: i32) -> (i32, i32, i32) {
    %c0_i32 = arith.constant 0 : i32
    %c0_i32_0 = arith.constant 0 : i32
    %c0_i32_1 = arith.constant 0 : i32
    return %arg0, %c0_i32, %c0_i32_0 : i32, i32, i32
  }
  func.func @transform_1(%arg0: i32) -> (i32, i32, i32) {
    %c0_i32 = arith.constant 0 : i32
    %c0_i32_0 = arith.constant 0 : i32
    %c0_i32_1 = arith.constant 0 : i32
    return %arg0, %c0_i32, %c0_i32_0 : i32, i32, i32
  }
}

module attributes {stable_mosaic.version = 14 : i64} {
  func.func @_pool_body(%arg0: i32, %arg1: memref<7x2x192xf32, #tpu.memory_space<smem>>, %arg2: memref<2x192xi32, #tpu.memory_space<smem>>, %arg3: memref<2x224x224xf32, #tpu.memory_space<vmem>>, %arg4: memref<2x224x224xf32, #tpu.memory_space<vmem>>, %arg5: memref<2x240x240xbf16, #tpu.memory_space<vmem>>, %arg6: memref<2x240x240xbf16, #tpu.memory_space<vmem>>) attributes {dimension_semantics = [#tpu.dimension_semantics<arbitrary>], iteration_bounds = array<i64: 192>, scalar_prefetch = 0 : i64, scratch_operands = 2 : i64, tpu.core_type = #tpu.core_type<tc>, window_params = [{transform_indices = @transform_0, window_bounds = array<i64: 7, 2, 192>}, {transform_indices = @transform_1, window_bounds = array<i64: 2, 192>}, {transform_indices = @transform_2, window_bounds = array<i64: 2, 224, 224>}, {transform_indices = @transform_3, window_bounds = array<i64: 2, 224, 224>}]} {
    %broadcast_in_dim3A = arith.constant 0xFF80 : bf16
    %broadcast_in_dim3A_0 = vector.broadcast %broadcast_in_dim3A : bf16 to vector<2x8x240xbf16>
    %swap3A = arith.constant 0 : index
    %swap3A_1 = arith.constant 0 : index
    %swap3A_2 = arith.constant 0 : index
    %swap3A_3 = vector.load %arg5[%swap3A, %swap3A_1, %swap3A_2] : memref<2x240x240xbf16, #tpu.memory_space<vmem>>, vector<2x8x240xbf16>
    tpu.vector_store %arg5[%swap3A, %swap3A_1, %swap3A_2], %broadcast_in_dim3A_0 {strides = array<i32>} : memref<2x240x240xbf16, #tpu.memory_space<vmem>>, vector<2x8x240xbf16>,
    %broadcast_in_dim3A_4 = arith.constant 0xFF80 : bf16
    %broadcast_in_dim3A_5 = vector.broadcast %broadcast_in_dim3A_4 : bf16 to vector<2x8x240xbf16>
    %swap3A_6 = arith.constant 0 : index
    %swap3A_7 = arith.constant 232 : index
    %swap3A_8 = arith.constant 0 : index
    %swap3A_9 = vector.load %arg5[%swap3A_6, %swap3A_7, %swap3A_8] : memref<2x240x240xbf16, #tpu.memory_space<vmem>>, vector<2x8x240xbf16>
    tpu.vector_store %arg5[%swap3A_6, %swap3A_7, %swap3A_8], %broadcast_in_dim3A_5 {strides = array<i32>} : memref<2x240x240xbf16, #tpu.memory_space<vmem>>, vector<2x8x240xbf16>,
    %broadcast_in_dim3A_10 = arith.constant 0xFF80 : bf16
    %broadcast_in_dim3A_11 = vector.broadcast %broadcast_in_dim3A_10 : bf16 to vector<2x240x8xbf16>
    %swap3A_12 = arith.constant 0 : index
    %swap3A_13 = arith.constant 0 : index
    %swap3A_14 = arith.constant 0 : index
    %swap3A_15 = vector.load %arg5[%swap3A_12, %swap3A_13, %swap3A_14] : memref<2x240x240xbf16, #tpu.memory_space<vmem>>, vector<2x240x8xbf16>
    tpu.vector_store %arg5[%swap3A_12, %swap3A_13, %swap3A_14], %broadcast_in_dim3A_11 {strides = array<i32>} : memref<2x240x240xbf16, #tpu.memory_space<vmem>>, vector<2x240x8xbf16>,
    %broadcast_in_dim3A_16 = arith.constant 0xFF80 : bf16
    %broadcast_in_dim3A_17 = vector.broadcast %broadcast_in_dim3A_16 : bf16 to vector<2x240x8xbf16>
    %swap3A_18 = arith.constant 0 : index
    %swap3A_19 = arith.constant 0 : index
    %swap3A_20 = arith.constant 232 : index
    %swap3A_21 = vector.load %arg5[%swap3A_18, %swap3A_19, %swap3A_20] : memref<2x240x240xbf16, #tpu.memory_space<vmem>>, vector<2x240x8xbf16>
    tpu.vector_store %arg5[%swap3A_18, %swap3A_19, %swap3A_20], %broadcast_in_dim3A_17 {strides = array<i32>} : memref<2x240x240xbf16, #tpu.memory_space<vmem>>, vector<2x240x8xbf16>,
    %get3A = arith.constant 0 : index
    %get3A_22 = arith.constant 0 : index
    %get3A_23 = arith.constant 0 : index
    %get3A_24 = vector.load %arg3[%get3A, %get3A_22, %get3A_23] : memref<2x224x224xf32, #tpu.memory_space<vmem>>, vector<2x224x224xf32>
    %convert_element_type3A = arith.truncf %get3A_24 : vector<2x224x224xf32> to vector<2x224x224xbf16>
    %swap3A_25 = arith.constant 0 : index
    %swap3A_26 = arith.constant 8 : index
    %swap3A_27 = arith.constant 8 : index
    %swap3A_28 = vector.load %arg5[%swap3A_25, %swap3A_26, %swap3A_27] : memref<2x240x240xbf16, #tpu.memory_space<vmem>>, vector<2x224x224xbf16>
    tpu.vector_store %arg5[%swap3A_25, %swap3A_26, %swap3A_27], %convert_element_type3A {strides = array<i32>} : memref<2x240x240xbf16, #tpu.memory_space<vmem>>, vector<2x224x224xbf16>,
    %mul3A = arith.constant 2 : i32
    %mul3A_29 = arith.muli %arg0, %mul3A : i32
    %add3A = arith.constant 0 : i32
    %add3A_30 = arith.addi %mul3A_29, %add3A : i32
    %jit3A = arith.constant 192 : i32
    %div3A = arith.divsi %add3A_30, %jit3A : i32
    %sign3A = arith.constant 0 : i32
    %sign3A_31 = arith.cmpi sgt, %add3A_30, %sign3A : i32
    %sign3A_32 = arith.extui %sign3A_31 : i1 to i32
    %sign3A_33 = arith.constant 0 : i32
    %sign3A_34 = arith.cmpi slt, %add3A_30, %sign3A_33 : i32
    %sign3A_35 = arith.extui %sign3A_34 : i1 to i32
    %sign3A_36 = arith.subi %sign3A_32, %sign3A_35 : i32
    %sign3A_37 = arith.constant 0 : i32
    %sign3A_38 = arith.cmpi sgt, %jit3A, %sign3A_37 : i32
    %sign3A_39 = arith.extui %sign3A_38 : i1 to i32
    %sign3A_40 = arith.constant 0 : i32
    %sign3A_41 = arith.cmpi slt, %jit3A, %sign3A_40 : i32
    %sign3A_42 = arith.extui %sign3A_41 : i1 to i32
    %sign3A_43 = arith.subi %sign3A_39, %sign3A_42 : i32
    %ne3A = arith.cmpi ne, %sign3A_36, %sign3A_43 : i32
    %rem3A = arith.remsi %add3A_30, %jit3A : i32
    %ne3A_44 = arith.constant 0 : i32
    %ne3A_45 = arith.cmpi ne, %rem3A, %ne3A_44 : i32
    %and3A = arith.andi %ne3A, %ne3A_45 : i1
    %sub3A = arith.constant 1 : i32
    %sub3A_46 = arith.subi %div3A, %sub3A : i32
    %select_n3A = arith.select %and3A, %sub3A_46, %div3A : i32
    %jit3A_47 = arith.constant 192 : i32
    %eq3A = arith.constant 0 : i32
    %eq3A_48 = arith.cmpi eq, %jit3A_47, %eq3A : i32
    %jit3A_49 = arith.constant 1 : i32
    %select_n3A_50 = arith.select %eq3A_48, %jit3A_49, %jit3A_47 : i32
    %rem3A_51 = arith.remsi %add3A_30, %select_n3A_50 : i32
    %ne3A_52 = arith.constant 0 : i32
    %ne3A_53 = arith.cmpi ne, %rem3A_51, %ne3A_52 : i32
    %lt3A = arith.constant 0 : i32
    %lt3A_54 = arith.cmpi slt, %rem3A_51, %lt3A : i32
    %lt3A_55 = arith.constant 0 : i32
    %lt3A_56 = arith.cmpi slt, %select_n3A_50, %lt3A_55 : i32
    %ne3A_57 = arith.xori %lt3A_54, %lt3A_56 : i1
    %and3A_58 = arith.andi %ne3A_57, %ne3A_53 : i1
    %add3A_59 = arith.addi %rem3A_51, %select_n3A_50 : i32
    %select_n3A_60 = arith.select %and3A_58, %add3A_59, %rem3A_51 : i32
    %get3A_61 = arith.constant 0 : index
    %get3A_62 = arith.index_cast %select_n3A : i32 to index
    %get3A_63 = arith.index_cast %select_n3A_60 : i32 to index
    %get3A_64 = memref.load %arg1[%get3A_61, %get3A_62, %get3A_63] : memref<7x2x192xf32, #tpu.memory_space<smem>>
    %add3A_65 = arith.constant 1.000000e+00 : f32
    %add3A_66 = arith.addf %add3A_65, %get3A_64 : f32
    %slice3A = vector.extract_strided_slice %get3A_24 {offsets = [0, 0, 0], sizes = [1, 224, 224], strides = [1, 1, 1]} : vector<2x224x224xf32> to vector<1x224x224xf32>
    %squeeze3A = vector.shape_cast %slice3A : vector<1x224x224xf32> to vector<224x224xf32>
    %mul3A_67 = vector.broadcast %add3A_66 : f32 to vector<224x224xf32>
    %mul3A_68 = arith.mulf %mul3A_67, %squeeze3A : vector<224x224xf32>
    %swap3A_69 = arith.constant 0 : index
    %swap3A_70 = arith.constant 0 : index
    %swap3A_71 = arith.constant 0 : index
    %swap3A_72 = vector.load %arg4[%swap3A_69, %swap3A_70, %swap3A_71] : memref<2x224x224xf32, #tpu.memory_space<vmem>>, vector<1x224x224xf32>
    %swap3A_73 = vector.shape_cast %swap3A_72 : vector<1x224x224xf32> to vector<224x224xf32>
    %swap3A_74 = vector.shape_cast %mul3A_68 : vector<224x224xf32> to vector<1x224x224xf32>
    tpu.vector_store %arg4[%swap3A_69, %swap3A_70, %swap3A_71], %swap3A_74 {strides = array<i32>} : memref<2x224x224xf32, #tpu.memory_space<vmem>>, vector<1x224x224xf32>,
    %get3A_75 = arith.index_cast %select_n3A : i32 to index
    %get3A_76 = arith.index_cast %select_n3A_60 : i32 to index
    %get3A_77 = memref.load %arg2[%get3A_75, %get3A_76] : memref<2x192xi32, #tpu.memory_space<smem>>
    %max3A = arith.constant 0 : i32
    %max3A_78 = arith.maxsi %max3A, %get3A_77 : i32
    %mul3A_79 = arith.constant 2 : i32
    %mul3A_80 = arith.muli %arg0, %mul3A_79 : i32
    %add3A_81 = arith.constant 1 : i32
    %add3A_82 = arith.addi %mul3A_80, %add3A_81 : i32
    %jit3A_83 = arith.constant 192 : i32
    %div3A_84 = arith.divsi %add3A_82, %jit3A_83 : i32
    %sign3A_85 = arith.constant 0 : i32
    %sign3A_86 = arith.cmpi sgt, %add3A_82, %sign3A_85 : i32
    %sign3A_87 = arith.extui %sign3A_86 : i1 to i32
    %sign3A_88 = arith.constant 0 : i32
    %sign3A_89 = arith.cmpi slt, %add3A_82, %sign3A_88 : i32
    %sign3A_90 = arith.extui %sign3A_89 : i1 to i32
    %sign3A_91 = arith.subi %sign3A_87, %sign3A_90 : i32
    %sign3A_92 = arith.constant 0 : i32
    %sign3A_93 = arith.cmpi sgt, %jit3A_83, %sign3A_92 : i32
    %sign3A_94 = arith.extui %sign3A_93 : i1 to i32
    %sign3A_95 = arith.constant 0 : i32
    %sign3A_96 = arith.cmpi slt, %jit3A_83, %sign3A_95 : i32
    %sign3A_97 = arith.extui %sign3A_96 : i1 to i32
    %sign3A_98 = arith.subi %sign3A_94, %sign3A_97 : i32
    %ne3A_99 = arith.cmpi ne, %sign3A_91, %sign3A_98 : i32
    %rem3A_100 = arith.remsi %add3A_82, %jit3A_83 : i32
    %ne3A_101 = arith.constant 0 : i32
    %ne3A_102 = arith.cmpi ne, %rem3A_100, %ne3A_101 : i32
    %and3A_103 = arith.andi %ne3A_99, %ne3A_102 : i1
    %sub3A_104 = arith.constant 1 : i32
    %sub3A_105 = arith.subi %div3A_84, %sub3A_104 : i32
    %select_n3A_106 = arith.select %and3A_103, %sub3A_105, %div3A_84 : i32
    %jit3A_107 = arith.constant 192 : i32
    %eq3A_108 = arith.constant 0 : i32
    %eq3A_109 = arith.cmpi eq, %jit3A_107, %eq3A_108 : i32
    %jit3A_110 = arith.constant 1 : i32
    %select_n3A_111 = arith.select %eq3A_109, %jit3A_110, %jit3A_107 : i32
    %rem3A_112 = arith.remsi %add3A_82, %select_n3A_111 : i32
    %ne3A_113 = arith.constant 0 : i32
    %ne3A_114 = arith.cmpi ne, %rem3A_112, %ne3A_113 : i32
    %lt3A_115 = arith.constant 0 : i32
    %lt3A_116 = arith.cmpi slt, %rem3A_112, %lt3A_115 : i32
    %lt3A_117 = arith.constant 0 : i32
    %lt3A_118 = arith.cmpi slt, %select_n3A_111, %lt3A_117 : i32
    %ne3A_119 = arith.xori %lt3A_116, %lt3A_118 : i1
    %and3A_120 = arith.andi %ne3A_119, %ne3A_114 : i1
    %add3A_121 = arith.addi %rem3A_112, %select_n3A_111 : i32
    %select_n3A_122 = arith.select %and3A_120, %add3A_121, %rem3A_112 : i32
    %get3A_123 = arith.constant 0 : index
    %get3A_124 = arith.index_cast %select_n3A_106 : i32 to index
    %get3A_125 = arith.index_cast %select_n3A_122 : i32 to index
    %get3A_126 = memref.load %arg1[%get3A_123, %get3A_124, %get3A_125] : memref<7x2x192xf32, #tpu.memory_space<smem>>
    %add3A_127 = arith.constant 1.000000e+00 : f32
    %add3A_128 = arith.addf %add3A_127, %get3A_126 : f32
    %slice3A_129 = vector.extract_strided_slice %get3A_24 {offsets = [1, 0, 0], sizes = [1, 224, 224], strides = [1, 1, 1]} : vector<2x224x224xf32> to vector<1x224x224xf32>
    %squeeze3A_130 = vector.shape_cast %slice3A_129 : vector<1x224x224xf32> to vector<224x224xf32>
    %mul3A_131 = vector.broadcast %add3A_128 : f32 to vector<224x224xf32>
    %mul3A_132 = arith.mulf %mul3A_131, %squeeze3A_130 : vector<224x224xf32>
    %swap3A_133 = arith.constant 1 : index
    %swap3A_134 = arith.constant 0 : index
    %swap3A_135 = arith.constant 0 : index
    %swap3A_136 = vector.load %arg4[%swap3A_133, %swap3A_134, %swap3A_135] : memref<2x224x224xf32, #tpu.memory_space<vmem>>, vector<1x224x224xf32>
    %swap3A_137 = vector.shape_cast %swap3A_136 : vector<1x224x224xf32> to vector<224x224xf32>
    %swap3A_138 = vector.shape_cast %mul3A_132 : vector<224x224xf32> to vector<1x224x224xf32>
    tpu.vector_store %arg4[%swap3A_133, %swap3A_134, %swap3A_135], %swap3A_138 {strides = array<i32>} : memref<2x224x224xf32, #tpu.memory_space<vmem>>, vector<1x224x224xf32>,
    %get3A_139 = arith.index_cast %select_n3A_106 : i32 to index
    %get3A_140 = arith.index_cast %select_n3A_122 : i32 to index
    %get3A_141 = memref.load %arg2[%get3A_139, %get3A_140] : memref<2x192xi32, #tpu.memory_space<smem>>
    %max3A_142 = arith.maxsi %max3A_78, %get3A_141 : i32
    %ge3A = arith.constant 1 : i32
    %ge3A_143 = arith.cmpi sge, %max3A_142, %ge3A : i32
    %convert_element_type3A_144 = arith.extui %ge3A_143 : i1 to i32
    %cond3A = arith.constant 0 : i32
    %cond3A_145 = arith.cmpi ne, %convert_element_type3A_144, %cond3A : i32
    scf.if %cond3A_145 {
      %get3A_171 = arith.constant 0 : index
      %get3A_172 = arith.constant 0 : index
      %get3A_173 = arith.constant 0 : index
      %get3A_174 = vector.load %arg5[%get3A_171, %get3A_172, %get3A_173] : memref<2x240x240xbf16, #tpu.memory_space<vmem>>, vector<2x240x240xbf16>
      %slice3A_175 = vector.extract_strided_slice %get3A_174 {offsets = [0, 2, 2], sizes = [2, 236, 234], strides = [1, 1, 1]} : vector<2x240x240xbf16> to vector<2x236x234xbf16>
      %slice3A_176 = vector.extract_strided_slice %get3A_174 {offsets = [0, 2, 3], sizes = [2, 236, 234], strides = [1, 1, 1]} : vector<2x240x240xbf16> to vector<2x236x234xbf16>
      %max3A_177 = arith.maximumf %slice3A_175, %slice3A_176 : vector<2x236x234xbf16>
      %slice3A_178 = vector.extract_strided_slice %get3A_174 {offsets = [0, 2, 4], sizes = [2, 236, 234], strides = [1, 1, 1]} : vector<2x240x240xbf16> to vector<2x236x234xbf16>
      %max3A_179 = arith.maximumf %max3A_177, %slice3A_178 : vector<2x236x234xbf16>
      %swap3A_180 = arith.constant 0 : index
      %swap3A_181 = arith.constant 2 : index
      %swap3A_182 = arith.constant 3 : index
      %swap3A_183 = vector.load %arg6[%swap3A_180, %swap3A_181, %swap3A_182] : memref<2x240x240xbf16, #tpu.memory_space<vmem>>, vector<2x236x234xbf16>
      tpu.vector_store %arg6[%swap3A_180, %swap3A_181, %swap3A_182], %max3A_179 {strides = array<i32>} : memref<2x240x240xbf16, #tpu.memory_space<vmem>>, vector<2x236x234xbf16>,
      %get3A_184 = arith.constant 0 : index
      %get3A_185 = arith.constant 0 : index
      %get3A_186 = arith.constant 0 : index
      %get3A_187 = vector.load %arg6[%get3A_184, %get3A_185, %get3A_186] : memref<2x240x240xbf16, #tpu.memory_space<vmem>>, vector<2x240x240xbf16>
      %slice3A_188 = vector.extract_strided_slice %get3A_187 {offsets = [0, 2, 3], sizes = [2, 234, 234], strides = [1, 1, 1]} : vector<2x240x240xbf16> to vector<2x234x234xbf16>
      %slice3A_189 = vector.extract_strided_slice %get3A_187 {offsets = [0, 3, 3], sizes = [2, 234, 234], strides = [1, 1, 1]} : vector<2x240x240xbf16> to vector<2x234x234xbf16>
      %max3A_190 = arith.maximumf %slice3A_188, %slice3A_189 : vector<2x234x234xbf16>
      %slice3A_191 = vector.extract_strided_slice %get3A_187 {offsets = [0, 4, 3], sizes = [2, 234, 234], strides = [1, 1, 1]} : vector<2x240x240xbf16> to vector<2x234x234xbf16>
      %max3A_192 = arith.maximumf %max3A_190, %slice3A_191 : vector<2x234x234xbf16>
      %swap3A_193 = arith.constant 0 : index
      %swap3A_194 = arith.constant 3 : index
      %swap3A_195 = arith.constant 3 : index
      %swap3A_196 = vector.load %arg5[%swap3A_193, %swap3A_194, %swap3A_195] : memref<2x240x240xbf16, #tpu.memory_space<vmem>>, vector<2x234x234xbf16>
      tpu.vector_store %arg5[%swap3A_193, %swap3A_194, %swap3A_195], %max3A_192 {strides = array<i32>} : memref<2x240x240xbf16, #tpu.memory_space<vmem>>, vector<2x234x234xbf16>,
      %sub3A_197 = arith.constant 1 : i32
      %sub3A_198 = arith.subi %get3A_77, %sub3A_197 : i32
      %le3A = arith.constant 1 : i32
      %le3A_199 = arith.cmpi sle, %sub3A_198, %le3A : i32
      %ge3A_200 = arith.constant 1 : i32
      %ge3A_201 = arith.cmpi sge, %get3A_77, %ge3A_200 : i32
      %and3A_202 = arith.andi %le3A_199, %ge3A_201 : i1
      %convert_element_type3A_203 = arith.extui %and3A_202 : i1 to i32
      %cond3A_204 = arith.constant 0 : i32
      %cond3A_205 = arith.cmpi ne, %convert_element_type3A_203, %cond3A_204 : i32
      scf.if %cond3A_205 {
        %get3A_216 = arith.constant 1 : index
        %get3A_217 = arith.index_cast %select_n3A : i32 to index
        %get3A_218 = arith.index_cast %select_n3A_60 : i32 to index
        %get3A_219 = memref.load %arg1[%get3A_216, %get3A_217, %get3A_218] : memref<7x2x192xf32, #tpu.memory_space<smem>>
        %get3A_220 = arith.constant 0 : index
        %get3A_221 = arith.constant 8 : index
        %get3A_222 = arith.constant 8 : index
        %get3A_223 = vector.load %arg5[%get3A_220, %get3A_221, %get3A_222] : memref<2x240x240xbf16, #tpu.memory_space<vmem>>, vector<1x224x224xbf16>
        %get3A_224 = vector.shape_cast %get3A_223 : vector<1x224x224xbf16> to vector<224x224xbf16>
        %convert_element_type3A_225 = arith.extf %get3A_224 : vector<224x224xbf16> to vector<224x224xf32>
        %get3A_226 = arith.constant 0 : index
        %get3A_227 = arith.constant 0 : index
        %get3A_228 = arith.constant 0 : index
        %get3A_229 = vector.load %arg4[%get3A_226, %get3A_227, %get3A_228] : memref<2x224x224xf32, #tpu.memory_space<vmem>>, vector<1x224x224xf32>
        %get3A_230 = vector.shape_cast %get3A_229 : vector<1x224x224xf32> to vector<224x224xf32>
        %mul3A_231 = vector.broadcast %get3A_219 : f32 to vector<224x224xf32>
        %mul3A_232 = arith.mulf %mul3A_231, %convert_element_type3A_225 : vector<224x224xf32>
        %add3A_233 = arith.addf %get3A_230, %mul3A_232 : vector<224x224xf32>
        %swap3A_234 = arith.constant 0 : index
        %swap3A_235 = arith.constant 0 : index
        %swap3A_236 = arith.constant 0 : index
        %swap3A_237 = vector.load %arg4[%swap3A_234, %swap3A_235, %swap3A_236] : memref<2x224x224xf32, #tpu.memory_space<vmem>>, vector<1x224x224xf32>
        %swap3A_238 = vector.shape_cast %swap3A_237 : vector<1x224x224xf32> to vector<224x224xf32>
        %swap3A_239 = vector.shape_cast %add3A_233 : vector<224x224xf32> to vector<1x224x224xf32>
        tpu.vector_store %arg4[%swap3A_234, %swap3A_235, %swap3A_236], %swap3A_239 {strides = array<i32>} : memref<2x224x224xf32, #tpu.memory_space<vmem>>, vector<1x224x224xf32>,
      } else {
      }
      %sub3A_206 = arith.constant 1 : i32
      %sub3A_207 = arith.subi %get3A_141, %sub3A_206 : i32
      %le3A_208 = arith.constant 1 : i32
      %le3A_209 = arith.cmpi sle, %sub3A_207, %le3A_208 : i32
      %ge3A_210 = arith.constant 1 : i32
      %ge3A_211 = arith.cmpi sge, %get3A_141, %ge3A_210 : i32
      %and3A_212 = arith.andi %le3A_209, %ge3A_211 : i1
      %convert_element_type3A_213 = arith.extui %and3A_212 : i1 to i32
      %cond3A_214 = arith.constant 0 : i32
      %cond3A_215 = arith.cmpi ne, %convert_element_type3A_213, %cond3A_214 : i32
      scf.if %cond3A_215 {
        %get3A_216 = arith.constant 1 : index
        %get3A_217 = arith.index_cast %select_n3A_106 : i32 to index
        %get3A_218 = arith.index_cast %select_n3A_122 : i32 to index
        %get3A_219 = memref.load %arg1[%get3A_216, %get3A_217, %get3A_218] : memref<7x2x192xf32, #tpu.memory_space<smem>>
        %get3A_220 = arith.constant 1 : index
        %get3A_221 = arith.constant 8 : index
        %get3A_222 = arith.constant 8 : index
        %get3A_223 = vector.load %arg5[%get3A_220, %get3A_221, %get3A_222] : memref<2x240x240xbf16, #tpu.memory_space<vmem>>, vector<1x224x224xbf16>
        %get3A_224 = vector.shape_cast %get3A_223 : vector<1x224x224xbf16> to vector<224x224xbf16>
        %convert_element_type3A_225 = arith.extf %get3A_224 : vector<224x224xbf16> to vector<224x224xf32>
        %get3A_226 = arith.constant 1 : index
        %get3A_227 = arith.constant 0 : index
        %get3A_228 = arith.constant 0 : index
        %get3A_229 = vector.load %arg4[%get3A_226, %get3A_227, %get3A_228] : memref<2x224x224xf32, #tpu.memory_space<vmem>>, vector<1x224x224xf32>
        %get3A_230 = vector.shape_cast %get3A_229 : vector<1x224x224xf32> to vector<224x224xf32>
        %mul3A_231 = vector.broadcast %get3A_219 : f32 to vector<224x224xf32>
        %mul3A_232 = arith.mulf %mul3A_231, %convert_element_type3A_225 : vector<224x224xf32>
        %add3A_233 = arith.addf %get3A_230, %mul3A_232 : vector<224x224xf32>
        %swap3A_234 = arith.constant 1 : index
        %swap3A_235 = arith.constant 0 : index
        %swap3A_236 = arith.constant 0 : index
        %swap3A_237 = vector.load %arg4[%swap3A_234, %swap3A_235, %swap3A_236] : memref<2x224x224xf32, #tpu.memory_space<vmem>>, vector<1x224x224xf32>
        %swap3A_238 = vector.shape_cast %swap3A_237 : vector<1x224x224xf32> to vector<224x224xf32>
        %swap3A_239 = vector.shape_cast %add3A_233 : vector<224x224xf32> to vector<1x224x224xf32>
        tpu.vector_store %arg4[%swap3A_234, %swap3A_235, %swap3A_236], %swap3A_239 {strides = array<i32>} : memref<2x224x224xf32, #tpu.memory_space<vmem>>, vector<1x224x224xf32>,
      } else {
      }
    } else {
    }
    %ge3A_146 = arith.constant 2 : i32
    %ge3A_147 = arith.cmpi sge, %max3A_142, %ge3A_146 : i32
    %convert_element_type3A_148 = arith.extui %ge3A_147 : i1 to i32
    %cond3A_149 = arith.constant 0 : i32
    %cond3A_150 = arith.cmpi ne, %convert_element_type3A_148, %cond3A_149 : i32
    scf.if %cond3A_150 {
      %get3A_171 = arith.constant 0 : index
      %get3A_172 = arith.constant 0 : index
      %get3A_173 = arith.constant 0 : index
      %get3A_174 = vector.load %arg5[%get3A_171, %get3A_172, %get3A_173] : memref<2x240x240xbf16, #tpu.memory_space<vmem>>, vector<2x240x240xbf16>
      %slice3A_175 = vector.extract_strided_slice %get3A_174 {offsets = [0, 3, 3], sizes = [2, 234, 232], strides = [1, 1, 1]} : vector<2x240x240xbf16> to vector<2x234x232xbf16>
      %slice3A_176 = vector.extract_strided_slice %get3A_174 {offsets = [0, 3, 4], sizes = [2, 234, 232], strides = [1, 1, 1]} : vector<2x240x240xbf16> to vector<2x234x232xbf16>
      %max3A_177 = arith.maximumf %slice3A_175, %slice3A_176 : vector<2x234x232xbf16>
      %slice3A_178 = vector.extract_strided_slice %get3A_174 {offsets = [0, 3, 5], sizes = [2, 234, 232], strides = [1, 1, 1]} : vector<2x240x240xbf16> to vector<2x234x232xbf16>
      %max3A_179 = arith.maximumf %max3A_177, %slice3A_178 : vector<2x234x232xbf16>
      %swap3A_180 = arith.constant 0 : index
      %swap3A_181 = arith.constant 3 : index
      %swap3A_182 = arith.constant 4 : index
      %swap3A_183 = vector.load %arg6[%swap3A_180, %swap3A_181, %swap3A_182] : memref<2x240x240xbf16, #tpu.memory_space<vmem>>, vector<2x234x232xbf16>
      tpu.vector_store %arg6[%swap3A_180, %swap3A_181, %swap3A_182], %max3A_179 {strides = array<i32>} : memref<2x240x240xbf16, #tpu.memory_space<vmem>>, vector<2x234x232xbf16>,
      %get3A_184 = arith.constant 0 : index
      %get3A_185 = arith.constant 0 : index
      %get3A_186 = arith.constant 0 : index
      %get3A_187 = vector.load %arg6[%get3A_184, %get3A_185, %get3A_186] : memref<2x240x240xbf16, #tpu.memory_space<vmem>>, vector<2x240x240xbf16>
      %slice3A_188 = vector.extract_strided_slice %get3A_187 {offsets = [0, 3, 4], sizes = [2, 232, 232], strides = [1, 1, 1]} : vector<2x240x240xbf16> to vector<2x232x232xbf16>
      %slice3A_189 = vector.extract_strided_slice %get3A_187 {offsets = [0, 4, 4], sizes = [2, 232, 232], strides = [1, 1, 1]} : vector<2x240x240xbf16> to vector<2x232x232xbf16>
      %max3A_190 = arith.maximumf %slice3A_188, %slice3A_189 : vector<2x232x232xbf16>
      %slice3A_191 = vector.extract_strided_slice %get3A_187 {offsets = [0, 5, 4], sizes = [2, 232, 232], strides = [1, 1, 1]} : vector<2x240x240xbf16> to vector<2x232x232xbf16>
      %max3A_192 = arith.maximumf %max3A_190, %slice3A_191 : vector<2x232x232xbf16>
      %swap3A_193 = arith.constant 0 : index
      %swap3A_194 = arith.constant 4 : index
      %swap3A_195 = arith.constant 4 : index
      %swap3A_196 = vector.load %arg5[%swap3A_193, %swap3A_194, %swap3A_195] : memref<2x240x240xbf16, #tpu.memory_space<vmem>>, vector<2x232x232xbf16>
      tpu.vector_store %arg5[%swap3A_193, %swap3A_194, %swap3A_195], %max3A_192 {strides = array<i32>} : memref<2x240x240xbf16, #tpu.memory_space<vmem>>, vector<2x232x232xbf16>,
      %sub3A_197 = arith.constant 1 : i32
      %sub3A_198 = arith.subi %get3A_77, %sub3A_197 : i32
      %le3A = arith.constant 2 : i32
      %le3A_199 = arith.cmpi sle, %sub3A_198, %le3A : i32
      %ge3A_200 = arith.constant 2 : i32
      %ge3A_201 = arith.cmpi sge, %get3A_77, %ge3A_200 : i32
      %and3A_202 = arith.andi %le3A_199, %ge3A_201 : i1
      %convert_element_type3A_203 = arith.extui %and3A_202 : i1 to i32
      %cond3A_204 = arith.constant 0 : i32
      %cond3A_205 = arith.cmpi ne, %convert_element_type3A_203, %cond3A_204 : i32
      scf.if %cond3A_205 {
        %get3A_216 = arith.constant 2 : index
        %get3A_217 = arith.index_cast %select_n3A : i32 to index
        %get3A_218 = arith.index_cast %select_n3A_60 : i32 to index
        %get3A_219 = memref.load %arg1[%get3A_216, %get3A_217, %get3A_218] : memref<7x2x192xf32, #tpu.memory_space<smem>>
        %get3A_220 = arith.constant 0 : index
        %get3A_221 = arith.constant 8 : index
        %get3A_222 = arith.constant 8 : index
        %get3A_223 = vector.load %arg5[%get3A_220, %get3A_221, %get3A_222] : memref<2x240x240xbf16, #tpu.memory_space<vmem>>, vector<1x224x224xbf16>
        %get3A_224 = vector.shape_cast %get3A_223 : vector<1x224x224xbf16> to vector<224x224xbf16>
        %convert_element_type3A_225 = arith.extf %get3A_224 : vector<224x224xbf16> to vector<224x224xf32>
        %get3A_226 = arith.constant 0 : index
        %get3A_227 = arith.constant 0 : index
        %get3A_228 = arith.constant 0 : index
        %get3A_229 = vector.load %arg4[%get3A_226, %get3A_227, %get3A_228] : memref<2x224x224xf32, #tpu.memory_space<vmem>>, vector<1x224x224xf32>
        %get3A_230 = vector.shape_cast %get3A_229 : vector<1x224x224xf32> to vector<224x224xf32>
        %mul3A_231 = vector.broadcast %get3A_219 : f32 to vector<224x224xf32>
        %mul3A_232 = arith.mulf %mul3A_231, %convert_element_type3A_225 : vector<224x224xf32>
        %add3A_233 = arith.addf %get3A_230, %mul3A_232 : vector<224x224xf32>
        %swap3A_234 = arith.constant 0 : index
        %swap3A_235 = arith.constant 0 : index
        %swap3A_236 = arith.constant 0 : index
        %swap3A_237 = vector.load %arg4[%swap3A_234, %swap3A_235, %swap3A_236] : memref<2x224x224xf32, #tpu.memory_space<vmem>>, vector<1x224x224xf32>
        %swap3A_238 = vector.shape_cast %swap3A_237 : vector<1x224x224xf32> to vector<224x224xf32>
        %swap3A_239 = vector.shape_cast %add3A_233 : vector<224x224xf32> to vector<1x224x224xf32>
        tpu.vector_store %arg4[%swap3A_234, %swap3A_235, %swap3A_236], %swap3A_239 {strides = array<i32>} : memref<2x224x224xf32, #tpu.memory_space<vmem>>, vector<1x224x224xf32>,
      } else {
      }
      %sub3A_206 = arith.constant 1 : i32
      %sub3A_207 = arith.subi %get3A_141, %sub3A_206 : i32
      %le3A_208 = arith.constant 2 : i32
      %le3A_209 = arith.cmpi sle, %sub3A_207, %le3A_208 : i32
      %ge3A_210 = arith.constant 2 : i32
      %ge3A_211 = arith.cmpi sge, %get3A_141, %ge3A_210 : i32
      %and3A_212 = arith.andi %le3A_209, %ge3A_211 : i1
      %convert_element_type3A_213 = arith.extui %and3A_212 : i1 to i32
      %cond3A_214 = arith.constant 0 : i32
      %cond3A_215 = arith.cmpi ne, %convert_element_type3A_213, %cond3A_214 : i32
      scf.if %cond3A_215 {
        %get3A_216 = arith.constant 2 : index
        %get3A_217 = arith.index_cast %select_n3A_106 : i32 to index
        %get3A_218 = arith.index_cast %select_n3A_122 : i32 to index
        %get3A_219 = memref.load %arg1[%get3A_216, %get3A_217, %get3A_218] : memref<7x2x192xf32, #tpu.memory_space<smem>>
        %get3A_220 = arith.constant 1 : index
        %get3A_221 = arith.constant 8 : index
        %get3A_222 = arith.constant 8 : index
        %get3A_223 = vector.load %arg5[%get3A_220, %get3A_221, %get3A_222] : memref<2x240x240xbf16, #tpu.memory_space<vmem>>, vector<1x224x224xbf16>
        %get3A_224 = vector.shape_cast %get3A_223 : vector<1x224x224xbf16> to vector<224x224xbf16>
        %convert_element_type3A_225 = arith.extf %get3A_224 : vector<224x224xbf16> to vector<224x224xf32>
        %get3A_226 = arith.constant 1 : index
        %get3A_227 = arith.constant 0 : index
        %get3A_228 = arith.constant 0 : index
        %get3A_229 = vector.load %arg4[%get3A_226, %get3A_227, %get3A_228] : memref<2x224x224xf32, #tpu.memory_space<vmem>>, vector<1x224x224xf32>
        %get3A_230 = vector.shape_cast %get3A_229 : vector<1x224x224xf32> to vector<224x224xf32>
        %mul3A_231 = vector.broadcast %get3A_219 : f32 to vector<224x224xf32>
        %mul3A_232 = arith.mulf %mul3A_231, %convert_element_type3A_225 : vector<224x224xf32>
        %add3A_233 = arith.addf %get3A_230, %mul3A_232 : vector<224x224xf32>
        %swap3A_234 = arith.constant 1 : index
        %swap3A_235 = arith.constant 0 : index
        %swap3A_236 = arith.constant 0 : index
        %swap3A_237 = vector.load %arg4[%swap3A_234, %swap3A_235, %swap3A_236] : memref<2x224x224xf32, #tpu.memory_space<vmem>>, vector<1x224x224xf32>
        %swap3A_238 = vector.shape_cast %swap3A_237 : vector<1x224x224xf32> to vector<224x224xf32>
        %swap3A_239 = vector.shape_cast %add3A_233 : vector<224x224xf32> to vector<1x224x224xf32>
        tpu.vector_store %arg4[%swap3A_234, %swap3A_235, %swap3A_236], %swap3A_239 {strides = array<i32>} : memref<2x224x224xf32, #tpu.memory_space<vmem>>, vector<1x224x224xf32>,
      } else {
      }
    } else {
    }
    %ge3A_151 = arith.constant 3 : i32
    %ge3A_152 = arith.cmpi sge, %max3A_142, %ge3A_151 : i32
    %convert_element_type3A_153 = arith.extui %ge3A_152 : i1 to i32
    %cond3A_154 = arith.constant 0 : i32
    %cond3A_155 = arith.cmpi ne, %convert_element_type3A_153, %cond3A_154 : i32
    scf.if %cond3A_155 {
      %get3A_171 = arith.constant 0 : index
      %get3A_172 = arith.constant 0 : index
      %get3A_173 = arith.constant 0 : index
      %get3A_174 = vector.load %arg5[%get3A_171, %get3A_172, %get3A_173] : memref<2x240x240xbf16, #tpu.memory_space<vmem>>, vector<2x240x240xbf16>
      %slice3A_175 = vector.extract_strided_slice %get3A_174 {offsets = [0, 4, 4], sizes = [2, 232, 230], strides = [1, 1, 1]} : vector<2x240x240xbf16> to vector<2x232x230xbf16>
      %slice3A_176 = vector.extract_strided_slice %get3A_174 {offsets = [0, 4, 5], sizes = [2, 232, 230], strides = [1, 1, 1]} : vector<2x240x240xbf16> to vector<2x232x230xbf16>
      %max3A_177 = arith.maximumf %slice3A_175, %slice3A_176 : vector<2x232x230xbf16>
      %slice3A_178 = vector.extract_strided_slice %get3A_174 {offsets = [0, 4, 6], sizes = [2, 232, 230], strides = [1, 1, 1]} : vector<2x240x240xbf16> to vector<2x232x230xbf16>
      %max3A_179 = arith.maximumf %max3A_177, %slice3A_178 : vector<2x232x230xbf16>
      %swap3A_180 = arith.constant 0 : index
      %swap3A_181 = arith.constant 4 : index
      %swap3A_182 = arith.constant 5 : index
      %swap3A_183 = vector.load %arg6[%swap3A_180, %swap3A_181, %swap3A_182] : memref<2x240x240xbf16, #tpu.memory_space<vmem>>, vector<2x232x230xbf16>
      tpu.vector_store %arg6[%swap3A_180, %swap3A_181, %swap3A_182], %max3A_179 {strides = array<i32>} : memref<2x240x240xbf16, #tpu.memory_space<vmem>>, vector<2x232x230xbf16>,
      %get3A_184 = arith.constant 0 : index
      %get3A_185 = arith.constant 0 : index
      %get3A_186 = arith.constant 0 : index
      %get3A_187 = vector.load %arg6[%get3A_184, %get3A_185, %get3A_186] : memref<2x240x240xbf16, #tpu.memory_space<vmem>>, vector<2x240x240xbf16>
      %slice3A_188 = vector.extract_strided_slice %get3A_187 {offsets = [0, 4, 5], sizes = [2, 230, 230], strides = [1, 1, 1]} : vector<2x240x240xbf16> to vector<2x230x230xbf16>
      %slice3A_189 = vector.extract_strided_slice %get3A_187 {offsets = [0, 5, 5], sizes = [2, 230, 230], strides = [1, 1, 1]} : vector<2x240x240xbf16> to vector<2x230x230xbf16>
      %max3A_190 = arith.maximumf %slice3A_188, %slice3A_189 : vector<2x230x230xbf16>
      %slice3A_191 = vector.extract_strided_slice %get3A_187 {offsets = [0, 6, 5], sizes = [2, 230, 230], strides = [1, 1, 1]} : vector<2x240x240xbf16> to vector<2x230x230xbf16>
      %max3A_192 = arith.maximumf %max3A_190, %slice3A_191 : vector<2x230x230xbf16>
      %swap3A_193 = arith.constant 0 : index
      %swap3A_194 = arith.constant 5 : index
      %swap3A_195 = arith.constant 5 : index
      %swap3A_196 = vector.load %arg5[%swap3A_193, %swap3A_194, %swap3A_195] : memref<2x240x240xbf16, #tpu.memory_space<vmem>>, vector<2x230x230xbf16>
      tpu.vector_store %arg5[%swap3A_193, %swap3A_194, %swap3A_195], %max3A_192 {strides = array<i32>} : memref<2x240x240xbf16, #tpu.memory_space<vmem>>, vector<2x230x230xbf16>,
      %sub3A_197 = arith.constant 1 : i32
      %sub3A_198 = arith.subi %get3A_77, %sub3A_197 : i32
      %le3A = arith.constant 3 : i32
      %le3A_199 = arith.cmpi sle, %sub3A_198, %le3A : i32
      %ge3A_200 = arith.constant 3 : i32
      %ge3A_201 = arith.cmpi sge, %get3A_77, %ge3A_200 : i32
      %and3A_202 = arith.andi %le3A_199, %ge3A_201 : i1
      %convert_element_type3A_203 = arith.extui %and3A_202 : i1 to i32
      %cond3A_204 = arith.constant 0 : i32
      %cond3A_205 = arith.cmpi ne, %convert_element_type3A_203, %cond3A_204 : i32
      scf.if %cond3A_205 {
        %get3A_216 = arith.constant 3 : index
        %get3A_217 = arith.index_cast %select_n3A : i32 to index
        %get3A_218 = arith.index_cast %select_n3A_60 : i32 to index
        %get3A_219 = memref.load %arg1[%get3A_216, %get3A_217, %get3A_218] : memref<7x2x192xf32, #tpu.memory_space<smem>>
        %get3A_220 = arith.constant 0 : index
        %get3A_221 = arith.constant 8 : index
        %get3A_222 = arith.constant 8 : index
        %get3A_223 = vector.load %arg5[%get3A_220, %get3A_221, %get3A_222] : memref<2x240x240xbf16, #tpu.memory_space<vmem>>, vector<1x224x224xbf16>
        %get3A_224 = vector.shape_cast %get3A_223 : vector<1x224x224xbf16> to vector<224x224xbf16>
        %convert_element_type3A_225 = arith.extf %get3A_224 : vector<224x224xbf16> to vector<224x224xf32>
        %get3A_226 = arith.constant 0 : index
        %get3A_227 = arith.constant 0 : index
        %get3A_228 = arith.constant 0 : index
        %get3A_229 = vector.load %arg4[%get3A_226, %get3A_227, %get3A_228] : memref<2x224x224xf32, #tpu.memory_space<vmem>>, vector<1x224x224xf32>
        %get3A_230 = vector.shape_cast %get3A_229 : vector<1x224x224xf32> to vector<224x224xf32>
        %mul3A_231 = vector.broadcast %get3A_219 : f32 to vector<224x224xf32>
        %mul3A_232 = arith.mulf %mul3A_231, %convert_element_type3A_225 : vector<224x224xf32>
        %add3A_233 = arith.addf %get3A_230, %mul3A_232 : vector<224x224xf32>
        %swap3A_234 = arith.constant 0 : index
        %swap3A_235 = arith.constant 0 : index
        %swap3A_236 = arith.constant 0 : index
        %swap3A_237 = vector.load %arg4[%swap3A_234, %swap3A_235, %swap3A_236] : memref<2x224x224xf32, #tpu.memory_space<vmem>>, vector<1x224x224xf32>
        %swap3A_238 = vector.shape_cast %swap3A_237 : vector<1x224x224xf32> to vector<224x224xf32>
        %swap3A_239 = vector.shape_cast %add3A_233 : vector<224x224xf32> to vector<1x224x224xf32>
        tpu.vector_store %arg4[%swap3A_234, %swap3A_235, %swap3A_236], %swap3A_239 {strides = array<i32>} : memref<2x224x224xf32, #tpu.memory_space<vmem>>, vector<1x224x224xf32>,
      } else {
      }
      %sub3A_206 = arith.constant 1 : i32
      %sub3A_207 = arith.subi %get3A_141, %sub3A_206 : i32
      %le3A_208 = arith.constant 3 : i32
      %le3A_209 = arith.cmpi sle, %sub3A_207, %le3A_208 : i32
      %ge3A_210 = arith.constant 3 : i32
      %ge3A_211 = arith.cmpi sge, %get3A_141, %ge3A_210 : i32
      %and3A_212 = arith.andi %le3A_209, %ge3A_211 : i1
      %convert_element_type3A_213 = arith.extui %and3A_212 : i1 to i32
      %cond3A_214 = arith.constant 0 : i32
      %cond3A_215 = arith.cmpi ne, %convert_element_type3A_213, %cond3A_214 : i32
      scf.if %cond3A_215 {
        %get3A_216 = arith.constant 3 : index
        %get3A_217 = arith.index_cast %select_n3A_106 : i32 to index
        %get3A_218 = arith.index_cast %select_n3A_122 : i32 to index
        %get3A_219 = memref.load %arg1[%get3A_216, %get3A_217, %get3A_218] : memref<7x2x192xf32, #tpu.memory_space<smem>>
        %get3A_220 = arith.constant 1 : index
        %get3A_221 = arith.constant 8 : index
        %get3A_222 = arith.constant 8 : index
        %get3A_223 = vector.load %arg5[%get3A_220, %get3A_221, %get3A_222] : memref<2x240x240xbf16, #tpu.memory_space<vmem>>, vector<1x224x224xbf16>
        %get3A_224 = vector.shape_cast %get3A_223 : vector<1x224x224xbf16> to vector<224x224xbf16>
        %convert_element_type3A_225 = arith.extf %get3A_224 : vector<224x224xbf16> to vector<224x224xf32>
        %get3A_226 = arith.constant 1 : index
        %get3A_227 = arith.constant 0 : index
        %get3A_228 = arith.constant 0 : index
        %get3A_229 = vector.load %arg4[%get3A_226, %get3A_227, %get3A_228] : memref<2x224x224xf32, #tpu.memory_space<vmem>>, vector<1x224x224xf32>
        %get3A_230 = vector.shape_cast %get3A_229 : vector<1x224x224xf32> to vector<224x224xf32>
        %mul3A_231 = vector.broadcast %get3A_219 : f32 to vector<224x224xf32>
        %mul3A_232 = arith.mulf %mul3A_231, %convert_element_type3A_225 : vector<224x224xf32>
        %add3A_233 = arith.addf %get3A_230, %mul3A_232 : vector<224x224xf32>
        %swap3A_234 = arith.constant 1 : index
        %swap3A_235 = arith.constant 0 : index
        %swap3A_236 = arith.constant 0 : index
        %swap3A_237 = vector.load %arg4[%swap3A_234, %swap3A_235, %swap3A_236] : memref<2x224x224xf32, #tpu.memory_space<vmem>>, vector<1x224x224xf32>
        %swap3A_238 = vector.shape_cast %swap3A_237 : vector<1x224x224xf32> to vector<224x224xf32>
        %swap3A_239 = vector.shape_cast %add3A_233 : vector<224x224xf32> to vector<1x224x224xf32>
        tpu.vector_store %arg4[%swap3A_234, %swap3A_235, %swap3A_236], %swap3A_239 {strides = array<i32>} : memref<2x224x224xf32, #tpu.memory_space<vmem>>, vector<1x224x224xf32>,
      } else {
      }
    } else {
    }
    %ge3A_156 = arith.constant 4 : i32
    %ge3A_157 = arith.cmpi sge, %max3A_142, %ge3A_156 : i32
    %convert_element_type3A_158 = arith.extui %ge3A_157 : i1 to i32
    %cond3A_159 = arith.constant 0 : i32
    %cond3A_160 = arith.cmpi ne, %convert_element_type3A_158, %cond3A_159 : i32
    scf.if %cond3A_160 {
      %get3A_171 = arith.constant 0 : index
      %get3A_172 = arith.constant 0 : index
      %get3A_173 = arith.constant 0 : index
      %get3A_174 = vector.load %arg5[%get3A_171, %get3A_172, %get3A_173] : memref<2x240x240xbf16, #tpu.memory_space<vmem>>, vector<2x240x240xbf16>
      %slice3A_175 = vector.extract_strided_slice %get3A_174 {offsets = [0, 5, 5], sizes = [2, 230, 228], strides = [1, 1, 1]} : vector<2x240x240xbf16> to vector<2x230x228xbf16>
      %slice3A_176 = vector.extract_strided_slice %get3A_174 {offsets = [0, 5, 6], sizes = [2, 230, 228], strides = [1, 1, 1]} : vector<2x240x240xbf16> to vector<2x230x228xbf16>
      %max3A_177 = arith.maximumf %slice3A_175, %slice3A_176 : vector<2x230x228xbf16>
      %slice3A_178 = vector.extract_strided_slice %get3A_174 {offsets = [0, 5, 7], sizes = [2, 230, 228], strides = [1, 1, 1]} : vector<2x240x240xbf16> to vector<2x230x228xbf16>
      %max3A_179 = arith.maximumf %max3A_177, %slice3A_178 : vector<2x230x228xbf16>
      %swap3A_180 = arith.constant 0 : index
      %swap3A_181 = arith.constant 5 : index
      %swap3A_182 = arith.constant 6 : index
      %swap3A_183 = vector.load %arg6[%swap3A_180, %swap3A_181, %swap3A_182] : memref<2x240x240xbf16, #tpu.memory_space<vmem>>, vector<2x230x228xbf16>
      tpu.vector_store %arg6[%swap3A_180, %swap3A_181, %swap3A_182], %max3A_179 {strides = array<i32>} : memref<2x240x240xbf16, #tpu.memory_space<vmem>>, vector<2x230x228xbf16>,
      %get3A_184 = arith.constant 0 : index
      %get3A_185 = arith.constant 0 : index
      %get3A_186 = arith.constant 0 : index
      %get3A_187 = vector.load %arg6[%get3A_184, %get3A_185, %get3A_186] : memref<2x240x240xbf16, #tpu.memory_space<vmem>>, vector<2x240x240xbf16>
      %slice3A_188 = vector.extract_strided_slice %get3A_187 {offsets = [0, 5, 6], sizes = [2, 228, 228], strides = [1, 1, 1]} : vector<2x240x240xbf16> to vector<2x228x228xbf16>
      %slice3A_189 = vector.extract_strided_slice %get3A_187 {offsets = [0, 6, 6], sizes = [2, 228, 228], strides = [1, 1, 1]} : vector<2x240x240xbf16> to vector<2x228x228xbf16>
      %max3A_190 = arith.maximumf %slice3A_188, %slice3A_189 : vector<2x228x228xbf16>
      %slice3A_191 = vector.extract_strided_slice %get3A_187 {offsets = [0, 7, 6], sizes = [2, 228, 228], strides = [1, 1, 1]} : vector<2x240x240xbf16> to vector<2x228x228xbf16>
      %max3A_192 = arith.maximumf %max3A_190, %slice3A_191 : vector<2x228x228xbf16>
      %swap3A_193 = arith.constant 0 : index
      %swap3A_194 = arith.constant 6 : index
      %swap3A_195 = arith.constant 6 : index
      %swap3A_196 = vector.load %arg5[%swap3A_193, %swap3A_194, %swap3A_195] : memref<2x240x240xbf16, #tpu.memory_space<vmem>>, vector<2x228x228xbf16>
      tpu.vector_store %arg5[%swap3A_193, %swap3A_194, %swap3A_195], %max3A_192 {strides = array<i32>} : memref<2x240x240xbf16, #tpu.memory_space<vmem>>, vector<2x228x228xbf16>,
      %sub3A_197 = arith.constant 1 : i32
      %sub3A_198 = arith.subi %get3A_77, %sub3A_197 : i32
      %le3A = arith.constant 4 : i32
      %le3A_199 = arith.cmpi sle, %sub3A_198, %le3A : i32
      %ge3A_200 = arith.constant 4 : i32
      %ge3A_201 = arith.cmpi sge, %get3A_77, %ge3A_200 : i32
      %and3A_202 = arith.andi %le3A_199, %ge3A_201 : i1
      %convert_element_type3A_203 = arith.extui %and3A_202 : i1 to i32
      %cond3A_204 = arith.constant 0 : i32
      %cond3A_205 = arith.cmpi ne, %convert_element_type3A_203, %cond3A_204 : i32
      scf.if %cond3A_205 {
        %get3A_216 = arith.constant 4 : index
        %get3A_217 = arith.index_cast %select_n3A : i32 to index
        %get3A_218 = arith.index_cast %select_n3A_60 : i32 to index
        %get3A_219 = memref.load %arg1[%get3A_216, %get3A_217, %get3A_218] : memref<7x2x192xf32, #tpu.memory_space<smem>>
        %get3A_220 = arith.constant 0 : index
        %get3A_221 = arith.constant 8 : index
        %get3A_222 = arith.constant 8 : index
        %get3A_223 = vector.load %arg5[%get3A_220, %get3A_221, %get3A_222] : memref<2x240x240xbf16, #tpu.memory_space<vmem>>, vector<1x224x224xbf16>
        %get3A_224 = vector.shape_cast %get3A_223 : vector<1x224x224xbf16> to vector<224x224xbf16>
        %convert_element_type3A_225 = arith.extf %get3A_224 : vector<224x224xbf16> to vector<224x224xf32>
        %get3A_226 = arith.constant 0 : index
        %get3A_227 = arith.constant 0 : index
        %get3A_228 = arith.constant 0 : index
        %get3A_229 = vector.load %arg4[%get3A_226, %get3A_227, %get3A_228] : memref<2x224x224xf32, #tpu.memory_space<vmem>>, vector<1x224x224xf32>
        %get3A_230 = vector.shape_cast %get3A_229 : vector<1x224x224xf32> to vector<224x224xf32>
        %mul3A_231 = vector.broadcast %get3A_219 : f32 to vector<224x224xf32>
        %mul3A_232 = arith.mulf %mul3A_231, %convert_element_type3A_225 : vector<224x224xf32>
        %add3A_233 = arith.addf %get3A_230, %mul3A_232 : vector<224x224xf32>
        %swap3A_234 = arith.constant 0 : index
        %swap3A_235 = arith.constant 0 : index
        %swap3A_236 = arith.constant 0 : index
        %swap3A_237 = vector.load %arg4[%swap3A_234, %swap3A_235, %swap3A_236] : memref<2x224x224xf32, #tpu.memory_space<vmem>>, vector<1x224x224xf32>
        %swap3A_238 = vector.shape_cast %swap3A_237 : vector<1x224x224xf32> to vector<224x224xf32>
        %swap3A_239 = vector.shape_cast %add3A_233 : vector<224x224xf32> to vector<1x224x224xf32>
        tpu.vector_store %arg4[%swap3A_234, %swap3A_235, %swap3A_236], %swap3A_239 {strides = array<i32>} : memref<2x224x224xf32, #tpu.memory_space<vmem>>, vector<1x224x224xf32>,
      } else {
      }
      %sub3A_206 = arith.constant 1 : i32
      %sub3A_207 = arith.subi %get3A_141, %sub3A_206 : i32
      %le3A_208 = arith.constant 4 : i32
      %le3A_209 = arith.cmpi sle, %sub3A_207, %le3A_208 : i32
      %ge3A_210 = arith.constant 4 : i32
      %ge3A_211 = arith.cmpi sge, %get3A_141, %ge3A_210 : i32
      %and3A_212 = arith.andi %le3A_209, %ge3A_211 : i1
      %convert_element_type3A_213 = arith.extui %and3A_212 : i1 to i32
      %cond3A_214 = arith.constant 0 : i32
      %cond3A_215 = arith.cmpi ne, %convert_element_type3A_213, %cond3A_214 : i32
      scf.if %cond3A_215 {
        %get3A_216 = arith.constant 4 : index
        %get3A_217 = arith.index_cast %select_n3A_106 : i32 to index
        %get3A_218 = arith.index_cast %select_n3A_122 : i32 to index
        %get3A_219 = memref.load %arg1[%get3A_216, %get3A_217, %get3A_218] : memref<7x2x192xf32, #tpu.memory_space<smem>>
        %get3A_220 = arith.constant 1 : index
        %get3A_221 = arith.constant 8 : index
        %get3A_222 = arith.constant 8 : index
        %get3A_223 = vector.load %arg5[%get3A_220, %get3A_221, %get3A_222] : memref<2x240x240xbf16, #tpu.memory_space<vmem>>, vector<1x224x224xbf16>
        %get3A_224 = vector.shape_cast %get3A_223 : vector<1x224x224xbf16> to vector<224x224xbf16>
        %convert_element_type3A_225 = arith.extf %get3A_224 : vector<224x224xbf16> to vector<224x224xf32>
        %get3A_226 = arith.constant 1 : index
        %get3A_227 = arith.constant 0 : index
        %get3A_228 = arith.constant 0 : index
        %get3A_229 = vector.load %arg4[%get3A_226, %get3A_227, %get3A_228] : memref<2x224x224xf32, #tpu.memory_space<vmem>>, vector<1x224x224xf32>
        %get3A_230 = vector.shape_cast %get3A_229 : vector<1x224x224xf32> to vector<224x224xf32>
        %mul3A_231 = vector.broadcast %get3A_219 : f32 to vector<224x224xf32>
        %mul3A_232 = arith.mulf %mul3A_231, %convert_element_type3A_225 : vector<224x224xf32>
        %add3A_233 = arith.addf %get3A_230, %mul3A_232 : vector<224x224xf32>
        %swap3A_234 = arith.constant 1 : index
        %swap3A_235 = arith.constant 0 : index
        %swap3A_236 = arith.constant 0 : index
        %swap3A_237 = vector.load %arg4[%swap3A_234, %swap3A_235, %swap3A_236] : memref<2x224x224xf32, #tpu.memory_space<vmem>>, vector<1x224x224xf32>
        %swap3A_238 = vector.shape_cast %swap3A_237 : vector<1x224x224xf32> to vector<224x224xf32>
        %swap3A_239 = vector.shape_cast %add3A_233 : vector<224x224xf32> to vector<1x224x224xf32>
        tpu.vector_store %arg4[%swap3A_234, %swap3A_235, %swap3A_236], %swap3A_239 {strides = array<i32>} : memref<2x224x224xf32, #tpu.memory_space<vmem>>, vector<1x224x224xf32>,
      } else {
      }
    } else {
    }
    %ge3A_161 = arith.constant 5 : i32
    %ge3A_162 = arith.cmpi sge, %max3A_142, %ge3A_161 : i32
    %convert_element_type3A_163 = arith.extui %ge3A_162 : i1 to i32
    %cond3A_164 = arith.constant 0 : i32
    %cond3A_165 = arith.cmpi ne, %convert_element_type3A_163, %cond3A_164 : i32
    scf.if %cond3A_165 {
      %get3A_171 = arith.constant 0 : index
      %get3A_172 = arith.constant 0 : index
      %get3A_173 = arith.constant 0 : index
      %get3A_174 = vector.load %arg5[%get3A_171, %get3A_172, %get3A_173] : memref<2x240x240xbf16, #tpu.memory_space<vmem>>, vector<2x240x240xbf16>
      %slice3A_175 = vector.extract_strided_slice %get3A_174 {offsets = [0, 6, 6], sizes = [2, 228, 226], strides = [1, 1, 1]} : vector<2x240x240xbf16> to vector<2x228x226xbf16>
      %slice3A_176 = vector.extract_strided_slice %get3A_174 {offsets = [0, 6, 7], sizes = [2, 228, 226], strides = [1, 1, 1]} : vector<2x240x240xbf16> to vector<2x228x226xbf16>
      %max3A_177 = arith.maximumf %slice3A_175, %slice3A_176 : vector<2x228x226xbf16>
      %slice3A_178 = vector.extract_strided_slice %get3A_174 {offsets = [0, 6, 8], sizes = [2, 228, 226], strides = [1, 1, 1]} : vector<2x240x240xbf16> to vector<2x228x226xbf16>
      %max3A_179 = arith.maximumf %max3A_177, %slice3A_178 : vector<2x228x226xbf16>
      %swap3A_180 = arith.constant 0 : index
      %swap3A_181 = arith.constant 6 : index
      %swap3A_182 = arith.constant 7 : index
      %swap3A_183 = vector.load %arg6[%swap3A_180, %swap3A_181, %swap3A_182] : memref<2x240x240xbf16, #tpu.memory_space<vmem>>, vector<2x228x226xbf16>
      tpu.vector_store %arg6[%swap3A_180, %swap3A_181, %swap3A_182], %max3A_179 {strides = array<i32>} : memref<2x240x240xbf16, #tpu.memory_space<vmem>>, vector<2x228x226xbf16>,
      %get3A_184 = arith.constant 0 : index
      %get3A_185 = arith.constant 0 : index
      %get3A_186 = arith.constant 0 : index
      %get3A_187 = vector.load %arg6[%get3A_184, %get3A_185, %get3A_186] : memref<2x240x240xbf16, #tpu.memory_space<vmem>>, vector<2x240x240xbf16>
      %slice3A_188 = vector.extract_strided_slice %get3A_187 {offsets = [0, 6, 7], sizes = [2, 226, 226], strides = [1, 1, 1]} : vector<2x240x240xbf16> to vector<2x226x226xbf16>
      %slice3A_189 = vector.extract_strided_slice %get3A_187 {offsets = [0, 7, 7], sizes = [2, 226, 226], strides = [1, 1, 1]} : vector<2x240x240xbf16> to vector<2x226x226xbf16>
      %max3A_190 = arith.maximumf %slice3A_188, %slice3A_189 : vector<2x226x226xbf16>
      %slice3A_191 = vector.extract_strided_slice %get3A_187 {offsets = [0, 8, 7], sizes = [2, 226, 226], strides = [1, 1, 1]} : vector<2x240x240xbf16> to vector<2x226x226xbf16>
      %max3A_192 = arith.maximumf %max3A_190, %slice3A_191 : vector<2x226x226xbf16>
      %swap3A_193 = arith.constant 0 : index
      %swap3A_194 = arith.constant 7 : index
      %swap3A_195 = arith.constant 7 : index
      %swap3A_196 = vector.load %arg5[%swap3A_193, %swap3A_194, %swap3A_195] : memref<2x240x240xbf16, #tpu.memory_space<vmem>>, vector<2x226x226xbf16>
      tpu.vector_store %arg5[%swap3A_193, %swap3A_194, %swap3A_195], %max3A_192 {strides = array<i32>} : memref<2x240x240xbf16, #tpu.memory_space<vmem>>, vector<2x226x226xbf16>,
      %sub3A_197 = arith.constant 1 : i32
      %sub3A_198 = arith.subi %get3A_77, %sub3A_197 : i32
      %le3A = arith.constant 5 : i32
      %le3A_199 = arith.cmpi sle, %sub3A_198, %le3A : i32
      %ge3A_200 = arith.constant 5 : i32
      %ge3A_201 = arith.cmpi sge, %get3A_77, %ge3A_200 : i32
      %and3A_202 = arith.andi %le3A_199, %ge3A_201 : i1
      %convert_element_type3A_203 = arith.extui %and3A_202 : i1 to i32
      %cond3A_204 = arith.constant 0 : i32
      %cond3A_205 = arith.cmpi ne, %convert_element_type3A_203, %cond3A_204 : i32
      scf.if %cond3A_205 {
        %get3A_216 = arith.constant 5 : index
        %get3A_217 = arith.index_cast %select_n3A : i32 to index
        %get3A_218 = arith.index_cast %select_n3A_60 : i32 to index
        %get3A_219 = memref.load %arg1[%get3A_216, %get3A_217, %get3A_218] : memref<7x2x192xf32, #tpu.memory_space<smem>>
        %get3A_220 = arith.constant 0 : index
        %get3A_221 = arith.constant 8 : index
        %get3A_222 = arith.constant 8 : index
        %get3A_223 = vector.load %arg5[%get3A_220, %get3A_221, %get3A_222] : memref<2x240x240xbf16, #tpu.memory_space<vmem>>, vector<1x224x224xbf16>
        %get3A_224 = vector.shape_cast %get3A_223 : vector<1x224x224xbf16> to vector<224x224xbf16>
        %convert_element_type3A_225 = arith.extf %get3A_224 : vector<224x224xbf16> to vector<224x224xf32>
        %get3A_226 = arith.constant 0 : index
        %get3A_227 = arith.constant 0 : index
        %get3A_228 = arith.constant 0 : index
        %get3A_229 = vector.load %arg4[%get3A_226, %get3A_227, %get3A_228] : memref<2x224x224xf32, #tpu.memory_space<vmem>>, vector<1x224x224xf32>
        %get3A_230 = vector.shape_cast %get3A_229 : vector<1x224x224xf32> to vector<224x224xf32>
        %mul3A_231 = vector.broadcast %get3A_219 : f32 to vector<224x224xf32>
        %mul3A_232 = arith.mulf %mul3A_231, %convert_element_type3A_225 : vector<224x224xf32>
        %add3A_233 = arith.addf %get3A_230, %mul3A_232 : vector<224x224xf32>
        %swap3A_234 = arith.constant 0 : index
        %swap3A_235 = arith.constant 0 : index
        %swap3A_236 = arith.constant 0 : index
        %swap3A_237 = vector.load %arg4[%swap3A_234, %swap3A_235, %swap3A_236] : memref<2x224x224xf32, #tpu.memory_space<vmem>>, vector<1x224x224xf32>
        %swap3A_238 = vector.shape_cast %swap3A_237 : vector<1x224x224xf32> to vector<224x224xf32>
        %swap3A_239 = vector.shape_cast %add3A_233 : vector<224x224xf32> to vector<1x224x224xf32>
        tpu.vector_store %arg4[%swap3A_234, %swap3A_235, %swap3A_236], %swap3A_239 {strides = array<i32>} : memref<2x224x224xf32, #tpu.memory_space<vmem>>, vector<1x224x224xf32>,
      } else {
      }
      %sub3A_206 = arith.constant 1 : i32
      %sub3A_207 = arith.subi %get3A_141, %sub3A_206 : i32
      %le3A_208 = arith.constant 5 : i32
      %le3A_209 = arith.cmpi sle, %sub3A_207, %le3A_208 : i32
      %ge3A_210 = arith.constant 5 : i32
      %ge3A_211 = arith.cmpi sge, %get3A_141, %ge3A_210 : i32
      %and3A_212 = arith.andi %le3A_209, %ge3A_211 : i1
      %convert_element_type3A_213 = arith.extui %and3A_212 : i1 to i32
      %cond3A_214 = arith.constant 0 : i32
      %cond3A_215 = arith.cmpi ne, %convert_element_type3A_213, %cond3A_214 : i32
      scf.if %cond3A_215 {
        %get3A_216 = arith.constant 5 : index
        %get3A_217 = arith.index_cast %select_n3A_106 : i32 to index
        %get3A_218 = arith.index_cast %select_n3A_122 : i32 to index
        %get3A_219 = memref.load %arg1[%get3A_216, %get3A_217, %get3A_218] : memref<7x2x192xf32, #tpu.memory_space<smem>>
        %get3A_220 = arith.constant 1 : index
        %get3A_221 = arith.constant 8 : index
        %get3A_222 = arith.constant 8 : index
        %get3A_223 = vector.load %arg5[%get3A_220, %get3A_221, %get3A_222] : memref<2x240x240xbf16, #tpu.memory_space<vmem>>, vector<1x224x224xbf16>
        %get3A_224 = vector.shape_cast %get3A_223 : vector<1x224x224xbf16> to vector<224x224xbf16>
        %convert_element_type3A_225 = arith.extf %get3A_224 : vector<224x224xbf16> to vector<224x224xf32>
        %get3A_226 = arith.constant 1 : index
        %get3A_227 = arith.constant 0 : index
        %get3A_228 = arith.constant 0 : index
        %get3A_229 = vector.load %arg4[%get3A_226, %get3A_227, %get3A_228] : memref<2x224x224xf32, #tpu.memory_space<vmem>>, vector<1x224x224xf32>
        %get3A_230 = vector.shape_cast %get3A_229 : vector<1x224x224xf32> to vector<224x224xf32>
        %mul3A_231 = vector.broadcast %get3A_219 : f32 to vector<224x224xf32>
        %mul3A_232 = arith.mulf %mul3A_231, %convert_element_type3A_225 : vector<224x224xf32>
        %add3A_233 = arith.addf %get3A_230, %mul3A_232 : vector<224x224xf32>
        %swap3A_234 = arith.constant 1 : index
        %swap3A_235 = arith.constant 0 : index
        %swap3A_236 = arith.constant 0 : index
        %swap3A_237 = vector.load %arg4[%swap3A_234, %swap3A_235, %swap3A_236] : memref<2x224x224xf32, #tpu.memory_space<vmem>>, vector<1x224x224xf32>
        %swap3A_238 = vector.shape_cast %swap3A_237 : vector<1x224x224xf32> to vector<224x224xf32>
        %swap3A_239 = vector.shape_cast %add3A_233 : vector<224x224xf32> to vector<1x224x224xf32>
        tpu.vector_store %arg4[%swap3A_234, %swap3A_235, %swap3A_236], %swap3A_239 {strides = array<i32>} : memref<2x224x224xf32, #tpu.memory_space<vmem>>, vector<1x224x224xf32>,
      } else {
      }
    } else {
    }
    %ge3A_166 = arith.constant 6 : i32
    %ge3A_167 = arith.cmpi sge, %max3A_142, %ge3A_166 : i32
    %convert_element_type3A_168 = arith.extui %ge3A_167 : i1 to i32
    %cond3A_169 = arith.constant 0 : i32
    %cond3A_170 = arith.cmpi ne, %convert_element_type3A_168, %cond3A_169 : i32
    scf.if %cond3A_170 {
      %get3A_171 = arith.constant 0 : index
      %get3A_172 = arith.constant 0 : index
      %get3A_173 = arith.constant 0 : index
      %get3A_174 = vector.load %arg5[%get3A_171, %get3A_172, %get3A_173] : memref<2x240x240xbf16, #tpu.memory_space<vmem>>, vector<2x240x240xbf16>
      %slice3A_175 = vector.extract_strided_slice %get3A_174 {offsets = [0, 7, 7], sizes = [2, 226, 224], strides = [1, 1, 1]} : vector<2x240x240xbf16> to vector<2x226x224xbf16>
      %slice3A_176 = vector.extract_strided_slice %get3A_174 {offsets = [0, 7, 8], sizes = [2, 226, 224], strides = [1, 1, 1]} : vector<2x240x240xbf16> to vector<2x226x224xbf16>
      %max3A_177 = arith.maximumf %slice3A_175, %slice3A_176 : vector<2x226x224xbf16>
      %slice3A_178 = vector.extract_strided_slice %get3A_174 {offsets = [0, 7, 9], sizes = [2, 226, 224], strides = [1, 1, 1]} : vector<2x240x240xbf16> to vector<2x226x224xbf16>
      %max3A_179 = arith.maximumf %max3A_177, %slice3A_178 : vector<2x226x224xbf16>
      %swap3A_180 = arith.constant 0 : index
      %swap3A_181 = arith.constant 7 : index
      %swap3A_182 = arith.constant 8 : index
      %swap3A_183 = vector.load %arg6[%swap3A_180, %swap3A_181, %swap3A_182] : memref<2x240x240xbf16, #tpu.memory_space<vmem>>, vector<2x226x224xbf16>
      tpu.vector_store %arg6[%swap3A_180, %swap3A_181, %swap3A_182], %max3A_179 {strides = array<i32>} : memref<2x240x240xbf16, #tpu.memory_space<vmem>>, vector<2x226x224xbf16>,
      %get3A_184 = arith.constant 0 : index
      %get3A_185 = arith.constant 0 : index
      %get3A_186 = arith.constant 0 : index
      %get3A_187 = vector.load %arg6[%get3A_184, %get3A_185, %get3A_186] : memref<2x240x240xbf16, #tpu.memory_space<vmem>>, vector<2x240x240xbf16>
      %slice3A_188 = vector.extract_strided_slice %get3A_187 {offsets = [0, 7, 8], sizes = [2, 224, 224], strides = [1, 1, 1]} : vector<2x240x240xbf16> to vector<2x224x224xbf16>
      %slice3A_189 = vector.extract_strided_slice %get3A_187 {offsets = [0, 8, 8], sizes = [2, 224, 224], strides = [1, 1, 1]} : vector<2x240x240xbf16> to vector<2x224x224xbf16>
      %max3A_190 = arith.maximumf %slice3A_188, %slice3A_189 : vector<2x224x224xbf16>
      %slice3A_191 = vector.extract_strided_slice %get3A_187 {offsets = [0, 9, 8], sizes = [2, 224, 224], strides = [1, 1, 1]} : vector<2x240x240xbf16> to vector<2x224x224xbf16>
      %max3A_192 = arith.maximumf %max3A_190, %slice3A_191 : vector<2x224x224xbf16>
      %swap3A_193 = arith.constant 0 : index
      %swap3A_194 = arith.constant 8 : index
      %swap3A_195 = arith.constant 8 : index
      %swap3A_196 = vector.load %arg5[%swap3A_193, %swap3A_194, %swap3A_195] : memref<2x240x240xbf16, #tpu.memory_space<vmem>>, vector<2x224x224xbf16>
      tpu.vector_store %arg5[%swap3A_193, %swap3A_194, %swap3A_195], %max3A_192 {strides = array<i32>} : memref<2x240x240xbf16, #tpu.memory_space<vmem>>, vector<2x224x224xbf16>,
      %sub3A_197 = arith.constant 1 : i32
      %sub3A_198 = arith.subi %get3A_77, %sub3A_197 : i32
      %le3A = arith.constant 6 : i32
      %le3A_199 = arith.cmpi sle, %sub3A_198, %le3A : i32
      %ge3A_200 = arith.constant 6 : i32
      %ge3A_201 = arith.cmpi sge, %get3A_77, %ge3A_200 : i32
      %and3A_202 = arith.andi %le3A_199, %ge3A_201 : i1
      %convert_element_type3A_203 = arith.extui %and3A_202 : i1 to i32
      %cond3A_204 = arith.constant 0 : i32
      %cond3A_205 = arith.cmpi ne, %convert_element_type3A_203, %cond3A_204 : i32
      scf.if %cond3A_205 {
        %get3A_216 = arith.constant 6 : index
        %get3A_217 = arith.index_cast %select_n3A : i32 to index
        %get3A_218 = arith.index_cast %select_n3A_60 : i32 to index
        %get3A_219 = memref.load %arg1[%get3A_216, %get3A_217, %get3A_218] : memref<7x2x192xf32, #tpu.memory_space<smem>>
        %get3A_220 = arith.constant 0 : index
        %get3A_221 = arith.constant 8 : index
        %get3A_222 = arith.constant 8 : index
        %get3A_223 = vector.load %arg5[%get3A_220, %get3A_221, %get3A_222] : memref<2x240x240xbf16, #tpu.memory_space<vmem>>, vector<1x224x224xbf16>
        %get3A_224 = vector.shape_cast %get3A_223 : vector<1x224x224xbf16> to vector<224x224xbf16>
        %convert_element_type3A_225 = arith.extf %get3A_224 : vector<224x224xbf16> to vector<224x224xf32>
        %get3A_226 = arith.constant 0 : index
        %get3A_227 = arith.constant 0 : index
        %get3A_228 = arith.constant 0 : index
        %get3A_229 = vector.load %arg4[%get3A_226, %get3A_227, %get3A_228] : memref<2x224x224xf32, #tpu.memory_space<vmem>>, vector<1x224x224xf32>
        %get3A_230 = vector.shape_cast %get3A_229 : vector<1x224x224xf32> to vector<224x224xf32>
        %mul3A_231 = vector.broadcast %get3A_219 : f32 to vector<224x224xf32>
        %mul3A_232 = arith.mulf %mul3A_231, %convert_element_type3A_225 : vector<224x224xf32>
        %add3A_233 = arith.addf %get3A_230, %mul3A_232 : vector<224x224xf32>
        %swap3A_234 = arith.constant 0 : index
        %swap3A_235 = arith.constant 0 : index
        %swap3A_236 = arith.constant 0 : index
        %swap3A_237 = vector.load %arg4[%swap3A_234, %swap3A_235, %swap3A_236] : memref<2x224x224xf32, #tpu.memory_space<vmem>>, vector<1x224x224xf32>
        %swap3A_238 = vector.shape_cast %swap3A_237 : vector<1x224x224xf32> to vector<224x224xf32>
        %swap3A_239 = vector.shape_cast %add3A_233 : vector<224x224xf32> to vector<1x224x224xf32>
        tpu.vector_store %arg4[%swap3A_234, %swap3A_235, %swap3A_236], %swap3A_239 {strides = array<i32>} : memref<2x224x224xf32, #tpu.memory_space<vmem>>, vector<1x224x224xf32>,
      } else {
      }
      %sub3A_206 = arith.constant 1 : i32
      %sub3A_207 = arith.subi %get3A_141, %sub3A_206 : i32
      %le3A_208 = arith.constant 6 : i32
      %le3A_209 = arith.cmpi sle, %sub3A_207, %le3A_208 : i32
      %ge3A_210 = arith.constant 6 : i32
      %ge3A_211 = arith.cmpi sge, %get3A_141, %ge3A_210 : i32
      %and3A_212 = arith.andi %le3A_209, %ge3A_211 : i1
      %convert_element_type3A_213 = arith.extui %and3A_212 : i1 to i32
      %cond3A_214 = arith.constant 0 : i32
      %cond3A_215 = arith.cmpi ne, %convert_element_type3A_213, %cond3A_214 : i32
      scf.if %cond3A_215 {
        %get3A_216 = arith.constant 6 : index
        %get3A_217 = arith.index_cast %select_n3A_106 : i32 to index
        %get3A_218 = arith.index_cast %select_n3A_122 : i32 to index
        %get3A_219 = memref.load %arg1[%get3A_216, %get3A_217, %get3A_218] : memref<7x2x192xf32, #tpu.memory_space<smem>>
        %get3A_220 = arith.constant 1 : index
        %get3A_221 = arith.constant 8 : index
        %get3A_222 = arith.constant 8 : index
        %get3A_223 = vector.load %arg5[%get3A_220, %get3A_221, %get3A_222] : memref<2x240x240xbf16, #tpu.memory_space<vmem>>, vector<1x224x224xbf16>
        %get3A_224 = vector.shape_cast %get3A_223 : vector<1x224x224xbf16> to vector<224x224xbf16>
        %convert_element_type3A_225 = arith.extf %get3A_224 : vector<224x224xbf16> to vector<224x224xf32>
        %get3A_226 = arith.constant 1 : index
        %get3A_227 = arith.constant 0 : index
        %get3A_228 = arith.constant 0 : index
        %get3A_229 = vector.load %arg4[%get3A_226, %get3A_227, %get3A_228] : memref<2x224x224xf32, #tpu.memory_space<vmem>>, vector<1x224x224xf32>
        %get3A_230 = vector.shape_cast %get3A_229 : vector<1x224x224xf32> to vector<224x224xf32>
        %mul3A_231 = vector.broadcast %get3A_219 : f32 to vector<224x224xf32>
        %mul3A_232 = arith.mulf %mul3A_231, %convert_element_type3A_225 : vector<224x224xf32>
        %add3A_233 = arith.addf %get3A_230, %mul3A_232 : vector<224x224xf32>
        %swap3A_234 = arith.constant 1 : index
        %swap3A_235 = arith.constant 0 : index
        %swap3A_236 = arith.constant 0 : index
        %swap3A_237 = vector.load %arg4[%swap3A_234, %swap3A_235, %swap3A_236] : memref<2x224x224xf32, #tpu.memory_space<vmem>>, vector<1x224x224xf32>
        %swap3A_238 = vector.shape_cast %swap3A_237 : vector<1x224x224xf32> to vector<224x224xf32>
        %swap3A_239 = vector.shape_cast %add3A_233 : vector<224x224xf32> to vector<1x224x224xf32>
        tpu.vector_store %arg4[%swap3A_234, %swap3A_235, %swap3A_236], %swap3A_239 {strides = array<i32>} : memref<2x224x224xf32, #tpu.memory_space<vmem>>, vector<1x224x224xf32>,
      } else {
      }
    } else {
    }
    return
  }
  func.func @transform_0(%arg0: i32) -> (i32, i32, i32) {
    %c0_i32 = arith.constant 0 : i32
    %c0_i32_0 = arith.constant 0 : i32
    %c0_i32_1 = arith.constant 0 : i32
    %c0_i32_2 = arith.constant 0 : i32
    return %c0_i32, %c0_i32_0, %c0_i32_1 : i32, i32, i32
  }
  func.func @transform_1(%arg0: i32) -> (i32, i32) {
    %c0_i32 = arith.constant 0 : i32
    %c0_i32_0 = arith.constant 0 : i32
    %c0_i32_1 = arith.constant 0 : i32
    return %c0_i32, %c0_i32_0 : i32, i32
  }
  func.func @transform_2(%arg0: i32) -> (i32, i32, i32) {
    %c0_i32 = arith.constant 0 : i32
    %c0_i32_0 = arith.constant 0 : i32
    %c0_i32_1 = arith.constant 0 : i32
    return %arg0, %c0_i32, %c0_i32_0 : i32, i32, i32
  }
  func.func @transform_3(%arg0: i32) -> (i32, i32, i32) {
    %c0_i32 = arith.constant 0 : i32
    %c0_i32_0 = arith.constant 0 : i32
    %c0_i32_1 = arith.constant 0 : i32
    return %arg0, %c0_i32, %c0_i32_0 : i32, i32, i32
  }
}

</mosaic_0001>

<sc_bundles>
// kernel: kernel.5.cloned.1.call-start
scs
__scs_entry_jumppad:
0x0: {  	(pc) =	sbr.rel $0x88, $3  }
0x1: {  	(tag) =	ssettag $0x0;
	lr =	simm.s32 $0x1  }
0x2: {  	[smem:$0x3F9C] =	sst lr;
	_ =	strace $0xD0000000  }
0x3: {  	_ = 	snop  }
0x4: {  	_ = 	snop  }
0x5: {  	_ = 	snop  }
0x6: {  	_ = 	snop  }
0x7: {  	_ = 	snop  }
__scs_overlays_trampoline_lowered:
0x8: {  	[smem:$0x3FAB] =	sst s0  }
0x9: {  	[smem:$0x3FAC] =	sst s1  }
0xa: {  	[smem:$0x3FAD] =	sst s2  }
0xb: {  	[smem:$0x3FAE] =	sst s3  }
0xc: {  	[smem:$0x3FAF] =	sst s4  }
0xd: {  	[smem:$0x3FB0] =	sst s5  }
0xe: {  	[smem:$0x3FB1] =	sst s6  }
0xf: {  	[smem:$0x3FB2] =	sst s7  }
0x10: {  	[smem:$0x3FB3] =	sst s8  }
0x11: {  	[smem:$0x3FB4] =	sst s9;
	s0 =	simm.s32 @!p0 $0x0  }
0x12: {  	s1 =	sld [smem:$0x3F9A];
	s0 =	simm.s32 @p0 $0x1  }
0x13: {  	[smem:$0x3FB5] =	sst s0;
	s0 =	simm.s32 @!p1 $0x0  }
0x14: {  	s2 =	sld [smem:$0x3F99];
	s0 =	simm.s32 @p1 $0x1  }
0x15: {  	[smem:$0x3FB6] =	sst s0;
	s0 =	simm.s32 @!p2 $0x0  }
0x16: {  	s3 =	sld [smem:$0x3FDB];
	s0 =	simm.s32 @p2 $0x1  }
0x17: {  	s4 =	simm.s32 $0x1BF5;
	[smem:$0x3FB8] =	sst s0  }
0x18: {  	s0 =	sld [smem:$0x3F9B];
	_ =	swait.ge [sflag:s4], $0x0  }
0x19: {  	s7 =	sld [smem:$0x3F9C]  }
0x1a: {  	s8 =	sadd.s32 $0xFFFFE003, lr  }
0x1b: {  	s9 =	sadd.s32 $0xFFFFFEF7, lr;
	s5 =	simm.s32 $0xFFFFFFFF;
	p2 =	slt.u32 s8, $0xFFFFF086  }
0x1c: {  	p1 =	slt.u32 s9, $0xF7A;
	s5 =	simm.s32 @!p2 $0x0  }
0x1d: {  	s5 =	simm.s32 @p1 $0x1;
	p0 =	seq.s32 s7, s2  }
0x1e: {  	s7 =	smul.u32 @!p0 $0xF7A, s2;
	p2 =	seq.s32 @!p0 s5, $0x0  }
0x1f: {  	s9 =	smul.u32 $0xF7A, s1;
	s8 =	simm.s32 @!p0 $0x1BF5;
	p2 =	por !p2, p0  }
0x20: {  	[sflag:s8] =	ssyncset.s32 @!p0 $0xFFFFF086;
	s6 =	sadd.s32 @!p0 s3, s7;
	s7 =	simm.s32 @!p0 $0x108  }
0x21: {  	s3 =	sadd.s32 s3, s9;
	s6 =	sadd.s32 @!p0 $0x88, s6;
	s7 =	simm.s32 @p2 $0x1082  }
0x22: {  	[simem:s7], [sflag:s8] =	dma.local @!p0 [hbm:s6], $0xF7A  }
0x23: {  	s9 =	sor.u32 $0xD0000000, s2;
	s6 =	simm.s32 $0x108;
	_ =	swait.ge @!p0 [sflag:s8], $0x0  }
0x24: {  	s3 =	sadd.s32 $0x88, s3;
	s6 =	simm.s32 @!p1 $0x1082;
	[sflag:s4] =	ssyncset.s32 $0xFFFFF086  }
0x25: {  	[simem:s6], [sflag:s4] =	dma.local [hbm:s3], $0xF7A  }
0x26: {  	[smem:$0x3F9C] =	sst s1;
	(tag) =	ssettag s2;
	_ =	strace s9  }
0x27: {  	s1 =	sld [smem:$0x3FAC]  }
0x28: {  	s2 =	sld [smem:$0x3FAD]  }
0x29: {  	s4 =	sld [smem:$0x3FAF]  }
0x2a: {  	p0 =	seq.s32 s5, $0x0;
	s5 =	sld [smem:$0x3FB0]  }
0x2b: {  	s6 =	sld [smem:$0x3FB1]  }
0x2c: {  	s7 =	sld [smem:$0x3FB2]  }
0x2d: {  	s3 =	simm.s32 $0x108;
	s8 =	sld [smem:$0x3FB3]  }
0x2e: {  	s3 =	simm.s32 @!p0 $0x1082;
	s9 =	sld [smem:$0x3FB4]  }
0x2f: {  	lr =	sadd.s32 s0, s3;
	s0 =	sld [smem:$0x3FAB]  }
0x30: {  	s3 =	sld [smem:$0x3FAE]  }
0x31: {  	[smem:$0x3FB7] =	sst s10  }
0x32: {  	s10 =	sld [smem:$0x3FB5];
	_ =	sdelay $0x3  }
0x33: {  	p0 =	seq.s32 s10, $0x1;
	s10 =	sld [smem:$0x3FB7];
	_ =	sdelay $0x3  }
0x34: {  	[smem:$0x3FB7] =	sst s10  }
0x35: {  	s10 =	sld [smem:$0x3FB6];
	_ =	sdelay $0x3  }
0x36: {  	p1 =	seq.s32 s10, $0x1;
	s10 =	sld [smem:$0x3FB7];
	_ =	sdelay $0x3  }
0x37: {  	[smem:$0x3FB7] =	sst s10  }
0x38: {  	s10 =	sld [smem:$0x3FB8]  }
0x39: {  	_ = 	snop;
	(pc) =	sbr.ind lr, $3  }
0x3a: {  	_ = 	snop  }
0x3b: {  	_ = 	snop  }
0x3c: {  	p2 =	seq.s32 s10, $0x1;
	s10 =	sld [smem:$0x3FB7]  }
0x3d: {  	_ =	shalt  }
0x3e: {  	_ =	shalt  }
0x3f: {  	_ =	shalt  }
0x40: {  	_ =	shalt  }
0x41: {  	_ =	shalt  }
0x42: {  	_ =	shalt  }
0x43: {  	_ =	shalt  }
0x44: {  	_ =	shalt  }
0x45: {  	_ =	shalt  }
0x46: {  	_ =	shalt  }
0x47: {  	_ =	shalt  }
0x48: {  	_ =	shalt  }
0x49: {  	_ =	shalt  }
0x4a: {  	_ =	shalt  }
0x4b: {  	_ =	shalt  }
0x4c: {  	_ =	shalt  }
0x4d: {  	_ =	shalt  }
0x4e: {  	_ =	shalt  }
0x4f: {  	_ =	shalt  }
0x50: {  	_ =	shalt  }
0x51: {  	_ =	shalt  }
0x52: {  	_ =	shalt  }
0x53: {  	_ =	shalt  }
0x54: {  	_ =	shalt  }
0x55: {  	_ =	shalt  }
0x56: {  	_ =	shalt  }
0x57: {  	_ =	shalt  }
0x58: {  	_ =	shalt  }
0x59: {  	_ =	shalt  }
0x5a: {  	_ =	shalt  }
0x5b: {  	_ =	shalt  }
0x5c: {  	_ =	shalt  }
0x5d: {  	_ =	shalt  }
0x5e: {  	_ =	shalt  }
0x5f: {  	_ =	shalt  }
0x60: {  	_ =	shalt  }
0x61: {  	_ =	shalt  }
0x62: {  	_ =	shalt  }
0x63: {  	_ =	shalt  }
0x64: {  	_ =	shalt  }
0x65: {  	_ =	shalt  }
0x66: {  	_ =	shalt  }
0x67: {  	_ =	shalt  }
0x68: {  	_ =	shalt  }
0x69: {  	_ =	shalt  }
0x6a: {  	_ =	shalt  }
0x6b: {  	_ =	shalt  }
0x6c: {  	_ =	shalt  }
0x6d: {  	_ =	shalt  }
0x6e: {  	_ =	shalt  }
0x6f: {  	_ =	shalt  }
0x70: {  	_ =	shalt  }
0x71: {  	_ =	shalt  }
0x72: {  	_ =	shalt  }
0x73: {  	_ =	shalt  }
0x74: {  	_ =	shalt  }
0x75: {  	_ =	shalt  }
0x76: {  	_ =	shalt  }
0x77: {  	_ =	shalt  }
0x78: {  	_ =	shalt  }
0x79: {  	_ =	shalt  }
0x7a: {  	_ =	shalt  }
0x7b: {  	_ =	shalt  }
0x7c: {  	_ =	shalt  }
0x7d: {  	_ =	shalt  }
0x7e: {  	_ =	shalt  }
0x7f: {  	_ =	shalt  }
0x80: {  	_ =	shalt  }
0x81: {  	_ =	shalt  }
0x82: {  	_ =	shalt  }
0x83: {  	_ =	shalt  }
0x84: {  	_ =	shalt  }
0x85: {  	_ =	shalt  }
0x86: {  	_ =	shalt  }
0x87: {  	_ =	shalt  }
.Lfunc_end0:
.L_simem_size_0:
called_computation_lowered:
.L_overlay_start_0:
0x88: {  	s2 =	sld [smem:$0x3FD9]  }
0x89: {  	s3 =	sld [smem:$0x3FFE];
	_ =	sdelay $0x1  }
0x8a: {  	s1 =	srdreg.scid  }
0x8b: {  	s0 =	sand.u32 $0x1, s1  }
0x8c: {  	s17 =	sshll.u32 s0, $0xA;
	s2 =	sadd.s32 s3, s2  }
0x8d: {  	s2 =	sadd.s32 s2, s17  }
0x8e: {  	[smem:$0x3FC3] =	sst s2  }
0x8f: {  	_ = 	snop  }
0x90: {  	s2 =	sld [smem:$0x3FC8]  }
0x91: {  	s18 =	sld [smem:$0x3FD0];
	(tm) =	ssettm $0x1  }
0x92: {  	s4 =	sld [smem:$0x3FFB];
	_ =	sdelay $0x3  }
0x93: {  	_ =	strace s4  }
0x94: {  	s4 =	sld [smem:$0x3FFC];
	_ =	sdelay $0x3  }
0x95: {  	_ =	strace s4  }
0x96: {  	s4 =	sld [smem:$0x3FFD];
	_ =	sdelay $0x3  }
0x97: {  	_ =	strace s4  }
0x98: {  	_ =	strace $0x8FFFFFFF  }
0x99: {  	s19 =	sld [smem:$0x3FDB];
	_ =	sdelay $0x1  }
0x9a: {  	s5 =	simm.s32 $_scs_section_size  }
0x9b: {  	s6 =	simm.s32 $_size__tile_overlayer_lowered;
	s7 =	simm.s32 $_tile_overlayer_lowered  }
0x9c: {  	s22 =	simm.s32 $0x1BFF;
	s21 =	sshll.u32 s7, $0x1;
	s4 =	sadd.s32 s5, s19  }
0x9d: {  	s8 =	simm.s32 $0x0;
	s20 =	sshll.u32 s6, $0x1;
	s6 =	sadd.s32 s21, s4  }
0x9e: {  	[timem:s8], [sflag:s22] =	dma.local [hbm:s6], s20  }
0x9f: {  	_ =	swait.ge [sflag:s22], s20  }
0xa0: {  	s5 =	ssub.s32 $0x0, s20;
	[sflag:s22] =	ssyncset.done $0x0  }
0xa1: {  	[sflag:s22] =	ssyncadd.s32 s5;
	_ =	sdelay $0x1  }
0xa2: {  	s23 =	simm.s32 $0x1B8B  }
0xa3: {  	_ =	swait.ge [sflag:s23], $0x1  }
0xa4: {  	[sflag:s23] =	ssyncset.done $0x0  }
0xa5: {  	s25 =	simm.s32 $0x1B8E;
	s24 =	sld [smem:$0x3FFE];
	[sflag:s23] =	ssyncadd.s32 $0xFFFFFFFF  }
0xa6: {  	s26 =	simm.s32 $execute0_lowered;
	[smem:$0x3FD2] =	sst s25  }
0xa7: {  	s6 =	sshll.u32 s26, $0x1;
	_ =	strace $0x80000046;
	[dreg:$0x1] =	wrdreg $0xFFFFFFFF  }
0xa8: {  	s28 =	simm.s32 $_size_execute0_lowered;
	s4 =	sadd.s32 s4, s6;
	[dreg:$0x0] =	wrdreg $0x0  }
0xa9: {  	s6 =	sshll.u32 s28, $0x1;
	[dreg:$0x2] =	wrdreg s4  }
0xaa: {  	[dreg:$0x3] =	wrdreg s6  }
0xab: {  	[dreg:$0x4] =	wrdreg $0xC0  }
0xac: {  	_ =	task [dreg:s8], $0x5FFFF  }
0xad: {  	[dreg:$0x1] =	wrdreg $0xFFFFFFFF  }
0xae: {  	[dreg:$0x0] =	wrdreg $0x60  }
0xaf: {  	[dreg:$0x2] =	wrdreg s24  }
0xb0: {  	[dreg:$0x3] =	wrdreg s2  }
0xb1: {  	[dreg:$0x4] =	wrdreg s18  }
0xb2: {  	[dreg:$0x5] =	wrdreg $0x9  }
0xb3: {  	_ =	task.clear_ibuf [dreg:s8], $0x6FFFF;
	_ =	strace $0x90000046  }
0xb4: {  	s29 =	simm.s32 $0x9;
	_ =	strace $0x80000048  }
0xb5: {  	_ =	swait.ge [sflag:s29], $0x1  }
0xb6: {  	[sflag:s29] =	ssyncadd.s32 $0xFFFFFFFF  }
0xb7: {  	_ =	strace $0x90000048  }
0xb8: {  	_ =	sfence  }
0xb9: {  	s30 =	sld [smem:$0x0];
	_ =	sdelay $0x2  }
0xba: {  	s31 =	sshll.u32 s1, $0xD;
	s1 =	sshrl.u32 s1, $0x2  }
0xbb: {  	s3 =	sand.u32 $0x4000, s31;
	s1 =	sadd.s32 s1, s30  }
0xbc: {  	s0 =	sor.u32 s3, s0;
	s1 =	sshll.u32 s1, $0x11  }
0xbd: {  	s0 =	sor.u32 s1, s0  }
0xbe: {  	s0 =	sadd.s32 $0x8F2B, s0  }
0xbf: {  	[sflag:s0] =	ssyncadd.remote.s32 $0x1  }
0xc0: {  	_ =	sfence.sel $0xFFFF  }
0xc1: {  	[dreg:$0x0] =	wrdreg $0xFFFFFFFF;
	(pc) =	sbr.abs _section_cstart, $3  }
0xc2: {  	[dreg:$0x1] =	wrdreg $0xFFFFFFFF  }
0xc3: {  	_ =	task.clear_ibuf [dreg:s8], $0x2FFFF;
	_ =	strace $0x9FFFFFFF  }
0xc4: {  	(tm) =	ssettm $0x7FFFFFFF  }
0xc5: {  	_ =	shalt  }
tec
execute0_lowered:
.L_overlay_start_1:
0x0: {  	(tag) =	ssettag $0x1  }
0x1: {  	s1 =	stileid.u32  }
0x2: {  	p0 =	sgt.u32 s1, $0xB  }
.Ltmp0:
0x3: {  	s6 =	rddreg [dreg:$0x0];
	(pc) =	sbr.rel @p0 .LBB2_3-.Ltmp0, $4  }
0x4: {  	s2 =	rddreg [dreg:$0x1]  }
0x5: {  	s7 =	rddreg [dreg:$0x2];
	s3 =	simm.s32 $0x0  }
0x6: {  	[smem:$0x7FF] =	sst s3  }
0x7: {  	s0 =	rddreg [dreg:$0x3];
	_ =	strace $0x80000047  }
0x8: {  	v1 =	vimm.s32 $0xEFCDAB89  }
0x9: {  	v3 =	vimm.s32 $0x67452301;
	v5 =	vimm.s32 $0x54761032;
	v6 =	vimm.s32 $0xBA98FEDC  }
0xa: {  	v7 =	vimm.s32 $0x32107654;
	v10 =	vimm.s32 $0x76543210;
	v11 =	vimm.s32 $0x5  }
0xb: {  	v12 =	vimm.s32 $0x6;
	v13 =	vimm.s32 $0x7;
	v14 =	vimm.s32 $0x8  }
0xc: {  	v15 =	vimm.s32 $0x9;
	v16 =	vimm.s32 $0xA;
	v17 =	vimm.s32 $0xB  }
0xd: {  	s4 =	srdreg.scid;
	v18 =	vimm.s32 $0xFFFFFFFF;
	v19 =	vimm.s32 $0xFFFFFFFE;
	v20 =	vimm.s32 $0xFFFFFFFD  }
0xe: {  	s30 =	sshll.u32 s1, $0x1;
	v21 =	vimm.s32 $0xFFFFFFFC;
	v22 =	vimm.s32 $0xFFFFFFFB;
	s8 =	sand.u32 $0x1, s4;
	v1 =	vunpack.c.l.s4.s8 v1  }
0xf: {  	v23 =	vimm.s32 $0xFFFFFFFA;
	v5 =	vunpack.c.l.s4.s8 v5;
	v6 =	vunpack.c.l.s4.s8 v6;
	s9 =	sor.u32 s8, s30  }
0x10: {  	v0 =	vmov s9;
	v4 =	vunpack.c.0.s8.s32 v1;
	v1 =	vunpack.c.l.s4.s8 v3;
	s4 =	smul.u32 $0x16, s9  }
0x11: {  	s5 =	sadd.s32 $0xC00, s6;
	v3 =	vimm.s32 $0xDCFE98BA;
	v5 =	vunpack.c.0.s8.s32 v5;
	v0 =	vsub.s32 $0xC, v0  }
0x12: {  	s14 =	simm.s32 $0x1280;
	s15 =	simm.s32 $0x1A80;
	v6 =	vunpack.c.0.s8.s32 v6;
	v3 =	vunpack.c.l.s4.s8 v3;
	vm0 =	vgt.s32 v0, $0x0;
	s4 =	sshrl.u32 s4, $0x8  }
0x13: {  	s16 =	simm.s32 $0x1B00;
	s12 =	sshll.u32 s9, $0x7;
	v0 =	vimm.s32 $0x0;
	v8 =	vunpack.c.0.s8.s32 v1;
	v1 =	vunpack.c.l.s4.s8 v7;
	s4 =	smul.u32 $0xC, s4  }
0x14: {  	s17 =	simm.s32 $0x1F00;
	s13 =	ssub.s32 $0x2, s8;
	s12 =	sadd.s32 s12, s6;
	v7 =	vimm.s32 $0xFEDCBA98;
	v2 =	vsel vm0, $0x3F800000, v0;
	v3 =	vunpack.c.0.s8.s32 v3  }
0x15: {  	s31 =	sshrl.u32 s13, $0x1;
	s8 =	sadd.s32 $0xE00, s12;
	v7 =	vunpack.c.l.s4.s8 v7;
	v9 =	vunpack.c.0.s8.s32 v1;
	v1 =	vbroadcast v2, $0x0;
	s4 =	ssub.s32 s9, s4  }
0x16: {  	s12 =	simm.s32 $0x200;
	v4 =	vcombine.low v8, v4;
	v8 =	vunpack.c.l.s4.s8 v10;
	v10 =	vimm.s32 $0x4;
	s9 =	sshll.u32 s9, $0x1;
	s10 =	sand.u32 $0xFF, s4  }
0x17: {  	v5 =	vcombine.low v5, v3;
	v7 =	vunpack.c.0.s8.s32 v7;
	v6 =	vcombine.low v9, v6;
	s4 =	sadd.s32 $0xA00, s6;
	s9 =	sadd.s32 s9, s6;
	s11 =	sshll.u32 s10, $0x4  }
0x18: {  	v2 =	vsub.f32 $1.000000000e+00, v1;
	v3 =	vand.u32 $0xF, v4;
	v8 =	vunpack.c.0.s8.s32 v8;
	s10 =	sshll.u32 s10, $0x8;
	s9 =	sadd.s32 $0x1A00, s9;
	s11 =	sadd.s32 s11, s6  }
0x19: {  	v4 =	vand.u32 $0xF, v5;
	v5 =	vand.u32 $0xF, v6;
	v6 =	vand.u32 $0xF, v7;
	s6 =	sadd.s32 s7, s10;
	s10 =	ssub.s32 s13, s31;
	s13 =	simm.s32 $0x1200  }
0x1a: {  	v9 =	vimm.s32 $0x3;
	v6 =	vcombine.low v6, v8;
	v8 =	vimm.s32 $0x2;
	s7 =	sadd.s32 $0x800, s11;
	s10 =	smax.u32 s10, $0x1;
	s11 =	simm.s32 $0x1  }
.LBB2_2:
0x1b: {  	[tilespmem:s3], [sflag:$0x1] =	stream.linear.gather [hbm4b:s4+s3], $0x200, $0x38;
	[tilespmem:$0x1F80] =	vst v63  }
0x1c: {  	_ =	swait.ge [sflag:s11], $0x200  }
0x1d: {  	[sflag:s11] =	ssyncset.done $0x0  }
0x1e: {  	[sflag:s11] =	ssyncadd.s32 $0xFFFFFE00  }
0x1f: {  	[tilespmem:s12], [sflag:$0x1] =	stream.linear.gather [hbm4b:s2+s3], $0x1000, $0x38;
	[tilespmem:$0x1F80] =	vst v63  }
0x20: {  	_ =	swait.ge [sflag:s11], $0x1000  }
0x21: {  	[sflag:s11] =	ssyncset.done $0x0  }
0x22: {  	[sflag:s11] =	ssyncadd.s32 $0xFFFFF000  }
0x23: {  	[tilespmem:s13], [sflag:$0x1] =	stream.linear.gather [hbm4b:s5+s3], $0x80, $0x38;
	[tilespmem:$0x1F80] =	vst v63  }
0x24: {  	_ =	swait.ge [sflag:s11], $0x80  }
0x25: {  	[sflag:s11] =	ssyncset.done $0x0  }
0x26: {  	[sflag:s11] =	ssyncadd.s32 $0xFFFFFF80  }
0x27: {  	[tilespmem:s14], [sflag:$0x1] =	stream.linear.gather [hbm4b:s6+s3], $0x600, $0x38;
	[tilespmem:$0x1F80] =	vst v63  }
0x28: {  	_ =	swait.ge [sflag:s11], $0x600  }
0x29: {  	[sflag:s11] =	ssyncset.done $0x0  }
0x2a: {  	[sflag:s11] =	ssyncadd.s32 $0xFFFFFA00  }
0x2b: {  	[tilespmem:s15], [sflag:$0x1] =	stream.linear.gather [hbm4b:s7+s3], $0x80, $0x38;
	[tilespmem:$0x1F80] =	vst v63  }
0x2c: {  	_ =	swait.ge [sflag:s11], $0x80  }
0x2d: {  	[sflag:s11] =	ssyncset.done $0x0  }
0x2e: {  	[sflag:s11] =	ssyncadd.s32 $0xFFFFFF80  }
0x2f: {  	v24 =	vld [tilespmem:$0x200]  }
0x30: {  	v48 =	vld [tilespmem:$0x0]  }
0x31: {  	v47 =	vld [tilespmem:$0x80]  }
0x32: {  	v28 =	vld [tilespmem:$0x210]  }
0x33: {  	v45 =	vld [tilespmem:$0x10]  }
0x34: {  	v44 =	vld [tilespmem:$0x90]  }
0x35: {  	v29 =	vld [tilespmem:$0x220]  }
0x36: {  	v43 =	vld [tilespmem:$0x20]  }
0x37: {  	v41 =	vld [tilespmem:$0xA0]  }
0x38: {  	v31 =	vld [tilespmem:$0x230]  }
0x39: {  	v40 =	vld [tilespmem:$0x30]  }
0x3a: {  	v39 =	vld [tilespmem:$0xB0]  }
0x3b: {  	v34 =	vld [tilespmem:$0x240]  }
0x3c: {  	v36 =	vld [tilespmem:$0x40]  }
0x3d: {  	v33 =	vld [tilespmem:$0xC0]  }
0x3e: {  	v37 =	vld [tilespmem:$0x250]  }
0x3f: {  	v30 =	vld [tilespmem:$0x50]  }
0x40: {  	v25 =	vld [tilespmem:$0xD0]  }
0x41: {  	v38 =	vld [tilespmem:$0x260]  }
0x42: {  	v26 =	vld [tilespmem:$0x60]  }
0x43: {  	v46 =	vld [tilespmem:$0x270];
	v27 =	vmul.f32 v48, v24;
	v24 =	vmul.f32 v47, v24  }
0x44: {  	v49 =	vld [tilespmem:$0x600];
	v35 =	vmul.f32 v45, v28  }
0x45: {  	v51 =	vld [tilespmem:$0x610];
	v42 =	vmul.f32 v44, v28;
	v32 =	vadd.f32 $0.0e+00, v27;
	v24 =	vadd.f32 $0.0e+00, v24  }
0x46: {  	v60 =	vld [tilespmem:$0x280];
	v52 =	vmul.f32 v43, v29  }
0x47: {  	v28 =	vld [tilespmem:$0x70];
	v53 =	vmul.f32 v41, v29;
	v32 =	vadd.f32 v35, v32;
	v24 =	vadd.f32 v42, v24  }
0x48: {  	v54 =	vmul.f32 v40, v31;
	v27 =	vld [tilespmem:$0xE0]  }
0x49: {  	v29 =	vld [tilespmem:$0xF0];
	v55 =	vmul.f32 v39, v31;
	v32 =	vadd.f32 v52, v32;
	v24 =	vadd.f32 v53, v24  }
0x4a: {  	v31 =	vld [tilespmem:$0x100];
	v50 =	vmul.f32 v36, v34;
	v34 =	vmul.f32 v33, v34  }
0x4b: {  	v57 =	vmul.f32 v30, v37;
	v52 =	vld [tilespmem:$0x620];
	v35 =	vadd.f32 v54, v32;
	v24 =	vadd.f32 v55, v24  }
0x4c: {  	v37 =	vmul.f32 v25, v37;
	v58 =	vmul.f32 v26, v38;
	v32 =	vld [tilespmem:$0x180]  }
0x4d: {  	v53 =	vmul.f32 v27, v38;
	v38 =	vld [tilespmem:$0x1A0];
	v56 =	vadd.f32 v50, v35;
	v24 =	vadd.f32 v34, v24  }
0x4e: {  	v54 =	vld [tilespmem:$0x630]  }
0x4f: {  	v59 =	vmul.f32 v28, v46;
	v35 =	vld [tilespmem:$0x110];
	v42 =	vadd.f32 v57, v56;
	v24 =	vadd.f32 v37, v24  }
0x50: {  	v46 =	vmul.f32 v29, v46;
	v61 =	vmul.f32 v31, v49;
	v34 =	vld [tilespmem:$0x190]  }
0x51: {  	v62 =	vmul.f32 v32, v49;
	v49 =	vld [tilespmem:$0x290];
	v42 =	vadd.f32 v58, v42;
	v24 =	vadd.f32 v53, v24  }
0x52: {  	v37 =	vld [tilespmem:$0x120];
	v57 =	vmul.f32 v60, v48  }
0x53: {  	v56 =	vld [tilespmem:$0x2A0];
	v42 =	vadd.f32 v59, v42;
	v24 =	vadd.f32 v46, v24  }
0x54: {  	v53 =	vmul.f32 v60, v47;
	v60 =	vadd.f32 $0.0e+00, v57;
	v55 =	vmul.f32 v35, v51;
	v46 =	vld [tilespmem:$0x1B0]  }
0x55: {  	v51 =	vmul.f32 v34, v51;
	v50 =	vadd.f32 v61, v42;
	v42 =	vld [tilespmem:$0x130];
	v24 =	vadd.f32 v62, v24  }
0x56: {  	v58 =	vld [tilespmem:$0x2B0];
	v61 =	vmul.f32 v49, v45;
	v62 =	vadd.f32 $0.0e+00, v53;
	v49 =	vmul.f32 v49, v44  }
0x57: {  	v63 =	vmul.f32 v37, v52;
	v50 =	vadd.f32 v55, v50;
	v51 =	vadd.f32 v51, v24  }
0x58: {  	v52 =	vmul.f32 v38, v52;
	v53 =	vld [tilespmem:$0x2C0];
	v55 =	vadd.f32 v61, v60;
	v49 =	vadd.f32 v49, v62  }
0x59: {  	v24 =	vld [tilespmem:$0x1200];
	v60 =	vmul.f32 v56, v41;
	v50 =	vadd.f32 v63, v50;
	v63 =	vmul.f32 v56, v43  }
0x5a: {  	v51 =	vadd.f32 v52, v51;
	v56 =	vld [tilespmem:$0x2D0];
	v59 =	vmul.f32 v42, v54;
	v54 =	vmul.f32 v46, v54  }
0x5b: {  	v61 =	vmul.f32 v58, v40;
	v49 =	vadd.f32 v60, v49;
	v55 =	vadd.f32 v63, v55  }
0x5c: {  	v62 =	vmul.f32 v58, v39;
	v50 =	vadd.f32 v59, v50;
	v51 =	vadd.f32 v54, v51;
	v54 =	vld [tilespmem:$0x2E0]  }
0x5d: {  	v57 =	vmul.f32 v53, v36;
	v52 =	vmul.f32 v53, v33;
	v55 =	vadd.f32 v61, v55  }
0x5e: {  	v53 =	vld [tilespmem:$0x2F0];
	v49 =	vadd.f32 v62, v49;
	v58 =	vperm.xlane v24, v0;
	v59 =	vperm.xlane v50, v3  }
0x5f: {  	v60 =	vperm.xlane v51, v3;
	v63 =	vmul.f32 v56, v30;
	v55 =	vadd.f32 v57, v55  }
0x60: {  	v49 =	vadd.f32 v52, v49;
	v61 =	vmul.f32 v56, v25;
	v56 =	vld [tilespmem:$0x680];
	v50 =	vadd.f32 v59, v50  }
0x61: {  	v51 =	vadd.f32 v60, v51;
	v55 =	vadd.f32 v63, v55;
	v57 =	vmul.f32 v54, v26  }
0x62: {  	v49 =	vadd.f32 v61, v49;
	v52 =	vmul.f32 v54, v27;
	v54 =	vld [tilespmem:$0x690];
	v59 =	vperm.xlane v50, v4  }
0x63: {  	v62 =	vmul.f32 v53, v28;
	v60 =	vperm.xlane v51, v4;
	v55 =	vadd.f32 v57, v55  }
0x64: {  	v63 =	vmul.f32 v53, v29;
	v53 =	vld [tilespmem:$0x6A0];
	v49 =	vadd.f32 v52, v49;
	v50 =	vadd.f32 v59, v50  }
0x65: {  	v57 =	vmul.f32 v56, v31;
	v51 =	vadd.f32 v60, v51;
	v55 =	vadd.f32 v62, v55  }
0x66: {  	v52 =	vmul.f32 v56, v32;
	v56 =	vld [tilespmem:$0x6B0];
	v49 =	vadd.f32 v63, v49;
	v59 =	vperm.xlane v50, v5  }
0x67: {  	v60 =	vperm.xlane v51, v5;
	v61 =	vmul.f32 v54, v35;
	v55 =	vadd.f32 v57, v55  }
0x68: {  	v62 =	vmul.f32 v54, v34;
	v49 =	vadd.f32 v52, v49;
	v50 =	vadd.f32 v59, v50  }
0x69: {  	v63 =	vmul.f32 v53, v37;
	v51 =	vadd.f32 v60, v51;
	v54 =	vadd.f32 v61, v55  }
0x6a: {  	v49 =	vadd.f32 v62, v49;
	v61 =	vmul.f32 v53, v38;
	v60 =	vperm.xlane v50, v6  }
0x6b: {  	v62 =	vperm.xlane v51, v6;
	v54 =	vadd.f32 v63, v54;
	v63 =	vmul.f32 v56, v42  }
0x6c: {  	v59 =	vmul.f32 v56, v46;
	v49 =	vadd.f32 v61, v49;
	v61 =	vld [tilespmem:$0x300];
	v50 =	vadd.f32 v60, v50  }
0x6d: {  	v51 =	vadd.f32 v62, v51;
	v60 =	vadd.f32 v63, v54  }
0x6e: {  	v49 =	vadd.f32 v59, v49;
	v50 =	vadd.f32 v50, v58  }
0x6f: {  	v51 =	vadd.f32 v51, v58;
	v54 =	vperm.xlane v60, v3  }
0x70: {  	v56 =	vld [tilespmem:$0x310];
	v62 =	vperm.xlane v49, v3;
	v50 =	vmax.f32 v50, $0.0e+00  }
0x71: {  	v51 =	vmax.f32 v51, $0.0e+00;
	v58 =	vmul.f32 v61, v48;
	v53 =	vadd.f32 v54, v60  }
0x72: {  	v55 =	vld [tilespmem:$0x320];
	v52 =	vmul.f32 v61, v47;
	v50 =	vmul.f32 v50, v1;
	v49 =	vadd.f32 v62, v49  }
0x73: {  	v7 =	vimm.s32 $0x1;
	v51 =	vmul.f32 v51, v2;
	v57 =	vperm.xlane v53, v4  }
0x74: {  	v54 =	vperm.xlane v24, v7;
	v60 =	vld [tilespmem:$0x330];
	v59 =	vperm.xlane v49, v4  }
0x75: {  	v53 =	vadd.f32 v57, v53;
	v57 =	vadd.f32 $0.0e+00, v58;
	v58 =	vmul.f32 v56, v45  }
0x76: {  	v52 =	vadd.f32 $0.0e+00, v52;
	v49 =	vadd.f32 v59, v49;
	v56 =	vmul.f32 v56, v44;
	v59 =	vld [tilespmem:$0x340]  }
0x77: {  	v61 =	vperm.xlane v53, v5;
	v57 =	vadd.f32 v58, v57;
	v58 =	vmul.f32 v55, v43  }
0x78: {  	v62 =	vperm.xlane v49, v5;
	v52 =	vadd.f32 v56, v52;
	v55 =	vmul.f32 v55, v41;
	v56 =	vld [tilespmem:$0x350]  }
0x79: {  	v53 =	vadd.f32 v61, v53;
	v57 =	vadd.f32 v58, v57;
	v58 =	vmul.f32 v60, v40  }
0x7a: {  	v49 =	vadd.f32 v62, v49;
	v52 =	vadd.f32 v55, v52;
	v55 =	vmul.f32 v60, v39;
	v60 =	vld [tilespmem:$0x360]  }
0x7b: {  	v61 =	vperm.xlane v53, v6;
	v57 =	vadd.f32 v58, v57;
	v58 =	vmul.f32 v59, v36  }
0x7c: {  	v63 =	vmul.f32 v59, v33;
	v62 =	vperm.xlane v49, v6;
	v52 =	vadd.f32 v55, v52;
	v59 =	vld [tilespmem:$0x370]  }
0x7d: {  	v53 =	vadd.f32 v61, v53;
	v57 =	vadd.f32 v58, v57;
	v61 =	vmul.f32 v56, v30  }
0x7e: {  	v49 =	vadd.f32 v62, v49;
	v52 =	vadd.f32 v63, v52;
	v63 =	vmul.f32 v56, v25;
	v56 =	vld [tilespmem:$0x700]  }
0x7f: {  	v53 =	vadd.f32 v53, v54;
	v57 =	vadd.f32 v61, v57;
	v61 =	vmul.f32 v60, v26  }
0x80: {  	v55 =	vld [tilespmem:$0x710];
	v49 =	vadd.f32 v49, v54;
	v52 =	vadd.f32 v63, v52;
	v54 =	vmul.f32 v60, v27  }
0x81: {  	v60 =	vld [tilespmem:$0x720];
	v58 =	vmul.f32 v59, v28;
	v62 =	vmul.f32 v59, v29;
	v57 =	vadd.f32 v61, v57  }
0x82: {  	v59 =	vld [tilespmem:$0x380];
	v53 =	vmax.f32 v53, $0.0e+00;
	v49 =	vmax.f32 v49, $0.0e+00;
	v52 =	vadd.f32 v54, v52  }
0x83: {  	v53 =	vmul.f32 v53, v1;
	v63 =	vmul.f32 v56, v31;
	v57 =	vadd.f32 v58, v57  }
0x84: {  	v49 =	vmul.f32 v49, v2;
	v61 =	vmul.f32 v56, v32;
	v56 =	vld [tilespmem:$0x390];
	v52 =	vadd.f32 v62, v52  }
0x85: {  	v50 =	vadd.f32 v51, v50;
	v54 =	vld [tilespmem:$0x3A0];
	v62 =	vadd.f32 v63, v57;
	v63 =	vmul.f32 v55, v35  }
0x86: {  	v58 =	vld [tilespmem:$0x730];
	v49 =	vadd.f32 v49, v53;
	v52 =	vadd.f32 v61, v52;
	v61 =	vmul.f32 v55, v34  }
0x87: {  	v55 =	vmul.f32 v60, v37;
	v57 =	vmul.f32 v59, v48;
	v51 =	vadd.f32 v63, v62  }
0x88: {  	v53 =	vmul.f32 v60, v38;
	v59 =	vmul.f32 v59, v47;
	v60 =	vld [tilespmem:$0x3B0];
	v52 =	vadd.f32 v61, v52  }
0x89: {  	v51 =	vadd.f32 v55, v51;
	v55 =	vadd.f32 $0.0e+00, v57;
	v57 =	vmul.f32 v56, v45  }
0x8a: {  	v52 =	vadd.f32 v53, v52;
	v53 =	vadd.f32 $0.0e+00, v59;
	v56 =	vmul.f32 v56, v44;
	v59 =	vld [tilespmem:$0x3C0]  }
0x8b: {  	v62 =	vmul.f32 v54, v43;
	v61 =	vmul.f32 v58, v42;
	v55 =	vadd.f32 v57, v55  }
0x8c: {  	v54 =	vmul.f32 v54, v41;
	v58 =	vmul.f32 v58, v46;
	v53 =	vadd.f32 v56, v53;
	v56 =	vld [tilespmem:$0x3D0]  }
0x8d: {  	v51 =	vadd.f32 v61, v51;
	v57 =	vmul.f32 v60, v40;
	v55 =	vadd.f32 v62, v55  }
0x8e: {  	v52 =	vadd.f32 v58, v52;
	v58 =	vld [tilespmem:$0x3E0];
	v53 =	vadd.f32 v54, v53;
	v54 =	vmul.f32 v60, v39  }
0x8f: {  	v60 =	vperm.xlane v24, v8;
	v55 =	vadd.f32 v57, v55;
	v57 =	vmul.f32 v59, v36  }
0x90: {  	v61 =	vperm.xlane v51, v3;
	v53 =	vadd.f32 v54, v53;
	v54 =	vmul.f32 v59, v33;
	v59 =	vld [tilespmem:$0x3F0]  }
0x91: {  	v62 =	vperm.xlane v52, v3;
	v63 =	vmul.f32 v56, v30;
	v55 =	vadd.f32 v57, v55  }
0x92: {  	v51 =	vadd.f32 v61, v51;
	v53 =	vadd.f32 v54, v53;
	v54 =	vmul.f32 v56, v25;
	v56 =	vld [tilespmem:$0x780]  }
0x93: {  	v52 =	vadd.f32 v62, v52;
	v57 =	vmul.f32 v58, v26;
	v55 =	vadd.f32 v63, v55  }
0x94: {  	v61 =	vperm.xlane v51, v4;
	v53 =	vadd.f32 v54, v53;
	v54 =	vmul.f32 v58, v27;
	v58 =	vld [tilespmem:$0x790]  }
0x95: {  	v62 =	vperm.xlane v52, v4;
	v63 =	vmul.f32 v59, v28;
	v55 =	vadd.f32 v57, v55  }
0x96: {  	v51 =	vadd.f32 v61, v51;
	v53 =	vadd.f32 v54, v53;
	v54 =	vmul.f32 v59, v29;
	v59 =	vld [tilespmem:$0x7A0]  }
0x97: {  	v52 =	vadd.f32 v62, v52;
	v57 =	vmul.f32 v56, v31;
	v55 =	vadd.f32 v63, v55  }
0x98: {  	v61 =	vperm.xlane v51, v5;
	v53 =	vadd.f32 v54, v53;
	v54 =	vmul.f32 v56, v32;
	v56 =	vld [tilespmem:$0x7B0]  }
0x99: {  	v62 =	vperm.xlane v52, v5;
	v55 =	vadd.f32 v57, v55;
	v57 =	vmul.f32 v58, v35  }
0x9a: {  	v51 =	vadd.f32 v61, v51;
	v53 =	vadd.f32 v54, v53;
	v54 =	vmul.f32 v58, v34  }
0x9b: {  	v63 =	vld [tilespmem:$0x1280];
	v52 =	vadd.f32 v62, v52;
	v55 =	vadd.f32 v57, v55;
	v57 =	vmul.f32 v59, v37  }
0x9c: {  	v61 =	vperm.xlane v51, v6;
	v53 =	vadd.f32 v54, v53;
	v54 =	vmul.f32 v59, v38  }
0x9d: {  	v58 =	vld [tilespmem:$0x1A80];
	v62 =	vperm.xlane v52, v6;
	v55 =	vadd.f32 v57, v55;
	v57 =	vmul.f32 v56, v42  }
0x9e: {  	v59 =	vld [tilespmem:$0x1300];
	v51 =	vadd.f32 v61, v51;
	v61 =	vmul.f32 v56, v46;
	v53 =	vadd.f32 v54, v53  }
0x9f: {  	v52 =	vadd.f32 v62, v52;
	v55 =	vadd.f32 v57, v55  }
0xa0: {  	v50 =	vmul.f32 v50, v63;
	v63 =	vld [tilespmem:$0x400];
	v51 =	vadd.f32 v51, v60;
	v53 =	vadd.f32 v61, v53  }
0xa1: {  	v52 =	vadd.f32 v52, v60;
	v61 =	vperm.xlane v55, v3  }
0xa2: {  	v50 =	vadd.f32 v50, v58;
	v58 =	vld [tilespmem:$0x410];
	v51 =	vmax.f32 v51, $0.0e+00;
	v62 =	vperm.xlane v53, v3  }
0xa3: {  	v52 =	vmax.f32 v52, $0.0e+00;
	v49 =	vmul.f32 v49, v59;
	v55 =	vadd.f32 v61, v55  }
0xa4: {  	v57 =	vld [tilespmem:$0x420];
	v51 =	vmul.f32 v51, v1;
	v52 =	vmul.f32 v52, v2;
	v53 =	vadd.f32 v62, v53  }
0xa5: {  	v59 =	vmul.f32 v63, v48;
	v49 =	vadd.f32 v49, v50;
	v50 =	vperm.xlane v55, v4  }
0xa6: {  	v60 =	vld [tilespmem:$0x430];
	v54 =	vmul.f32 v63, v47;
	v51 =	vadd.f32 v52, v51;
	v52 =	vperm.xlane v53, v4  }
0xa7: {  	v50 =	vadd.f32 v50, v55;
	v55 =	vadd.f32 $0.0e+00, v59;
	v59 =	vmul.f32 v58, v45  }
0xa8: {  	v52 =	vadd.f32 v52, v53;
	v53 =	vadd.f32 $0.0e+00, v54;
	v54 =	vmul.f32 v58, v44;
	v58 =	vld [tilespmem:$0x440]  }
0xa9: {  	v63 =	vmul.f32 v57, v41;
	v61 =	vperm.xlane v50, v5  }
0xaa: {  	v55 =	vadd.f32 v59, v55;
	v59 =	vmul.f32 v57, v43;
	v62 =	vperm.xlane v52, v5  }
0xab: {  	v53 =	vadd.f32 v54, v53;
	v57 =	vld [tilespmem:$0x450];
	v54 =	vmul.f32 v60, v39;
	v50 =	vadd.f32 v61, v50  }
0xac: {  	v55 =	vadd.f32 v59, v55;
	v59 =	vmul.f32 v60, v40;
	v52 =	vadd.f32 v62, v52  }
0xad: {  	v53 =	vadd.f32 v63, v53;
	v60 =	vld [tilespmem:$0x460];
	v63 =	vmul.f32 v58, v33;
	v61 =	vperm.xlane v50, v6  }
0xae: {  	v55 =	vadd.f32 v59, v55;
	v59 =	vmul.f32 v58, v36;
	v62 =	vperm.xlane v52, v6;
	v58 =	vld [tilespmem:$0x470]  }
0xaf: {  	v56 =	vperm.xlane v24, v9;
	v53 =	vadd.f32 v54, v53;
	v50 =	vadd.f32 v61, v50  }
0xb0: {  	v55 =	vadd.f32 v59, v55;
	v59 =	vmul.f32 v57, v30;
	v52 =	vadd.f32 v62, v52  }
0xb1: {  	v54 =	vmul.f32 v57, v25;
	v53 =	vadd.f32 v63, v53;
	v57 =	vld [tilespmem:$0x800];
	v50 =	vadd.f32 v50, v56  }
0xb2: {  	v61 =	vld [tilespmem:$0x1380];
	v55 =	vadd.f32 v59, v55;
	v59 =	vmul.f32 v60, v26;
	v52 =	vadd.f32 v52, v56  }
0xb3: {  	v53 =	vadd.f32 v54, v53;
	v54 =	vmul.f32 v60, v27;
	v56 =	vld [tilespmem:$0x810];
	v62 =	vmul.f32 v58, v28  }
0xb4: {  	v60 =	vld [tilespmem:$0x1400];
	v50 =	vmax.f32 v50, $0.0e+00;
	v55 =	vadd.f32 v59, v55;
	v52 =	vmax.f32 v52, $0.0e+00  }
0xb5: {  	v53 =	vadd.f32 v54, v53;
	v54 =	vmul.f32 v58, v29;
	v58 =	vld [tilespmem:$0x820];
	v50 =	vmul.f32 v50, v1  }
0xb6: {  	v59 =	vmul.f32 v57, v31;
	v52 =	vmul.f32 v52, v2;
	v55 =	vadd.f32 v62, v55;
	v62 =	vld [tilespmem:$0x830]  }
0xb7: {  	v63 =	vmul.f32 v57, v32;
	v57 =	vld [tilespmem:$0x480];
	v51 =	vmul.f32 v51, v61;
	v53 =	vadd.f32 v54, v53  }
0xb8: {  	v54 =	vld [tilespmem:$0x490];
	v61 =	vmul.f32 v56, v35;
	v50 =	vadd.f32 v52, v50;
	v55 =	vadd.f32 v59, v55  }
0xb9: {  	v49 =	vadd.f32 v51, v49;
	v52 =	vadd.f32 v63, v53;
	v63 =	vmul.f32 v56, v34  }
0xba: {  	v59 =	vld [tilespmem:$0x4B0];
	v50 =	vmul.f32 v50, v60;
	v51 =	vadd.f32 v61, v55;
	v61 =	vmul.f32 v58, v37  }
0xbb: {  	v56 =	vld [tilespmem:$0x4A0];
	v52 =	vadd.f32 v63, v52;
	v63 =	vmul.f32 v58, v38;
	v60 =	vmul.f32 v62, v42  }
0xbc: {  	v62 =	vmul.f32 v62, v46;
	v51 =	vadd.f32 v61, v51;
	v61 =	vmul.f32 v57, v48  }
0xbd: {  	v58 =	vmul.f32 v54, v45;
	v57 =	vmul.f32 v57, v47  }
0xbe: {  	v54 =	vmul.f32 v54, v44;
	v52 =	vadd.f32 v63, v52;
	v55 =	vadd.f32 $0.0e+00, v61  }
0xbf: {  	v63 =	vmul.f32 v59, v40;
	v51 =	vadd.f32 v60, v51;
	v53 =	vadd.f32 $0.0e+00, v57;
	v57 =	vld [tilespmem:$0x4C0]  }
0xc0: {  	v52 =	vadd.f32 v62, v52;
	v55 =	vadd.f32 v58, v55;
	v58 =	vmul.f32 v56, v43  }
0xc1: {  	v61 =	vperm.xlane v51, v3;
	v53 =	vadd.f32 v54, v53;
	v54 =	vmul.f32 v56, v41;
	v56 =	vld [tilespmem:$0x4D0]  }
0xc2: {  	v60 =	vperm.xlane v24, v10;
	v62 =	vperm.xlane v52, v3;
	v55 =	vadd.f32 v58, v55  }
0xc3: {  	v51 =	vadd.f32 v61, v51;
	v53 =	vadd.f32 v54, v53;
	v54 =	vmul.f32 v59, v39;
	v59 =	vld [tilespmem:$0x4E0]  }
0xc4: {  	v52 =	vadd.f32 v62, v52;
	v58 =	vmul.f32 v57, v36;
	v55 =	vadd.f32 v63, v55  }
0xc5: {  	v61 =	vperm.xlane v51, v4;
	v53 =	vadd.f32 v54, v53;
	v54 =	vmul.f32 v57, v33;
	v57 =	vld [tilespmem:$0x4F0]  }
0xc6: {  	v62 =	vperm.xlane v52, v4;
	v63 =	vmul.f32 v56, v30;
	v55 =	vadd.f32 v58, v55  }
0xc7: {  	v51 =	vadd.f32 v61, v51;
	v53 =	vadd.f32 v54, v53;
	v54 =	vmul.f32 v56, v25;
	v56 =	vld [tilespmem:$0x880]  }
0xc8: {  	v52 =	vadd.f32 v62, v52;
	v58 =	vmul.f32 v59, v26;
	v55 =	vadd.f32 v63, v55  }
0xc9: {  	v61 =	vperm.xlane v51, v5;
	v53 =	vadd.f32 v54, v53;
	v54 =	vmul.f32 v59, v27;
	v59 =	vld [tilespmem:$0x890]  }
0xca: {  	v62 =	vperm.xlane v52, v5;
	v63 =	vmul.f32 v57, v28;
	v55 =	vadd.f32 v58, v55  }
0xcb: {  	v51 =	vadd.f32 v61, v51;
	v53 =	vadd.f32 v54, v53;
	v54 =	vmul.f32 v57, v29;
	v57 =	vld [tilespmem:$0x8A0]  }
0xcc: {  	v52 =	vadd.f32 v62, v52;
	v58 =	vmul.f32 v56, v31;
	v55 =	vadd.f32 v63, v55  }
0xcd: {  	v61 =	vperm.xlane v51, v6;
	v53 =	vadd.f32 v54, v53;
	v54 =	vmul.f32 v56, v32;
	v56 =	vld [tilespmem:$0x8B0]  }
0xce: {  	v62 =	vperm.xlane v52, v6;
	v55 =	vadd.f32 v58, v55;
	v58 =	vmul.f32 v59, v35  }
0xcf: {  	v63 =	vmul.f32 v59, v34;
	v51 =	vadd.f32 v61, v51;
	v53 =	vadd.f32 v54, v53  }
0xd0: {  	v52 =	vadd.f32 v62, v52;
	v61 =	vmul.f32 v57, v37;
	v55 =	vadd.f32 v58, v55  }
0xd1: {  	v62 =	vmul.f32 v57, v38;
	v51 =	vadd.f32 v51, v60;
	v53 =	vadd.f32 v63, v53;
	v63 =	vld [tilespmem:$0x500]  }
0xd2: {  	v52 =	vadd.f32 v52, v60;
	v55 =	vadd.f32 v61, v55;
	v61 =	vmul.f32 v56, v42  }
0xd3: {  	v54 =	vperm.xlane v24, v11;
	v53 =	vadd.f32 v62, v53;
	v62 =	vmul.f32 v56, v46;
	v56 =	vld [tilespmem:$0x510]  }
0xd4: {  	v51 =	vmax.f32 v51, $0.0e+00;
	v52 =	vmax.f32 v52, $0.0e+00;
	v55 =	vadd.f32 v61, v55  }
0xd5: {  	v58 =	vld [tilespmem:$0x520];
	v51 =	vmul.f32 v51, v1;
	v52 =	vmul.f32 v52, v2;
	v53 =	vadd.f32 v62, v53  }
0xd6: {  	v49 =	vadd.f32 v50, v49;
	v59 =	vmul.f32 v63, v48;
	v50 =	vperm.xlane v55, v3  }
0xd7: {  	v60 =	vld [tilespmem:$0x530];
	v51 =	vadd.f32 v52, v51;
	v57 =	vmul.f32 v63, v47;
	v52 =	vperm.xlane v53, v3  }
0xd8: {  	v50 =	vadd.f32 v50, v55;
	v55 =	vadd.f32 $0.0e+00, v59;
	v59 =	vmul.f32 v56, v45  }
0xd9: {  	v52 =	vadd.f32 v52, v53;
	v53 =	vadd.f32 $0.0e+00, v57;
	v56 =	vmul.f32 v56, v44;
	v57 =	vld [tilespmem:$0x540]  }
0xda: {  	v61 =	vperm.xlane v50, v4;
	v55 =	vadd.f32 v59, v55;
	v59 =	vmul.f32 v58, v43  }
0xdb: {  	v63 =	vmul.f32 v58, v41;
	v62 =	vperm.xlane v52, v4;
	v53 =	vadd.f32 v56, v53;
	v58 =	vld [tilespmem:$0x550]  }
0xdc: {  	v50 =	vadd.f32 v61, v50;
	v55 =	vadd.f32 v59, v55;
	v59 =	vmul.f32 v60, v40  }
0xdd: {  	v56 =	vmul.f32 v60, v39;
	v52 =	vadd.f32 v62, v52;
	v53 =	vadd.f32 v63, v53;
	v60 =	vld [tilespmem:$0x560]  }
0xde: {  	v61 =	vperm.xlane v50, v5;
	v55 =	vadd.f32 v59, v55;
	v59 =	vmul.f32 v57, v36  }
0xdf: {  	v63 =	vmul.f32 v57, v33;
	v62 =	vperm.xlane v52, v5;
	v53 =	vadd.f32 v56, v53;
	v57 =	vld [tilespmem:$0x570]  }
0xe0: {  	v50 =	vadd.f32 v61, v50;
	v55 =	vadd.f32 v59, v55;
	v59 =	vmul.f32 v58, v30  }
0xe1: {  	v56 =	vmul.f32 v58, v25;
	v52 =	vadd.f32 v62, v52;
	v53 =	vadd.f32 v63, v53;
	v58 =	vld [tilespmem:$0x900]  }
0xe2: {  	v61 =	vperm.xlane v50, v6;
	v55 =	vadd.f32 v59, v55;
	v59 =	vmul.f32 v60, v26  }
0xe3: {  	v62 =	vperm.xlane v52, v6;
	v53 =	vadd.f32 v56, v53;
	v56 =	vmul.f32 v60, v27;
	v60 =	vld [tilespmem:$0x910]  }
0xe4: {  	v50 =	vadd.f32 v61, v50;
	v55 =	vadd.f32 v59, v55;
	v59 =	vmul.f32 v57, v28  }
0xe5: {  	v52 =	vadd.f32 v62, v52;
	v53 =	vadd.f32 v56, v53;
	v56 =	vmul.f32 v57, v29;
	v57 =	vld [tilespmem:$0x920]  }
0xe6: {  	v61 =	vld [tilespmem:$0x1480];
	v63 =	vmul.f32 v58, v31;
	v50 =	vadd.f32 v50, v54;
	v55 =	vadd.f32 v59, v55  }
0xe7: {  	v62 =	vmul.f32 v58, v32;
	v52 =	vadd.f32 v52, v54;
	v53 =	vadd.f32 v56, v53;
	v56 =	vld [tilespmem:$0x930]  }
0xe8: {  	v50 =	vmax.f32 v50, $0.0e+00;
	v55 =	vadd.f32 v63, v55;
	v63 =	vmul.f32 v60, v35  }
0xe9: {  	v59 =	vld [tilespmem:$0x1500];
	v52 =	vmax.f32 v52, $0.0e+00;
	v53 =	vadd.f32 v62, v53;
	v60 =	vmul.f32 v60, v34  }
0xea: {  	v54 =	vld [tilespmem:$0x590];
	v50 =	vmul.f32 v50, v1;
	v62 =	vmul.f32 v57, v37;
	v55 =	vadd.f32 v63, v55  }
0xeb: {  	v52 =	vmul.f32 v52, v2;
	v53 =	vadd.f32 v60, v53;
	v63 =	vmul.f32 v57, v38;
	v57 =	vld [tilespmem:$0x580]  }
0xec: {  	v51 =	vmul.f32 v51, v61;
	v60 =	vmul.f32 v56, v42;
	v55 =	vadd.f32 v62, v55  }
0xed: {  	v50 =	vadd.f32 v52, v50;
	v61 =	vadd.f32 v63, v53;
	v62 =	vmul.f32 v56, v46  }
0xee: {  	v49 =	vadd.f32 v51, v49;
	v63 =	vadd.f32 v60, v55  }
0xef: {  	v58 =	vmul.f32 v54, v45;
	v50 =	vmul.f32 v50, v59;
	v52 =	vadd.f32 v62, v61;
	v55 =	vld [tilespmem:$0x5A0]  }
0xf0: {  	v61 =	vmul.f32 v57, v48;
	v60 =	vperm.xlane v63, v3  }
0xf1: {  	v59 =	vld [tilespmem:$0x5B0];
	v49 =	vadd.f32 v50, v49;
	v57 =	vmul.f32 v57, v47;
	v62 =	vperm.xlane v52, v3  }
0xf2: {  	v54 =	vmul.f32 v54, v44;
	v56 =	vadd.f32 $0.0e+00, v61;
	v51 =	vadd.f32 v60, v63  }
0xf3: {  	v53 =	vperm.xlane v24, v12;
	v50 =	vadd.f32 v62, v52;
	v52 =	vadd.f32 $0.0e+00, v57;
	v57 =	vld [tilespmem:$0x5C0]  }
0xf4: {  	v56 =	vadd.f32 v58, v56;
	v58 =	vmul.f32 v55, v43;
	v60 =	vperm.xlane v51, v4  }
0xf5: {  	v63 =	vmul.f32 v55, v41;
	v55 =	vld [tilespmem:$0x5D0];
	v61 =	vperm.xlane v50, v4;
	v52 =	vadd.f32 v54, v52  }
0xf6: {  	v56 =	vadd.f32 v58, v56;
	v58 =	vmul.f32 v59, v40;
	v51 =	vadd.f32 v60, v51  }
0xf7: {  	v54 =	vmul.f32 v59, v39;
	v59 =	vld [tilespmem:$0x5E0];
	v50 =	vadd.f32 v61, v50;
	v52 =	vadd.f32 v63, v52  }
0xf8: {  	v56 =	vadd.f32 v58, v56;
	v58 =	vmul.f32 v57, v36;
	v60 =	vperm.xlane v51, v5  }
0xf9: {  	v62 =	vmul.f32 v57, v33;
	v57 =	vld [tilespmem:$0x5F0];
	v61 =	vperm.xlane v50, v5;
	v52 =	vadd.f32 v54, v52  }
0xfa: {  	v56 =	vadd.f32 v58, v56;
	v58 =	vmul.f32 v55, v30;
	v51 =	vadd.f32 v60, v51  }
0xfb: {  	v54 =	vmul.f32 v55, v25;
	v55 =	vld [tilespmem:$0x980];
	v50 =	vadd.f32 v61, v50;
	v52 =	vadd.f32 v62, v52  }
0xfc: {  	v56 =	vadd.f32 v58, v56;
	v58 =	vmul.f32 v59, v26;
	v60 =	vperm.xlane v51, v6  }
0xfd: {  	v63 =	vmul.f32 v59, v27;
	v59 =	vld [tilespmem:$0x990];
	v61 =	vperm.xlane v50, v6;
	v52 =	vadd.f32 v54, v52  }
0xfe: {  	v56 =	vadd.f32 v58, v56;
	v51 =	vadd.f32 v60, v51;
	v60 =	vmul.f32 v57, v28  }
0xff: {  	v54 =	vmul.f32 v57, v29;
	v50 =	vadd.f32 v61, v50;
	v52 =	vadd.f32 v63, v52;
	v57 =	vld [tilespmem:$0x9A0]  }
0x100: {  	v58 =	vmul.f32 v55, v31;
	v51 =	vadd.f32 v51, v53;
	v56 =	vadd.f32 v60, v56;
	v60 =	vld [tilespmem:$0x9B0]  }
0x101: {  	v62 =	vmul.f32 v55, v32;
	v50 =	vadd.f32 v50, v53;
	v52 =	vadd.f32 v54, v52;
	v54 =	vld [tilespmem:$0xA00]  }
0x102: {  	v61 =	vmul.f32 v59, v35;
	v51 =	vmax.f32 v51, $0.0e+00;
	v63 =	vadd.f32 v58, v56  }
0x103: {  	v50 =	vmax.f32 v50, $0.0e+00;
	v52 =	vadd.f32 v62, v52;
	v62 =	vmul.f32 v59, v34;
	v58 =	vld [tilespmem:$0xA10]  }
0x104: {  	v51 =	vmul.f32 v51, v1;
	v55 =	vadd.f32 v61, v63;
	v63 =	vmul.f32 v57, v37  }
0x105: {  	v50 =	vmul.f32 v50, v2;
	v52 =	vadd.f32 v62, v52;
	v61 =	vmul.f32 v57, v38;
	v57 =	vld [tilespmem:$0xA20]  }
0x106: {  	v56 =	vmul.f32 v60, v42;
	v62 =	vmul.f32 v54, v48;
	v55 =	vadd.f32 v63, v55  }
0x107: {  	v53 =	vld [tilespmem:$0xA30];
	v50 =	vadd.f32 v50, v51;
	v63 =	vadd.f32 v61, v52;
	v61 =	vmul.f32 v60, v46  }
0x108: {  	v59 =	vmul.f32 v58, v45;
	v55 =	vadd.f32 v56, v55;
	v56 =	vadd.f32 $0.0e+00, v62  }
0x109: {  	v54 =	vmul.f32 v54, v47;
	v52 =	vperm.xlane v24, v13;
	v60 =	vld [tilespmem:$0xA40];
	v51 =	vadd.f32 v61, v63  }
0x10a: {  	v61 =	vperm.xlane v55, v3;
	v56 =	vadd.f32 v59, v56;
	v59 =	vmul.f32 v57, v43  }
0x10b: {  	v54 =	vadd.f32 $0.0e+00, v54;
	v58 =	vmul.f32 v58, v44;
	v63 =	vld [tilespmem:$0xA50];
	v62 =	vperm.xlane v51, v3  }
0x10c: {  	v55 =	vadd.f32 v61, v55;
	v56 =	vadd.f32 v59, v56;
	v59 =	vmul.f32 v53, v40  }
0x10d: {  	v54 =	vadd.f32 v58, v54;
	v58 =	vld [tilespmem:$0xA60];
	v57 =	vmul.f32 v57, v41;
	v51 =	vadd.f32 v62, v51  }
0x10e: {  	v61 =	vperm.xlane v55, v4;
	v56 =	vadd.f32 v59, v56;
	v59 =	vmul.f32 v60, v36  }
0x10f: {  	v54 =	vadd.f32 v57, v54;
	v53 =	vmul.f32 v53, v39;
	v57 =	vld [tilespmem:$0xA70];
	v62 =	vperm.xlane v51, v4  }
0x110: {  	v55 =	vadd.f32 v61, v55;
	v56 =	vadd.f32 v59, v56;
	v59 =	vmul.f32 v63, v30  }
0x111: {  	v53 =	vadd.f32 v53, v54;
	v54 =	vmul.f32 v60, v33;
	v60 =	vld [tilespmem:$0xE00];
	v51 =	vadd.f32 v62, v51  }
0x112: {  	v61 =	vperm.xlane v55, v5;
	v56 =	vadd.f32 v59, v56;
	v59 =	vmul.f32 v58, v26  }
0x113: {  	v53 =	vadd.f32 v54, v53;
	v54 =	vmul.f32 v63, v25;
	v63 =	vld [tilespmem:$0xE10];
	v62 =	vperm.xlane v51, v5  }
0x114: {  	v55 =	vadd.f32 v61, v55;
	v56 =	vadd.f32 v59, v56;
	v59 =	vmul.f32 v57, v28  }
0x115: {  	v53 =	vadd.f32 v54, v53;
	v54 =	vmul.f32 v58, v27;
	v58 =	vld [tilespmem:$0xE20];
	v51 =	vadd.f32 v62, v51  }
0x116: {  	v61 =	vperm.xlane v55, v6;
	v56 =	vadd.f32 v59, v56;
	v59 =	vmul.f32 v60, v31  }
0x117: {  	v53 =	vadd.f32 v54, v53;
	v54 =	vmul.f32 v57, v29;
	v57 =	vld [tilespmem:$0xE30];
	v62 =	vperm.xlane v51, v6  }
0x118: {  	v55 =	vadd.f32 v61, v55;
	v56 =	vadd.f32 v59, v56;
	v59 =	vmul.f32 v63, v35  }
0x119: {  	v53 =	vadd.f32 v54, v53;
	v54 =	vmul.f32 v60, v32;
	v60 =	vld [tilespmem:$0xA80];
	v51 =	vadd.f32 v62, v51  }
0x11a: {  	v55 =	vadd.f32 v55, v52;
	v56 =	vadd.f32 v59, v56;
	v59 =	vmul.f32 v58, v37  }
0x11b: {  	v51 =	vadd.f32 v51, v52;
	v52 =	vadd.f32 v54, v53;
	v53 =	vmul.f32 v63, v34;
	v54 =	vld [tilespmem:$0xA90]  }
0x11c: {  	v61 =	vld [tilespmem:$0x1580];
	v55 =	vmax.f32 v55, $0.0e+00;
	v56 =	vadd.f32 v59, v56;
	v59 =	vmul.f32 v57, v42  }
0x11d: {  	v51 =	vmax.f32 v51, $0.0e+00;
	v52 =	vadd.f32 v53, v52;
	v53 =	vmul.f32 v58, v38;
	v58 =	vld [tilespmem:$0xAA0]  }
0x11e: {  	v62 =	vld [tilespmem:$0x1600];
	v55 =	vmul.f32 v55, v1;
	v56 =	vadd.f32 v59, v56;
	v59 =	vmul.f32 v60, v48  }
0x11f: {  	v51 =	vmul.f32 v51, v2;
	v52 =	vadd.f32 v53, v52;
	v53 =	vmul.f32 v57, v46;
	v57 =	vld [tilespmem:$0xAB0]  }
0x120: {  	v7 =	vmul.f32 v54, v45;
	v63 =	vperm.xlane v56, v3;
	v59 =	vadd.f32 $0.0e+00, v59  }
0x121: {  	v50 =	vmul.f32 v50, v61;
	v51 =	vadd.f32 v51, v55;
	v52 =	vadd.f32 v53, v52;
	v53 =	vld [tilespmem:$0xAC0]  }
0x122: {  	v55 =	vadd.f32 v63, v56;
	v7 =	vadd.f32 v7, v59;
	v56 =	vmul.f32 v58, v43  }
0x123: {  	v49 =	vadd.f32 v50, v49;
	v50 =	vmul.f32 v51, v62;
	v51 =	vperm.xlane v52, v3;
	v59 =	vld [tilespmem:$0xAD0]  }
0x124: {  	v62 =	vmul.f32 v57, v40;
	v61 =	vperm.xlane v55, v4;
	v7 =	vadd.f32 v56, v7  }
0x125: {  	v49 =	vadd.f32 v50, v49;
	v50 =	vadd.f32 v51, v52;
	v51 =	vmul.f32 v60, v47;
	v52 =	vld [tilespmem:$0xAE0]  }
0x126: {  	v56 =	vmul.f32 v53, v36;
	v55 =	vadd.f32 v61, v55;
	v7 =	vadd.f32 v62, v7  }
0x127: {  	v54 =	vmul.f32 v54, v44;
	v60 =	vperm.xlane v50, v4;
	v51 =	vadd.f32 $0.0e+00, v51;
	v61 =	vld [tilespmem:$0xAF0]  }
0x128: {  	v63 =	vmul.f32 v59, v30;
	v62 =	vperm.xlane v55, v5;
	v7 =	vadd.f32 v56, v7  }
0x129: {  	v50 =	vadd.f32 v60, v50;
	v51 =	vadd.f32 v54, v51;
	v54 =	vmul.f32 v58, v41;
	v58 =	vld [tilespmem:$0xE80]  }
0x12a: {  	v56 =	vmul.f32 v52, v26;
	v55 =	vadd.f32 v62, v55;
	v7 =	vadd.f32 v63, v7  }
0x12b: {  	v60 =	vperm.xlane v50, v5;
	v51 =	vadd.f32 v54, v51;
	v54 =	vmul.f32 v57, v39;
	v57 =	vld [tilespmem:$0xE90]  }
0x12c: {  	v63 =	vmul.f32 v61, v28;
	v62 =	vperm.xlane v55, v6;
	v7 =	vadd.f32 v56, v7  }
0x12d: {  	v53 =	vmul.f32 v53, v33;
	v50 =	vadd.f32 v60, v50;
	v51 =	vadd.f32 v54, v51;
	v54 =	vld [tilespmem:$0xEA0]  }
0x12e: {  	v56 =	vmul.f32 v58, v31;
	v55 =	vadd.f32 v62, v55;
	v7 =	vadd.f32 v63, v7  }
0x12f: {  	v60 =	vperm.xlane v50, v6;
	v51 =	vadd.f32 v53, v51;
	v53 =	vmul.f32 v59, v25  }
0x130: {  	v59 =	vld [tilespmem:$0xEB0];
	v62 =	vperm.xlane v24, v14;
	v7 =	vadd.f32 v56, v7;
	v56 =	vmul.f32 v57, v35  }
0x131: {  	v52 =	vmul.f32 v52, v27;
	v50 =	vadd.f32 v60, v50;
	v51 =	vadd.f32 v53, v51  }
0x132: {  	v63 =	vadd.f32 v55, v62;
	v60 =	vmul.f32 v54, v37;
	v7 =	vadd.f32 v56, v7;
	v56 =	vld [tilespmem:$0xB00]  }
0x133: {  	v50 =	vadd.f32 v50, v62;
	v51 =	vadd.f32 v52, v51  }
0x134: {  	v52 =	vmul.f32 v61, v29;
	v53 =	vmax.f32 v63, $0.0e+00;
	v7 =	vadd.f32 v60, v7;
	v60 =	vld [tilespmem:$0xB10]  }
0x135: {  	v62 =	vmul.f32 v58, v32;
	v55 =	vmul.f32 v59, v42;
	v50 =	vmax.f32 v50, $0.0e+00  }
0x136: {  	v53 =	vmul.f32 v53, v1;
	v51 =	vadd.f32 v52, v51;
	v50 =	vmul.f32 v50, v2  }
0x137: {  	v63 =	vmul.f32 v57, v34;
	v7 =	vadd.f32 v55, v7;
	v55 =	vld [tilespmem:$0xB20];
	v61 =	vmul.f32 v56, v48  }
0x138: {  	v51 =	vadd.f32 v62, v51;
	v50 =	vadd.f32 v50, v53;
	v56 =	vmul.f32 v56, v47  }
0x139: {  	v58 =	vld [tilespmem:$0xB30];
	v62 =	vperm.xlane v7, v3;
	v52 =	vadd.f32 $0.0e+00, v61;
	v57 =	vmul.f32 v60, v45  }
0x13a: {  	v51 =	vadd.f32 v63, v51;
	v53 =	vadd.f32 $0.0e+00, v56;
	v56 =	vmul.f32 v60, v44  }
0x13b: {  	v54 =	vmul.f32 v54, v38;
	v60 =	vld [tilespmem:$0xB40];
	v7 =	vadd.f32 v62, v7;
	v52 =	vadd.f32 v57, v52  }
0x13c: {  	v57 =	vmul.f32 v55, v43;
	v53 =	vadd.f32 v56, v53;
	v55 =	vmul.f32 v55, v41  }
0x13d: {  	v51 =	vadd.f32 v54, v51;
	v56 =	vld [tilespmem:$0xB50];
	v61 =	vperm.xlane v7, v4  }
0x13e: {  	v63 =	vmul.f32 v58, v40;
	v52 =	vadd.f32 v57, v52;
	v53 =	vadd.f32 v55, v53;
	v57 =	vld [tilespmem:$0xB60]  }
0x13f: {  	v55 =	vmul.f32 v58, v39;
	v58 =	vmul.f32 v59, v46;
	v59 =	vld [tilespmem:$0xB80];
	v7 =	vadd.f32 v61, v7  }
0x140: {  	v54 =	vmul.f32 v60, v36;
	v60 =	vmul.f32 v60, v33;
	v52 =	vadd.f32 v63, v52  }
0x141: {  	v53 =	vadd.f32 v55, v53;
	v51 =	vadd.f32 v58, v51;
	v58 =	vld [tilespmem:$0xB90];
	v61 =	vperm.xlane v7, v5  }
0x142: {  	v55 =	vmul.f32 v56, v25;
	v52 =	vadd.f32 v54, v52;
	v54 =	vmul.f32 v56, v30  }
0x143: {  	v53 =	vadd.f32 v60, v53;
	v56 =	vld [tilespmem:$0xB70];
	v60 =	vperm.xlane v51, v3;
	v62 =	vmul.f32 v57, v27  }
0x144: {  	v7 =	vadd.f32 v61, v7;
	v61 =	vld [tilespmem:$0xBA0];
	v48 =	vmul.f32 v59, v48;
	v47 =	vmul.f32 v59, v47  }
0x145: {  	v52 =	vadd.f32 v54, v52;
	v54 =	vmul.f32 v57, v26;
	v53 =	vadd.f32 v55, v53;
	v55 =	vld [tilespmem:$0xF00]  }
0x146: {  	v51 =	vadd.f32 v60, v51;
	v60 =	vld [tilespmem:$0xBD0];
	v48 =	vadd.f32 $0.0e+00, v48;
	v45 =	vmul.f32 v58, v45  }
0x147: {  	v47 =	vadd.f32 $0.0e+00, v47;
	v44 =	vmul.f32 v58, v44;
	v52 =	vadd.f32 v54, v52;
	v54 =	vld [tilespmem:$0xBB0]  }
0x148: {  	v58 =	vld [tilespmem:$0xBC0];
	v53 =	vadd.f32 v62, v53;
	v63 =	vmul.f32 v56, v28;
	v45 =	vadd.f32 v45, v48  }
0x149: {  	v59 =	vmul.f32 v56, v29;
	v44 =	vadd.f32 v44, v47;
	v56 =	vld [tilespmem:$0xF20];
	v43 =	vmul.f32 v61, v43  }
0x14a: {  	v41 =	vmul.f32 v61, v41;
	v61 =	vld [tilespmem:$0xF10];
	v52 =	vadd.f32 v63, v52;
	v62 =	vmul.f32 v55, v31  }
0x14b: {  	v30 =	vmul.f32 v60, v30;
	v25 =	vmul.f32 v60, v25;
	v43 =	vadd.f32 v43, v45  }
0x14c: {  	v63 =	vld [tilespmem:$0xBE0];
	v41 =	vadd.f32 v41, v44;
	v40 =	vmul.f32 v54, v40;
	v39 =	vmul.f32 v54, v39  }
0x14d: {  	v48 =	vadd.f32 v59, v53;
	v36 =	vmul.f32 v58, v36;
	v33 =	vmul.f32 v58, v33  }
0x14e: {  	v54 =	vmul.f32 v55, v32;
	v55 =	vld [tilespmem:$0xBF0];
	v40 =	vadd.f32 v40, v43;
	v39 =	vadd.f32 v39, v41  }
0x14f: {  	v60 =	vld [tilespmem:$0xF90];
	v44 =	vadd.f32 v62, v52;
	v47 =	vmul.f32 v56, v38;
	v57 =	vmul.f32 v61, v35  }
0x150: {  	v58 =	vld [tilespmem:$0xF80];
	v45 =	vmul.f32 v61, v34;
	v36 =	vadd.f32 v36, v40;
	v33 =	vadd.f32 v33, v39  }
0x151: {  	v43 =	vadd.f32 v54, v48;
	v26 =	vmul.f32 v63, v26;
	v27 =	vmul.f32 v63, v27  }
0x152: {  	v62 =	vld [tilespmem:$0xF30];
	v63 =	vmul.f32 v56, v37;
	v30 =	vadd.f32 v30, v36;
	v25 =	vadd.f32 v25, v33  }
0x153: {  	v59 =	vadd.f32 v57, v44;
	v61 =	vadd.f32 v45, v43;
	v28 =	vmul.f32 v55, v28  }
0x154: {  	v45 =	vld [tilespmem:$0xFA0];
	v44 =	vmul.f32 v55, v29;
	v26 =	vadd.f32 v26, v30;
	v25 =	vadd.f32 v27, v25  }
0x155: {  	v54 =	vmul.f32 v60, v35;
	v48 =	vmul.f32 v58, v31  }
0x156: {  	v52 =	vmul.f32 v58, v32;
	v55 =	vld [tilespmem:$0xFB0];
	v26 =	vadd.f32 v28, v26;
	v25 =	vadd.f32 v44, v25  }
0x157: {  	v57 =	vmul.f32 v60, v34;
	v56 =	vmul.f32 v62, v42;
	v53 =	vadd.f32 v47, v61  }
0x158: {  	v58 =	vmul.f32 v62, v46;
	v26 =	vadd.f32 v48, v26;
	v25 =	vadd.f32 v52, v25  }
0x159: {  	v61 =	vperm.xlane v51, v4;
	v30 =	vadd.f32 v63, v59;
	v59 =	vmul.f32 v45, v37  }
0x15a: {  	v60 =	vmul.f32 v45, v38;
	v26 =	vadd.f32 v54, v26;
	v25 =	vadd.f32 v57, v25  }
0x15b: {  	v31 =	vadd.f32 v58, v53;
	v30 =	vadd.f32 v56, v30;
	v62 =	vmul.f32 v55, v42  }
0x15c: {  	v63 =	vmul.f32 v55, v46;
	v26 =	vadd.f32 v59, v26;
	v25 =	vadd.f32 v60, v25  }
0x15d: {  	v29 =	vadd.f32 v61, v51;
	v33 =	vperm.xlane v31, v3;
	v36 =	vperm.xlane v30, v3  }
0x15e: {  	v26 =	vadd.f32 v62, v26;
	v25 =	vadd.f32 v63, v25  }
0x15f: {  	v38 =	vperm.xlane v29, v5;
	v40 =	vadd.f32 v33, v31;
	v39 =	vadd.f32 v36, v30  }
0x160: {  	v41 =	vperm.xlane v26, v3;
	v42 =	vperm.xlane v25, v3  }
0x161: {  	v27 =	vadd.f32 v38, v29;
	v33 =	vperm.xlane v40, v4;
	v43 =	vperm.xlane v39, v4  }
0x162: {  	v37 =	vperm.xlane v7, v6;
	v26 =	vadd.f32 v41, v26;
	v25 =	vadd.f32 v42, v25  }
0x163: {  	v45 =	vperm.xlane v27, v6;
	v46 =	vadd.f32 v33, v40;
	v28 =	vadd.f32 v43, v39  }
0x164: {  	v7 =	vadd.f32 v37, v7;
	v47 =	vperm.xlane v26, v4;
	v32 =	vperm.xlane v25, v4  }
0x165: {  	v27 =	vadd.f32 v45, v27;
	v33 =	vperm.xlane v46, v5;
	v48 =	vperm.xlane v28, v5  }
0x166: {  	v44 =	vperm.xlane v24, v15;
	v26 =	vadd.f32 v47, v26;
	v25 =	vadd.f32 v32, v25  }
0x167: {  	v54 =	vperm.xlane v24, v16;
	v29 =	vadd.f32 v33, v46;
	v28 =	vadd.f32 v48, v28  }
0x168: {  	v7 =	vadd.f32 v7, v44;
	v30 =	vperm.xlane v26, v5;
	v51 =	vperm.xlane v25, v5  }
0x169: {  	v27 =	vadd.f32 v27, v44;
	v33 =	vperm.xlane v29, v6;
	v52 =	vperm.xlane v28, v6  }
0x16a: {  	v53 =	vld [tilespmem:$0x1680];
	v7 =	vmax.f32 v7, $0.0e+00;
	v26 =	vadd.f32 v30, v26;
	v25 =	vadd.f32 v51, v25  }
0x16b: {  	v7 =	vmul.f32 v7, v1;
	v29 =	vadd.f32 v33, v29;
	v28 =	vadd.f32 v52, v28  }
0x16c: {  	v27 =	vmax.f32 v27, $0.0e+00;
	v55 =	vperm.xlane v26, v6;
	v56 =	vperm.xlane v25, v6  }
0x16d: {  	v57 =	vld [tilespmem:$0x1700];
	v27 =	vmul.f32 v27, v2;
	v29 =	vadd.f32 v29, v54;
	v28 =	vadd.f32 v28, v54  }
0x16e: {  	v24 =	vperm.xlane v24, v17;
	v26 =	vadd.f32 v55, v26;
	v25 =	vadd.f32 v56, v25  }
0x16f: {  	v58 =	vmul.f32 v50, v53;
	v7 =	vadd.f32 v27, v7;
	v60 =	vmax.f32 v29, $0.0e+00  }
0x170: {  	v61 =	vld [tilespmem:$0x1780];
	v59 =	vmax.f32 v28, $0.0e+00;
	v26 =	vadd.f32 v26, v24;
	v24 =	vadd.f32 v25, v24  }
0x171: {  	v62 =	vadd.f32 v58, v49;
	v28 =	vmul.f32 v60, v2;
	v27 =	vmul.f32 v59, v1  }
0x172: {  	v63 =	vld [tilespmem:$0x1800];
	v7 =	vmul.f32 v7, v57;
	v26 =	vmax.f32 v26, $0.0e+00;
	v24 =	vmax.f32 v24, $0.0e+00  }
0x173: {  	v27 =	vadd.f32 v28, v27;
	v26 =	vmul.f32 v26, v1;
	v24 =	vmul.f32 v24, v2;
	_ =	sdelay $0x1  }
0x174: {  	v7 =	vadd.f32 v7, v62;
	v33 =	vmul.f32 v27, v61;
	v24 =	vadd.f32 v24, v26;
	_ =	sdelay $0x1  }
0x175: {  	v7 =	vadd.f32 v33, v7;
	v24 =	vmul.f32 v24, v63;
	_ =	sdelay $0x1  }
0x176: {  	v7 =	vadd.f32 v24, v7;
	_ =	sdelay $0x1  }
0x177: {  	v7 =	vmax.f32 v7, $0.0e+00  }
0x178: {  	v34 =	vtrunc.f32 v7  }
0x179: {  	v24 =	vcvt.f32.s32 v34;
	_ =	sdelay $0x1  }
0x17a: {  	vm0 =	vlt.s32 v24, $0x5  }
0x17b: {  	v24 =	vnsel vm0, $0x5, v24  }
0x17c: {  	v35 =	vcvt.s32.f32 v24;
	v36 =	vsub.s32 $0x0, v24  }
0x17d: {  	v38 =	vadd.s32 v18, v24;
	v29 =	vadd.s32 $0x1, v24;
	v42 =	vadd.s32 v19, v24  }
0x17e: {  	v44 =	vadd.s32 v20, v24;
	v49 =	vadd.s32 v21, v24;
	v53 =	vadd.s32 v22, v24  }
0x17f: {  	v26 =	vmin.u32 v24, v36;
	v39 =	vsub.s32 $0x0, v38;
	vm9 =	veq.s32 v29, $0x0  }
0x180: {  	v43 =	vsub.s32 $0x0, v42;
	v45 =	vsub.s32 $0x0, v44;
	v51 =	vsub.s32 $0x0, v49  }
0x181: {  	v54 =	vsub.s32 $0x0, v53;
	v24 =	vadd.s32 v23, v24;
	v37 =	vadd.f32 $1.000000000e+00, v35  }
0x182: {  	vm8 =	vlt.s32 v26, $0x1;
	v28 =	vmin.u32 v38, v39;
	v40 =	vsel vm9, $0x3F800000, v0  }
0x183: {  	v31 =	vmin.u32 v42, v43;
	v32 =	vmin.u32 v44, v45;
	v34 =	vmin.u32 v53, v54  }
0x184: {  	v55 =	vsub.s32 $0x0, v24;
	v26 =	vnsel vm8, $0x1, v26;
	vm10 =	vlt.s32 v28, $0x1  }
0x185: {  	vm11 =	vlt.s32 v31, $0x1;
	vm12 =	vlt.s32 v32, $0x1;
	vm14 =	vlt.s32 v34, $0x1  }
0x186: {  	v24 =	vmin.u32 v24, v55;
	v27 =	vsub.f32 v37, v7;
	v26 =	vsub.s32 $0x1, v26  }
0x187: {  	v7 =	vsub.f32 v7, v35;
	v28 =	vnsel vm10, $0x1, v28;
	v31 =	vnsel vm11, $0x1, v31  }
0x188: {  	v32 =	vnsel vm12, $0x1, v32;
	v34 =	vnsel vm14, $0x1, v34;
	vm15 =	vlt.s32 v24, $0x1  }
0x189: {  	v26 =	vcvt.s32.f32 v26;
	v28 =	vsub.s32 $0x1, v28;
	v31 =	vsub.s32 $0x1, v31  }
0x18a: {  	v48 =	vsub.s32 $0x1, v32;
	v32 =	vmin.u32 v49, v51;
	v34 =	vsub.s32 $0x1, v34  }
0x18b: {  	v24 =	vnsel vm15, $0x1, v24;
	v28 =	vcvt.s32.f32 v28;
	v25 =	vmul.f32 v40, v7  }
0x18c: {  	v47 =	vcvt.s32.f32 v31;
	v31 =	vcvt.s32.f32 v48;
	vm13 =	vlt.s32 v32, $0x1  }
0x18d: {  	v34 =	vcvt.s32.f32 v34;
	v24 =	vsub.s32 $0x1, v24;
	v41 =	vmul.f32 v26, v27  }
0x18e: {  	v26 =	vmul.f32 v26, v7;
	v32 =	vnsel vm13, $0x1, v32;
	v24 =	vcvt.s32.f32 v24  }
0x18f: {  	v46 =	vmul.f32 v28, v27;
	v50 =	vmul.f32 v47, v27;
	v32 =	vsub.s32 $0x1, v32  }
0x190: {  	v28 =	vmul.f32 v28, v7;
	v25 =	vadd.f32 v41, v25;
	v32 =	vcvt.s32.f32 v32  }
0x191: {  	[tilespmem:$0x1F00] =	vst v29;
	v52 =	vmul.f32 v31, v27;
	v30 =	vmul.f32 v47, v7;
	v26 =	vadd.f32 v46, v26  }
0x192: {  	v58 =	vmul.f32 v31, v7;
	v57 =	vadd.f32 v28, v50;
	v56 =	vmul.f32 v32, v27;
	[tilespmem:$0x1B00] =	vst v25  }
0x193: {  	v60 =	vmul.f32 v34, v27;
	v59 =	vadd.f32 v30, v52;
	v61 =	vmul.f32 v32, v7;
	[tilespmem:$0x1B80] =	vst v26  }
0x194: {  	v24 =	vmul.f32 v24, v27;
	v7 =	vmul.f32 v34, v7;
	[tilespmem:$0x1C00] =	vst v57;
	v62 =	vadd.f32 v58, v56  }
0x195: {  	[tilespmem:$0x1C80] =	vst v59;
	v63 =	vadd.f32 v61, v60  }
0x196: {  	v7 =	vadd.f32 v7, v24;
	[tilespmem:$0x1D00] =	vst v62  }
0x197: {  	[tilespmem:$0x1D80] =	vst v63  }
0x198: {  	[tilespmem:$0x1E00] =	vst v7  }
0x199: {  	[hbm4b:s8+s3] =	stream.linear.scatter [tilespmem:s16], [sflag:$0x1], $0x380, $0x38;
	[tilespmem:$0x1F80] =	vst v63  }
0x19a: {  	_ =	swait.ge [sflag:s11], $0x380  }
0x19b: {  	p0 =	sne.s32 s10, $0x1;
	[sflag:s11] =	ssyncset.done $0x0  }
.Ltmp1:
0x19c: {  	[sflag:s11] =	ssyncadd.s32 $0xFFFFFC80;
	(pc) =	sbr.rel @p0 .LBB2_2-.Ltmp1, $4  }
0x19d: {  	[hbm4b:s9+s3] =	stream.linear.scatter [tilespmem:s17], [sflag:$0x1], $0x10, $0x38;
	[tilespmem:$0x1F80] =	vst v63  }
0x19e: {  	_ =	swait.ge [sflag:s11], $0x10  }
0x19f: {  	[sflag:s11] =	ssyncset.done $0x0  }
0x1a0: {  	s10 =	sadd.s32 $0xFFFFFFFF, s10;
	[sflag:s11] =	ssyncadd.s32 $0xFFFFFFF0  }
.LBB2_3:
0x1a1: {  	_ =	sfence.sel $0x180000  }
0x1a2: {  	[bflag:$0x0] =	sbarrier.arrive $0xFFFF  }
0x1a3: {  	p0 =	sne.s32 s1, $0x0;
	_ =	strace $0x90000047  }
0x1a4: {  	s0 =	sadd.s32 @!p0 $0x100000, s0;
	[bflag:$0x2] =	sbarrier.arrive $0xFFFF  }
0x1a5: {  	[sflag:s0] =	ssyncadd.tile.s32 @!p0 $0x1;
	_ =	shalt  }
.Lfunc_end2:
_tile_overlayer_lowered:
.L_overlay_start_2:
0x1a6: {  	(tag) =	ssettag $0x2  }
0x1a7: {  	s0 =	rddreg [dreg:$0x0];
	s2 =	stileid.u32  }
0x1a8: {  	s1 =	rddreg [dreg:$0x1];
	p0 =	sne.s32 s2, $0x0  }
0x1a9: {  	s3 =	rddreg [dreg:$0x2];
	[bflag:$0x3] =	sbarrier.arrive $0xFFFF;
	s2 =	simm.s32 @!p0 $0x1C01  }
0x1aa: {  	[timem:s3], [sflag:s2] =	dma.local @!p0 [hbm:s0], s1  }
0x1ab: {  	s0 =	simm.s32 @!p0 $0x1  }
0x1ac: {  	_ =	swait.ge @!p0 [sflag:s0], s1  }
0x1ad: {  	s1 =	ssub.s32 @!p0 $0x0, s1;
	[sflag:s0] =	ssyncset.done @!p0 $0x0  }
0x1ae: {  	[sflag:s0] =	ssyncadd.s32 @!p0 s1  }
0x1af: {  	[bflag:$0x3] =	sbarrier.arrive $0xFFFF  }
0x1b0: {  	_ =	shalt  }

</sc_bundles>
